<compile_context>
chip_gen: v7x
topology: tpu7x:2x2x1
jax: 0.10.2.dev20260603
libtpu: 0.0.44.dev20260713+nightly
codegen_flags: <defaults>
</compile_context>

<pallas_src>
import functools

import jax
import jax.numpy as jnp
from jax import lax
from jax.experimental import pallas as pl
from jax.experimental.pallas import tpu as pltpu
from jax.experimental.pallas import tpu_sc as plsc

N_NODES = 10000
N_EDGES = 320000
IN_CH, HID, OUT_CH = 128, 16, 128

_NC, _NS = 2, 16
_NW = _NC * _NS
_CHUNK = 128
_CPT = -(-(-(-N_EDGES // (_NW * _CHUNK))) // 8) * 8
_E_PAD = _NW * _CPT * _CHUNK
_ROWS = _E_PAD // _CHUNK
_TRASH = N_NODES
_NPAD = 10240
_D = 8
_C0 = 152
_C1 = 2 * _CPT - _C0
_CMAX = max(_C0, _C1)
_RPT = _NPAD // _NS

_mesh = plsc.VectorSubcoreMesh(
    core_axis_name="c", subcore_axis_name="s", num_cores=_NC, num_subcores=_NS
)


@functools.partial(
    pl.kernel,
    out_type=jax.ShapeDtypeStruct((_NC, _NPAD), jnp.float32),
    mesh=_mesh,
    scratch_types=[
        pltpu.VMEM((_CPT, _CHUNK), jnp.int32),
        pltpu.VMEM((_CHUNK,), jnp.float32),
        pltpu.VMEM((_RPT,), jnp.float32),
        pltpu.VMEM_SHARED((_NPAD,), jnp.float32),
    ],
)
def _deg_kernel(dst_hbm, out_hbm, didx, ones, zbuf, deg_sh):
    cid = lax.axis_index("c")
    sid = lax.axis_index("s")
    tid = cid * _NS + sid

    def _init(i, _):
        ones[pl.ds(i * 16, 16)] = jnp.ones((16,), jnp.float32)
        zbuf[pl.ds(i * 16, 16)] = jnp.zeros((16,), jnp.float32)
        return 0

    lax.fori_loop(0, _CHUNK // 16, _init, 0)

    def _zinit(i, _):
        zbuf[pl.ds(i * 16, 16)] = jnp.zeros((16,), jnp.float32)
        return 0

    lax.fori_loop(0, _RPT // 16, _zinit, 0)

    pltpu.sync_copy(zbuf, deg_sh.at[pl.ds(sid * _RPT, _RPT)])
    pltpu.sync_copy(dst_hbm.at[pl.ds(tid * _CPT, _CPT)], didx)
    plsc.subcore_barrier()

    def _scat(j, _):
        pltpu.sync_copy(ones, deg_sh.at[didx.at[j]], add=True)
        return 0

    lax.fori_loop(0, _CPT, _scat, 0)
    plsc.subcore_barrier()

    pltpu.sync_copy(deg_sh.at[pl.ds(sid * _RPT, _RPT)], zbuf)
    pltpu.sync_copy(zbuf, out_hbm.at[cid, pl.ds(sid * _RPT, _RPT)])


@functools.partial(
    pl.kernel,
    out_type=jax.ShapeDtypeStruct((_NC, _NPAD, HID), jnp.float32),
    mesh=_mesh,
    compiler_params=pltpu.CompilerParams(use_tc_tiling_on_sc=False),
    scratch_types=[
        pltpu.VMEM((_CMAX, _CHUNK), jnp.int32),
        pltpu.VMEM((_CMAX, _CHUNK), jnp.int32),
        pltpu.VMEM((_D, _CHUNK, HID), jnp.float32),
        pltpu.VMEM((_RPT, HID), jnp.float32),
        pltpu.VMEM_SHARED((_NPAD, HID), jnp.float32),
        pltpu.SemaphoreType.DMA((_D,)),
        pltpu.SemaphoreType.DMA((_D,)),
    ],
)
def _agg_kernel(src_hbm, dst_hbm, g_hbm, out_hbm, sidx, didx, rows, zbuf, agg_sh,
                gsem, ssem):
    cid = lax.axis_index("c")
    sid = lax.axis_index("s")
    my_cnt = jnp.where(cid == 0, _C0, _C1)
    base_row = jnp.where(cid == 0, sid * _C0, _NS * _C0 + sid * _C1)

    def _zinit(i, _):
        zbuf[i, :] = jnp.zeros((HID,), jnp.float32)
        return 0

    lax.fori_loop(0, _RPT, _zinit, 0)

    pltpu.sync_copy(zbuf, agg_sh.at[pl.ds(sid * _RPT, _RPT)])

    @pl.when(cid == 0)
    def _():
        pltpu.sync_copy(src_hbm.at[pl.ds(base_row, _C0)], sidx.at[pl.ds(0, _C0)])
        pltpu.sync_copy(dst_hbm.at[pl.ds(base_row, _C0)], didx.at[pl.ds(0, _C0)])

    if _C1 > 0:
        @pl.when(cid == 1)
        def _():
            pltpu.sync_copy(src_hbm.at[pl.ds(base_row, _C1)], sidx.at[pl.ds(0, _C1)])
            pltpu.sync_copy(dst_hbm.at[pl.ds(base_row, _C1)], didx.at[pl.ds(0, _C1)])

    plsc.subcore_barrier()

    def _group(g, _):
        base = g * _D
        for b in range(_D):
            j = base + b

            @pl.when(g > 0)
            def _():
                pltpu.make_async_copy(
                    rows.at[b], agg_sh.at[didx.at[j]], ssem.at[b]
                ).wait()

            pltpu.async_copy(g_hbm.at[sidx.at[j]], rows.at[b], gsem.at[b])
        for b in range(_D):
            j = base + b
            pltpu.make_async_copy(g_hbm.at[sidx.at[j]], rows.at[b], gsem.at[b]).wait()
            pltpu.make_async_copy(rows.at[b], agg_sh.at[didx.at[j]], ssem.at[b]).start(
                add=True
            )
        return 0

    lax.fori_loop(0, my_cnt // _D, _group, 0)
    for b in range(_D):
        pltpu.make_async_copy(rows.at[b], agg_sh.at[didx.at[b]], ssem.at[b]).wait()
    plsc.subcore_barrier()

    pltpu.sync_copy(agg_sh.at[pl.ds(sid * _RPT, _RPT)], zbuf)
    pltpu.sync_copy(zbuf, out_hbm.at[cid, pl.ds(sid * _RPT, _RPT)])


_BLK = 1000
_GRID = N_NODES // _BLK


def _tc1_body(x_ref, w1_ref, degp_ref, g1_ref, dinv_ref):
    deg = 1.0 + degp_ref[:, 0] + degp_ref[:, 1]
    dinv = lax.rsqrt(deg)[:, None]
    h = jnp.dot(x_ref[...], w1_ref[...], preferred_element_type=jnp.float32)
    g1_ref[...] = h * dinv
    dinv_ref[...] = dinv


def _tc1(x, w1, degp):
    return pl.pallas_call(
        _tc1_body,
        grid=(_GRID,),
        in_specs=[
            pl.BlockSpec((_BLK, IN_CH), lambda i: (i, 0)),
            pl.BlockSpec((IN_CH, HID), lambda i: (0, 0)),
            pl.BlockSpec((_BLK, 2), lambda i: (i, 0)),
        ],
        out_specs=[
            pl.BlockSpec((_BLK, HID), lambda i: (i, 0)),
            pl.BlockSpec((_BLK, 1), lambda i: (i, 0)),
        ],
        out_shape=[
            jax.ShapeDtypeStruct((N_NODES, HID), jnp.float32),
            jax.ShapeDtypeStruct((N_NODES, 1), jnp.float32),
        ],
    )(x, w1, degp)


def _tc2_body(aggp_ref, g1_ref, dinv_ref, b1_ref, g2_ref):
    agg = aggp_ref[0] + aggp_ref[1] + g1_ref[...]
    dinv = dinv_ref[...]
    h1 = jnp.maximum(dinv * agg + b1_ref[...], 0.0)
    g2_ref[...] = dinv * h1


def _tc2(aggp, g1, dinv, b1):
    return pl.pallas_call(
        _tc2_body,
        grid=(_GRID,),
        in_specs=[
            pl.BlockSpec((2, _BLK, HID), lambda i: (0, i, 0)),
            pl.BlockSpec((_BLK, HID), lambda i: (i, 0)),
            pl.BlockSpec((_BLK, 1), lambda i: (i, 0)),
            pl.BlockSpec((1, HID), lambda i: (0, 0)),
        ],
        out_specs=pl.BlockSpec((_BLK, HID), lambda i: (i, 0)),
        out_shape=jax.ShapeDtypeStruct((N_NODES, HID), jnp.float32),
    )(aggp, g1, dinv, b1)


def _tc3_body(aggp_ref, g2_ref, dinv_ref, w2_ref, b2_ref, out_ref):
    p = dinv_ref[...] * (aggp_ref[0] + aggp_ref[1] + g2_ref[...])
    out_ref[...] = (
        jnp.dot(p, w2_ref[...], preferred_element_type=jnp.float32) + b2_ref[...]
    )


def _tc3(aggp, g2, dinv, w2, b2):
    return pl.pallas_call(
        _tc3_body,
        grid=(_GRID,),
        in_specs=[
            pl.BlockSpec((2, _BLK, HID), lambda i: (0, i, 0)),
            pl.BlockSpec((_BLK, HID), lambda i: (i, 0)),
            pl.BlockSpec((_BLK, 1), lambda i: (i, 0)),
            pl.BlockSpec((HID, OUT_CH), lambda i: (0, 0)),
            pl.BlockSpec((1, OUT_CH), lambda i: (0, 0)),
        ],
        out_specs=pl.BlockSpec((_BLK, OUT_CH), lambda i: (i, 0)),
        out_shape=jax.ShapeDtypeStruct((N_NODES, OUT_CH), jnp.float32),
    )(aggp, g2, dinv, w2, b2)


def kernel(x, edge_index, W1, b1, W2, b2):
    src = edge_index[0].astype(jnp.int32)
    dst = edge_index[1].astype(jnp.int32)
    pad = _E_PAD - N_EDGES
    src_r = jnp.concatenate([src, jnp.zeros((pad,), jnp.int32)]).reshape(_ROWS, _CHUNK)
    trash = _TRASH + jnp.arange(pad, dtype=jnp.int32) % (_NPAD - _TRASH)
    dst_r = jnp.concatenate([dst, trash]).reshape(_ROWS, _CHUNK)
    degp = _deg_kernel(dst_r)
    g1, dinv = _tc1(x, W1, degp.T)
    agg1 = _agg_kernel(src_r, dst_r, g1)
    g2 = _tc2(agg1, g1, dinv, b1.reshape(1, HID))
    agg2 = _agg_kernel(src_r, dst_r, g2)
    return _tc3(agg2, g2, dinv, W2, b2.reshape(1, OUT_CH))

# --- scband reference (transcript-rebuilt; emitter-appended) ---
"""Pipeline reference for scband-gnnmodel-53120155517092 (READ-ONLY COPY).

The authoritative reference and input builder live on the scoring server;
editing this copy changes nothing except your own understanding.
"""

import jax, jax.numpy as jnp
import numpy as np

N_NODES = 10000
N_EDGES = 320000
IN_CH = 128
HID = 16
OUT_CH = 128


def setup_inputs(seed: int = 0) -> dict:
    key = jax.random.key(seed)
    k1, k2, k3, k4, k5, k6 = jax.random.split(key, 6)
    x = jax.random.normal(k1, (N_NODES, IN_CH), dtype=jnp.float32)
    edge_index = jax.random.randint(k2, (2, N_EDGES), 0, N_NODES, dtype=jnp.int64)
    # GCNConv layer params (glorot-like scale)
    W1 = jax.random.normal(k3, (IN_CH, HID), dtype=jnp.float32) * (1.0 / np.sqrt(IN_CH))
    b1 = jnp.zeros((HID,), dtype=jnp.float32)
    W2 = jax.random.normal(k4, (HID, OUT_CH), dtype=jnp.float32) * (1.0 / np.sqrt(HID))
    b2 = jnp.zeros((OUT_CH,), dtype=jnp.float32)
    return {"x": x, "edge_index": edge_index, "W1": W1, "b1": b1, "W2": W2, "b2": b2}


def _gcn_conv(x, src, dst, W, b, num_nodes):
    # GCNConv: add self-loops, symmetric normalization, linear transform, scatter-add aggregate
    loop = jnp.arange(num_nodes, dtype=src.dtype)
    s = jnp.concatenate([src, loop])
    d = jnp.concatenate([dst, loop])
    deg = jnp.zeros((num_nodes,), dtype=x.dtype).at[d].add(1.0)
    dinv = jnp.where(deg > 0, 1.0 / jnp.sqrt(deg), 0.0)
    norm = dinv[s] * dinv[d]
    h = x @ W
    msg = h[s] * norm[:, None]
    out = jnp.zeros((num_nodes, h.shape[1]), dtype=x.dtype).at[d].add(msg)
    return out + b


def reference(x, edge_index, W1, b1, W2, b2):
    src = edge_index[0]
    dst = edge_index[1]
    h = _gcn_conv(x, src, dst, W1, b1, N_NODES)
    h = jax.nn.relu(h)
    out = _gcn_conv(h, src, dst, W2, b2, N_NODES)
    return out

if __name__ == "__main__":
    import jax
    _d = setup_inputs()
    print(jax.jit(kernel)(*tuple(_d.values())))

</pallas_src>

<mosaic_0001>
#map = affine_map<(d0, d1) -> (0, 0)>
#map1 = affine_map<(d0, d1) -> (0, 0, 0)>
module attributes {stable_mosaic.version = 14 : i64} {
  func.func @_agg_kernel(%arg0: i32, %arg1: i32, %arg2: memref<2560x128xi32, #tpu.memory_space<hbm>>, %arg3: memref<2560x128xi32, #tpu.memory_space<hbm>>, %arg4: memref<10000x16xf32, #tpu.memory_space<hbm>>, %arg5: memref<2x10240x16xf32, #tpu.memory_space<hbm>>, %arg6: memref<152x128xi32, #tpu.memory_space<vmem>>, %arg7: memref<152x128xi32, #tpu.memory_space<vmem>>, %arg8: memref<8x128x16xf32, #tpu.memory_space<vmem>>, %arg9: memref<640x16xf32, #tpu.memory_space<vmem>>, %arg10: memref<10240x16xf32, #tpu.memory_space<vmem_shared>>, %arg11: memref<8x!tpu.dma_semaphore, #tpu.memory_space<semaphore_mem>>, %arg12: memref<8x!tpu.dma_semaphore, #tpu.memory_space<semaphore_mem>>) attributes {dimension_semantics = [#tpu.dimension_semantics<core_parallel>, #tpu.dimension_semantics<subcore_parallel>], iteration_bounds = array<i64: 2, 16>, scalar_prefetch = 0 : i64, scratch_operands = 7 : i64, tpu.core_type = #tpu.core_type<sc_vector_subcore>, window_params = [{transform_indices = #map}, {transform_indices = #map}, {transform_indices = #map}, {transform_indices = #map1}]} {
    %eq3A = arith.constant 0 : i32
    %eq3A_0 = arith.cmpi eq, %arg0, %eq3A : i32
    %jit3A = arith.constant 152 : i32
    %jit3A_1 = arith.constant 8 : i32
    %select_n3A = arith.select %eq3A_0, %jit3A, %jit3A_1 : i32
    %eq3A_2 = arith.constant 0 : i32
    %eq3A_3 = arith.cmpi eq, %arg0, %eq3A_2 : i32
    %mul3A = arith.constant 152 : i32
    %mul3A_4 = arith.muli %arg1, %mul3A : i32
    %mul3A_5 = arith.constant 8 : i32
    %mul3A_6 = arith.muli %arg1, %mul3A_5 : i32
    %add3A = arith.constant 2432 : i32
    %add3A_7 = arith.addi %add3A, %mul3A_6 : i32
    %select_n3A_8 = arith.select %eq3A_3, %mul3A_4, %add3A_7 : i32
    %scan3A = arith.constant 0 : i32
    %scan3A_9 = arith.constant 0 : i32
    %scan3A_10 = arith.constant 640 : i32
    %scan3A_11 = arith.addi %scan3A_9, %scan3A_10 : i32
    %scan3A_12 = arith.constant 1 : i32
    %scan3A_13 = scf.for %scan3A_178 = %scan3A_9 to %scan3A_11 step %scan3A_12 iter_args(%scan3A_179 = %scan3A) -> (i32)  : i32 {
      %broadcast_in_dim3A = arith.constant 0.000000e+00 : f32
      %broadcast_in_dim3A_180 = vector.broadcast %broadcast_in_dim3A : f32 to vector<16xf32>
      %swap3A = arith.index_cast %scan3A_178 : i32 to index
      %swap3A_181 = arith.constant 0 : index
      %swap3A_182 = tpu.vector_load %arg9[%swap3A, %swap3A_181] {strides = array<i32>} : memref<640x16xf32, #tpu.memory_space<vmem>>, vector<1x16xf32>,
      %swap3A_183 = vector.shape_cast %swap3A_182 : vector<1x16xf32> to vector<16xf32>
      %swap3A_184 = vector.shape_cast %broadcast_in_dim3A_180 : vector<16xf32> to vector<1x16xf32>
      tpu.vector_store %arg9[%swap3A, %swap3A_181], %swap3A_184 {strides = array<i32>} : memref<640x16xf32, #tpu.memory_space<vmem>>, vector<1x16xf32>,
      %scan3A_185 = arith.constant 0 : i32
      scf.yield %scan3A_185 : i32
    }
    %scan3A_14 = arith.constant 640 : i32
    %mul3A_15 = arith.constant 640 : i32
    %mul3A_16 = arith.muli %arg1, %mul3A_15 : i32
    "tpu.region"() ({
      %run_scoped3A = tpu.sem_alloc : memref<!tpu.dma_semaphore, #tpu.memory_space<semaphore_mem>>
      %dma_start3A = arith.constant 0 : i32
      %dma_start3A_178 = tpu.memref_slice %arg10[%mul3A_16, %dma_start3A] : memref<10240x16xf32, #tpu.memory_space<vmem_shared>> -> memref<640x16xf32, #tpu.memory_space<vmem_shared>>
      %dma_start3A_179 = arith.constant 0 : i32
      %dma_start3A_180 = tpu.memref_slice %arg10[%mul3A_16, %dma_start3A_179] : memref<10240x16xf32, #tpu.memory_space<vmem_shared>> -> memref<640x16xf32, #tpu.memory_space<vmem_shared>>
      tpu.enqueue_dma source(%arg9 : memref<640x16xf32, #tpu.memory_space<vmem>>) target(%dma_start3A_180 : memref<640x16xf32, #tpu.memory_space<vmem_shared>>) target_semaphore(%run_scoped3A : memref<!tpu.dma_semaphore, #tpu.memory_space<semaphore_mem>>)
      %dma_wait3A_181 = arith.constant 0 : i32
      %dma_wait3A_182 = tpu.memref_slice %arg10[%mul3A_16, %dma_wait3A_181] : memref<10240x16xf32, #tpu.memory_space<vmem_shared>> -> memref<640x16xf32, #tpu.memory_space<vmem_shared>>
      %dma_wait3A_183 = arith.constant 0 : i32
      %dma_wait3A_184 = tpu.memref_slice %arg10[%mul3A_16, %dma_wait3A_183] : memref<10240x16xf32, #tpu.memory_space<vmem_shared>> -> memref<640x16xf32, #tpu.memory_space<vmem_shared>>
      tpu.wait_dma2 semaphore(%run_scoped3A : memref<!tpu.dma_semaphore, #tpu.memory_space<semaphore_mem>>) src(%arg9 : memref<640x16xf32, #tpu.memory_space<vmem>>) dst(%dma_wait3A_184 : memref<640x16xf32, #tpu.memory_space<vmem_shared>>)
      tpu.yield
    }) : () -> ()
    %eq3A_17 = arith.constant 0 : i32
    %eq3A_18 = arith.cmpi eq, %arg0, %eq3A_17 : i32
    %convert_element_type3A = arith.extui %eq3A_18 : i1 to i32
    %cond3A = arith.constant 0 : i32
    %cond3A_19 = arith.cmpi ne, %convert_element_type3A, %cond3A : i32
    scf.if %cond3A_19 {
      "tpu.region"() ({
        %run_scoped3A = tpu.sem_alloc : memref<!tpu.dma_semaphore, #tpu.memory_space<semaphore_mem>>
        %dma_start3A = arith.constant 0 : i32
        %dma_start3A_178 = arith.constant 0 : i32
        %dma_start3A_179 = tpu.memref_slice %arg6[%dma_start3A, %dma_start3A_178] : memref<152x128xi32, #tpu.memory_space<vmem>> -> memref<152x128xi32, #tpu.memory_space<vmem>>
        %dma_start3A_180 = arith.constant 0 : i32
        %dma_start3A_181 = tpu.memref_slice %arg2[%select_n3A_8, %dma_start3A_180] : memref<2560x128xi32, #tpu.memory_space<hbm>> -> memref<152x128xi32, #tpu.memory_space<hbm>>
        %dma_start3A_182 = arith.constant 0 : i32
        %dma_start3A_183 = arith.constant 0 : i32
        %dma_start3A_184 = tpu.memref_slice %arg6[%dma_start3A_182, %dma_start3A_183] : memref<152x128xi32, #tpu.memory_space<vmem>> -> memref<152x128xi32, #tpu.memory_space<vmem>>
        %dma_start3A_185 = arith.constant 0 : i32
        %dma_start3A_186 = tpu.memref_slice %arg2[%select_n3A_8, %dma_start3A_185] : memref<2560x128xi32, #tpu.memory_space<hbm>> -> memref<152x128xi32, #tpu.memory_space<hbm>>
        tpu.enqueue_dma source(%dma_start3A_186 : memref<152x128xi32, #tpu.memory_space<hbm>>) target(%dma_start3A_184 : memref<152x128xi32, #tpu.memory_space<vmem>>) target_semaphore(%run_scoped3A : memref<!tpu.dma_semaphore, #tpu.memory_space<semaphore_mem>>)
        %dma_wait3A_187 = arith.constant 0 : i32
        %dma_wait3A_188 = arith.constant 0 : i32
        %dma_wait3A_189 = tpu.memref_slice %arg6[%dma_wait3A_187, %dma_wait3A_188] : memref<152x128xi32, #tpu.memory_space<vmem>> -> memref<152x128xi32, #tpu.memory_space<vmem>>
        %dma_wait3A_190 = arith.constant 0 : i32
        %dma_wait3A_191 = tpu.memref_slice %arg2[%select_n3A_8, %dma_wait3A_190] : memref<2560x128xi32, #tpu.memory_space<hbm>> -> memref<152x128xi32, #tpu.memory_space<hbm>>
        %dma_wait3A_192 = arith.constant 0 : i32
        %dma_wait3A_193 = arith.constant 0 : i32
        %dma_wait3A_194 = tpu.memref_slice %arg6[%dma_wait3A_192, %dma_wait3A_193] : memref<152x128xi32, #tpu.memory_space<vmem>> -> memref<152x128xi32, #tpu.memory_space<vmem>>
        %dma_wait3A_195 = arith.constant 0 : i32
        %dma_wait3A_196 = tpu.memref_slice %arg2[%select_n3A_8, %dma_wait3A_195] : memref<2560x128xi32, #tpu.memory_space<hbm>> -> memref<152x128xi32, #tpu.memory_space<hbm>>
        tpu.wait_dma2 semaphore(%run_scoped3A : memref<!tpu.dma_semaphore, #tpu.memory_space<semaphore_mem>>) src(%dma_wait3A_196 : memref<152x128xi32, #tpu.memory_space<hbm>>) dst(%dma_wait3A_194 : memref<152x128xi32, #tpu.memory_space<vmem>>)
        tpu.yield
      }) : () -> ()
      "tpu.region"() ({
        %run_scoped3A = tpu.sem_alloc : memref<!tpu.dma_semaphore, #tpu.memory_space<semaphore_mem>>
        %dma_start3A = arith.constant 0 : i32
        %dma_start3A_178 = arith.constant 0 : i32
        %dma_start3A_179 = tpu.memref_slice %arg7[%dma_start3A, %dma_start3A_178] : memref<152x128xi32, #tpu.memory_space<vmem>> -> memref<152x128xi32, #tpu.memory_space<vmem>>
        %dma_start3A_180 = arith.constant 0 : i32
        %dma_start3A_181 = tpu.memref_slice %arg3[%select_n3A_8, %dma_start3A_180] : memref<2560x128xi32, #tpu.memory_space<hbm>> -> memref<152x128xi32, #tpu.memory_space<hbm>>
        %dma_start3A_182 = arith.constant 0 : i32
        %dma_start3A_183 = arith.constant 0 : i32
        %dma_start3A_184 = tpu.memref_slice %arg7[%dma_start3A_182, %dma_start3A_183] : memref<152x128xi32, #tpu.memory_space<vmem>> -> memref<152x128xi32, #tpu.memory_space<vmem>>
        %dma_start3A_185 = arith.constant 0 : i32
        %dma_start3A_186 = tpu.memref_slice %arg3[%select_n3A_8, %dma_start3A_185] : memref<2560x128xi32, #tpu.memory_space<hbm>> -> memref<152x128xi32, #tpu.memory_space<hbm>>
        tpu.enqueue_dma source(%dma_start3A_186 : memref<152x128xi32, #tpu.memory_space<hbm>>) target(%dma_start3A_184 : memref<152x128xi32, #tpu.memory_space<vmem>>) target_semaphore(%run_scoped3A : memref<!tpu.dma_semaphore, #tpu.memory_space<semaphore_mem>>)
        %dma_wait3A_187 = arith.constant 0 : i32
        %dma_wait3A_188 = arith.constant 0 : i32
        %dma_wait3A_189 = tpu.memref_slice %arg7[%dma_wait3A_187, %dma_wait3A_188] : memref<152x128xi32, #tpu.memory_space<vmem>> -> memref<152x128xi32, #tpu.memory_space<vmem>>
        %dma_wait3A_190 = arith.constant 0 : i32
        %dma_wait3A_191 = tpu.memref_slice %arg3[%select_n3A_8, %dma_wait3A_190] : memref<2560x128xi32, #tpu.memory_space<hbm>> -> memref<152x128xi32, #tpu.memory_space<hbm>>
        %dma_wait3A_192 = arith.constant 0 : i32
        %dma_wait3A_193 = arith.constant 0 : i32
        %dma_wait3A_194 = tpu.memref_slice %arg7[%dma_wait3A_192, %dma_wait3A_193] : memref<152x128xi32, #tpu.memory_space<vmem>> -> memref<152x128xi32, #tpu.memory_space<vmem>>
        %dma_wait3A_195 = arith.constant 0 : i32
        %dma_wait3A_196 = tpu.memref_slice %arg3[%select_n3A_8, %dma_wait3A_195] : memref<2560x128xi32, #tpu.memory_space<hbm>> -> memref<152x128xi32, #tpu.memory_space<hbm>>
        tpu.wait_dma2 semaphore(%run_scoped3A : memref<!tpu.dma_semaphore, #tpu.memory_space<semaphore_mem>>) src(%dma_wait3A_196 : memref<152x128xi32, #tpu.memory_space<hbm>>) dst(%dma_wait3A_194 : memref<152x128xi32, #tpu.memory_space<vmem>>)
        tpu.yield
      }) : () -> ()
    } else {
    }
    %eq3A_20 = arith.constant 1 : i32
    %eq3A_21 = arith.cmpi eq, %arg0, %eq3A_20 : i32
    %convert_element_type3A_22 = arith.extui %eq3A_21 : i1 to i32
    %cond3A_23 = arith.constant 0 : i32
    %cond3A_24 = arith.cmpi ne, %convert_element_type3A_22, %cond3A_23 : i32
    scf.if %cond3A_24 {
      "tpu.region"() ({
        %run_scoped3A = tpu.sem_alloc : memref<!tpu.dma_semaphore, #tpu.memory_space<semaphore_mem>>
        %dma_start3A = arith.constant 0 : i32
        %dma_start3A_178 = arith.constant 0 : i32
        %dma_start3A_179 = tpu.memref_slice %arg6[%dma_start3A, %dma_start3A_178] : memref<152x128xi32, #tpu.memory_space<vmem>> -> memref<8x128xi32, #tpu.memory_space<vmem>>
        %dma_start3A_180 = arith.constant 0 : i32
        %dma_start3A_181 = tpu.memref_slice %arg2[%select_n3A_8, %dma_start3A_180] : memref<2560x128xi32, #tpu.memory_space<hbm>> -> memref<8x128xi32, #tpu.memory_space<hbm>>
        %dma_start3A_182 = arith.constant 0 : i32
        %dma_start3A_183 = arith.constant 0 : i32
        %dma_start3A_184 = tpu.memref_slice %arg6[%dma_start3A_182, %dma_start3A_183] : memref<152x128xi32, #tpu.memory_space<vmem>> -> memref<8x128xi32, #tpu.memory_space<vmem>>
        %dma_start3A_185 = arith.constant 0 : i32
        %dma_start3A_186 = tpu.memref_slice %arg2[%select_n3A_8, %dma_start3A_185] : memref<2560x128xi32, #tpu.memory_space<hbm>> -> memref<8x128xi32, #tpu.memory_space<hbm>>
        tpu.enqueue_dma source(%dma_start3A_186 : memref<8x128xi32, #tpu.memory_space<hbm>>) target(%dma_start3A_184 : memref<8x128xi32, #tpu.memory_space<vmem>>) target_semaphore(%run_scoped3A : memref<!tpu.dma_semaphore, #tpu.memory_space<semaphore_mem>>)
        %dma_wait3A_187 = arith.constant 0 : i32
        %dma_wait3A_188 = arith.constant 0 : i32
        %dma_wait3A_189 = tpu.memref_slice %arg6[%dma_wait3A_187, %dma_wait3A_188] : memref<152x128xi32, #tpu.memory_space<vmem>> -> memref<8x128xi32, #tpu.memory_space<vmem>>
        %dma_wait3A_190 = arith.constant 0 : i32
        %dma_wait3A_191 = tpu.memref_slice %arg2[%select_n3A_8, %dma_wait3A_190] : memref<2560x128xi32, #tpu.memory_space<hbm>> -> memref<8x128xi32, #tpu.memory_space<hbm>>
        %dma_wait3A_192 = arith.constant 0 : i32
        %dma_wait3A_193 = arith.constant 0 : i32
        %dma_wait3A_194 = tpu.memref_slice %arg6[%dma_wait3A_192, %dma_wait3A_193] : memref<152x128xi32, #tpu.memory_space<vmem>> -> memref<8x128xi32, #tpu.memory_space<vmem>>
        %dma_wait3A_195 = arith.constant 0 : i32
        %dma_wait3A_196 = tpu.memref_slice %arg2[%select_n3A_8, %dma_wait3A_195] : memref<2560x128xi32, #tpu.memory_space<hbm>> -> memref<8x128xi32, #tpu.memory_space<hbm>>
        tpu.wait_dma2 semaphore(%run_scoped3A : memref<!tpu.dma_semaphore, #tpu.memory_space<semaphore_mem>>) src(%dma_wait3A_196 : memref<8x128xi32, #tpu.memory_space<hbm>>) dst(%dma_wait3A_194 : memref<8x128xi32, #tpu.memory_space<vmem>>)
        tpu.yield
      }) : () -> ()
      "tpu.region"() ({
        %run_scoped3A = tpu.sem_alloc : memref<!tpu.dma_semaphore, #tpu.memory_space<semaphore_mem>>
        %dma_start3A = arith.constant 0 : i32
        %dma_start3A_178 = arith.constant 0 : i32
        %dma_start3A_179 = tpu.memref_slice %arg7[%dma_start3A, %dma_start3A_178] : memref<152x128xi32, #tpu.memory_space<vmem>> -> memref<8x128xi32, #tpu.memory_space<vmem>>
        %dma_start3A_180 = arith.constant 0 : i32
        %dma_start3A_181 = tpu.memref_slice %arg3[%select_n3A_8, %dma_start3A_180] : memref<2560x128xi32, #tpu.memory_space<hbm>> -> memref<8x128xi32, #tpu.memory_space<hbm>>
        %dma_start3A_182 = arith.constant 0 : i32
        %dma_start3A_183 = arith.constant 0 : i32
        %dma_start3A_184 = tpu.memref_slice %arg7[%dma_start3A_182, %dma_start3A_183] : memref<152x128xi32, #tpu.memory_space<vmem>> -> memref<8x128xi32, #tpu.memory_space<vmem>>
        %dma_start3A_185 = arith.constant 0 : i32
        %dma_start3A_186 = tpu.memref_slice %arg3[%select_n3A_8, %dma_start3A_185] : memref<2560x128xi32, #tpu.memory_space<hbm>> -> memref<8x128xi32, #tpu.memory_space<hbm>>
        tpu.enqueue_dma source(%dma_start3A_186 : memref<8x128xi32, #tpu.memory_space<hbm>>) target(%dma_start3A_184 : memref<8x128xi32, #tpu.memory_space<vmem>>) target_semaphore(%run_scoped3A : memref<!tpu.dma_semaphore, #tpu.memory_space<semaphore_mem>>)
        %dma_wait3A_187 = arith.constant 0 : i32
        %dma_wait3A_188 = arith.constant 0 : i32
        %dma_wait3A_189 = tpu.memref_slice %arg7[%dma_wait3A_187, %dma_wait3A_188] : memref<152x128xi32, #tpu.memory_space<vmem>> -> memref<8x128xi32, #tpu.memory_space<vmem>>
        %dma_wait3A_190 = arith.constant 0 : i32
        %dma_wait3A_191 = tpu.memref_slice %arg3[%select_n3A_8, %dma_wait3A_190] : memref<2560x128xi32, #tpu.memory_space<hbm>> -> memref<8x128xi32, #tpu.memory_space<hbm>>
        %dma_wait3A_192 = arith.constant 0 : i32
        %dma_wait3A_193 = arith.constant 0 : i32
        %dma_wait3A_194 = tpu.memref_slice %arg7[%dma_wait3A_192, %dma_wait3A_193] : memref<152x128xi32, #tpu.memory_space<vmem>> -> memref<8x128xi32, #tpu.memory_space<vmem>>
        %dma_wait3A_195 = arith.constant 0 : i32
        %dma_wait3A_196 = tpu.memref_slice %arg3[%select_n3A_8, %dma_wait3A_195] : memref<2560x128xi32, #tpu.memory_space<hbm>> -> memref<8x128xi32, #tpu.memory_space<hbm>>
        tpu.wait_dma2 semaphore(%run_scoped3A : memref<!tpu.dma_semaphore, #tpu.memory_space<semaphore_mem>>) src(%dma_wait3A_196 : memref<8x128xi32, #tpu.memory_space<hbm>>) dst(%dma_wait3A_194 : memref<8x128xi32, #tpu.memory_space<vmem>>)
        tpu.yield
      }) : () -> ()
    } else {
    }
    %barrier3A = arith.constant 0 : index
    tpu.barrier barrier_id(%barrier3A)
    %jit3A_25 = arith.constant 8 : i32
    %div3A = arith.divsi %select_n3A, %jit3A_25 : i32
    %sign3A = arith.constant 0 : i32
    %sign3A_26 = arith.cmpi sgt, %select_n3A, %sign3A : i32
    %sign3A_27 = arith.extui %sign3A_26 : i1 to i32
    %sign3A_28 = arith.constant 0 : i32
    %sign3A_29 = arith.cmpi slt, %select_n3A, %sign3A_28 : i32
    %sign3A_30 = arith.extui %sign3A_29 : i1 to i32
    %sign3A_31 = arith.subi %sign3A_27, %sign3A_30 : i32
    %sign3A_32 = arith.constant 0 : i32
    %sign3A_33 = arith.cmpi sgt, %jit3A_25, %sign3A_32 : i32
    %sign3A_34 = arith.extui %sign3A_33 : i1 to i32
    %sign3A_35 = arith.constant 0 : i32
    %sign3A_36 = arith.cmpi slt, %jit3A_25, %sign3A_35 : i32
    %sign3A_37 = arith.extui %sign3A_36 : i1 to i32
    %sign3A_38 = arith.subi %sign3A_34, %sign3A_37 : i32
    %ne3A = arith.cmpi ne, %sign3A_31, %sign3A_38 : i32
    %rem3A = arith.remsi %select_n3A, %jit3A_25 : i32
    %ne3A_39 = arith.constant 0 : i32
    %ne3A_40 = arith.cmpi ne, %rem3A, %ne3A_39 : i32
    %and3A = arith.andi %ne3A, %ne3A_40 : i1
    %sub3A = arith.constant 1 : i32
    %sub3A_41 = arith.subi %div3A, %sub3A : i32
    %select_n3A_42 = arith.select %and3A, %sub3A_41, %div3A : i32
    %while3A = arith.constant 0 : i32
    %while3A_43 = arith.constant 0 : i32
    %while3A_44 = arith.subi %select_n3A_42, %while3A : i32
    %while3A_45 = arith.addi %while3A, %while3A_44 : i32
    %while3A_46 = arith.constant 1 : i32
    %while3A_47 = arith.divsi %while3A_44, %while3A_46 : i32
    %while3A_48 = arith.muli %while3A_47, %while3A_46 : i32
    %while3A_49 = arith.addi %while3A, %while3A_48 : i32
    %while3A_50 = arith.constant 1 : i32
    %while3A_51 = scf.for %while3A_178 = %while3A to %while3A_49 step %while3A_50 iter_args(%while3A_179 = %while3A_43) -> (i32)  : i32 {
      %mul3A_180 = arith.constant 8 : i32
      %mul3A_181 = arith.muli %while3A_178, %mul3A_180 : i32
      %add3A_182 = arith.constant 0 : i32
      %add3A_183 = arith.addi %mul3A_181, %add3A_182 : i32
      %gt3A = arith.constant 0 : i32
      %gt3A_184 = arith.cmpi sgt, %while3A_178, %gt3A : i32
      %convert_element_type3A_185 = arith.extui %gt3A_184 : i1 to i32
      %cond3A_186 = arith.constant 0 : i32
      %cond3A_187 = arith.cmpi ne, %convert_element_type3A_185, %cond3A_186 : i32
      scf.if %cond3A_187 {
        %dma_wait3A_589 = arith.constant 0 : i32
        %dma_wait3A_590 = arith.constant 0 : i32
        %dma_wait3A_591 = arith.constant 0 : i32
        %dma_wait3A_592 = arith.constant 0 : i32
        %dma_wait3A_593 = tpu.memref_slice %arg8[%dma_wait3A_589, %dma_wait3A_591, %dma_wait3A_592] : memref<8x128x16xf32, #tpu.memory_space<vmem>> -> memref<1x128x16xf32, #tpu.memory_space<vmem>>
        %dma_wait3A_594 = tpu.memref_squeeze %dma_wait3A_593 : memref<1x128x16xf32, #tpu.memory_space<vmem>> -> memref<128x16xf32, #tpu.memory_space<vmem>>
        %dma_wait3A_595 = arith.constant 0 : i32
        %dma_wait3A_596 = tpu.memref_slice %arg7[%add3A_183, %dma_wait3A_595] : memref<152x128xi32, #tpu.memory_space<vmem>> -> memref<1x128xi32, #tpu.memory_space<vmem>>
        %dma_wait3A_597 = tpu.memref_squeeze %dma_wait3A_596 : memref<1x128xi32, #tpu.memory_space<vmem>> -> memref<128xi32, #tpu.memory_space<vmem>>
        %dma_wait3A_598 = arith.constant 0 : i32
        %dma_wait3A_599 = arith.constant 0 : i32
        %dma_wait3A_600 = tpu.memref_slice %arg10[%dma_wait3A_598, %dma_wait3A_599] : memref<10240x16xf32, #tpu.memory_space<vmem_shared>> -> memref<10240x16xf32, #tpu.memory_space<vmem_shared>>
        %dma_wait3A_601 = tpu.memref_slice %arg12[%dma_wait3A_590] : memref<8x!tpu.dma_semaphore, #tpu.memory_space<semaphore_mem>> -> memref<1x!tpu.dma_semaphore, #tpu.memory_space<semaphore_mem>>
        %dma_wait3A_602 = tpu.memref_squeeze %dma_wait3A_601 : memref<1x!tpu.dma_semaphore, #tpu.memory_space<semaphore_mem>> -> memref<!tpu.dma_semaphore, #tpu.memory_space<semaphore_mem>>
        tpu.wait_indirect_dma semaphore(%dma_wait3A_602 : memref<!tpu.dma_semaphore, #tpu.memory_space<semaphore_mem>>) src(%dma_wait3A_594 : memref<128x16xf32, #tpu.memory_space<vmem>>) dst(%dma_wait3A_600 : memref<10240x16xf32, #tpu.memory_space<vmem_shared>>)
      } else {
      }
      %dma_start3A = arith.constant 0 : i32
      %dma_start3A_188 = arith.constant 0 : i32
      %dma_start3A_189 = arith.constant 0 : i32
      %dma_start3A_190 = arith.constant 0 : i32
      %dma_start3A_191 = tpu.memref_slice %arg8[%dma_start3A, %dma_start3A_189, %dma_start3A_190] : memref<8x128x16xf32, #tpu.memory_space<vmem>> -> memref<1x128x16xf32, #tpu.memory_space<vmem>>
      %dma_start3A_192 = tpu.memref_squeeze %dma_start3A_191 : memref<1x128x16xf32, #tpu.memory_space<vmem>> -> memref<128x16xf32, #tpu.memory_space<vmem>>
      %dma_start3A_193 = arith.constant 0 : i32
      %dma_start3A_194 = tpu.memref_slice %arg6[%add3A_183, %dma_start3A_193] : memref<152x128xi32, #tpu.memory_space<vmem>> -> memref<1x128xi32, #tpu.memory_space<vmem>>
      %dma_start3A_195 = tpu.memref_squeeze %dma_start3A_194 : memref<1x128xi32, #tpu.memory_space<vmem>> -> memref<128xi32, #tpu.memory_space<vmem>>
      %dma_start3A_196 = arith.constant 0 : i32
      %dma_start3A_197 = arith.constant 0 : i32
      %dma_start3A_198 = tpu.memref_slice %arg4[%dma_start3A_196, %dma_start3A_197] : memref<10000x16xf32, #tpu.memory_space<hbm>> -> memref<10000x16xf32, #tpu.memory_space<hbm>>
      %dma_start3A_199 = tpu.memref_slice %arg11[%dma_start3A_188] : memref<8x!tpu.dma_semaphore, #tpu.memory_space<semaphore_mem>> -> memref<1x!tpu.dma_semaphore, #tpu.memory_space<semaphore_mem>>
      %dma_start3A_200 = tpu.memref_squeeze %dma_start3A_199 : memref<1x!tpu.dma_semaphore, #tpu.memory_space<semaphore_mem>> -> memref<!tpu.dma_semaphore, #tpu.memory_space<semaphore_mem>>
      tpu.enqueue_indirect_dma source(%dma_start3A_198 : memref<10000x16xf32, #tpu.memory_space<hbm>>) target(%dma_start3A_192 : memref<128x16xf32, #tpu.memory_space<vmem>>) offsets(%dma_start3A_195 : memref<128xi32, #tpu.memory_space<vmem>>) semaphore(%dma_start3A_200 : memref<!tpu.dma_semaphore, #tpu.memory_space<semaphore_mem>>)
      %add3A_201 = arith.constant 1 : i32
      %add3A_202 = arith.addi %mul3A_181, %add3A_201 : i32
      %gt3A_203 = arith.constant 0 : i32
      %gt3A_204 = arith.cmpi sgt, %while3A_178, %gt3A_203 : i32
      %convert_element_type3A_205 = arith.extui %gt3A_204 : i1 to i32
      %cond3A_206 = arith.constant 0 : i32
      %cond3A_207 = arith.cmpi ne, %convert_element_type3A_205, %cond3A_206 : i32
      scf.if %cond3A_207 {
        %dma_wait3A_589 = arith.constant 1 : i32
        %dma_wait3A_590 = arith.constant 1 : i32
        %dma_wait3A_591 = arith.constant 0 : i32
        %dma_wait3A_592 = arith.constant 0 : i32
        %dma_wait3A_593 = tpu.memref_slice %arg8[%dma_wait3A_589, %dma_wait3A_591, %dma_wait3A_592] : memref<8x128x16xf32, #tpu.memory_space<vmem>> -> memref<1x128x16xf32, #tpu.memory_space<vmem>>
        %dma_wait3A_594 = tpu.memref_squeeze %dma_wait3A_593 : memref<1x128x16xf32, #tpu.memory_space<vmem>> -> memref<128x16xf32, #tpu.memory_space<vmem>>
        %dma_wait3A_595 = arith.constant 0 : i32
        %dma_wait3A_596 = tpu.memref_slice %arg7[%add3A_202, %dma_wait3A_595] : memref<152x128xi32, #tpu.memory_space<vmem>> -> memref<1x128xi32, #tpu.memory_space<vmem>>
        %dma_wait3A_597 = tpu.memref_squeeze %dma_wait3A_596 : memref<1x128xi32, #tpu.memory_space<vmem>> -> memref<128xi32, #tpu.memory_space<vmem>>
        %dma_wait3A_598 = arith.constant 0 : i32
        %dma_wait3A_599 = arith.constant 0 : i32
        %dma_wait3A_600 = tpu.memref_slice %arg10[%dma_wait3A_598, %dma_wait3A_599] : memref<10240x16xf32, #tpu.memory_space<vmem_shared>> -> memref<10240x16xf32, #tpu.memory_space<vmem_shared>>
        %dma_wait3A_601 = tpu.memref_slice %arg12[%dma_wait3A_590] : memref<8x!tpu.dma_semaphore, #tpu.memory_space<semaphore_mem>> -> memref<1x!tpu.dma_semaphore, #tpu.memory_space<semaphore_mem>>
        %dma_wait3A_602 = tpu.memref_squeeze %dma_wait3A_601 : memref<1x!tpu.dma_semaphore, #tpu.memory_space<semaphore_mem>> -> memref<!tpu.dma_semaphore, #tpu.memory_space<semaphore_mem>>
        tpu.wait_indirect_dma semaphore(%dma_wait3A_602 : memref<!tpu.dma_semaphore, #tpu.memory_space<semaphore_mem>>) src(%dma_wait3A_594 : memref<128x16xf32, #tpu.memory_space<vmem>>) dst(%dma_wait3A_600 : memref<10240x16xf32, #tpu.memory_space<vmem_shared>>)
      } else {
      }
      %dma_start3A_208 = arith.constant 1 : i32
      %dma_start3A_209 = arith.constant 1 : i32
      %dma_start3A_210 = arith.constant 0 : i32
      %dma_start3A_211 = arith.constant 0 : i32
      %dma_start3A_212 = tpu.memref_slice %arg8[%dma_start3A_208, %dma_start3A_210, %dma_start3A_211] : memref<8x128x16xf32, #tpu.memory_space<vmem>> -> memref<1x128x16xf32, #tpu.memory_space<vmem>>
      %dma_start3A_213 = tpu.memref_squeeze %dma_start3A_212 : memref<1x128x16xf32, #tpu.memory_space<vmem>> -> memref<128x16xf32, #tpu.memory_space<vmem>>
      %dma_start3A_214 = arith.constant 0 : i32
      %dma_start3A_215 = tpu.memref_slice %arg6[%add3A_202, %dma_start3A_214] : memref<152x128xi32, #tpu.memory_space<vmem>> -> memref<1x128xi32, #tpu.memory_space<vmem>>
      %dma_start3A_216 = tpu.memref_squeeze %dma_start3A_215 : memref<1x128xi32, #tpu.memory_space<vmem>> -> memref<128xi32, #tpu.memory_space<vmem>>
      %dma_start3A_217 = arith.constant 0 : i32
      %dma_start3A_218 = arith.constant 0 : i32
      %dma_start3A_219 = tpu.memref_slice %arg4[%dma_start3A_217, %dma_start3A_218] : memref<10000x16xf32, #tpu.memory_space<hbm>> -> memref<10000x16xf32, #tpu.memory_space<hbm>>
      %dma_start3A_220 = tpu.memref_slice %arg11[%dma_start3A_209] : memref<8x!tpu.dma_semaphore, #tpu.memory_space<semaphore_mem>> -> memref<1x!tpu.dma_semaphore, #tpu.memory_space<semaphore_mem>>
      %dma_start3A_221 = tpu.memref_squeeze %dma_start3A_220 : memref<1x!tpu.dma_semaphore, #tpu.memory_space<semaphore_mem>> -> memref<!tpu.dma_semaphore, #tpu.memory_space<semaphore_mem>>
      tpu.enqueue_indirect_dma source(%dma_start3A_219 : memref<10000x16xf32, #tpu.memory_space<hbm>>) target(%dma_start3A_213 : memref<128x16xf32, #tpu.memory_space<vmem>>) offsets(%dma_start3A_216 : memref<128xi32, #tpu.memory_space<vmem>>) semaphore(%dma_start3A_221 : memref<!tpu.dma_semaphore, #tpu.memory_space<semaphore_mem>>)
      %add3A_222 = arith.constant 2 : i32
      %add3A_223 = arith.addi %mul3A_181, %add3A_222 : i32
      %gt3A_224 = arith.constant 0 : i32
      %gt3A_225 = arith.cmpi sgt, %while3A_178, %gt3A_224 : i32
      %convert_element_type3A_226 = arith.extui %gt3A_225 : i1 to i32
      %cond3A_227 = arith.constant 0 : i32
      %cond3A_228 = arith.cmpi ne, %convert_element_type3A_226, %cond3A_227 : i32
      scf.if %cond3A_228 {
        %dma_wait3A_589 = arith.constant 2 : i32
        %dma_wait3A_590 = arith.constant 2 : i32
        %dma_wait3A_591 = arith.constant 0 : i32
        %dma_wait3A_592 = arith.constant 0 : i32
        %dma_wait3A_593 = tpu.memref_slice %arg8[%dma_wait3A_589, %dma_wait3A_591, %dma_wait3A_592] : memref<8x128x16xf32, #tpu.memory_space<vmem>> -> memref<1x128x16xf32, #tpu.memory_space<vmem>>
        %dma_wait3A_594 = tpu.memref_squeeze %dma_wait3A_593 : memref<1x128x16xf32, #tpu.memory_space<vmem>> -> memref<128x16xf32, #tpu.memory_space<vmem>>
        %dma_wait3A_595 = arith.constant 0 : i32
        %dma_wait3A_596 = tpu.memref_slice %arg7[%add3A_223, %dma_wait3A_595] : memref<152x128xi32, #tpu.memory_space<vmem>> -> memref<1x128xi32, #tpu.memory_space<vmem>>
        %dma_wait3A_597 = tpu.memref_squeeze %dma_wait3A_596 : memref<1x128xi32, #tpu.memory_space<vmem>> -> memref<128xi32, #tpu.memory_space<vmem>>
        %dma_wait3A_598 = arith.constant 0 : i32
        %dma_wait3A_599 = arith.constant 0 : i32
        %dma_wait3A_600 = tpu.memref_slice %arg10[%dma_wait3A_598, %dma_wait3A_599] : memref<10240x16xf32, #tpu.memory_space<vmem_shared>> -> memref<10240x16xf32, #tpu.memory_space<vmem_shared>>
        %dma_wait3A_601 = tpu.memref_slice %arg12[%dma_wait3A_590] : memref<8x!tpu.dma_semaphore, #tpu.memory_space<semaphore_mem>> -> memref<1x!tpu.dma_semaphore, #tpu.memory_space<semaphore_mem>>
        %dma_wait3A_602 = tpu.memref_squeeze %dma_wait3A_601 : memref<1x!tpu.dma_semaphore, #tpu.memory_space<semaphore_mem>> -> memref<!tpu.dma_semaphore, #tpu.memory_space<semaphore_mem>>
        tpu.wait_indirect_dma semaphore(%dma_wait3A_602 : memref<!tpu.dma_semaphore, #tpu.memory_space<semaphore_mem>>) src(%dma_wait3A_594 : memref<128x16xf32, #tpu.memory_space<vmem>>) dst(%dma_wait3A_600 : memref<10240x16xf32, #tpu.memory_space<vmem_shared>>)
      } else {
      }
      %dma_start3A_229 = arith.constant 2 : i32
      %dma_start3A_230 = arith.constant 2 : i32
      %dma_start3A_231 = arith.constant 0 : i32
      %dma_start3A_232 = arith.constant 0 : i32
      %dma_start3A_233 = tpu.memref_slice %arg8[%dma_start3A_229, %dma_start3A_231, %dma_start3A_232] : memref<8x128x16xf32, #tpu.memory_space<vmem>> -> memref<1x128x16xf32, #tpu.memory_space<vmem>>
      %dma_start3A_234 = tpu.memref_squeeze %dma_start3A_233 : memref<1x128x16xf32, #tpu.memory_space<vmem>> -> memref<128x16xf32, #tpu.memory_space<vmem>>
      %dma_start3A_235 = arith.constant 0 : i32
      %dma_start3A_236 = tpu.memref_slice %arg6[%add3A_223, %dma_start3A_235] : memref<152x128xi32, #tpu.memory_space<vmem>> -> memref<1x128xi32, #tpu.memory_space<vmem>>
      %dma_start3A_237 = tpu.memref_squeeze %dma_start3A_236 : memref<1x128xi32, #tpu.memory_space<vmem>> -> memref<128xi32, #tpu.memory_space<vmem>>
      %dma_start3A_238 = arith.constant 0 : i32
      %dma_start3A_239 = arith.constant 0 : i32
      %dma_start3A_240 = tpu.memref_slice %arg4[%dma_start3A_238, %dma_start3A_239] : memref<10000x16xf32, #tpu.memory_space<hbm>> -> memref<10000x16xf32, #tpu.memory_space<hbm>>
      %dma_start3A_241 = tpu.memref_slice %arg11[%dma_start3A_230] : memref<8x!tpu.dma_semaphore, #tpu.memory_space<semaphore_mem>> -> memref<1x!tpu.dma_semaphore, #tpu.memory_space<semaphore_mem>>
      %dma_start3A_242 = tpu.memref_squeeze %dma_start3A_241 : memref<1x!tpu.dma_semaphore, #tpu.memory_space<semaphore_mem>> -> memref<!tpu.dma_semaphore, #tpu.memory_space<semaphore_mem>>
      tpu.enqueue_indirect_dma source(%dma_start3A_240 : memref<10000x16xf32, #tpu.memory_space<hbm>>) target(%dma_start3A_234 : memref<128x16xf32, #tpu.memory_space<vmem>>) offsets(%dma_start3A_237 : memref<128xi32, #tpu.memory_space<vmem>>) semaphore(%dma_start3A_242 : memref<!tpu.dma_semaphore, #tpu.memory_space<semaphore_mem>>)
      %add3A_243 = arith.constant 3 : i32
      %add3A_244 = arith.addi %mul3A_181, %add3A_243 : i32
      %gt3A_245 = arith.constant 0 : i32
      %gt3A_246 = arith.cmpi sgt, %while3A_178, %gt3A_245 : i32
      %convert_element_type3A_247 = arith.extui %gt3A_246 : i1 to i32
      %cond3A_248 = arith.constant 0 : i32
      %cond3A_249 = arith.cmpi ne, %convert_element_type3A_247, %cond3A_248 : i32
      scf.if %cond3A_249 {
        %dma_wait3A_589 = arith.constant 3 : i32
        %dma_wait3A_590 = arith.constant 3 : i32
        %dma_wait3A_591 = arith.constant 0 : i32
        %dma_wait3A_592 = arith.constant 0 : i32
        %dma_wait3A_593 = tpu.memref_slice %arg8[%dma_wait3A_589, %dma_wait3A_591, %dma_wait3A_592] : memref<8x128x16xf32, #tpu.memory_space<vmem>> -> memref<1x128x16xf32, #tpu.memory_space<vmem>>
        %dma_wait3A_594 = tpu.memref_squeeze %dma_wait3A_593 : memref<1x128x16xf32, #tpu.memory_space<vmem>> -> memref<128x16xf32, #tpu.memory_space<vmem>>
        %dma_wait3A_595 = arith.constant 0 : i32
        %dma_wait3A_596 = tpu.memref_slice %arg7[%add3A_244, %dma_wait3A_595] : memref<152x128xi32, #tpu.memory_space<vmem>> -> memref<1x128xi32, #tpu.memory_space<vmem>>
        %dma_wait3A_597 = tpu.memref_squeeze %dma_wait3A_596 : memref<1x128xi32, #tpu.memory_space<vmem>> -> memref<128xi32, #tpu.memory_space<vmem>>
        %dma_wait3A_598 = arith.constant 0 : i32
        %dma_wait3A_599 = arith.constant 0 : i32
        %dma_wait3A_600 = tpu.memref_slice %arg10[%dma_wait3A_598, %dma_wait3A_599] : memref<10240x16xf32, #tpu.memory_space<vmem_shared>> -> memref<10240x16xf32, #tpu.memory_space<vmem_shared>>
        %dma_wait3A_601 = tpu.memref_slice %arg12[%dma_wait3A_590] : memref<8x!tpu.dma_semaphore, #tpu.memory_space<semaphore_mem>> -> memref<1x!tpu.dma_semaphore, #tpu.memory_space<semaphore_mem>>
        %dma_wait3A_602 = tpu.memref_squeeze %dma_wait3A_601 : memref<1x!tpu.dma_semaphore, #tpu.memory_space<semaphore_mem>> -> memref<!tpu.dma_semaphore, #tpu.memory_space<semaphore_mem>>
        tpu.wait_indirect_dma semaphore(%dma_wait3A_602 : memref<!tpu.dma_semaphore, #tpu.memory_space<semaphore_mem>>) src(%dma_wait3A_594 : memref<128x16xf32, #tpu.memory_space<vmem>>) dst(%dma_wait3A_600 : memref<10240x16xf32, #tpu.memory_space<vmem_shared>>)
      } else {
      }
      %dma_start3A_250 = arith.constant 3 : i32
      %dma_start3A_251 = arith.constant 3 : i32
      %dma_start3A_252 = arith.constant 0 : i32
      %dma_start3A_253 = arith.constant 0 : i32
      %dma_start3A_254 = tpu.memref_slice %arg8[%dma_start3A_250, %dma_start3A_252, %dma_start3A_253] : memref<8x128x16xf32, #tpu.memory_space<vmem>> -> memref<1x128x16xf32, #tpu.memory_space<vmem>>
      %dma_start3A_255 = tpu.memref_squeeze %dma_start3A_254 : memref<1x128x16xf32, #tpu.memory_space<vmem>> -> memref<128x16xf32, #tpu.memory_space<vmem>>
      %dma_start3A_256 = arith.constant 0 : i32
      %dma_start3A_257 = tpu.memref_slice %arg6[%add3A_244, %dma_start3A_256] : memref<152x128xi32, #tpu.memory_space<vmem>> -> memref<1x128xi32, #tpu.memory_space<vmem>>
      %dma_start3A_258 = tpu.memref_squeeze %dma_start3A_257 : memref<1x128xi32, #tpu.memory_space<vmem>> -> memref<128xi32, #tpu.memory_space<vmem>>
      %dma_start3A_259 = arith.constant 0 : i32
      %dma_start3A_260 = arith.constant 0 : i32
      %dma_start3A_261 = tpu.memref_slice %arg4[%dma_start3A_259, %dma_start3A_260] : memref<10000x16xf32, #tpu.memory_space<hbm>> -> memref<10000x16xf32, #tpu.memory_space<hbm>>
      %dma_start3A_262 = tpu.memref_slice %arg11[%dma_start3A_251] : memref<8x!tpu.dma_semaphore, #tpu.memory_space<semaphore_mem>> -> memref<1x!tpu.dma_semaphore, #tpu.memory_space<semaphore_mem>>
      %dma_start3A_263 = tpu.memref_squeeze %dma_start3A_262 : memref<1x!tpu.dma_semaphore, #tpu.memory_space<semaphore_mem>> -> memref<!tpu.dma_semaphore, #tpu.memory_space<semaphore_mem>>
      tpu.enqueue_indirect_dma source(%dma_start3A_261 : memref<10000x16xf32, #tpu.memory_space<hbm>>) target(%dma_start3A_255 : memref<128x16xf32, #tpu.memory_space<vmem>>) offsets(%dma_start3A_258 : memref<128xi32, #tpu.memory_space<vmem>>) semaphore(%dma_start3A_263 : memref<!tpu.dma_semaphore, #tpu.memory_space<semaphore_mem>>)
      %add3A_264 = arith.constant 4 : i32
      %add3A_265 = arith.addi %mul3A_181, %add3A_264 : i32
      %gt3A_266 = arith.constant 0 : i32
      %gt3A_267 = arith.cmpi sgt, %while3A_178, %gt3A_266 : i32
      %convert_element_type3A_268 = arith.extui %gt3A_267 : i1 to i32
      %cond3A_269 = arith.constant 0 : i32
      %cond3A_270 = arith.cmpi ne, %convert_element_type3A_268, %cond3A_269 : i32
      scf.if %cond3A_270 {
        %dma_wait3A_589 = arith.constant 4 : i32
        %dma_wait3A_590 = arith.constant 4 : i32
        %dma_wait3A_591 = arith.constant 0 : i32
        %dma_wait3A_592 = arith.constant 0 : i32
        %dma_wait3A_593 = tpu.memref_slice %arg8[%dma_wait3A_589, %dma_wait3A_591, %dma_wait3A_592] : memref<8x128x16xf32, #tpu.memory_space<vmem>> -> memref<1x128x16xf32, #tpu.memory_space<vmem>>
        %dma_wait3A_594 = tpu.memref_squeeze %dma_wait3A_593 : memref<1x128x16xf32, #tpu.memory_space<vmem>> -> memref<128x16xf32, #tpu.memory_space<vmem>>
        %dma_wait3A_595 = arith.constant 0 : i32
        %dma_wait3A_596 = tpu.memref_slice %arg7[%add3A_265, %dma_wait3A_595] : memref<152x128xi32, #tpu.memory_space<vmem>> -> memref<1x128xi32, #tpu.memory_space<vmem>>
        %dma_wait3A_597 = tpu.memref_squeeze %dma_wait3A_596 : memref<1x128xi32, #tpu.memory_space<vmem>> -> memref<128xi32, #tpu.memory_space<vmem>>
        %dma_wait3A_598 = arith.constant 0 : i32
        %dma_wait3A_599 = arith.constant 0 : i32
        %dma_wait3A_600 = tpu.memref_slice %arg10[%dma_wait3A_598, %dma_wait3A_599] : memref<10240x16xf32, #tpu.memory_space<vmem_shared>> -> memref<10240x16xf32, #tpu.memory_space<vmem_shared>>
        %dma_wait3A_601 = tpu.memref_slice %arg12[%dma_wait3A_590] : memref<8x!tpu.dma_semaphore, #tpu.memory_space<semaphore_mem>> -> memref<1x!tpu.dma_semaphore, #tpu.memory_space<semaphore_mem>>
        %dma_wait3A_602 = tpu.memref_squeeze %dma_wait3A_601 : memref<1x!tpu.dma_semaphore, #tpu.memory_space<semaphore_mem>> -> memref<!tpu.dma_semaphore, #tpu.memory_space<semaphore_mem>>
        tpu.wait_indirect_dma semaphore(%dma_wait3A_602 : memref<!tpu.dma_semaphore, #tpu.memory_space<semaphore_mem>>) src(%dma_wait3A_594 : memref<128x16xf32, #tpu.memory_space<vmem>>) dst(%dma_wait3A_600 : memref<10240x16xf32, #tpu.memory_space<vmem_shared>>)
      } else {
      }
      %dma_start3A_271 = arith.constant 4 : i32
      %dma_start3A_272 = arith.constant 4 : i32
      %dma_start3A_273 = arith.constant 0 : i32
      %dma_start3A_274 = arith.constant 0 : i32
      %dma_start3A_275 = tpu.memref_slice %arg8[%dma_start3A_271, %dma_start3A_273, %dma_start3A_274] : memref<8x128x16xf32, #tpu.memory_space<vmem>> -> memref<1x128x16xf32, #tpu.memory_space<vmem>>
      %dma_start3A_276 = tpu.memref_squeeze %dma_start3A_275 : memref<1x128x16xf32, #tpu.memory_space<vmem>> -> memref<128x16xf32, #tpu.memory_space<vmem>>
      %dma_start3A_277 = arith.constant 0 : i32
      %dma_start3A_278 = tpu.memref_slice %arg6[%add3A_265, %dma_start3A_277] : memref<152x128xi32, #tpu.memory_space<vmem>> -> memref<1x128xi32, #tpu.memory_space<vmem>>
      %dma_start3A_279 = tpu.memref_squeeze %dma_start3A_278 : memref<1x128xi32, #tpu.memory_space<vmem>> -> memref<128xi32, #tpu.memory_space<vmem>>
      %dma_start3A_280 = arith.constant 0 : i32
      %dma_start3A_281 = arith.constant 0 : i32
      %dma_start3A_282 = tpu.memref_slice %arg4[%dma_start3A_280, %dma_start3A_281] : memref<10000x16xf32, #tpu.memory_space<hbm>> -> memref<10000x16xf32, #tpu.memory_space<hbm>>
      %dma_start3A_283 = tpu.memref_slice %arg11[%dma_start3A_272] : memref<8x!tpu.dma_semaphore, #tpu.memory_space<semaphore_mem>> -> memref<1x!tpu.dma_semaphore, #tpu.memory_space<semaphore_mem>>
      %dma_start3A_284 = tpu.memref_squeeze %dma_start3A_283 : memref<1x!tpu.dma_semaphore, #tpu.memory_space<semaphore_mem>> -> memref<!tpu.dma_semaphore, #tpu.memory_space<semaphore_mem>>
      tpu.enqueue_indirect_dma source(%dma_start3A_282 : memref<10000x16xf32, #tpu.memory_space<hbm>>) target(%dma_start3A_276 : memref<128x16xf32, #tpu.memory_space<vmem>>) offsets(%dma_start3A_279 : memref<128xi32, #tpu.memory_space<vmem>>) semaphore(%dma_start3A_284 : memref<!tpu.dma_semaphore, #tpu.memory_space<semaphore_mem>>)
      %add3A_285 = arith.constant 5 : i32
      %add3A_286 = arith.addi %mul3A_181, %add3A_285 : i32
      %gt3A_287 = arith.constant 0 : i32
      %gt3A_288 = arith.cmpi sgt, %while3A_178, %gt3A_287 : i32
      %convert_element_type3A_289 = arith.extui %gt3A_288 : i1 to i32
      %cond3A_290 = arith.constant 0 : i32
      %cond3A_291 = arith.cmpi ne, %convert_element_type3A_289, %cond3A_290 : i32
      scf.if %cond3A_291 {
        %dma_wait3A_589 = arith.constant 5 : i32
        %dma_wait3A_590 = arith.constant 5 : i32
        %dma_wait3A_591 = arith.constant 0 : i32
        %dma_wait3A_592 = arith.constant 0 : i32
        %dma_wait3A_593 = tpu.memref_slice %arg8[%dma_wait3A_589, %dma_wait3A_591, %dma_wait3A_592] : memref<8x128x16xf32, #tpu.memory_space<vmem>> -> memref<1x128x16xf32, #tpu.memory_space<vmem>>
        %dma_wait3A_594 = tpu.memref_squeeze %dma_wait3A_593 : memref<1x128x16xf32, #tpu.memory_space<vmem>> -> memref<128x16xf32, #tpu.memory_space<vmem>>
        %dma_wait3A_595 = arith.constant 0 : i32
        %dma_wait3A_596 = tpu.memref_slice %arg7[%add3A_286, %dma_wait3A_595] : memref<152x128xi32, #tpu.memory_space<vmem>> -> memref<1x128xi32, #tpu.memory_space<vmem>>
        %dma_wait3A_597 = tpu.memref_squeeze %dma_wait3A_596 : memref<1x128xi32, #tpu.memory_space<vmem>> -> memref<128xi32, #tpu.memory_space<vmem>>
        %dma_wait3A_598 = arith.constant 0 : i32
        %dma_wait3A_599 = arith.constant 0 : i32
        %dma_wait3A_600 = tpu.memref_slice %arg10[%dma_wait3A_598, %dma_wait3A_599] : memref<10240x16xf32, #tpu.memory_space<vmem_shared>> -> memref<10240x16xf32, #tpu.memory_space<vmem_shared>>
        %dma_wait3A_601 = tpu.memref_slice %arg12[%dma_wait3A_590] : memref<8x!tpu.dma_semaphore, #tpu.memory_space<semaphore_mem>> -> memref<1x!tpu.dma_semaphore, #tpu.memory_space<semaphore_mem>>
        %dma_wait3A_602 = tpu.memref_squeeze %dma_wait3A_601 : memref<1x!tpu.dma_semaphore, #tpu.memory_space<semaphore_mem>> -> memref<!tpu.dma_semaphore, #tpu.memory_space<semaphore_mem>>
        tpu.wait_indirect_dma semaphore(%dma_wait3A_602 : memref<!tpu.dma_semaphore, #tpu.memory_space<semaphore_mem>>) src(%dma_wait3A_594 : memref<128x16xf32, #tpu.memory_space<vmem>>) dst(%dma_wait3A_600 : memref<10240x16xf32, #tpu.memory_space<vmem_shared>>)
      } else {
      }
      %dma_start3A_292 = arith.constant 5 : i32
      %dma_start3A_293 = arith.constant 5 : i32
      %dma_start3A_294 = arith.constant 0 : i32
      %dma_start3A_295 = arith.constant 0 : i32
      %dma_start3A_296 = tpu.memref_slice %arg8[%dma_start3A_292, %dma_start3A_294, %dma_start3A_295] : memref<8x128x16xf32, #tpu.memory_space<vmem>> -> memref<1x128x16xf32, #tpu.memory_space<vmem>>
      %dma_start3A_297 = tpu.memref_squeeze %dma_start3A_296 : memref<1x128x16xf32, #tpu.memory_space<vmem>> -> memref<128x16xf32, #tpu.memory_space<vmem>>
      %dma_start3A_298 = arith.constant 0 : i32
      %dma_start3A_299 = tpu.memref_slice %arg6[%add3A_286, %dma_start3A_298] : memref<152x128xi32, #tpu.memory_space<vmem>> -> memref<1x128xi32, #tpu.memory_space<vmem>>
      %dma_start3A_300 = tpu.memref_squeeze %dma_start3A_299 : memref<1x128xi32, #tpu.memory_space<vmem>> -> memref<128xi32, #tpu.memory_space<vmem>>
      %dma_start3A_301 = arith.constant 0 : i32
      %dma_start3A_302 = arith.constant 0 : i32
      %dma_start3A_303 = tpu.memref_slice %arg4[%dma_start3A_301, %dma_start3A_302] : memref<10000x16xf32, #tpu.memory_space<hbm>> -> memref<10000x16xf32, #tpu.memory_space<hbm>>
      %dma_start3A_304 = tpu.memref_slice %arg11[%dma_start3A_293] : memref<8x!tpu.dma_semaphore, #tpu.memory_space<semaphore_mem>> -> memref<1x!tpu.dma_semaphore, #tpu.memory_space<semaphore_mem>>
      %dma_start3A_305 = tpu.memref_squeeze %dma_start3A_304 : memref<1x!tpu.dma_semaphore, #tpu.memory_space<semaphore_mem>> -> memref<!tpu.dma_semaphore, #tpu.memory_space<semaphore_mem>>
      tpu.enqueue_indirect_dma source(%dma_start3A_303 : memref<10000x16xf32, #tpu.memory_space<hbm>>) target(%dma_start3A_297 : memref<128x16xf32, #tpu.memory_space<vmem>>) offsets(%dma_start3A_300 : memref<128xi32, #tpu.memory_space<vmem>>) semaphore(%dma_start3A_305 : memref<!tpu.dma_semaphore, #tpu.memory_space<semaphore_mem>>)
      %add3A_306 = arith.constant 6 : i32
      %add3A_307 = arith.addi %mul3A_181, %add3A_306 : i32
      %gt3A_308 = arith.constant 0 : i32
      %gt3A_309 = arith.cmpi sgt, %while3A_178, %gt3A_308 : i32
      %convert_element_type3A_310 = arith.extui %gt3A_309 : i1 to i32
      %cond3A_311 = arith.constant 0 : i32
      %cond3A_312 = arith.cmpi ne, %convert_element_type3A_310, %cond3A_311 : i32
      scf.if %cond3A_312 {
        %dma_wait3A_589 = arith.constant 6 : i32
        %dma_wait3A_590 = arith.constant 6 : i32
        %dma_wait3A_591 = arith.constant 0 : i32
        %dma_wait3A_592 = arith.constant 0 : i32
        %dma_wait3A_593 = tpu.memref_slice %arg8[%dma_wait3A_589, %dma_wait3A_591, %dma_wait3A_592] : memref<8x128x16xf32, #tpu.memory_space<vmem>> -> memref<1x128x16xf32, #tpu.memory_space<vmem>>
        %dma_wait3A_594 = tpu.memref_squeeze %dma_wait3A_593 : memref<1x128x16xf32, #tpu.memory_space<vmem>> -> memref<128x16xf32, #tpu.memory_space<vmem>>
        %dma_wait3A_595 = arith.constant 0 : i32
        %dma_wait3A_596 = tpu.memref_slice %arg7[%add3A_307, %dma_wait3A_595] : memref<152x128xi32, #tpu.memory_space<vmem>> -> memref<1x128xi32, #tpu.memory_space<vmem>>
        %dma_wait3A_597 = tpu.memref_squeeze %dma_wait3A_596 : memref<1x128xi32, #tpu.memory_space<vmem>> -> memref<128xi32, #tpu.memory_space<vmem>>
        %dma_wait3A_598 = arith.constant 0 : i32
        %dma_wait3A_599 = arith.constant 0 : i32
        %dma_wait3A_600 = tpu.memref_slice %arg10[%dma_wait3A_598, %dma_wait3A_599] : memref<10240x16xf32, #tpu.memory_space<vmem_shared>> -> memref<10240x16xf32, #tpu.memory_space<vmem_shared>>
        %dma_wait3A_601 = tpu.memref_slice %arg12[%dma_wait3A_590] : memref<8x!tpu.dma_semaphore, #tpu.memory_space<semaphore_mem>> -> memref<1x!tpu.dma_semaphore, #tpu.memory_space<semaphore_mem>>
        %dma_wait3A_602 = tpu.memref_squeeze %dma_wait3A_601 : memref<1x!tpu.dma_semaphore, #tpu.memory_space<semaphore_mem>> -> memref<!tpu.dma_semaphore, #tpu.memory_space<semaphore_mem>>
        tpu.wait_indirect_dma semaphore(%dma_wait3A_602 : memref<!tpu.dma_semaphore, #tpu.memory_space<semaphore_mem>>) src(%dma_wait3A_594 : memref<128x16xf32, #tpu.memory_space<vmem>>) dst(%dma_wait3A_600 : memref<10240x16xf32, #tpu.memory_space<vmem_shared>>)
      } else {
      }
      %dma_start3A_313 = arith.constant 6 : i32
      %dma_start3A_314 = arith.constant 6 : i32
      %dma_start3A_315 = arith.constant 0 : i32
      %dma_start3A_316 = arith.constant 0 : i32
      %dma_start3A_317 = tpu.memref_slice %arg8[%dma_start3A_313, %dma_start3A_315, %dma_start3A_316] : memref<8x128x16xf32, #tpu.memory_space<vmem>> -> memref<1x128x16xf32, #tpu.memory_space<vmem>>
      %dma_start3A_318 = tpu.memref_squeeze %dma_start3A_317 : memref<1x128x16xf32, #tpu.memory_space<vmem>> -> memref<128x16xf32, #tpu.memory_space<vmem>>
      %dma_start3A_319 = arith.constant 0 : i32
      %dma_start3A_320 = tpu.memref_slice %arg6[%add3A_307, %dma_start3A_319] : memref<152x128xi32, #tpu.memory_space<vmem>> -> memref<1x128xi32, #tpu.memory_space<vmem>>
      %dma_start3A_321 = tpu.memref_squeeze %dma_start3A_320 : memref<1x128xi32, #tpu.memory_space<vmem>> -> memref<128xi32, #tpu.memory_space<vmem>>
      %dma_start3A_322 = arith.constant 0 : i32
      %dma_start3A_323 = arith.constant 0 : i32
      %dma_start3A_324 = tpu.memref_slice %arg4[%dma_start3A_322, %dma_start3A_323] : memref<10000x16xf32, #tpu.memory_space<hbm>> -> memref<10000x16xf32, #tpu.memory_space<hbm>>
      %dma_start3A_325 = tpu.memref_slice %arg11[%dma_start3A_314] : memref<8x!tpu.dma_semaphore, #tpu.memory_space<semaphore_mem>> -> memref<1x!tpu.dma_semaphore, #tpu.memory_space<semaphore_mem>>
      %dma_start3A_326 = tpu.memref_squeeze %dma_start3A_325 : memref<1x!tpu.dma_semaphore, #tpu.memory_space<semaphore_mem>> -> memref<!tpu.dma_semaphore, #tpu.memory_space<semaphore_mem>>
      tpu.enqueue_indirect_dma source(%dma_start3A_324 : memref<10000x16xf32, #tpu.memory_space<hbm>>) target(%dma_start3A_318 : memref<128x16xf32, #tpu.memory_space<vmem>>) offsets(%dma_start3A_321 : memref<128xi32, #tpu.memory_space<vmem>>) semaphore(%dma_start3A_326 : memref<!tpu.dma_semaphore, #tpu.memory_space<semaphore_mem>>)
      %add3A_327 = arith.constant 7 : i32
      %add3A_328 = arith.addi %mul3A_181, %add3A_327 : i32
      %gt3A_329 = arith.constant 0 : i32
      %gt3A_330 = arith.cmpi sgt, %while3A_178, %gt3A_329 : i32
      %convert_element_type3A_331 = arith.extui %gt3A_330 : i1 to i32
      %cond3A_332 = arith.constant 0 : i32
      %cond3A_333 = arith.cmpi ne, %convert_element_type3A_331, %cond3A_332 : i32
      scf.if %cond3A_333 {
        %dma_wait3A_589 = arith.constant 7 : i32
        %dma_wait3A_590 = arith.constant 7 : i32
        %dma_wait3A_591 = arith.constant 0 : i32
        %dma_wait3A_592 = arith.constant 0 : i32
        %dma_wait3A_593 = tpu.memref_slice %arg8[%dma_wait3A_589, %dma_wait3A_591, %dma_wait3A_592] : memref<8x128x16xf32, #tpu.memory_space<vmem>> -> memref<1x128x16xf32, #tpu.memory_space<vmem>>
        %dma_wait3A_594 = tpu.memref_squeeze %dma_wait3A_593 : memref<1x128x16xf32, #tpu.memory_space<vmem>> -> memref<128x16xf32, #tpu.memory_space<vmem>>
        %dma_wait3A_595 = arith.constant 0 : i32
        %dma_wait3A_596 = tpu.memref_slice %arg7[%add3A_328, %dma_wait3A_595] : memref<152x128xi32, #tpu.memory_space<vmem>> -> memref<1x128xi32, #tpu.memory_space<vmem>>
        %dma_wait3A_597 = tpu.memref_squeeze %dma_wait3A_596 : memref<1x128xi32, #tpu.memory_space<vmem>> -> memref<128xi32, #tpu.memory_space<vmem>>
        %dma_wait3A_598 = arith.constant 0 : i32
        %dma_wait3A_599 = arith.constant 0 : i32
        %dma_wait3A_600 = tpu.memref_slice %arg10[%dma_wait3A_598, %dma_wait3A_599] : memref<10240x16xf32, #tpu.memory_space<vmem_shared>> -> memref<10240x16xf32, #tpu.memory_space<vmem_shared>>
        %dma_wait3A_601 = tpu.memref_slice %arg12[%dma_wait3A_590] : memref<8x!tpu.dma_semaphore, #tpu.memory_space<semaphore_mem>> -> memref<1x!tpu.dma_semaphore, #tpu.memory_space<semaphore_mem>>
        %dma_wait3A_602 = tpu.memref_squeeze %dma_wait3A_601 : memref<1x!tpu.dma_semaphore, #tpu.memory_space<semaphore_mem>> -> memref<!tpu.dma_semaphore, #tpu.memory_space<semaphore_mem>>
        tpu.wait_indirect_dma semaphore(%dma_wait3A_602 : memref<!tpu.dma_semaphore, #tpu.memory_space<semaphore_mem>>) src(%dma_wait3A_594 : memref<128x16xf32, #tpu.memory_space<vmem>>) dst(%dma_wait3A_600 : memref<10240x16xf32, #tpu.memory_space<vmem_shared>>)
      } else {
      }
      %dma_start3A_334 = arith.constant 7 : i32
      %dma_start3A_335 = arith.constant 7 : i32
      %dma_start3A_336 = arith.constant 0 : i32
      %dma_start3A_337 = arith.constant 0 : i32
      %dma_start3A_338 = tpu.memref_slice %arg8[%dma_start3A_334, %dma_start3A_336, %dma_start3A_337] : memref<8x128x16xf32, #tpu.memory_space<vmem>> -> memref<1x128x16xf32, #tpu.memory_space<vmem>>
      %dma_start3A_339 = tpu.memref_squeeze %dma_start3A_338 : memref<1x128x16xf32, #tpu.memory_space<vmem>> -> memref<128x16xf32, #tpu.memory_space<vmem>>
      %dma_start3A_340 = arith.constant 0 : i32
      %dma_start3A_341 = tpu.memref_slice %arg6[%add3A_328, %dma_start3A_340] : memref<152x128xi32, #tpu.memory_space<vmem>> -> memref<1x128xi32, #tpu.memory_space<vmem>>
      %dma_start3A_342 = tpu.memref_squeeze %dma_start3A_341 : memref<1x128xi32, #tpu.memory_space<vmem>> -> memref<128xi32, #tpu.memory_space<vmem>>
      %dma_start3A_343 = arith.constant 0 : i32
      %dma_start3A_344 = arith.constant 0 : i32
      %dma_start3A_345 = tpu.memref_slice %arg4[%dma_start3A_343, %dma_start3A_344] : memref<10000x16xf32, #tpu.memory_space<hbm>> -> memref<10000x16xf32, #tpu.memory_space<hbm>>
      %dma_start3A_346 = tpu.memref_slice %arg11[%dma_start3A_335] : memref<8x!tpu.dma_semaphore, #tpu.memory_space<semaphore_mem>> -> memref<1x!tpu.dma_semaphore, #tpu.memory_space<semaphore_mem>>
      %dma_start3A_347 = tpu.memref_squeeze %dma_start3A_346 : memref<1x!tpu.dma_semaphore, #tpu.memory_space<semaphore_mem>> -> memref<!tpu.dma_semaphore, #tpu.memory_space<semaphore_mem>>
      tpu.enqueue_indirect_dma source(%dma_start3A_345 : memref<10000x16xf32, #tpu.memory_space<hbm>>) target(%dma_start3A_339 : memref<128x16xf32, #tpu.memory_space<vmem>>) offsets(%dma_start3A_342 : memref<128xi32, #tpu.memory_space<vmem>>) semaphore(%dma_start3A_347 : memref<!tpu.dma_semaphore, #tpu.memory_space<semaphore_mem>>)
      %add3A_348 = arith.constant 0 : i32
      %add3A_349 = arith.addi %mul3A_181, %add3A_348 : i32
      %dma_wait3A_350 = arith.constant 0 : i32
      %dma_wait3A_351 = arith.constant 0 : i32
      %dma_wait3A_352 = arith.constant 0 : i32
      %dma_wait3A_353 = arith.constant 0 : i32
      %dma_wait3A_354 = tpu.memref_slice %arg8[%dma_wait3A_350, %dma_wait3A_352, %dma_wait3A_353] : memref<8x128x16xf32, #tpu.memory_space<vmem>> -> memref<1x128x16xf32, #tpu.memory_space<vmem>>
      %dma_wait3A_355 = tpu.memref_squeeze %dma_wait3A_354 : memref<1x128x16xf32, #tpu.memory_space<vmem>> -> memref<128x16xf32, #tpu.memory_space<vmem>>
      %dma_wait3A_356 = arith.constant 0 : i32
      %dma_wait3A_357 = tpu.memref_slice %arg6[%add3A_349, %dma_wait3A_356] : memref<152x128xi32, #tpu.memory_space<vmem>> -> memref<1x128xi32, #tpu.memory_space<vmem>>
      %dma_wait3A_358 = tpu.memref_squeeze %dma_wait3A_357 : memref<1x128xi32, #tpu.memory_space<vmem>> -> memref<128xi32, #tpu.memory_space<vmem>>
      %dma_wait3A_359 = arith.constant 0 : i32
      %dma_wait3A_360 = arith.constant 0 : i32
      %dma_wait3A_361 = tpu.memref_slice %arg4[%dma_wait3A_359, %dma_wait3A_360] : memref<10000x16xf32, #tpu.memory_space<hbm>> -> memref<10000x16xf32, #tpu.memory_space<hbm>>
      %dma_wait3A_362 = tpu.memref_slice %arg11[%dma_wait3A_351] : memref<8x!tpu.dma_semaphore, #tpu.memory_space<semaphore_mem>> -> memref<1x!tpu.dma_semaphore, #tpu.memory_space<semaphore_mem>>
      %dma_wait3A_363 = tpu.memref_squeeze %dma_wait3A_362 : memref<1x!tpu.dma_semaphore, #tpu.memory_space<semaphore_mem>> -> memref<!tpu.dma_semaphore, #tpu.memory_space<semaphore_mem>>
      tpu.wait_indirect_dma semaphore(%dma_wait3A_363 : memref<!tpu.dma_semaphore, #tpu.memory_space<semaphore_mem>>) src(%dma_wait3A_361 : memref<10000x16xf32, #tpu.memory_space<hbm>>) dst(%dma_wait3A_355 : memref<128x16xf32, #tpu.memory_space<vmem>>)
      %dma_start3A_364 = arith.constant 0 : i32
      %dma_start3A_365 = arith.constant 0 : i32
      %dma_start3A_366 = arith.constant 0 : i32
      %dma_start3A_367 = arith.constant 0 : i32
      %dma_start3A_368 = tpu.memref_slice %arg8[%dma_start3A_364, %dma_start3A_366, %dma_start3A_367] : memref<8x128x16xf32, #tpu.memory_space<vmem>> -> memref<1x128x16xf32, #tpu.memory_space<vmem>>
      %dma_start3A_369 = tpu.memref_squeeze %dma_start3A_368 : memref<1x128x16xf32, #tpu.memory_space<vmem>> -> memref<128x16xf32, #tpu.memory_space<vmem>>
      %dma_start3A_370 = arith.constant 0 : i32
      %dma_start3A_371 = tpu.memref_slice %arg7[%add3A_349, %dma_start3A_370] : memref<152x128xi32, #tpu.memory_space<vmem>> -> memref<1x128xi32, #tpu.memory_space<vmem>>
      %dma_start3A_372 = tpu.memref_squeeze %dma_start3A_371 : memref<1x128xi32, #tpu.memory_space<vmem>> -> memref<128xi32, #tpu.memory_space<vmem>>
      %dma_start3A_373 = arith.constant 0 : i32
      %dma_start3A_374 = arith.constant 0 : i32
      %dma_start3A_375 = tpu.memref_slice %arg10[%dma_start3A_373, %dma_start3A_374] : memref<10240x16xf32, #tpu.memory_space<vmem_shared>> -> memref<10240x16xf32, #tpu.memory_space<vmem_shared>>
      %dma_start3A_376 = tpu.memref_slice %arg12[%dma_start3A_365] : memref<8x!tpu.dma_semaphore, #tpu.memory_space<semaphore_mem>> -> memref<1x!tpu.dma_semaphore, #tpu.memory_space<semaphore_mem>>
      %dma_start3A_377 = tpu.memref_squeeze %dma_start3A_376 : memref<1x!tpu.dma_semaphore, #tpu.memory_space<semaphore_mem>> -> memref<!tpu.dma_semaphore, #tpu.memory_space<semaphore_mem>>
      tpu.enqueue_indirect_dma source(%dma_start3A_369 : memref<128x16xf32, #tpu.memory_space<vmem>>) target(%dma_start3A_375 : memref<10240x16xf32, #tpu.memory_space<vmem_shared>>) offsets(%dma_start3A_372 : memref<128xi32, #tpu.memory_space<vmem>>) semaphore(%dma_start3A_377 : memref<!tpu.dma_semaphore, #tpu.memory_space<semaphore_mem>>) {add = true}
      %add3A_378 = arith.constant 1 : i32
      %add3A_379 = arith.addi %mul3A_181, %add3A_378 : i32
      %dma_wait3A_380 = arith.constant 1 : i32
      %dma_wait3A_381 = arith.constant 1 : i32
      %dma_wait3A_382 = arith.constant 0 : i32
      %dma_wait3A_383 = arith.constant 0 : i32
      %dma_wait3A_384 = tpu.memref_slice %arg8[%dma_wait3A_380, %dma_wait3A_382, %dma_wait3A_383] : memref<8x128x16xf32, #tpu.memory_space<vmem>> -> memref<1x128x16xf32, #tpu.memory_space<vmem>>
      %dma_wait3A_385 = tpu.memref_squeeze %dma_wait3A_384 : memref<1x128x16xf32, #tpu.memory_space<vmem>> -> memref<128x16xf32, #tpu.memory_space<vmem>>
      %dma_wait3A_386 = arith.constant 0 : i32
      %dma_wait3A_387 = tpu.memref_slice %arg6[%add3A_379, %dma_wait3A_386] : memref<152x128xi32, #tpu.memory_space<vmem>> -> memref<1x128xi32, #tpu.memory_space<vmem>>
      %dma_wait3A_388 = tpu.memref_squeeze %dma_wait3A_387 : memref<1x128xi32, #tpu.memory_space<vmem>> -> memref<128xi32, #tpu.memory_space<vmem>>
      %dma_wait3A_389 = arith.constant 0 : i32
      %dma_wait3A_390 = arith.constant 0 : i32
      %dma_wait3A_391 = tpu.memref_slice %arg4[%dma_wait3A_389, %dma_wait3A_390] : memref<10000x16xf32, #tpu.memory_space<hbm>> -> memref<10000x16xf32, #tpu.memory_space<hbm>>
      %dma_wait3A_392 = tpu.memref_slice %arg11[%dma_wait3A_381] : memref<8x!tpu.dma_semaphore, #tpu.memory_space<semaphore_mem>> -> memref<1x!tpu.dma_semaphore, #tpu.memory_space<semaphore_mem>>
      %dma_wait3A_393 = tpu.memref_squeeze %dma_wait3A_392 : memref<1x!tpu.dma_semaphore, #tpu.memory_space<semaphore_mem>> -> memref<!tpu.dma_semaphore, #tpu.memory_space<semaphore_mem>>
      tpu.wait_indirect_dma semaphore(%dma_wait3A_393 : memref<!tpu.dma_semaphore, #tpu.memory_space<semaphore_mem>>) src(%dma_wait3A_391 : memref<10000x16xf32, #tpu.memory_space<hbm>>) dst(%dma_wait3A_385 : memref<128x16xf32, #tpu.memory_space<vmem>>)
      %dma_start3A_394 = arith.constant 1 : i32
      %dma_start3A_395 = arith.constant 1 : i32
      %dma_start3A_396 = arith.constant 0 : i32
      %dma_start3A_397 = arith.constant 0 : i32
      %dma_start3A_398 = tpu.memref_slice %arg8[%dma_start3A_394, %dma_start3A_396, %dma_start3A_397] : memref<8x128x16xf32, #tpu.memory_space<vmem>> -> memref<1x128x16xf32, #tpu.memory_space<vmem>>
      %dma_start3A_399 = tpu.memref_squeeze %dma_start3A_398 : memref<1x128x16xf32, #tpu.memory_space<vmem>> -> memref<128x16xf32, #tpu.memory_space<vmem>>
      %dma_start3A_400 = arith.constant 0 : i32
      %dma_start3A_401 = tpu.memref_slice %arg7[%add3A_379, %dma_start3A_400] : memref<152x128xi32, #tpu.memory_space<vmem>> -> memref<1x128xi32, #tpu.memory_space<vmem>>
      %dma_start3A_402 = tpu.memref_squeeze %dma_start3A_401 : memref<1x128xi32, #tpu.memory_space<vmem>> -> memref<128xi32, #tpu.memory_space<vmem>>
      %dma_start3A_403 = arith.constant 0 : i32
      %dma_start3A_404 = arith.constant 0 : i32
      %dma_start3A_405 = tpu.memref_slice %arg10[%dma_start3A_403, %dma_start3A_404] : memref<10240x16xf32, #tpu.memory_space<vmem_shared>> -> memref<10240x16xf32, #tpu.memory_space<vmem_shared>>
      %dma_start3A_406 = tpu.memref_slice %arg12[%dma_start3A_395] : memref<8x!tpu.dma_semaphore, #tpu.memory_space<semaphore_mem>> -> memref<1x!tpu.dma_semaphore, #tpu.memory_space<semaphore_mem>>
      %dma_start3A_407 = tpu.memref_squeeze %dma_start3A_406 : memref<1x!tpu.dma_semaphore, #tpu.memory_space<semaphore_mem>> -> memref<!tpu.dma_semaphore, #tpu.memory_space<semaphore_mem>>
      tpu.enqueue_indirect_dma source(%dma_start3A_399 : memref<128x16xf32, #tpu.memory_space<vmem>>) target(%dma_start3A_405 : memref<10240x16xf32, #tpu.memory_space<vmem_shared>>) offsets(%dma_start3A_402 : memref<128xi32, #tpu.memory_space<vmem>>) semaphore(%dma_start3A_407 : memref<!tpu.dma_semaphore, #tpu.memory_space<semaphore_mem>>) {add = true}
      %add3A_408 = arith.constant 2 : i32
      %add3A_409 = arith.addi %mul3A_181, %add3A_408 : i32
      %dma_wait3A_410 = arith.constant 2 : i32
      %dma_wait3A_411 = arith.constant 2 : i32
      %dma_wait3A_412 = arith.constant 0 : i32
      %dma_wait3A_413 = arith.constant 0 : i32
      %dma_wait3A_414 = tpu.memref_slice %arg8[%dma_wait3A_410, %dma_wait3A_412, %dma_wait3A_413] : memref<8x128x16xf32, #tpu.memory_space<vmem>> -> memref<1x128x16xf32, #tpu.memory_space<vmem>>
      %dma_wait3A_415 = tpu.memref_squeeze %dma_wait3A_414 : memref<1x128x16xf32, #tpu.memory_space<vmem>> -> memref<128x16xf32, #tpu.memory_space<vmem>>
      %dma_wait3A_416 = arith.constant 0 : i32
      %dma_wait3A_417 = tpu.memref_slice %arg6[%add3A_409, %dma_wait3A_416] : memref<152x128xi32, #tpu.memory_space<vmem>> -> memref<1x128xi32, #tpu.memory_space<vmem>>
      %dma_wait3A_418 = tpu.memref_squeeze %dma_wait3A_417 : memref<1x128xi32, #tpu.memory_space<vmem>> -> memref<128xi32, #tpu.memory_space<vmem>>
      %dma_wait3A_419 = arith.constant 0 : i32
      %dma_wait3A_420 = arith.constant 0 : i32
      %dma_wait3A_421 = tpu.memref_slice %arg4[%dma_wait3A_419, %dma_wait3A_420] : memref<10000x16xf32, #tpu.memory_space<hbm>> -> memref<10000x16xf32, #tpu.memory_space<hbm>>
      %dma_wait3A_422 = tpu.memref_slice %arg11[%dma_wait3A_411] : memref<8x!tpu.dma_semaphore, #tpu.memory_space<semaphore_mem>> -> memref<1x!tpu.dma_semaphore, #tpu.memory_space<semaphore_mem>>
      %dma_wait3A_423 = tpu.memref_squeeze %dma_wait3A_422 : memref<1x!tpu.dma_semaphore, #tpu.memory_space<semaphore_mem>> -> memref<!tpu.dma_semaphore, #tpu.memory_space<semaphore_mem>>
      tpu.wait_indirect_dma semaphore(%dma_wait3A_423 : memref<!tpu.dma_semaphore, #tpu.memory_space<semaphore_mem>>) src(%dma_wait3A_421 : memref<10000x16xf32, #tpu.memory_space<hbm>>) dst(%dma_wait3A_415 : memref<128x16xf32, #tpu.memory_space<vmem>>)
      %dma_start3A_424 = arith.constant 2 : i32
      %dma_start3A_425 = arith.constant 2 : i32
      %dma_start3A_426 = arith.constant 0 : i32
      %dma_start3A_427 = arith.constant 0 : i32
      %dma_start3A_428 = tpu.memref_slice %arg8[%dma_start3A_424, %dma_start3A_426, %dma_start3A_427] : memref<8x128x16xf32, #tpu.memory_space<vmem>> -> memref<1x128x16xf32, #tpu.memory_space<vmem>>
      %dma_start3A_429 = tpu.memref_squeeze %dma_start3A_428 : memref<1x128x16xf32, #tpu.memory_space<vmem>> -> memref<128x16xf32, #tpu.memory_space<vmem>>
      %dma_start3A_430 = arith.constant 0 : i32
      %dma_start3A_431 = tpu.memref_slice %arg7[%add3A_409, %dma_start3A_430] : memref<152x128xi32, #tpu.memory_space<vmem>> -> memref<1x128xi32, #tpu.memory_space<vmem>>
      %dma_start3A_432 = tpu.memref_squeeze %dma_start3A_431 : memref<1x128xi32, #tpu.memory_space<vmem>> -> memref<128xi32, #tpu.memory_space<vmem>>
      %dma_start3A_433 = arith.constant 0 : i32
      %dma_start3A_434 = arith.constant 0 : i32
      %dma_start3A_435 = tpu.memref_slice %arg10[%dma_start3A_433, %dma_start3A_434] : memref<10240x16xf32, #tpu.memory_space<vmem_shared>> -> memref<10240x16xf32, #tpu.memory_space<vmem_shared>>
      %dma_start3A_436 = tpu.memref_slice %arg12[%dma_start3A_425] : memref<8x!tpu.dma_semaphore, #tpu.memory_space<semaphore_mem>> -> memref<1x!tpu.dma_semaphore, #tpu.memory_space<semaphore_mem>>
      %dma_start3A_437 = tpu.memref_squeeze %dma_start3A_436 : memref<1x!tpu.dma_semaphore, #tpu.memory_space<semaphore_mem>> -> memref<!tpu.dma_semaphore, #tpu.memory_space<semaphore_mem>>
      tpu.enqueue_indirect_dma source(%dma_start3A_429 : memref<128x16xf32, #tpu.memory_space<vmem>>) target(%dma_start3A_435 : memref<10240x16xf32, #tpu.memory_space<vmem_shared>>) offsets(%dma_start3A_432 : memref<128xi32, #tpu.memory_space<vmem>>) semaphore(%dma_start3A_437 : memref<!tpu.dma_semaphore, #tpu.memory_space<semaphore_mem>>) {add = true}
      %add3A_438 = arith.constant 3 : i32
      %add3A_439 = arith.addi %mul3A_181, %add3A_438 : i32
      %dma_wait3A_440 = arith.constant 3 : i32
      %dma_wait3A_441 = arith.constant 3 : i32
      %dma_wait3A_442 = arith.constant 0 : i32
      %dma_wait3A_443 = arith.constant 0 : i32
      %dma_wait3A_444 = tpu.memref_slice %arg8[%dma_wait3A_440, %dma_wait3A_442, %dma_wait3A_443] : memref<8x128x16xf32, #tpu.memory_space<vmem>> -> memref<1x128x16xf32, #tpu.memory_space<vmem>>
      %dma_wait3A_445 = tpu.memref_squeeze %dma_wait3A_444 : memref<1x128x16xf32, #tpu.memory_space<vmem>> -> memref<128x16xf32, #tpu.memory_space<vmem>>
      %dma_wait3A_446 = arith.constant 0 : i32
      %dma_wait3A_447 = tpu.memref_slice %arg6[%add3A_439, %dma_wait3A_446] : memref<152x128xi32, #tpu.memory_space<vmem>> -> memref<1x128xi32, #tpu.memory_space<vmem>>
      %dma_wait3A_448 = tpu.memref_squeeze %dma_wait3A_447 : memref<1x128xi32, #tpu.memory_space<vmem>> -> memref<128xi32, #tpu.memory_space<vmem>>
      %dma_wait3A_449 = arith.constant 0 : i32
      %dma_wait3A_450 = arith.constant 0 : i32
      %dma_wait3A_451 = tpu.memref_slice %arg4[%dma_wait3A_449, %dma_wait3A_450] : memref<10000x16xf32, #tpu.memory_space<hbm>> -> memref<10000x16xf32, #tpu.memory_space<hbm>>
      %dma_wait3A_452 = tpu.memref_slice %arg11[%dma_wait3A_441] : memref<8x!tpu.dma_semaphore, #tpu.memory_space<semaphore_mem>> -> memref<1x!tpu.dma_semaphore, #tpu.memory_space<semaphore_mem>>
      %dma_wait3A_453 = tpu.memref_squeeze %dma_wait3A_452 : memref<1x!tpu.dma_semaphore, #tpu.memory_space<semaphore_mem>> -> memref<!tpu.dma_semaphore, #tpu.memory_space<semaphore_mem>>
      tpu.wait_indirect_dma semaphore(%dma_wait3A_453 : memref<!tpu.dma_semaphore, #tpu.memory_space<semaphore_mem>>) src(%dma_wait3A_451 : memref<10000x16xf32, #tpu.memory_space<hbm>>) dst(%dma_wait3A_445 : memref<128x16xf32, #tpu.memory_space<vmem>>)
      %dma_start3A_454 = arith.constant 3 : i32
      %dma_start3A_455 = arith.constant 3 : i32
      %dma_start3A_456 = arith.constant 0 : i32
      %dma_start3A_457 = arith.constant 0 : i32
      %dma_start3A_458 = tpu.memref_slice %arg8[%dma_start3A_454, %dma_start3A_456, %dma_start3A_457] : memref<8x128x16xf32, #tpu.memory_space<vmem>> -> memref<1x128x16xf32, #tpu.memory_space<vmem>>
      %dma_start3A_459 = tpu.memref_squeeze %dma_start3A_458 : memref<1x128x16xf32, #tpu.memory_space<vmem>> -> memref<128x16xf32, #tpu.memory_space<vmem>>
      %dma_start3A_460 = arith.constant 0 : i32
      %dma_start3A_461 = tpu.memref_slice %arg7[%add3A_439, %dma_start3A_460] : memref<152x128xi32, #tpu.memory_space<vmem>> -> memref<1x128xi32, #tpu.memory_space<vmem>>
      %dma_start3A_462 = tpu.memref_squeeze %dma_start3A_461 : memref<1x128xi32, #tpu.memory_space<vmem>> -> memref<128xi32, #tpu.memory_space<vmem>>
      %dma_start3A_463 = arith.constant 0 : i32
      %dma_start3A_464 = arith.constant 0 : i32
      %dma_start3A_465 = tpu.memref_slice %arg10[%dma_start3A_463, %dma_start3A_464] : memref<10240x16xf32, #tpu.memory_space<vmem_shared>> -> memref<10240x16xf32, #tpu.memory_space<vmem_shared>>
      %dma_start3A_466 = tpu.memref_slice %arg12[%dma_start3A_455] : memref<8x!tpu.dma_semaphore, #tpu.memory_space<semaphore_mem>> -> memref<1x!tpu.dma_semaphore, #tpu.memory_space<semaphore_mem>>
      %dma_start3A_467 = tpu.memref_squeeze %dma_start3A_466 : memref<1x!tpu.dma_semaphore, #tpu.memory_space<semaphore_mem>> -> memref<!tpu.dma_semaphore, #tpu.memory_space<semaphore_mem>>
      tpu.enqueue_indirect_dma source(%dma_start3A_459 : memref<128x16xf32, #tpu.memory_space<vmem>>) target(%dma_start3A_465 : memref<10240x16xf32, #tpu.memory_space<vmem_shared>>) offsets(%dma_start3A_462 : memref<128xi32, #tpu.memory_space<vmem>>) semaphore(%dma_start3A_467 : memref<!tpu.dma_semaphore, #tpu.memory_space<semaphore_mem>>) {add = true}
      %add3A_468 = arith.constant 4 : i32
      %add3A_469 = arith.addi %mul3A_181, %add3A_468 : i32
      %dma_wait3A_470 = arith.constant 4 : i32
      %dma_wait3A_471 = arith.constant 4 : i32
      %dma_wait3A_472 = arith.constant 0 : i32
      %dma_wait3A_473 = arith.constant 0 : i32
      %dma_wait3A_474 = tpu.memref_slice %arg8[%dma_wait3A_470, %dma_wait3A_472, %dma_wait3A_473] : memref<8x128x16xf32, #tpu.memory_space<vmem>> -> memref<1x128x16xf32, #tpu.memory_space<vmem>>
      %dma_wait3A_475 = tpu.memref_squeeze %dma_wait3A_474 : memref<1x128x16xf32, #tpu.memory_space<vmem>> -> memref<128x16xf32, #tpu.memory_space<vmem>>
      %dma_wait3A_476 = arith.constant 0 : i32
      %dma_wait3A_477 = tpu.memref_slice %arg6[%add3A_469, %dma_wait3A_476] : memref<152x128xi32, #tpu.memory_space<vmem>> -> memref<1x128xi32, #tpu.memory_space<vmem>>
      %dma_wait3A_478 = tpu.memref_squeeze %dma_wait3A_477 : memref<1x128xi32, #tpu.memory_space<vmem>> -> memref<128xi32, #tpu.memory_space<vmem>>
      %dma_wait3A_479 = arith.constant 0 : i32
      %dma_wait3A_480 = arith.constant 0 : i32
      %dma_wait3A_481 = tpu.memref_slice %arg4[%dma_wait3A_479, %dma_wait3A_480] : memref<10000x16xf32, #tpu.memory_space<hbm>> -> memref<10000x16xf32, #tpu.memory_space<hbm>>
      %dma_wait3A_482 = tpu.memref_slice %arg11[%dma_wait3A_471] : memref<8x!tpu.dma_semaphore, #tpu.memory_space<semaphore_mem>> -> memref<1x!tpu.dma_semaphore, #tpu.memory_space<semaphore_mem>>
      %dma_wait3A_483 = tpu.memref_squeeze %dma_wait3A_482 : memref<1x!tpu.dma_semaphore, #tpu.memory_space<semaphore_mem>> -> memref<!tpu.dma_semaphore, #tpu.memory_space<semaphore_mem>>
      tpu.wait_indirect_dma semaphore(%dma_wait3A_483 : memref<!tpu.dma_semaphore, #tpu.memory_space<semaphore_mem>>) src(%dma_wait3A_481 : memref<10000x16xf32, #tpu.memory_space<hbm>>) dst(%dma_wait3A_475 : memref<128x16xf32, #tpu.memory_space<vmem>>)
      %dma_start3A_484 = arith.constant 4 : i32
      %dma_start3A_485 = arith.constant 4 : i32
      %dma_start3A_486 = arith.constant 0 : i32
      %dma_start3A_487 = arith.constant 0 : i32
      %dma_start3A_488 = tpu.memref_slice %arg8[%dma_start3A_484, %dma_start3A_486, %dma_start3A_487] : memref<8x128x16xf32, #tpu.memory_space<vmem>> -> memref<1x128x16xf32, #tpu.memory_space<vmem>>
      %dma_start3A_489 = tpu.memref_squeeze %dma_start3A_488 : memref<1x128x16xf32, #tpu.memory_space<vmem>> -> memref<128x16xf32, #tpu.memory_space<vmem>>
      %dma_start3A_490 = arith.constant 0 : i32
      %dma_start3A_491 = tpu.memref_slice %arg7[%add3A_469, %dma_start3A_490] : memref<152x128xi32, #tpu.memory_space<vmem>> -> memref<1x128xi32, #tpu.memory_space<vmem>>
      %dma_start3A_492 = tpu.memref_squeeze %dma_start3A_491 : memref<1x128xi32, #tpu.memory_space<vmem>> -> memref<128xi32, #tpu.memory_space<vmem>>
      %dma_start3A_493 = arith.constant 0 : i32
      %dma_start3A_494 = arith.constant 0 : i32
      %dma_start3A_495 = tpu.memref_slice %arg10[%dma_start3A_493, %dma_start3A_494] : memref<10240x16xf32, #tpu.memory_space<vmem_shared>> -> memref<10240x16xf32, #tpu.memory_space<vmem_shared>>
      %dma_start3A_496 = tpu.memref_slice %arg12[%dma_start3A_485] : memref<8x!tpu.dma_semaphore, #tpu.memory_space<semaphore_mem>> -> memref<1x!tpu.dma_semaphore, #tpu.memory_space<semaphore_mem>>
      %dma_start3A_497 = tpu.memref_squeeze %dma_start3A_496 : memref<1x!tpu.dma_semaphore, #tpu.memory_space<semaphore_mem>> -> memref<!tpu.dma_semaphore, #tpu.memory_space<semaphore_mem>>
      tpu.enqueue_indirect_dma source(%dma_start3A_489 : memref<128x16xf32, #tpu.memory_space<vmem>>) target(%dma_start3A_495 : memref<10240x16xf32, #tpu.memory_space<vmem_shared>>) offsets(%dma_start3A_492 : memref<128xi32, #tpu.memory_space<vmem>>) semaphore(%dma_start3A_497 : memref<!tpu.dma_semaphore, #tpu.memory_space<semaphore_mem>>) {add = true}
      %add3A_498 = arith.constant 5 : i32
      %add3A_499 = arith.addi %mul3A_181, %add3A_498 : i32
      %dma_wait3A_500 = arith.constant 5 : i32
      %dma_wait3A_501 = arith.constant 5 : i32
      %dma_wait3A_502 = arith.constant 0 : i32
      %dma_wait3A_503 = arith.constant 0 : i32
      %dma_wait3A_504 = tpu.memref_slice %arg8[%dma_wait3A_500, %dma_wait3A_502, %dma_wait3A_503] : memref<8x128x16xf32, #tpu.memory_space<vmem>> -> memref<1x128x16xf32, #tpu.memory_space<vmem>>
      %dma_wait3A_505 = tpu.memref_squeeze %dma_wait3A_504 : memref<1x128x16xf32, #tpu.memory_space<vmem>> -> memref<128x16xf32, #tpu.memory_space<vmem>>
      %dma_wait3A_506 = arith.constant 0 : i32
      %dma_wait3A_507 = tpu.memref_slice %arg6[%add3A_499, %dma_wait3A_506] : memref<152x128xi32, #tpu.memory_space<vmem>> -> memref<1x128xi32, #tpu.memory_space<vmem>>
      %dma_wait3A_508 = tpu.memref_squeeze %dma_wait3A_507 : memref<1x128xi32, #tpu.memory_space<vmem>> -> memref<128xi32, #tpu.memory_space<vmem>>
      %dma_wait3A_509 = arith.constant 0 : i32
      %dma_wait3A_510 = arith.constant 0 : i32
      %dma_wait3A_511 = tpu.memref_slice %arg4[%dma_wait3A_509, %dma_wait3A_510] : memref<10000x16xf32, #tpu.memory_space<hbm>> -> memref<10000x16xf32, #tpu.memory_space<hbm>>
      %dma_wait3A_512 = tpu.memref_slice %arg11[%dma_wait3A_501] : memref<8x!tpu.dma_semaphore, #tpu.memory_space<semaphore_mem>> -> memref<1x!tpu.dma_semaphore, #tpu.memory_space<semaphore_mem>>
      %dma_wait3A_513 = tpu.memref_squeeze %dma_wait3A_512 : memref<1x!tpu.dma_semaphore, #tpu.memory_space<semaphore_mem>> -> memref<!tpu.dma_semaphore, #tpu.memory_space<semaphore_mem>>
      tpu.wait_indirect_dma semaphore(%dma_wait3A_513 : memref<!tpu.dma_semaphore, #tpu.memory_space<semaphore_mem>>) src(%dma_wait3A_511 : memref<10000x16xf32, #tpu.memory_space<hbm>>) dst(%dma_wait3A_505 : memref<128x16xf32, #tpu.memory_space<vmem>>)
      %dma_start3A_514 = arith.constant 5 : i32
      %dma_start3A_515 = arith.constant 5 : i32
      %dma_start3A_516 = arith.constant 0 : i32
      %dma_start3A_517 = arith.constant 0 : i32
      %dma_start3A_518 = tpu.memref_slice %arg8[%dma_start3A_514, %dma_start3A_516, %dma_start3A_517] : memref<8x128x16xf32, #tpu.memory_space<vmem>> -> memref<1x128x16xf32, #tpu.memory_space<vmem>>
      %dma_start3A_519 = tpu.memref_squeeze %dma_start3A_518 : memref<1x128x16xf32, #tpu.memory_space<vmem>> -> memref<128x16xf32, #tpu.memory_space<vmem>>
      %dma_start3A_520 = arith.constant 0 : i32
      %dma_start3A_521 = tpu.memref_slice %arg7[%add3A_499, %dma_start3A_520] : memref<152x128xi32, #tpu.memory_space<vmem>> -> memref<1x128xi32, #tpu.memory_space<vmem>>
      %dma_start3A_522 = tpu.memref_squeeze %dma_start3A_521 : memref<1x128xi32, #tpu.memory_space<vmem>> -> memref<128xi32, #tpu.memory_space<vmem>>
      %dma_start3A_523 = arith.constant 0 : i32
      %dma_start3A_524 = arith.constant 0 : i32
      %dma_start3A_525 = tpu.memref_slice %arg10[%dma_start3A_523, %dma_start3A_524] : memref<10240x16xf32, #tpu.memory_space<vmem_shared>> -> memref<10240x16xf32, #tpu.memory_space<vmem_shared>>
      %dma_start3A_526 = tpu.memref_slice %arg12[%dma_start3A_515] : memref<8x!tpu.dma_semaphore, #tpu.memory_space<semaphore_mem>> -> memref<1x!tpu.dma_semaphore, #tpu.memory_space<semaphore_mem>>
      %dma_start3A_527 = tpu.memref_squeeze %dma_start3A_526 : memref<1x!tpu.dma_semaphore, #tpu.memory_space<semaphore_mem>> -> memref<!tpu.dma_semaphore, #tpu.memory_space<semaphore_mem>>
      tpu.enqueue_indirect_dma source(%dma_start3A_519 : memref<128x16xf32, #tpu.memory_space<vmem>>) target(%dma_start3A_525 : memref<10240x16xf32, #tpu.memory_space<vmem_shared>>) offsets(%dma_start3A_522 : memref<128xi32, #tpu.memory_space<vmem>>) semaphore(%dma_start3A_527 : memref<!tpu.dma_semaphore, #tpu.memory_space<semaphore_mem>>) {add = true}
      %add3A_528 = arith.constant 6 : i32
      %add3A_529 = arith.addi %mul3A_181, %add3A_528 : i32
      %dma_wait3A_530 = arith.constant 6 : i32
      %dma_wait3A_531 = arith.constant 6 : i32
      %dma_wait3A_532 = arith.constant 0 : i32
      %dma_wait3A_533 = arith.constant 0 : i32
      %dma_wait3A_534 = tpu.memref_slice %arg8[%dma_wait3A_530, %dma_wait3A_532, %dma_wait3A_533] : memref<8x128x16xf32, #tpu.memory_space<vmem>> -> memref<1x128x16xf32, #tpu.memory_space<vmem>>
      %dma_wait3A_535 = tpu.memref_squeeze %dma_wait3A_534 : memref<1x128x16xf32, #tpu.memory_space<vmem>> -> memref<128x16xf32, #tpu.memory_space<vmem>>
      %dma_wait3A_536 = arith.constant 0 : i32
      %dma_wait3A_537 = tpu.memref_slice %arg6[%add3A_529, %dma_wait3A_536] : memref<152x128xi32, #tpu.memory_space<vmem>> -> memref<1x128xi32, #tpu.memory_space<vmem>>
      %dma_wait3A_538 = tpu.memref_squeeze %dma_wait3A_537 : memref<1x128xi32, #tpu.memory_space<vmem>> -> memref<128xi32, #tpu.memory_space<vmem>>
      %dma_wait3A_539 = arith.constant 0 : i32
      %dma_wait3A_540 = arith.constant 0 : i32
      %dma_wait3A_541 = tpu.memref_slice %arg4[%dma_wait3A_539, %dma_wait3A_540] : memref<10000x16xf32, #tpu.memory_space<hbm>> -> memref<10000x16xf32, #tpu.memory_space<hbm>>
      %dma_wait3A_542 = tpu.memref_slice %arg11[%dma_wait3A_531] : memref<8x!tpu.dma_semaphore, #tpu.memory_space<semaphore_mem>> -> memref<1x!tpu.dma_semaphore, #tpu.memory_space<semaphore_mem>>
      %dma_wait3A_543 = tpu.memref_squeeze %dma_wait3A_542 : memref<1x!tpu.dma_semaphore, #tpu.memory_space<semaphore_mem>> -> memref<!tpu.dma_semaphore, #tpu.memory_space<semaphore_mem>>
      tpu.wait_indirect_dma semaphore(%dma_wait3A_543 : memref<!tpu.dma_semaphore, #tpu.memory_space<semaphore_mem>>) src(%dma_wait3A_541 : memref<10000x16xf32, #tpu.memory_space<hbm>>) dst(%dma_wait3A_535 : memref<128x16xf32, #tpu.memory_space<vmem>>)
      %dma_start3A_544 = arith.constant 6 : i32
      %dma_start3A_545 = arith.constant 6 : i32
      %dma_start3A_546 = arith.constant 0 : i32
      %dma_start3A_547 = arith.constant 0 : i32
      %dma_start3A_548 = tpu.memref_slice %arg8[%dma_start3A_544, %dma_start3A_546, %dma_start3A_547] : memref<8x128x16xf32, #tpu.memory_space<vmem>> -> memref<1x128x16xf32, #tpu.memory_space<vmem>>
      %dma_start3A_549 = tpu.memref_squeeze %dma_start3A_548 : memref<1x128x16xf32, #tpu.memory_space<vmem>> -> memref<128x16xf32, #tpu.memory_space<vmem>>
      %dma_start3A_550 = arith.constant 0 : i32
      %dma_start3A_551 = tpu.memref_slice %arg7[%add3A_529, %dma_start3A_550] : memref<152x128xi32, #tpu.memory_space<vmem>> -> memref<1x128xi32, #tpu.memory_space<vmem>>
      %dma_start3A_552 = tpu.memref_squeeze %dma_start3A_551 : memref<1x128xi32, #tpu.memory_space<vmem>> -> memref<128xi32, #tpu.memory_space<vmem>>
      %dma_start3A_553 = arith.constant 0 : i32
      %dma_start3A_554 = arith.constant 0 : i32
      %dma_start3A_555 = tpu.memref_slice %arg10[%dma_start3A_553, %dma_start3A_554] : memref<10240x16xf32, #tpu.memory_space<vmem_shared>> -> memref<10240x16xf32, #tpu.memory_space<vmem_shared>>
      %dma_start3A_556 = tpu.memref_slice %arg12[%dma_start3A_545] : memref<8x!tpu.dma_semaphore, #tpu.memory_space<semaphore_mem>> -> memref<1x!tpu.dma_semaphore, #tpu.memory_space<semaphore_mem>>
      %dma_start3A_557 = tpu.memref_squeeze %dma_start3A_556 : memref<1x!tpu.dma_semaphore, #tpu.memory_space<semaphore_mem>> -> memref<!tpu.dma_semaphore, #tpu.memory_space<semaphore_mem>>
      tpu.enqueue_indirect_dma source(%dma_start3A_549 : memref<128x16xf32, #tpu.memory_space<vmem>>) target(%dma_start3A_555 : memref<10240x16xf32, #tpu.memory_space<vmem_shared>>) offsets(%dma_start3A_552 : memref<128xi32, #tpu.memory_space<vmem>>) semaphore(%dma_start3A_557 : memref<!tpu.dma_semaphore, #tpu.memory_space<semaphore_mem>>) {add = true}
      %add3A_558 = arith.constant 7 : i32
      %add3A_559 = arith.addi %mul3A_181, %add3A_558 : i32
      %dma_wait3A_560 = arith.constant 7 : i32
      %dma_wait3A_561 = arith.constant 7 : i32
      %dma_wait3A_562 = arith.constant 0 : i32
      %dma_wait3A_563 = arith.constant 0 : i32
      %dma_wait3A_564 = tpu.memref_slice %arg8[%dma_wait3A_560, %dma_wait3A_562, %dma_wait3A_563] : memref<8x128x16xf32, #tpu.memory_space<vmem>> -> memref<1x128x16xf32, #tpu.memory_space<vmem>>
      %dma_wait3A_565 = tpu.memref_squeeze %dma_wait3A_564 : memref<1x128x16xf32, #tpu.memory_space<vmem>> -> memref<128x16xf32, #tpu.memory_space<vmem>>
      %dma_wait3A_566 = arith.constant 0 : i32
      %dma_wait3A_567 = tpu.memref_slice %arg6[%add3A_559, %dma_wait3A_566] : memref<152x128xi32, #tpu.memory_space<vmem>> -> memref<1x128xi32, #tpu.memory_space<vmem>>
      %dma_wait3A_568 = tpu.memref_squeeze %dma_wait3A_567 : memref<1x128xi32, #tpu.memory_space<vmem>> -> memref<128xi32, #tpu.memory_space<vmem>>
      %dma_wait3A_569 = arith.constant 0 : i32
      %dma_wait3A_570 = arith.constant 0 : i32
      %dma_wait3A_571 = tpu.memref_slice %arg4[%dma_wait3A_569, %dma_wait3A_570] : memref<10000x16xf32, #tpu.memory_space<hbm>> -> memref<10000x16xf32, #tpu.memory_space<hbm>>
      %dma_wait3A_572 = tpu.memref_slice %arg11[%dma_wait3A_561] : memref<8x!tpu.dma_semaphore, #tpu.memory_space<semaphore_mem>> -> memref<1x!tpu.dma_semaphore, #tpu.memory_space<semaphore_mem>>
      %dma_wait3A_573 = tpu.memref_squeeze %dma_wait3A_572 : memref<1x!tpu.dma_semaphore, #tpu.memory_space<semaphore_mem>> -> memref<!tpu.dma_semaphore, #tpu.memory_space<semaphore_mem>>
      tpu.wait_indirect_dma semaphore(%dma_wait3A_573 : memref<!tpu.dma_semaphore, #tpu.memory_space<semaphore_mem>>) src(%dma_wait3A_571 : memref<10000x16xf32, #tpu.memory_space<hbm>>) dst(%dma_wait3A_565 : memref<128x16xf32, #tpu.memory_space<vmem>>)
      %dma_start3A_574 = arith.constant 7 : i32
      %dma_start3A_575 = arith.constant 7 : i32
      %dma_start3A_576 = arith.constant 0 : i32
      %dma_start3A_577 = arith.constant 0 : i32
      %dma_start3A_578 = tpu.memref_slice %arg8[%dma_start3A_574, %dma_start3A_576, %dma_start3A_577] : memref<8x128x16xf32, #tpu.memory_space<vmem>> -> memref<1x128x16xf32, #tpu.memory_space<vmem>>
      %dma_start3A_579 = tpu.memref_squeeze %dma_start3A_578 : memref<1x128x16xf32, #tpu.memory_space<vmem>> -> memref<128x16xf32, #tpu.memory_space<vmem>>
      %dma_start3A_580 = arith.constant 0 : i32
      %dma_start3A_581 = tpu.memref_slice %arg7[%add3A_559, %dma_start3A_580] : memref<152x128xi32, #tpu.memory_space<vmem>> -> memref<1x128xi32, #tpu.memory_space<vmem>>
      %dma_start3A_582 = tpu.memref_squeeze %dma_start3A_581 : memref<1x128xi32, #tpu.memory_space<vmem>> -> memref<128xi32, #tpu.memory_space<vmem>>
      %dma_start3A_583 = arith.constant 0 : i32
      %dma_start3A_584 = arith.constant 0 : i32
      %dma_start3A_585 = tpu.memref_slice %arg10[%dma_start3A_583, %dma_start3A_584] : memref<10240x16xf32, #tpu.memory_space<vmem_shared>> -> memref<10240x16xf32, #tpu.memory_space<vmem_shared>>
      %dma_start3A_586 = tpu.memref_slice %arg12[%dma_start3A_575] : memref<8x!tpu.dma_semaphore, #tpu.memory_space<semaphore_mem>> -> memref<1x!tpu.dma_semaphore, #tpu.memory_space<semaphore_mem>>
      %dma_start3A_587 = tpu.memref_squeeze %dma_start3A_586 : memref<1x!tpu.dma_semaphore, #tpu.memory_space<semaphore_mem>> -> memref<!tpu.dma_semaphore, #tpu.memory_space<semaphore_mem>>
      tpu.enqueue_indirect_dma source(%dma_start3A_579 : memref<128x16xf32, #tpu.memory_space<vmem>>) target(%dma_start3A_585 : memref<10240x16xf32, #tpu.memory_space<vmem_shared>>) offsets(%dma_start3A_582 : memref<128xi32, #tpu.memory_space<vmem>>) semaphore(%dma_start3A_587 : memref<!tpu.dma_semaphore, #tpu.memory_space<semaphore_mem>>) {add = true}
      %while3A_588 = arith.constant 0 : i32
      scf.yield %while3A_588 : i32
    }
    %while3A_52 = arith.constant 1 : i32
    %while3A_53 = scf.for %while3A_178 = %while3A_49 to %while3A_45 step %while3A_52 iter_args(%while3A_179 = %while3A_51) -> (i32)  : i32 {
      %mul3A_180 = arith.constant 8 : i32
      %mul3A_181 = arith.muli %while3A_178, %mul3A_180 : i32
      %add3A_182 = arith.constant 0 : i32
      %add3A_183 = arith.addi %mul3A_181, %add3A_182 : i32
      %gt3A = arith.constant 0 : i32
      %gt3A_184 = arith.cmpi sgt, %while3A_178, %gt3A : i32
      %convert_element_type3A_185 = arith.extui %gt3A_184 : i1 to i32
      %cond3A_186 = arith.constant 0 : i32
      %cond3A_187 = arith.cmpi ne, %convert_element_type3A_185, %cond3A_186 : i32
      scf.if %cond3A_187 {
        %dma_wait3A_589 = arith.constant 0 : i32
        %dma_wait3A_590 = arith.constant 0 : i32
        %dma_wait3A_591 = arith.constant 0 : i32
        %dma_wait3A_592 = arith.constant 0 : i32
        %dma_wait3A_593 = tpu.memref_slice %arg8[%dma_wait3A_589, %dma_wait3A_591, %dma_wait3A_592] : memref<8x128x16xf32, #tpu.memory_space<vmem>> -> memref<1x128x16xf32, #tpu.memory_space<vmem>>
        %dma_wait3A_594 = tpu.memref_squeeze %dma_wait3A_593 : memref<1x128x16xf32, #tpu.memory_space<vmem>> -> memref<128x16xf32, #tpu.memory_space<vmem>>
        %dma_wait3A_595 = arith.constant 0 : i32
        %dma_wait3A_596 = tpu.memref_slice %arg7[%add3A_183, %dma_wait3A_595] : memref<152x128xi32, #tpu.memory_space<vmem>> -> memref<1x128xi32, #tpu.memory_space<vmem>>
        %dma_wait3A_597 = tpu.memref_squeeze %dma_wait3A_596 : memref<1x128xi32, #tpu.memory_space<vmem>> -> memref<128xi32, #tpu.memory_space<vmem>>
        %dma_wait3A_598 = arith.constant 0 : i32
        %dma_wait3A_599 = arith.constant 0 : i32
        %dma_wait3A_600 = tpu.memref_slice %arg10[%dma_wait3A_598, %dma_wait3A_599] : memref<10240x16xf32, #tpu.memory_space<vmem_shared>> -> memref<10240x16xf32, #tpu.memory_space<vmem_shared>>
        %dma_wait3A_601 = tpu.memref_slice %arg12[%dma_wait3A_590] : memref<8x!tpu.dma_semaphore, #tpu.memory_space<semaphore_mem>> -> memref<1x!tpu.dma_semaphore, #tpu.memory_space<semaphore_mem>>
        %dma_wait3A_602 = tpu.memref_squeeze %dma_wait3A_601 : memref<1x!tpu.dma_semaphore, #tpu.memory_space<semaphore_mem>> -> memref<!tpu.dma_semaphore, #tpu.memory_space<semaphore_mem>>
        tpu.wait_indirect_dma semaphore(%dma_wait3A_602 : memref<!tpu.dma_semaphore, #tpu.memory_space<semaphore_mem>>) src(%dma_wait3A_594 : memref<128x16xf32, #tpu.memory_space<vmem>>) dst(%dma_wait3A_600 : memref<10240x16xf32, #tpu.memory_space<vmem_shared>>)
      } else {
      }
      %dma_start3A = arith.constant 0 : i32
      %dma_start3A_188 = arith.constant 0 : i32
      %dma_start3A_189 = arith.constant 0 : i32
      %dma_start3A_190 = arith.constant 0 : i32
      %dma_start3A_191 = tpu.memref_slice %arg8[%dma_start3A, %dma_start3A_189, %dma_start3A_190] : memref<8x128x16xf32, #tpu.memory_space<vmem>> -> memref<1x128x16xf32, #tpu.memory_space<vmem>>
      %dma_start3A_192 = tpu.memref_squeeze %dma_start3A_191 : memref<1x128x16xf32, #tpu.memory_space<vmem>> -> memref<128x16xf32, #tpu.memory_space<vmem>>
      %dma_start3A_193 = arith.constant 0 : i32
      %dma_start3A_194 = tpu.memref_slice %arg6[%add3A_183, %dma_start3A_193] : memref<152x128xi32, #tpu.memory_space<vmem>> -> memref<1x128xi32, #tpu.memory_space<vmem>>
      %dma_start3A_195 = tpu.memref_squeeze %dma_start3A_194 : memref<1x128xi32, #tpu.memory_space<vmem>> -> memref<128xi32, #tpu.memory_space<vmem>>
      %dma_start3A_196 = arith.constant 0 : i32
      %dma_start3A_197 = arith.constant 0 : i32
      %dma_start3A_198 = tpu.memref_slice %arg4[%dma_start3A_196, %dma_start3A_197] : memref<10000x16xf32, #tpu.memory_space<hbm>> -> memref<10000x16xf32, #tpu.memory_space<hbm>>
      %dma_start3A_199 = tpu.memref_slice %arg11[%dma_start3A_188] : memref<8x!tpu.dma_semaphore, #tpu.memory_space<semaphore_mem>> -> memref<1x!tpu.dma_semaphore, #tpu.memory_space<semaphore_mem>>
      %dma_start3A_200 = tpu.memref_squeeze %dma_start3A_199 : memref<1x!tpu.dma_semaphore, #tpu.memory_space<semaphore_mem>> -> memref<!tpu.dma_semaphore, #tpu.memory_space<semaphore_mem>>
      tpu.enqueue_indirect_dma source(%dma_start3A_198 : memref<10000x16xf32, #tpu.memory_space<hbm>>) target(%dma_start3A_192 : memref<128x16xf32, #tpu.memory_space<vmem>>) offsets(%dma_start3A_195 : memref<128xi32, #tpu.memory_space<vmem>>) semaphore(%dma_start3A_200 : memref<!tpu.dma_semaphore, #tpu.memory_space<semaphore_mem>>)
      %add3A_201 = arith.constant 1 : i32
      %add3A_202 = arith.addi %mul3A_181, %add3A_201 : i32
      %gt3A_203 = arith.constant 0 : i32
      %gt3A_204 = arith.cmpi sgt, %while3A_178, %gt3A_203 : i32
      %convert_element_type3A_205 = arith.extui %gt3A_204 : i1 to i32
      %cond3A_206 = arith.constant 0 : i32
      %cond3A_207 = arith.cmpi ne, %convert_element_type3A_205, %cond3A_206 : i32
      scf.if %cond3A_207 {
        %dma_wait3A_589 = arith.constant 1 : i32
        %dma_wait3A_590 = arith.constant 1 : i32
        %dma_wait3A_591 = arith.constant 0 : i32
        %dma_wait3A_592 = arith.constant 0 : i32
        %dma_wait3A_593 = tpu.memref_slice %arg8[%dma_wait3A_589, %dma_wait3A_591, %dma_wait3A_592] : memref<8x128x16xf32, #tpu.memory_space<vmem>> -> memref<1x128x16xf32, #tpu.memory_space<vmem>>
        %dma_wait3A_594 = tpu.memref_squeeze %dma_wait3A_593 : memref<1x128x16xf32, #tpu.memory_space<vmem>> -> memref<128x16xf32, #tpu.memory_space<vmem>>
        %dma_wait3A_595 = arith.constant 0 : i32
        %dma_wait3A_596 = tpu.memref_slice %arg7[%add3A_202, %dma_wait3A_595] : memref<152x128xi32, #tpu.memory_space<vmem>> -> memref<1x128xi32, #tpu.memory_space<vmem>>
        %dma_wait3A_597 = tpu.memref_squeeze %dma_wait3A_596 : memref<1x128xi32, #tpu.memory_space<vmem>> -> memref<128xi32, #tpu.memory_space<vmem>>
        %dma_wait3A_598 = arith.constant 0 : i32
        %dma_wait3A_599 = arith.constant 0 : i32
        %dma_wait3A_600 = tpu.memref_slice %arg10[%dma_wait3A_598, %dma_wait3A_599] : memref<10240x16xf32, #tpu.memory_space<vmem_shared>> -> memref<10240x16xf32, #tpu.memory_space<vmem_shared>>
        %dma_wait3A_601 = tpu.memref_slice %arg12[%dma_wait3A_590] : memref<8x!tpu.dma_semaphore, #tpu.memory_space<semaphore_mem>> -> memref<1x!tpu.dma_semaphore, #tpu.memory_space<semaphore_mem>>
        %dma_wait3A_602 = tpu.memref_squeeze %dma_wait3A_601 : memref<1x!tpu.dma_semaphore, #tpu.memory_space<semaphore_mem>> -> memref<!tpu.dma_semaphore, #tpu.memory_space<semaphore_mem>>
        tpu.wait_indirect_dma semaphore(%dma_wait3A_602 : memref<!tpu.dma_semaphore, #tpu.memory_space<semaphore_mem>>) src(%dma_wait3A_594 : memref<128x16xf32, #tpu.memory_space<vmem>>) dst(%dma_wait3A_600 : memref<10240x16xf32, #tpu.memory_space<vmem_shared>>)
      } else {
      }
      %dma_start3A_208 = arith.constant 1 : i32
      %dma_start3A_209 = arith.constant 1 : i32
      %dma_start3A_210 = arith.constant 0 : i32
      %dma_start3A_211 = arith.constant 0 : i32
      %dma_start3A_212 = tpu.memref_slice %arg8[%dma_start3A_208, %dma_start3A_210, %dma_start3A_211] : memref<8x128x16xf32, #tpu.memory_space<vmem>> -> memref<1x128x16xf32, #tpu.memory_space<vmem>>
      %dma_start3A_213 = tpu.memref_squeeze %dma_start3A_212 : memref<1x128x16xf32, #tpu.memory_space<vmem>> -> memref<128x16xf32, #tpu.memory_space<vmem>>
      %dma_start3A_214 = arith.constant 0 : i32
      %dma_start3A_215 = tpu.memref_slice %arg6[%add3A_202, %dma_start3A_214] : memref<152x128xi32, #tpu.memory_space<vmem>> -> memref<1x128xi32, #tpu.memory_space<vmem>>
      %dma_start3A_216 = tpu.memref_squeeze %dma_start3A_215 : memref<1x128xi32, #tpu.memory_space<vmem>> -> memref<128xi32, #tpu.memory_space<vmem>>
      %dma_start3A_217 = arith.constant 0 : i32
      %dma_start3A_218 = arith.constant 0 : i32
      %dma_start3A_219 = tpu.memref_slice %arg4[%dma_start3A_217, %dma_start3A_218] : memref<10000x16xf32, #tpu.memory_space<hbm>> -> memref<10000x16xf32, #tpu.memory_space<hbm>>
      %dma_start3A_220 = tpu.memref_slice %arg11[%dma_start3A_209] : memref<8x!tpu.dma_semaphore, #tpu.memory_space<semaphore_mem>> -> memref<1x!tpu.dma_semaphore, #tpu.memory_space<semaphore_mem>>
      %dma_start3A_221 = tpu.memref_squeeze %dma_start3A_220 : memref<1x!tpu.dma_semaphore, #tpu.memory_space<semaphore_mem>> -> memref<!tpu.dma_semaphore, #tpu.memory_space<semaphore_mem>>
      tpu.enqueue_indirect_dma source(%dma_start3A_219 : memref<10000x16xf32, #tpu.memory_space<hbm>>) target(%dma_start3A_213 : memref<128x16xf32, #tpu.memory_space<vmem>>) offsets(%dma_start3A_216 : memref<128xi32, #tpu.memory_space<vmem>>) semaphore(%dma_start3A_221 : memref<!tpu.dma_semaphore, #tpu.memory_space<semaphore_mem>>)
      %add3A_222 = arith.constant 2 : i32
      %add3A_223 = arith.addi %mul3A_181, %add3A_222 : i32
      %gt3A_224 = arith.constant 0 : i32
      %gt3A_225 = arith.cmpi sgt, %while3A_178, %gt3A_224 : i32
      %convert_element_type3A_226 = arith.extui %gt3A_225 : i1 to i32
      %cond3A_227 = arith.constant 0 : i32
      %cond3A_228 = arith.cmpi ne, %convert_element_type3A_226, %cond3A_227 : i32
      scf.if %cond3A_228 {
        %dma_wait3A_589 = arith.constant 2 : i32
        %dma_wait3A_590 = arith.constant 2 : i32
        %dma_wait3A_591 = arith.constant 0 : i32
        %dma_wait3A_592 = arith.constant 0 : i32
        %dma_wait3A_593 = tpu.memref_slice %arg8[%dma_wait3A_589, %dma_wait3A_591, %dma_wait3A_592] : memref<8x128x16xf32, #tpu.memory_space<vmem>> -> memref<1x128x16xf32, #tpu.memory_space<vmem>>
        %dma_wait3A_594 = tpu.memref_squeeze %dma_wait3A_593 : memref<1x128x16xf32, #tpu.memory_space<vmem>> -> memref<128x16xf32, #tpu.memory_space<vmem>>
        %dma_wait3A_595 = arith.constant 0 : i32
        %dma_wait3A_596 = tpu.memref_slice %arg7[%add3A_223, %dma_wait3A_595] : memref<152x128xi32, #tpu.memory_space<vmem>> -> memref<1x128xi32, #tpu.memory_space<vmem>>
        %dma_wait3A_597 = tpu.memref_squeeze %dma_wait3A_596 : memref<1x128xi32, #tpu.memory_space<vmem>> -> memref<128xi32, #tpu.memory_space<vmem>>
        %dma_wait3A_598 = arith.constant 0 : i32
        %dma_wait3A_599 = arith.constant 0 : i32
        %dma_wait3A_600 = tpu.memref_slice %arg10[%dma_wait3A_598, %dma_wait3A_599] : memref<10240x16xf32, #tpu.memory_space<vmem_shared>> -> memref<10240x16xf32, #tpu.memory_space<vmem_shared>>
        %dma_wait3A_601 = tpu.memref_slice %arg12[%dma_wait3A_590] : memref<8x!tpu.dma_semaphore, #tpu.memory_space<semaphore_mem>> -> memref<1x!tpu.dma_semaphore, #tpu.memory_space<semaphore_mem>>
        %dma_wait3A_602 = tpu.memref_squeeze %dma_wait3A_601 : memref<1x!tpu.dma_semaphore, #tpu.memory_space<semaphore_mem>> -> memref<!tpu.dma_semaphore, #tpu.memory_space<semaphore_mem>>
        tpu.wait_indirect_dma semaphore(%dma_wait3A_602 : memref<!tpu.dma_semaphore, #tpu.memory_space<semaphore_mem>>) src(%dma_wait3A_594 : memref<128x16xf32, #tpu.memory_space<vmem>>) dst(%dma_wait3A_600 : memref<10240x16xf32, #tpu.memory_space<vmem_shared>>)
      } else {
      }
      %dma_start3A_229 = arith.constant 2 : i32
      %dma_start3A_230 = arith.constant 2 : i32
      %dma_start3A_231 = arith.constant 0 : i32
      %dma_start3A_232 = arith.constant 0 : i32
      %dma_start3A_233 = tpu.memref_slice %arg8[%dma_start3A_229, %dma_start3A_231, %dma_start3A_232] : memref<8x128x16xf32, #tpu.memory_space<vmem>> -> memref<1x128x16xf32, #tpu.memory_space<vmem>>
      %dma_start3A_234 = tpu.memref_squeeze %dma_start3A_233 : memref<1x128x16xf32, #tpu.memory_space<vmem>> -> memref<128x16xf32, #tpu.memory_space<vmem>>
      %dma_start3A_235 = arith.constant 0 : i32
      %dma_start3A_236 = tpu.memref_slice %arg6[%add3A_223, %dma_start3A_235] : memref<152x128xi32, #tpu.memory_space<vmem>> -> memref<1x128xi32, #tpu.memory_space<vmem>>
      %dma_start3A_237 = tpu.memref_squeeze %dma_start3A_236 : memref<1x128xi32, #tpu.memory_space<vmem>> -> memref<128xi32, #tpu.memory_space<vmem>>
      %dma_start3A_238 = arith.constant 0 : i32
      %dma_start3A_239 = arith.constant 0 : i32
      %dma_start3A_240 = tpu.memref_slice %arg4[%dma_start3A_238, %dma_start3A_239] : memref<10000x16xf32, #tpu.memory_space<hbm>> -> memref<10000x16xf32, #tpu.memory_space<hbm>>
      %dma_start3A_241 = tpu.memref_slice %arg11[%dma_start3A_230] : memref<8x!tpu.dma_semaphore, #tpu.memory_space<semaphore_mem>> -> memref<1x!tpu.dma_semaphore, #tpu.memory_space<semaphore_mem>>
      %dma_start3A_242 = tpu.memref_squeeze %dma_start3A_241 : memref<1x!tpu.dma_semaphore, #tpu.memory_space<semaphore_mem>> -> memref<!tpu.dma_semaphore, #tpu.memory_space<semaphore_mem>>
      tpu.enqueue_indirect_dma source(%dma_start3A_240 : memref<10000x16xf32, #tpu.memory_space<hbm>>) target(%dma_start3A_234 : memref<128x16xf32, #tpu.memory_space<vmem>>) offsets(%dma_start3A_237 : memref<128xi32, #tpu.memory_space<vmem>>) semaphore(%dma_start3A_242 : memref<!tpu.dma_semaphore, #tpu.memory_space<semaphore_mem>>)
      %add3A_243 = arith.constant 3 : i32
      %add3A_244 = arith.addi %mul3A_181, %add3A_243 : i32
      %gt3A_245 = arith.constant 0 : i32
      %gt3A_246 = arith.cmpi sgt, %while3A_178, %gt3A_245 : i32
      %convert_element_type3A_247 = arith.extui %gt3A_246 : i1 to i32
      %cond3A_248 = arith.constant 0 : i32
      %cond3A_249 = arith.cmpi ne, %convert_element_type3A_247, %cond3A_248 : i32
      scf.if %cond3A_249 {
        %dma_wait3A_589 = arith.constant 3 : i32
        %dma_wait3A_590 = arith.constant 3 : i32
        %dma_wait3A_591 = arith.constant 0 : i32
        %dma_wait3A_592 = arith.constant 0 : i32
        %dma_wait3A_593 = tpu.memref_slice %arg8[%dma_wait3A_589, %dma_wait3A_591, %dma_wait3A_592] : memref<8x128x16xf32, #tpu.memory_space<vmem>> -> memref<1x128x16xf32, #tpu.memory_space<vmem>>
        %dma_wait3A_594 = tpu.memref_squeeze %dma_wait3A_593 : memref<1x128x16xf32, #tpu.memory_space<vmem>> -> memref<128x16xf32, #tpu.memory_space<vmem>>
        %dma_wait3A_595 = arith.constant 0 : i32
        %dma_wait3A_596 = tpu.memref_slice %arg7[%add3A_244, %dma_wait3A_595] : memref<152x128xi32, #tpu.memory_space<vmem>> -> memref<1x128xi32, #tpu.memory_space<vmem>>
        %dma_wait3A_597 = tpu.memref_squeeze %dma_wait3A_596 : memref<1x128xi32, #tpu.memory_space<vmem>> -> memref<128xi32, #tpu.memory_space<vmem>>
        %dma_wait3A_598 = arith.constant 0 : i32
        %dma_wait3A_599 = arith.constant 0 : i32
        %dma_wait3A_600 = tpu.memref_slice %arg10[%dma_wait3A_598, %dma_wait3A_599] : memref<10240x16xf32, #tpu.memory_space<vmem_shared>> -> memref<10240x16xf32, #tpu.memory_space<vmem_shared>>
        %dma_wait3A_601 = tpu.memref_slice %arg12[%dma_wait3A_590] : memref<8x!tpu.dma_semaphore, #tpu.memory_space<semaphore_mem>> -> memref<1x!tpu.dma_semaphore, #tpu.memory_space<semaphore_mem>>
        %dma_wait3A_602 = tpu.memref_squeeze %dma_wait3A_601 : memref<1x!tpu.dma_semaphore, #tpu.memory_space<semaphore_mem>> -> memref<!tpu.dma_semaphore, #tpu.memory_space<semaphore_mem>>
        tpu.wait_indirect_dma semaphore(%dma_wait3A_602 : memref<!tpu.dma_semaphore, #tpu.memory_space<semaphore_mem>>) src(%dma_wait3A_594 : memref<128x16xf32, #tpu.memory_space<vmem>>) dst(%dma_wait3A_600 : memref<10240x16xf32, #tpu.memory_space<vmem_shared>>)
      } else {
      }
      %dma_start3A_250 = arith.constant 3 : i32
      %dma_start3A_251 = arith.constant 3 : i32
      %dma_start3A_252 = arith.constant 0 : i32
      %dma_start3A_253 = arith.constant 0 : i32
      %dma_start3A_254 = tpu.memref_slice %arg8[%dma_start3A_250, %dma_start3A_252, %dma_start3A_253] : memref<8x128x16xf32, #tpu.memory_space<vmem>> -> memref<1x128x16xf32, #tpu.memory_space<vmem>>
      %dma_start3A_255 = tpu.memref_squeeze %dma_start3A_254 : memref<1x128x16xf32, #tpu.memory_space<vmem>> -> memref<128x16xf32, #tpu.memory_space<vmem>>
      %dma_start3A_256 = arith.constant 0 : i32
      %dma_start3A_257 = tpu.memref_slice %arg6[%add3A_244, %dma_start3A_256] : memref<152x128xi32, #tpu.memory_space<vmem>> -> memref<1x128xi32, #tpu.memory_space<vmem>>
      %dma_start3A_258 = tpu.memref_squeeze %dma_start3A_257 : memref<1x128xi32, #tpu.memory_space<vmem>> -> memref<128xi32, #tpu.memory_space<vmem>>
      %dma_start3A_259 = arith.constant 0 : i32
      %dma_start3A_260 = arith.constant 0 : i32
      %dma_start3A_261 = tpu.memref_slice %arg4[%dma_start3A_259, %dma_start3A_260] : memref<10000x16xf32, #tpu.memory_space<hbm>> -> memref<10000x16xf32, #tpu.memory_space<hbm>>
      %dma_start3A_262 = tpu.memref_slice %arg11[%dma_start3A_251] : memref<8x!tpu.dma_semaphore, #tpu.memory_space<semaphore_mem>> -> memref<1x!tpu.dma_semaphore, #tpu.memory_space<semaphore_mem>>
      %dma_start3A_263 = tpu.memref_squeeze %dma_start3A_262 : memref<1x!tpu.dma_semaphore, #tpu.memory_space<semaphore_mem>> -> memref<!tpu.dma_semaphore, #tpu.memory_space<semaphore_mem>>
      tpu.enqueue_indirect_dma source(%dma_start3A_261 : memref<10000x16xf32, #tpu.memory_space<hbm>>) target(%dma_start3A_255 : memref<128x16xf32, #tpu.memory_space<vmem>>) offsets(%dma_start3A_258 : memref<128xi32, #tpu.memory_space<vmem>>) semaphore(%dma_start3A_263 : memref<!tpu.dma_semaphore, #tpu.memory_space<semaphore_mem>>)
      %add3A_264 = arith.constant 4 : i32
      %add3A_265 = arith.addi %mul3A_181, %add3A_264 : i32
      %gt3A_266 = arith.constant 0 : i32
      %gt3A_267 = arith.cmpi sgt, %while3A_178, %gt3A_266 : i32
      %convert_element_type3A_268 = arith.extui %gt3A_267 : i1 to i32
      %cond3A_269 = arith.constant 0 : i32
      %cond3A_270 = arith.cmpi ne, %convert_element_type3A_268, %cond3A_269 : i32
      scf.if %cond3A_270 {
        %dma_wait3A_589 = arith.constant 4 : i32
        %dma_wait3A_590 = arith.constant 4 : i32
        %dma_wait3A_591 = arith.constant 0 : i32
        %dma_wait3A_592 = arith.constant 0 : i32
        %dma_wait3A_593 = tpu.memref_slice %arg8[%dma_wait3A_589, %dma_wait3A_591, %dma_wait3A_592] : memref<8x128x16xf32, #tpu.memory_space<vmem>> -> memref<1x128x16xf32, #tpu.memory_space<vmem>>
        %dma_wait3A_594 = tpu.memref_squeeze %dma_wait3A_593 : memref<1x128x16xf32, #tpu.memory_space<vmem>> -> memref<128x16xf32, #tpu.memory_space<vmem>>
        %dma_wait3A_595 = arith.constant 0 : i32
        %dma_wait3A_596 = tpu.memref_slice %arg7[%add3A_265, %dma_wait3A_595] : memref<152x128xi32, #tpu.memory_space<vmem>> -> memref<1x128xi32, #tpu.memory_space<vmem>>
        %dma_wait3A_597 = tpu.memref_squeeze %dma_wait3A_596 : memref<1x128xi32, #tpu.memory_space<vmem>> -> memref<128xi32, #tpu.memory_space<vmem>>
        %dma_wait3A_598 = arith.constant 0 : i32
        %dma_wait3A_599 = arith.constant 0 : i32
        %dma_wait3A_600 = tpu.memref_slice %arg10[%dma_wait3A_598, %dma_wait3A_599] : memref<10240x16xf32, #tpu.memory_space<vmem_shared>> -> memref<10240x16xf32, #tpu.memory_space<vmem_shared>>
        %dma_wait3A_601 = tpu.memref_slice %arg12[%dma_wait3A_590] : memref<8x!tpu.dma_semaphore, #tpu.memory_space<semaphore_mem>> -> memref<1x!tpu.dma_semaphore, #tpu.memory_space<semaphore_mem>>
        %dma_wait3A_602 = tpu.memref_squeeze %dma_wait3A_601 : memref<1x!tpu.dma_semaphore, #tpu.memory_space<semaphore_mem>> -> memref<!tpu.dma_semaphore, #tpu.memory_space<semaphore_mem>>
        tpu.wait_indirect_dma semaphore(%dma_wait3A_602 : memref<!tpu.dma_semaphore, #tpu.memory_space<semaphore_mem>>) src(%dma_wait3A_594 : memref<128x16xf32, #tpu.memory_space<vmem>>) dst(%dma_wait3A_600 : memref<10240x16xf32, #tpu.memory_space<vmem_shared>>)
      } else {
      }
      %dma_start3A_271 = arith.constant 4 : i32
      %dma_start3A_272 = arith.constant 4 : i32
      %dma_start3A_273 = arith.constant 0 : i32
      %dma_start3A_274 = arith.constant 0 : i32
      %dma_start3A_275 = tpu.memref_slice %arg8[%dma_start3A_271, %dma_start3A_273, %dma_start3A_274] : memref<8x128x16xf32, #tpu.memory_space<vmem>> -> memref<1x128x16xf32, #tpu.memory_space<vmem>>
      %dma_start3A_276 = tpu.memref_squeeze %dma_start3A_275 : memref<1x128x16xf32, #tpu.memory_space<vmem>> -> memref<128x16xf32, #tpu.memory_space<vmem>>
      %dma_start3A_277 = arith.constant 0 : i32
      %dma_start3A_278 = tpu.memref_slice %arg6[%add3A_265, %dma_start3A_277] : memref<152x128xi32, #tpu.memory_space<vmem>> -> memref<1x128xi32, #tpu.memory_space<vmem>>
      %dma_start3A_279 = tpu.memref_squeeze %dma_start3A_278 : memref<1x128xi32, #tpu.memory_space<vmem>> -> memref<128xi32, #tpu.memory_space<vmem>>
      %dma_start3A_280 = arith.constant 0 : i32
      %dma_start3A_281 = arith.constant 0 : i32
      %dma_start3A_282 = tpu.memref_slice %arg4[%dma_start3A_280, %dma_start3A_281] : memref<10000x16xf32, #tpu.memory_space<hbm>> -> memref<10000x16xf32, #tpu.memory_space<hbm>>
      %dma_start3A_283 = tpu.memref_slice %arg11[%dma_start3A_272] : memref<8x!tpu.dma_semaphore, #tpu.memory_space<semaphore_mem>> -> memref<1x!tpu.dma_semaphore, #tpu.memory_space<semaphore_mem>>
      %dma_start3A_284 = tpu.memref_squeeze %dma_start3A_283 : memref<1x!tpu.dma_semaphore, #tpu.memory_space<semaphore_mem>> -> memref<!tpu.dma_semaphore, #tpu.memory_space<semaphore_mem>>
      tpu.enqueue_indirect_dma source(%dma_start3A_282 : memref<10000x16xf32, #tpu.memory_space<hbm>>) target(%dma_start3A_276 : memref<128x16xf32, #tpu.memory_space<vmem>>) offsets(%dma_start3A_279 : memref<128xi32, #tpu.memory_space<vmem>>) semaphore(%dma_start3A_284 : memref<!tpu.dma_semaphore, #tpu.memory_space<semaphore_mem>>)
      %add3A_285 = arith.constant 5 : i32
      %add3A_286 = arith.addi %mul3A_181, %add3A_285 : i32
      %gt3A_287 = arith.constant 0 : i32
      %gt3A_288 = arith.cmpi sgt, %while3A_178, %gt3A_287 : i32
      %convert_element_type3A_289 = arith.extui %gt3A_288 : i1 to i32
      %cond3A_290 = arith.constant 0 : i32
      %cond3A_291 = arith.cmpi ne, %convert_element_type3A_289, %cond3A_290 : i32
      scf.if %cond3A_291 {
        %dma_wait3A_589 = arith.constant 5 : i32
        %dma_wait3A_590 = arith.constant 5 : i32
        %dma_wait3A_591 = arith.constant 0 : i32
        %dma_wait3A_592 = arith.constant 0 : i32
        %dma_wait3A_593 = tpu.memref_slice %arg8[%dma_wait3A_589, %dma_wait3A_591, %dma_wait3A_592] : memref<8x128x16xf32, #tpu.memory_space<vmem>> -> memref<1x128x16xf32, #tpu.memory_space<vmem>>
        %dma_wait3A_594 = tpu.memref_squeeze %dma_wait3A_593 : memref<1x128x16xf32, #tpu.memory_space<vmem>> -> memref<128x16xf32, #tpu.memory_space<vmem>>
        %dma_wait3A_595 = arith.constant 0 : i32
        %dma_wait3A_596 = tpu.memref_slice %arg7[%add3A_286, %dma_wait3A_595] : memref<152x128xi32, #tpu.memory_space<vmem>> -> memref<1x128xi32, #tpu.memory_space<vmem>>
        %dma_wait3A_597 = tpu.memref_squeeze %dma_wait3A_596 : memref<1x128xi32, #tpu.memory_space<vmem>> -> memref<128xi32, #tpu.memory_space<vmem>>
        %dma_wait3A_598 = arith.constant 0 : i32
        %dma_wait3A_599 = arith.constant 0 : i32
        %dma_wait3A_600 = tpu.memref_slice %arg10[%dma_wait3A_598, %dma_wait3A_599] : memref<10240x16xf32, #tpu.memory_space<vmem_shared>> -> memref<10240x16xf32, #tpu.memory_space<vmem_shared>>
        %dma_wait3A_601 = tpu.memref_slice %arg12[%dma_wait3A_590] : memref<8x!tpu.dma_semaphore, #tpu.memory_space<semaphore_mem>> -> memref<1x!tpu.dma_semaphore, #tpu.memory_space<semaphore_mem>>
        %dma_wait3A_602 = tpu.memref_squeeze %dma_wait3A_601 : memref<1x!tpu.dma_semaphore, #tpu.memory_space<semaphore_mem>> -> memref<!tpu.dma_semaphore, #tpu.memory_space<semaphore_mem>>
        tpu.wait_indirect_dma semaphore(%dma_wait3A_602 : memref<!tpu.dma_semaphore, #tpu.memory_space<semaphore_mem>>) src(%dma_wait3A_594 : memref<128x16xf32, #tpu.memory_space<vmem>>) dst(%dma_wait3A_600 : memref<10240x16xf32, #tpu.memory_space<vmem_shared>>)
      } else {
      }
      %dma_start3A_292 = arith.constant 5 : i32
      %dma_start3A_293 = arith.constant 5 : i32
      %dma_start3A_294 = arith.constant 0 : i32
      %dma_start3A_295 = arith.constant 0 : i32
      %dma_start3A_296 = tpu.memref_slice %arg8[%dma_start3A_292, %dma_start3A_294, %dma_start3A_295] : memref<8x128x16xf32, #tpu.memory_space<vmem>> -> memref<1x128x16xf32, #tpu.memory_space<vmem>>
      %dma_start3A_297 = tpu.memref_squeeze %dma_start3A_296 : memref<1x128x16xf32, #tpu.memory_space<vmem>> -> memref<128x16xf32, #tpu.memory_space<vmem>>
      %dma_start3A_298 = arith.constant 0 : i32
      %dma_start3A_299 = tpu.memref_slice %arg6[%add3A_286, %dma_start3A_298] : memref<152x128xi32, #tpu.memory_space<vmem>> -> memref<1x128xi32, #tpu.memory_space<vmem>>
      %dma_start3A_300 = tpu.memref_squeeze %dma_start3A_299 : memref<1x128xi32, #tpu.memory_space<vmem>> -> memref<128xi32, #tpu.memory_space<vmem>>
      %dma_start3A_301 = arith.constant 0 : i32
      %dma_start3A_302 = arith.constant 0 : i32
      %dma_start3A_303 = tpu.memref_slice %arg4[%dma_start3A_301, %dma_start3A_302] : memref<10000x16xf32, #tpu.memory_space<hbm>> -> memref<10000x16xf32, #tpu.memory_space<hbm>>
      %dma_start3A_304 = tpu.memref_slice %arg11[%dma_start3A_293] : memref<8x!tpu.dma_semaphore, #tpu.memory_space<semaphore_mem>> -> memref<1x!tpu.dma_semaphore, #tpu.memory_space<semaphore_mem>>
      %dma_start3A_305 = tpu.memref_squeeze %dma_start3A_304 : memref<1x!tpu.dma_semaphore, #tpu.memory_space<semaphore_mem>> -> memref<!tpu.dma_semaphore, #tpu.memory_space<semaphore_mem>>
      tpu.enqueue_indirect_dma source(%dma_start3A_303 : memref<10000x16xf32, #tpu.memory_space<hbm>>) target(%dma_start3A_297 : memref<128x16xf32, #tpu.memory_space<vmem>>) offsets(%dma_start3A_300 : memref<128xi32, #tpu.memory_space<vmem>>) semaphore(%dma_start3A_305 : memref<!tpu.dma_semaphore, #tpu.memory_space<semaphore_mem>>)
      %add3A_306 = arith.constant 6 : i32
      %add3A_307 = arith.addi %mul3A_181, %add3A_306 : i32
      %gt3A_308 = arith.constant 0 : i32
      %gt3A_309 = arith.cmpi sgt, %while3A_178, %gt3A_308 : i32
      %convert_element_type3A_310 = arith.extui %gt3A_309 : i1 to i32
      %cond3A_311 = arith.constant 0 : i32
      %cond3A_312 = arith.cmpi ne, %convert_element_type3A_310, %cond3A_311 : i32
      scf.if %cond3A_312 {
        %dma_wait3A_589 = arith.constant 6 : i32
        %dma_wait3A_590 = arith.constant 6 : i32
        %dma_wait3A_591 = arith.constant 0 : i32
        %dma_wait3A_592 = arith.constant 0 : i32
        %dma_wait3A_593 = tpu.memref_slice %arg8[%dma_wait3A_589, %dma_wait3A_591, %dma_wait3A_592] : memref<8x128x16xf32, #tpu.memory_space<vmem>> -> memref<1x128x16xf32, #tpu.memory_space<vmem>>
        %dma_wait3A_594 = tpu.memref_squeeze %dma_wait3A_593 : memref<1x128x16xf32, #tpu.memory_space<vmem>> -> memref<128x16xf32, #tpu.memory_space<vmem>>
        %dma_wait3A_595 = arith.constant 0 : i32
        %dma_wait3A_596 = tpu.memref_slice %arg7[%add3A_307, %dma_wait3A_595] : memref<152x128xi32, #tpu.memory_space<vmem>> -> memref<1x128xi32, #tpu.memory_space<vmem>>
        %dma_wait3A_597 = tpu.memref_squeeze %dma_wait3A_596 : memref<1x128xi32, #tpu.memory_space<vmem>> -> memref<128xi32, #tpu.memory_space<vmem>>
        %dma_wait3A_598 = arith.constant 0 : i32
        %dma_wait3A_599 = arith.constant 0 : i32
        %dma_wait3A_600 = tpu.memref_slice %arg10[%dma_wait3A_598, %dma_wait3A_599] : memref<10240x16xf32, #tpu.memory_space<vmem_shared>> -> memref<10240x16xf32, #tpu.memory_space<vmem_shared>>
        %dma_wait3A_601 = tpu.memref_slice %arg12[%dma_wait3A_590] : memref<8x!tpu.dma_semaphore, #tpu.memory_space<semaphore_mem>> -> memref<1x!tpu.dma_semaphore, #tpu.memory_space<semaphore_mem>>
        %dma_wait3A_602 = tpu.memref_squeeze %dma_wait3A_601 : memref<1x!tpu.dma_semaphore, #tpu.memory_space<semaphore_mem>> -> memref<!tpu.dma_semaphore, #tpu.memory_space<semaphore_mem>>
        tpu.wait_indirect_dma semaphore(%dma_wait3A_602 : memref<!tpu.dma_semaphore, #tpu.memory_space<semaphore_mem>>) src(%dma_wait3A_594 : memref<128x16xf32, #tpu.memory_space<vmem>>) dst(%dma_wait3A_600 : memref<10240x16xf32, #tpu.memory_space<vmem_shared>>)
      } else {
      }
      %dma_start3A_313 = arith.constant 6 : i32
      %dma_start3A_314 = arith.constant 6 : i32
      %dma_start3A_315 = arith.constant 0 : i32
      %dma_start3A_316 = arith.constant 0 : i32
      %dma_start3A_317 = tpu.memref_slice %arg8[%dma_start3A_313, %dma_start3A_315, %dma_start3A_316] : memref<8x128x16xf32, #tpu.memory_space<vmem>> -> memref<1x128x16xf32, #tpu.memory_space<vmem>>
      %dma_start3A_318 = tpu.memref_squeeze %dma_start3A_317 : memref<1x128x16xf32, #tpu.memory_space<vmem>> -> memref<128x16xf32, #tpu.memory_space<vmem>>
      %dma_start3A_319 = arith.constant 0 : i32
      %dma_start3A_320 = tpu.memref_slice %arg6[%add3A_307, %dma_start3A_319] : memref<152x128xi32, #tpu.memory_space<vmem>> -> memref<1x128xi32, #tpu.memory_space<vmem>>
      %dma_start3A_321 = tpu.memref_squeeze %dma_start3A_320 : memref<1x128xi32, #tpu.memory_space<vmem>> -> memref<128xi32, #tpu.memory_space<vmem>>
      %dma_start3A_322 = arith.constant 0 : i32
      %dma_start3A_323 = arith.constant 0 : i32
      %dma_start3A_324 = tpu.memref_slice %arg4[%dma_start3A_322, %dma_start3A_323] : memref<10000x16xf32, #tpu.memory_space<hbm>> -> memref<10000x16xf32, #tpu.memory_space<hbm>>
      %dma_start3A_325 = tpu.memref_slice %arg11[%dma_start3A_314] : memref<8x!tpu.dma_semaphore, #tpu.memory_space<semaphore_mem>> -> memref<1x!tpu.dma_semaphore, #tpu.memory_space<semaphore_mem>>
      %dma_start3A_326 = tpu.memref_squeeze %dma_start3A_325 : memref<1x!tpu.dma_semaphore, #tpu.memory_space<semaphore_mem>> -> memref<!tpu.dma_semaphore, #tpu.memory_space<semaphore_mem>>
      tpu.enqueue_indirect_dma source(%dma_start3A_324 : memref<10000x16xf32, #tpu.memory_space<hbm>>) target(%dma_start3A_318 : memref<128x16xf32, #tpu.memory_space<vmem>>) offsets(%dma_start3A_321 : memref<128xi32, #tpu.memory_space<vmem>>) semaphore(%dma_start3A_326 : memref<!tpu.dma_semaphore, #tpu.memory_space<semaphore_mem>>)
      %add3A_327 = arith.constant 7 : i32
      %add3A_328 = arith.addi %mul3A_181, %add3A_327 : i32
      %gt3A_329 = arith.constant 0 : i32
      %gt3A_330 = arith.cmpi sgt, %while3A_178, %gt3A_329 : i32
      %convert_element_type3A_331 = arith.extui %gt3A_330 : i1 to i32
      %cond3A_332 = arith.constant 0 : i32
      %cond3A_333 = arith.cmpi ne, %convert_element_type3A_331, %cond3A_332 : i32
      scf.if %cond3A_333 {
        %dma_wait3A_589 = arith.constant 7 : i32
        %dma_wait3A_590 = arith.constant 7 : i32
        %dma_wait3A_591 = arith.constant 0 : i32
        %dma_wait3A_592 = arith.constant 0 : i32
        %dma_wait3A_593 = tpu.memref_slice %arg8[%dma_wait3A_589, %dma_wait3A_591, %dma_wait3A_592] : memref<8x128x16xf32, #tpu.memory_space<vmem>> -> memref<1x128x16xf32, #tpu.memory_space<vmem>>
        %dma_wait3A_594 = tpu.memref_squeeze %dma_wait3A_593 : memref<1x128x16xf32, #tpu.memory_space<vmem>> -> memref<128x16xf32, #tpu.memory_space<vmem>>
        %dma_wait3A_595 = arith.constant 0 : i32
        %dma_wait3A_596 = tpu.memref_slice %arg7[%add3A_328, %dma_wait3A_595] : memref<152x128xi32, #tpu.memory_space<vmem>> -> memref<1x128xi32, #tpu.memory_space<vmem>>
        %dma_wait3A_597 = tpu.memref_squeeze %dma_wait3A_596 : memref<1x128xi32, #tpu.memory_space<vmem>> -> memref<128xi32, #tpu.memory_space<vmem>>
        %dma_wait3A_598 = arith.constant 0 : i32
        %dma_wait3A_599 = arith.constant 0 : i32
        %dma_wait3A_600 = tpu.memref_slice %arg10[%dma_wait3A_598, %dma_wait3A_599] : memref<10240x16xf32, #tpu.memory_space<vmem_shared>> -> memref<10240x16xf32, #tpu.memory_space<vmem_shared>>
        %dma_wait3A_601 = tpu.memref_slice %arg12[%dma_wait3A_590] : memref<8x!tpu.dma_semaphore, #tpu.memory_space<semaphore_mem>> -> memref<1x!tpu.dma_semaphore, #tpu.memory_space<semaphore_mem>>
        %dma_wait3A_602 = tpu.memref_squeeze %dma_wait3A_601 : memref<1x!tpu.dma_semaphore, #tpu.memory_space<semaphore_mem>> -> memref<!tpu.dma_semaphore, #tpu.memory_space<semaphore_mem>>
        tpu.wait_indirect_dma semaphore(%dma_wait3A_602 : memref<!tpu.dma_semaphore, #tpu.memory_space<semaphore_mem>>) src(%dma_wait3A_594 : memref<128x16xf32, #tpu.memory_space<vmem>>) dst(%dma_wait3A_600 : memref<10240x16xf32, #tpu.memory_space<vmem_shared>>)
      } else {
      }
      %dma_start3A_334 = arith.constant 7 : i32
      %dma_start3A_335 = arith.constant 7 : i32
      %dma_start3A_336 = arith.constant 0 : i32
      %dma_start3A_337 = arith.constant 0 : i32
      %dma_start3A_338 = tpu.memref_slice %arg8[%dma_start3A_334, %dma_start3A_336, %dma_start3A_337] : memref<8x128x16xf32, #tpu.memory_space<vmem>> -> memref<1x128x16xf32, #tpu.memory_space<vmem>>
      %dma_start3A_339 = tpu.memref_squeeze %dma_start3A_338 : memref<1x128x16xf32, #tpu.memory_space<vmem>> -> memref<128x16xf32, #tpu.memory_space<vmem>>
      %dma_start3A_340 = arith.constant 0 : i32
      %dma_start3A_341 = tpu.memref_slice %arg6[%add3A_328, %dma_start3A_340] : memref<152x128xi32, #tpu.memory_space<vmem>> -> memref<1x128xi32, #tpu.memory_space<vmem>>
      %dma_start3A_342 = tpu.memref_squeeze %dma_start3A_341 : memref<1x128xi32, #tpu.memory_space<vmem>> -> memref<128xi32, #tpu.memory_space<vmem>>
      %dma_start3A_343 = arith.constant 0 : i32
      %dma_start3A_344 = arith.constant 0 : i32
      %dma_start3A_345 = tpu.memref_slice %arg4[%dma_start3A_343, %dma_start3A_344] : memref<10000x16xf32, #tpu.memory_space<hbm>> -> memref<10000x16xf32, #tpu.memory_space<hbm>>
      %dma_start3A_346 = tpu.memref_slice %arg11[%dma_start3A_335] : memref<8x!tpu.dma_semaphore, #tpu.memory_space<semaphore_mem>> -> memref<1x!tpu.dma_semaphore, #tpu.memory_space<semaphore_mem>>
      %dma_start3A_347 = tpu.memref_squeeze %dma_start3A_346 : memref<1x!tpu.dma_semaphore, #tpu.memory_space<semaphore_mem>> -> memref<!tpu.dma_semaphore, #tpu.memory_space<semaphore_mem>>
      tpu.enqueue_indirect_dma source(%dma_start3A_345 : memref<10000x16xf32, #tpu.memory_space<hbm>>) target(%dma_start3A_339 : memref<128x16xf32, #tpu.memory_space<vmem>>) offsets(%dma_start3A_342 : memref<128xi32, #tpu.memory_space<vmem>>) semaphore(%dma_start3A_347 : memref<!tpu.dma_semaphore, #tpu.memory_space<semaphore_mem>>)
      %add3A_348 = arith.constant 0 : i32
      %add3A_349 = arith.addi %mul3A_181, %add3A_348 : i32
      %dma_wait3A_350 = arith.constant 0 : i32
      %dma_wait3A_351 = arith.constant 0 : i32
      %dma_wait3A_352 = arith.constant 0 : i32
      %dma_wait3A_353 = arith.constant 0 : i32
      %dma_wait3A_354 = tpu.memref_slice %arg8[%dma_wait3A_350, %dma_wait3A_352, %dma_wait3A_353] : memref<8x128x16xf32, #tpu.memory_space<vmem>> -> memref<1x128x16xf32, #tpu.memory_space<vmem>>
      %dma_wait3A_355 = tpu.memref_squeeze %dma_wait3A_354 : memref<1x128x16xf32, #tpu.memory_space<vmem>> -> memref<128x16xf32, #tpu.memory_space<vmem>>
      %dma_wait3A_356 = arith.constant 0 : i32
      %dma_wait3A_357 = tpu.memref_slice %arg6[%add3A_349, %dma_wait3A_356] : memref<152x128xi32, #tpu.memory_space<vmem>> -> memref<1x128xi32, #tpu.memory_space<vmem>>
      %dma_wait3A_358 = tpu.memref_squeeze %dma_wait3A_357 : memref<1x128xi32, #tpu.memory_space<vmem>> -> memref<128xi32, #tpu.memory_space<vmem>>
      %dma_wait3A_359 = arith.constant 0 : i32
      %dma_wait3A_360 = arith.constant 0 : i32
      %dma_wait3A_361 = tpu.memref_slice %arg4[%dma_wait3A_359, %dma_wait3A_360] : memref<10000x16xf32, #tpu.memory_space<hbm>> -> memref<10000x16xf32, #tpu.memory_space<hbm>>
      %dma_wait3A_362 = tpu.memref_slice %arg11[%dma_wait3A_351] : memref<8x!tpu.dma_semaphore, #tpu.memory_space<semaphore_mem>> -> memref<1x!tpu.dma_semaphore, #tpu.memory_space<semaphore_mem>>
      %dma_wait3A_363 = tpu.memref_squeeze %dma_wait3A_362 : memref<1x!tpu.dma_semaphore, #tpu.memory_space<semaphore_mem>> -> memref<!tpu.dma_semaphore, #tpu.memory_space<semaphore_mem>>
      tpu.wait_indirect_dma semaphore(%dma_wait3A_363 : memref<!tpu.dma_semaphore, #tpu.memory_space<semaphore_mem>>) src(%dma_wait3A_361 : memref<10000x16xf32, #tpu.memory_space<hbm>>) dst(%dma_wait3A_355 : memref<128x16xf32, #tpu.memory_space<vmem>>)
      %dma_start3A_364 = arith.constant 0 : i32
      %dma_start3A_365 = arith.constant 0 : i32
      %dma_start3A_366 = arith.constant 0 : i32
      %dma_start3A_367 = arith.constant 0 : i32
      %dma_start3A_368 = tpu.memref_slice %arg8[%dma_start3A_364, %dma_start3A_366, %dma_start3A_367] : memref<8x128x16xf32, #tpu.memory_space<vmem>> -> memref<1x128x16xf32, #tpu.memory_space<vmem>>
      %dma_start3A_369 = tpu.memref_squeeze %dma_start3A_368 : memref<1x128x16xf32, #tpu.memory_space<vmem>> -> memref<128x16xf32, #tpu.memory_space<vmem>>
      %dma_start3A_370 = arith.constant 0 : i32
      %dma_start3A_371 = tpu.memref_slice %arg7[%add3A_349, %dma_start3A_370] : memref<152x128xi32, #tpu.memory_space<vmem>> -> memref<1x128xi32, #tpu.memory_space<vmem>>
      %dma_start3A_372 = tpu.memref_squeeze %dma_start3A_371 : memref<1x128xi32, #tpu.memory_space<vmem>> -> memref<128xi32, #tpu.memory_space<vmem>>
      %dma_start3A_373 = arith.constant 0 : i32
      %dma_start3A_374 = arith.constant 0 : i32
      %dma_start3A_375 = tpu.memref_slice %arg10[%dma_start3A_373, %dma_start3A_374] : memref<10240x16xf32, #tpu.memory_space<vmem_shared>> -> memref<10240x16xf32, #tpu.memory_space<vmem_shared>>
      %dma_start3A_376 = tpu.memref_slice %arg12[%dma_start3A_365] : memref<8x!tpu.dma_semaphore, #tpu.memory_space<semaphore_mem>> -> memref<1x!tpu.dma_semaphore, #tpu.memory_space<semaphore_mem>>
      %dma_start3A_377 = tpu.memref_squeeze %dma_start3A_376 : memref<1x!tpu.dma_semaphore, #tpu.memory_space<semaphore_mem>> -> memref<!tpu.dma_semaphore, #tpu.memory_space<semaphore_mem>>
      tpu.enqueue_indirect_dma source(%dma_start3A_369 : memref<128x16xf32, #tpu.memory_space<vmem>>) target(%dma_start3A_375 : memref<10240x16xf32, #tpu.memory_space<vmem_shared>>) offsets(%dma_start3A_372 : memref<128xi32, #tpu.memory_space<vmem>>) semaphore(%dma_start3A_377 : memref<!tpu.dma_semaphore, #tpu.memory_space<semaphore_mem>>) {add = true}
      %add3A_378 = arith.constant 1 : i32
      %add3A_379 = arith.addi %mul3A_181, %add3A_378 : i32
      %dma_wait3A_380 = arith.constant 1 : i32
      %dma_wait3A_381 = arith.constant 1 : i32
      %dma_wait3A_382 = arith.constant 0 : i32
      %dma_wait3A_383 = arith.constant 0 : i32
      %dma_wait3A_384 = tpu.memref_slice %arg8[%dma_wait3A_380, %dma_wait3A_382, %dma_wait3A_383] : memref<8x128x16xf32, #tpu.memory_space<vmem>> -> memref<1x128x16xf32, #tpu.memory_space<vmem>>
      %dma_wait3A_385 = tpu.memref_squeeze %dma_wait3A_384 : memref<1x128x16xf32, #tpu.memory_space<vmem>> -> memref<128x16xf32, #tpu.memory_space<vmem>>
      %dma_wait3A_386 = arith.constant 0 : i32
      %dma_wait3A_387 = tpu.memref_slice %arg6[%add3A_379, %dma_wait3A_386] : memref<152x128xi32, #tpu.memory_space<vmem>> -> memref<1x128xi32, #tpu.memory_space<vmem>>
      %dma_wait3A_388 = tpu.memref_squeeze %dma_wait3A_387 : memref<1x128xi32, #tpu.memory_space<vmem>> -> memref<128xi32, #tpu.memory_space<vmem>>
      %dma_wait3A_389 = arith.constant 0 : i32
      %dma_wait3A_390 = arith.constant 0 : i32
      %dma_wait3A_391 = tpu.memref_slice %arg4[%dma_wait3A_389, %dma_wait3A_390] : memref<10000x16xf32, #tpu.memory_space<hbm>> -> memref<10000x16xf32, #tpu.memory_space<hbm>>
      %dma_wait3A_392 = tpu.memref_slice %arg11[%dma_wait3A_381] : memref<8x!tpu.dma_semaphore, #tpu.memory_space<semaphore_mem>> -> memref<1x!tpu.dma_semaphore, #tpu.memory_space<semaphore_mem>>
      %dma_wait3A_393 = tpu.memref_squeeze %dma_wait3A_392 : memref<1x!tpu.dma_semaphore, #tpu.memory_space<semaphore_mem>> -> memref<!tpu.dma_semaphore, #tpu.memory_space<semaphore_mem>>
      tpu.wait_indirect_dma semaphore(%dma_wait3A_393 : memref<!tpu.dma_semaphore, #tpu.memory_space<semaphore_mem>>) src(%dma_wait3A_391 : memref<10000x16xf32, #tpu.memory_space<hbm>>) dst(%dma_wait3A_385 : memref<128x16xf32, #tpu.memory_space<vmem>>)
      %dma_start3A_394 = arith.constant 1 : i32
      %dma_start3A_395 = arith.constant 1 : i32
      %dma_start3A_396 = arith.constant 0 : i32
      %dma_start3A_397 = arith.constant 0 : i32
      %dma_start3A_398 = tpu.memref_slice %arg8[%dma_start3A_394, %dma_start3A_396, %dma_start3A_397] : memref<8x128x16xf32, #tpu.memory_space<vmem>> -> memref<1x128x16xf32, #tpu.memory_space<vmem>>
      %dma_start3A_399 = tpu.memref_squeeze %dma_start3A_398 : memref<1x128x16xf32, #tpu.memory_space<vmem>> -> memref<128x16xf32, #tpu.memory_space<vmem>>
      %dma_start3A_400 = arith.constant 0 : i32
      %dma_start3A_401 = tpu.memref_slice %arg7[%add3A_379, %dma_start3A_400] : memref<152x128xi32, #tpu.memory_space<vmem>> -> memref<1x128xi32, #tpu.memory_space<vmem>>
      %dma_start3A_402 = tpu.memref_squeeze %dma_start3A_401 : memref<1x128xi32, #tpu.memory_space<vmem>> -> memref<128xi32, #tpu.memory_space<vmem>>
      %dma_start3A_403 = arith.constant 0 : i32
      %dma_start3A_404 = arith.constant 0 : i32
      %dma_start3A_405 = tpu.memref_slice %arg10[%dma_start3A_403, %dma_start3A_404] : memref<10240x16xf32, #tpu.memory_space<vmem_shared>> -> memref<10240x16xf32, #tpu.memory_space<vmem_shared>>
      %dma_start3A_406 = tpu.memref_slice %arg12[%dma_start3A_395] : memref<8x!tpu.dma_semaphore, #tpu.memory_space<semaphore_mem>> -> memref<1x!tpu.dma_semaphore, #tpu.memory_space<semaphore_mem>>
      %dma_start3A_407 = tpu.memref_squeeze %dma_start3A_406 : memref<1x!tpu.dma_semaphore, #tpu.memory_space<semaphore_mem>> -> memref<!tpu.dma_semaphore, #tpu.memory_space<semaphore_mem>>
      tpu.enqueue_indirect_dma source(%dma_start3A_399 : memref<128x16xf32, #tpu.memory_space<vmem>>) target(%dma_start3A_405 : memref<10240x16xf32, #tpu.memory_space<vmem_shared>>) offsets(%dma_start3A_402 : memref<128xi32, #tpu.memory_space<vmem>>) semaphore(%dma_start3A_407 : memref<!tpu.dma_semaphore, #tpu.memory_space<semaphore_mem>>) {add = true}
      %add3A_408 = arith.constant 2 : i32
      %add3A_409 = arith.addi %mul3A_181, %add3A_408 : i32
      %dma_wait3A_410 = arith.constant 2 : i32
      %dma_wait3A_411 = arith.constant 2 : i32
      %dma_wait3A_412 = arith.constant 0 : i32
      %dma_wait3A_413 = arith.constant 0 : i32
      %dma_wait3A_414 = tpu.memref_slice %arg8[%dma_wait3A_410, %dma_wait3A_412, %dma_wait3A_413] : memref<8x128x16xf32, #tpu.memory_space<vmem>> -> memref<1x128x16xf32, #tpu.memory_space<vmem>>
      %dma_wait3A_415 = tpu.memref_squeeze %dma_wait3A_414 : memref<1x128x16xf32, #tpu.memory_space<vmem>> -> memref<128x16xf32, #tpu.memory_space<vmem>>
      %dma_wait3A_416 = arith.constant 0 : i32
      %dma_wait3A_417 = tpu.memref_slice %arg6[%add3A_409, %dma_wait3A_416] : memref<152x128xi32, #tpu.memory_space<vmem>> -> memref<1x128xi32, #tpu.memory_space<vmem>>
      %dma_wait3A_418 = tpu.memref_squeeze %dma_wait3A_417 : memref<1x128xi32, #tpu.memory_space<vmem>> -> memref<128xi32, #tpu.memory_space<vmem>>
      %dma_wait3A_419 = arith.constant 0 : i32
      %dma_wait3A_420 = arith.constant 0 : i32
      %dma_wait3A_421 = tpu.memref_slice %arg4[%dma_wait3A_419, %dma_wait3A_420] : memref<10000x16xf32, #tpu.memory_space<hbm>> -> memref<10000x16xf32, #tpu.memory_space<hbm>>
      %dma_wait3A_422 = tpu.memref_slice %arg11[%dma_wait3A_411] : memref<8x!tpu.dma_semaphore, #tpu.memory_space<semaphore_mem>> -> memref<1x!tpu.dma_semaphore, #tpu.memory_space<semaphore_mem>>
      %dma_wait3A_423 = tpu.memref_squeeze %dma_wait3A_422 : memref<1x!tpu.dma_semaphore, #tpu.memory_space<semaphore_mem>> -> memref<!tpu.dma_semaphore, #tpu.memory_space<semaphore_mem>>
      tpu.wait_indirect_dma semaphore(%dma_wait3A_423 : memref<!tpu.dma_semaphore, #tpu.memory_space<semaphore_mem>>) src(%dma_wait3A_421 : memref<10000x16xf32, #tpu.memory_space<hbm>>) dst(%dma_wait3A_415 : memref<128x16xf32, #tpu.memory_space<vmem>>)
      %dma_start3A_424 = arith.constant 2 : i32
      %dma_start3A_425 = arith.constant 2 : i32
      %dma_start3A_426 = arith.constant 0 : i32
      %dma_start3A_427 = arith.constant 0 : i32
      %dma_start3A_428 = tpu.memref_slice %arg8[%dma_start3A_424, %dma_start3A_426, %dma_start3A_427] : memref<8x128x16xf32, #tpu.memory_space<vmem>> -> memref<1x128x16xf32, #tpu.memory_space<vmem>>
      %dma_start3A_429 = tpu.memref_squeeze %dma_start3A_428 : memref<1x128x16xf32, #tpu.memory_space<vmem>> -> memref<128x16xf32, #tpu.memory_space<vmem>>
      %dma_start3A_430 = arith.constant 0 : i32
      %dma_start3A_431 = tpu.memref_slice %arg7[%add3A_409, %dma_start3A_430] : memref<152x128xi32, #tpu.memory_space<vmem>> -> memref<1x128xi32, #tpu.memory_space<vmem>>
      %dma_start3A_432 = tpu.memref_squeeze %dma_start3A_431 : memref<1x128xi32, #tpu.memory_space<vmem>> -> memref<128xi32, #tpu.memory_space<vmem>>
      %dma_start3A_433 = arith.constant 0 : i32
      %dma_start3A_434 = arith.constant 0 : i32
      %dma_start3A_435 = tpu.memref_slice %arg10[%dma_start3A_433, %dma_start3A_434] : memref<10240x16xf32, #tpu.memory_space<vmem_shared>> -> memref<10240x16xf32, #tpu.memory_space<vmem_shared>>
      %dma_start3A_436 = tpu.memref_slice %arg12[%dma_start3A_425] : memref<8x!tpu.dma_semaphore, #tpu.memory_space<semaphore_mem>> -> memref<1x!tpu.dma_semaphore, #tpu.memory_space<semaphore_mem>>
      %dma_start3A_437 = tpu.memref_squeeze %dma_start3A_436 : memref<1x!tpu.dma_semaphore, #tpu.memory_space<semaphore_mem>> -> memref<!tpu.dma_semaphore, #tpu.memory_space<semaphore_mem>>
      tpu.enqueue_indirect_dma source(%dma_start3A_429 : memref<128x16xf32, #tpu.memory_space<vmem>>) target(%dma_start3A_435 : memref<10240x16xf32, #tpu.memory_space<vmem_shared>>) offsets(%dma_start3A_432 : memref<128xi32, #tpu.memory_space<vmem>>) semaphore(%dma_start3A_437 : memref<!tpu.dma_semaphore, #tpu.memory_space<semaphore_mem>>) {add = true}
      %add3A_438 = arith.constant 3 : i32
      %add3A_439 = arith.addi %mul3A_181, %add3A_438 : i32
      %dma_wait3A_440 = arith.constant 3 : i32
      %dma_wait3A_441 = arith.constant 3 : i32
      %dma_wait3A_442 = arith.constant 0 : i32
      %dma_wait3A_443 = arith.constant 0 : i32
      %dma_wait3A_444 = tpu.memref_slice %arg8[%dma_wait3A_440, %dma_wait3A_442, %dma_wait3A_443] : memref<8x128x16xf32, #tpu.memory_space<vmem>> -> memref<1x128x16xf32, #tpu.memory_space<vmem>>
      %dma_wait3A_445 = tpu.memref_squeeze %dma_wait3A_444 : memref<1x128x16xf32, #tpu.memory_space<vmem>> -> memref<128x16xf32, #tpu.memory_space<vmem>>
      %dma_wait3A_446 = arith.constant 0 : i32
      %dma_wait3A_447 = tpu.memref_slice %arg6[%add3A_439, %dma_wait3A_446] : memref<152x128xi32, #tpu.memory_space<vmem>> -> memref<1x128xi32, #tpu.memory_space<vmem>>
      %dma_wait3A_448 = tpu.memref_squeeze %dma_wait3A_447 : memref<1x128xi32, #tpu.memory_space<vmem>> -> memref<128xi32, #tpu.memory_space<vmem>>
      %dma_wait3A_449 = arith.constant 0 : i32
      %dma_wait3A_450 = arith.constant 0 : i32
      %dma_wait3A_451 = tpu.memref_slice %arg4[%dma_wait3A_449, %dma_wait3A_450] : memref<10000x16xf32, #tpu.memory_space<hbm>> -> memref<10000x16xf32, #tpu.memory_space<hbm>>
      %dma_wait3A_452 = tpu.memref_slice %arg11[%dma_wait3A_441] : memref<8x!tpu.dma_semaphore, #tpu.memory_space<semaphore_mem>> -> memref<1x!tpu.dma_semaphore, #tpu.memory_space<semaphore_mem>>
      %dma_wait3A_453 = tpu.memref_squeeze %dma_wait3A_452 : memref<1x!tpu.dma_semaphore, #tpu.memory_space<semaphore_mem>> -> memref<!tpu.dma_semaphore, #tpu.memory_space<semaphore_mem>>
      tpu.wait_indirect_dma semaphore(%dma_wait3A_453 : memref<!tpu.dma_semaphore, #tpu.memory_space<semaphore_mem>>) src(%dma_wait3A_451 : memref<10000x16xf32, #tpu.memory_space<hbm>>) dst(%dma_wait3A_445 : memref<128x16xf32, #tpu.memory_space<vmem>>)
      %dma_start3A_454 = arith.constant 3 : i32
      %dma_start3A_455 = arith.constant 3 : i32
      %dma_start3A_456 = arith.constant 0 : i32
      %dma_start3A_457 = arith.constant 0 : i32
      %dma_start3A_458 = tpu.memref_slice %arg8[%dma_start3A_454, %dma_start3A_456, %dma_start3A_457] : memref<8x128x16xf32, #tpu.memory_space<vmem>> -> memref<1x128x16xf32, #tpu.memory_space<vmem>>
      %dma_start3A_459 = tpu.memref_squeeze %dma_start3A_458 : memref<1x128x16xf32, #tpu.memory_space<vmem>> -> memref<128x16xf32, #tpu.memory_space<vmem>>
      %dma_start3A_460 = arith.constant 0 : i32
      %dma_start3A_461 = tpu.memref_slice %arg7[%add3A_439, %dma_start3A_460] : memref<152x128xi32, #tpu.memory_space<vmem>> -> memref<1x128xi32, #tpu.memory_space<vmem>>
      %dma_start3A_462 = tpu.memref_squeeze %dma_start3A_461 : memref<1x128xi32, #tpu.memory_space<vmem>> -> memref<128xi32, #tpu.memory_space<vmem>>
      %dma_start3A_463 = arith.constant 0 : i32
      %dma_start3A_464 = arith.constant 0 : i32
      %dma_start3A_465 = tpu.memref_slice %arg10[%dma_start3A_463, %dma_start3A_464] : memref<10240x16xf32, #tpu.memory_space<vmem_shared>> -> memref<10240x16xf32, #tpu.memory_space<vmem_shared>>
      %dma_start3A_466 = tpu.memref_slice %arg12[%dma_start3A_455] : memref<8x!tpu.dma_semaphore, #tpu.memory_space<semaphore_mem>> -> memref<1x!tpu.dma_semaphore, #tpu.memory_space<semaphore_mem>>
      %dma_start3A_467 = tpu.memref_squeeze %dma_start3A_466 : memref<1x!tpu.dma_semaphore, #tpu.memory_space<semaphore_mem>> -> memref<!tpu.dma_semaphore, #tpu.memory_space<semaphore_mem>>
      tpu.enqueue_indirect_dma source(%dma_start3A_459 : memref<128x16xf32, #tpu.memory_space<vmem>>) target(%dma_start3A_465 : memref<10240x16xf32, #tpu.memory_space<vmem_shared>>) offsets(%dma_start3A_462 : memref<128xi32, #tpu.memory_space<vmem>>) semaphore(%dma_start3A_467 : memref<!tpu.dma_semaphore, #tpu.memory_space<semaphore_mem>>) {add = true}
      %add3A_468 = arith.constant 4 : i32
      %add3A_469 = arith.addi %mul3A_181, %add3A_468 : i32
      %dma_wait3A_470 = arith.constant 4 : i32
      %dma_wait3A_471 = arith.constant 4 : i32
      %dma_wait3A_472 = arith.constant 0 : i32
      %dma_wait3A_473 = arith.constant 0 : i32
      %dma_wait3A_474 = tpu.memref_slice %arg8[%dma_wait3A_470, %dma_wait3A_472, %dma_wait3A_473] : memref<8x128x16xf32, #tpu.memory_space<vmem>> -> memref<1x128x16xf32, #tpu.memory_space<vmem>>
      %dma_wait3A_475 = tpu.memref_squeeze %dma_wait3A_474 : memref<1x128x16xf32, #tpu.memory_space<vmem>> -> memref<128x16xf32, #tpu.memory_space<vmem>>
      %dma_wait3A_476 = arith.constant 0 : i32
      %dma_wait3A_477 = tpu.memref_slice %arg6[%add3A_469, %dma_wait3A_476] : memref<152x128xi32, #tpu.memory_space<vmem>> -> memref<1x128xi32, #tpu.memory_space<vmem>>
      %dma_wait3A_478 = tpu.memref_squeeze %dma_wait3A_477 : memref<1x128xi32, #tpu.memory_space<vmem>> -> memref<128xi32, #tpu.memory_space<vmem>>
      %dma_wait3A_479 = arith.constant 0 : i32
      %dma_wait3A_480 = arith.constant 0 : i32
      %dma_wait3A_481 = tpu.memref_slice %arg4[%dma_wait3A_479, %dma_wait3A_480] : memref<10000x16xf32, #tpu.memory_space<hbm>> -> memref<10000x16xf32, #tpu.memory_space<hbm>>
      %dma_wait3A_482 = tpu.memref_slice %arg11[%dma_wait3A_471] : memref<8x!tpu.dma_semaphore, #tpu.memory_space<semaphore_mem>> -> memref<1x!tpu.dma_semaphore, #tpu.memory_space<semaphore_mem>>
      %dma_wait3A_483 = tpu.memref_squeeze %dma_wait3A_482 : memref<1x!tpu.dma_semaphore, #tpu.memory_space<semaphore_mem>> -> memref<!tpu.dma_semaphore, #tpu.memory_space<semaphore_mem>>
      tpu.wait_indirect_dma semaphore(%dma_wait3A_483 : memref<!tpu.dma_semaphore, #tpu.memory_space<semaphore_mem>>) src(%dma_wait3A_481 : memref<10000x16xf32, #tpu.memory_space<hbm>>) dst(%dma_wait3A_475 : memref<128x16xf32, #tpu.memory_space<vmem>>)
      %dma_start3A_484 = arith.constant 4 : i32
      %dma_start3A_485 = arith.constant 4 : i32
      %dma_start3A_486 = arith.constant 0 : i32
      %dma_start3A_487 = arith.constant 0 : i32
      %dma_start3A_488 = tpu.memref_slice %arg8[%dma_start3A_484, %dma_start3A_486, %dma_start3A_487] : memref<8x128x16xf32, #tpu.memory_space<vmem>> -> memref<1x128x16xf32, #tpu.memory_space<vmem>>
      %dma_start3A_489 = tpu.memref_squeeze %dma_start3A_488 : memref<1x128x16xf32, #tpu.memory_space<vmem>> -> memref<128x16xf32, #tpu.memory_space<vmem>>
      %dma_start3A_490 = arith.constant 0 : i32
      %dma_start3A_491 = tpu.memref_slice %arg7[%add3A_469, %dma_start3A_490] : memref<152x128xi32, #tpu.memory_space<vmem>> -> memref<1x128xi32, #tpu.memory_space<vmem>>
      %dma_start3A_492 = tpu.memref_squeeze %dma_start3A_491 : memref<1x128xi32, #tpu.memory_space<vmem>> -> memref<128xi32, #tpu.memory_space<vmem>>
      %dma_start3A_493 = arith.constant 0 : i32
      %dma_start3A_494 = arith.constant 0 : i32
      %dma_start3A_495 = tpu.memref_slice %arg10[%dma_start3A_493, %dma_start3A_494] : memref<10240x16xf32, #tpu.memory_space<vmem_shared>> -> memref<10240x16xf32, #tpu.memory_space<vmem_shared>>
      %dma_start3A_496 = tpu.memref_slice %arg12[%dma_start3A_485] : memref<8x!tpu.dma_semaphore, #tpu.memory_space<semaphore_mem>> -> memref<1x!tpu.dma_semaphore, #tpu.memory_space<semaphore_mem>>
      %dma_start3A_497 = tpu.memref_squeeze %dma_start3A_496 : memref<1x!tpu.dma_semaphore, #tpu.memory_space<semaphore_mem>> -> memref<!tpu.dma_semaphore, #tpu.memory_space<semaphore_mem>>
      tpu.enqueue_indirect_dma source(%dma_start3A_489 : memref<128x16xf32, #tpu.memory_space<vmem>>) target(%dma_start3A_495 : memref<10240x16xf32, #tpu.memory_space<vmem_shared>>) offsets(%dma_start3A_492 : memref<128xi32, #tpu.memory_space<vmem>>) semaphore(%dma_start3A_497 : memref<!tpu.dma_semaphore, #tpu.memory_space<semaphore_mem>>) {add = true}
      %add3A_498 = arith.constant 5 : i32
      %add3A_499 = arith.addi %mul3A_181, %add3A_498 : i32
      %dma_wait3A_500 = arith.constant 5 : i32
      %dma_wait3A_501 = arith.constant 5 : i32
      %dma_wait3A_502 = arith.constant 0 : i32
      %dma_wait3A_503 = arith.constant 0 : i32
      %dma_wait3A_504 = tpu.memref_slice %arg8[%dma_wait3A_500, %dma_wait3A_502, %dma_wait3A_503] : memref<8x128x16xf32, #tpu.memory_space<vmem>> -> memref<1x128x16xf32, #tpu.memory_space<vmem>>
      %dma_wait3A_505 = tpu.memref_squeeze %dma_wait3A_504 : memref<1x128x16xf32, #tpu.memory_space<vmem>> -> memref<128x16xf32, #tpu.memory_space<vmem>>
      %dma_wait3A_506 = arith.constant 0 : i32
      %dma_wait3A_507 = tpu.memref_slice %arg6[%add3A_499, %dma_wait3A_506] : memref<152x128xi32, #tpu.memory_space<vmem>> -> memref<1x128xi32, #tpu.memory_space<vmem>>
      %dma_wait3A_508 = tpu.memref_squeeze %dma_wait3A_507 : memref<1x128xi32, #tpu.memory_space<vmem>> -> memref<128xi32, #tpu.memory_space<vmem>>
      %dma_wait3A_509 = arith.constant 0 : i32
      %dma_wait3A_510 = arith.constant 0 : i32
      %dma_wait3A_511 = tpu.memref_slice %arg4[%dma_wait3A_509, %dma_wait3A_510] : memref<10000x16xf32, #tpu.memory_space<hbm>> -> memref<10000x16xf32, #tpu.memory_space<hbm>>
      %dma_wait3A_512 = tpu.memref_slice %arg11[%dma_wait3A_501] : memref<8x!tpu.dma_semaphore, #tpu.memory_space<semaphore_mem>> -> memref<1x!tpu.dma_semaphore, #tpu.memory_space<semaphore_mem>>
      %dma_wait3A_513 = tpu.memref_squeeze %dma_wait3A_512 : memref<1x!tpu.dma_semaphore, #tpu.memory_space<semaphore_mem>> -> memref<!tpu.dma_semaphore, #tpu.memory_space<semaphore_mem>>
      tpu.wait_indirect_dma semaphore(%dma_wait3A_513 : memref<!tpu.dma_semaphore, #tpu.memory_space<semaphore_mem>>) src(%dma_wait3A_511 : memref<10000x16xf32, #tpu.memory_space<hbm>>) dst(%dma_wait3A_505 : memref<128x16xf32, #tpu.memory_space<vmem>>)
      %dma_start3A_514 = arith.constant 5 : i32
      %dma_start3A_515 = arith.constant 5 : i32
      %dma_start3A_516 = arith.constant 0 : i32
      %dma_start3A_517 = arith.constant 0 : i32
      %dma_start3A_518 = tpu.memref_slice %arg8[%dma_start3A_514, %dma_start3A_516, %dma_start3A_517] : memref<8x128x16xf32, #tpu.memory_space<vmem>> -> memref<1x128x16xf32, #tpu.memory_space<vmem>>
      %dma_start3A_519 = tpu.memref_squeeze %dma_start3A_518 : memref<1x128x16xf32, #tpu.memory_space<vmem>> -> memref<128x16xf32, #tpu.memory_space<vmem>>
      %dma_start3A_520 = arith.constant 0 : i32
      %dma_start3A_521 = tpu.memref_slice %arg7[%add3A_499, %dma_start3A_520] : memref<152x128xi32, #tpu.memory_space<vmem>> -> memref<1x128xi32, #tpu.memory_space<vmem>>
      %dma_start3A_522 = tpu.memref_squeeze %dma_start3A_521 : memref<1x128xi32, #tpu.memory_space<vmem>> -> memref<128xi32, #tpu.memory_space<vmem>>
      %dma_start3A_523 = arith.constant 0 : i32
      %dma_start3A_524 = arith.constant 0 : i32
      %dma_start3A_525 = tpu.memref_slice %arg10[%dma_start3A_523, %dma_start3A_524] : memref<10240x16xf32, #tpu.memory_space<vmem_shared>> -> memref<10240x16xf32, #tpu.memory_space<vmem_shared>>
      %dma_start3A_526 = tpu.memref_slice %arg12[%dma_start3A_515] : memref<8x!tpu.dma_semaphore, #tpu.memory_space<semaphore_mem>> -> memref<1x!tpu.dma_semaphore, #tpu.memory_space<semaphore_mem>>
      %dma_start3A_527 = tpu.memref_squeeze %dma_start3A_526 : memref<1x!tpu.dma_semaphore, #tpu.memory_space<semaphore_mem>> -> memref<!tpu.dma_semaphore, #tpu.memory_space<semaphore_mem>>
      tpu.enqueue_indirect_dma source(%dma_start3A_519 : memref<128x16xf32, #tpu.memory_space<vmem>>) target(%dma_start3A_525 : memref<10240x16xf32, #tpu.memory_space<vmem_shared>>) offsets(%dma_start3A_522 : memref<128xi32, #tpu.memory_space<vmem>>) semaphore(%dma_start3A_527 : memref<!tpu.dma_semaphore, #tpu.memory_space<semaphore_mem>>) {add = true}
      %add3A_528 = arith.constant 6 : i32
      %add3A_529 = arith.addi %mul3A_181, %add3A_528 : i32
      %dma_wait3A_530 = arith.constant 6 : i32
      %dma_wait3A_531 = arith.constant 6 : i32
      %dma_wait3A_532 = arith.constant 0 : i32
      %dma_wait3A_533 = arith.constant 0 : i32
      %dma_wait3A_534 = tpu.memref_slice %arg8[%dma_wait3A_530, %dma_wait3A_532, %dma_wait3A_533] : memref<8x128x16xf32, #tpu.memory_space<vmem>> -> memref<1x128x16xf32, #tpu.memory_space<vmem>>
      %dma_wait3A_535 = tpu.memref_squeeze %dma_wait3A_534 : memref<1x128x16xf32, #tpu.memory_space<vmem>> -> memref<128x16xf32, #tpu.memory_space<vmem>>
      %dma_wait3A_536 = arith.constant 0 : i32
      %dma_wait3A_537 = tpu.memref_slice %arg6[%add3A_529, %dma_wait3A_536] : memref<152x128xi32, #tpu.memory_space<vmem>> -> memref<1x128xi32, #tpu.memory_space<vmem>>
      %dma_wait3A_538 = tpu.memref_squeeze %dma_wait3A_537 : memref<1x128xi32, #tpu.memory_space<vmem>> -> memref<128xi32, #tpu.memory_space<vmem>>
      %dma_wait3A_539 = arith.constant 0 : i32
      %dma_wait3A_540 = arith.constant 0 : i32
      %dma_wait3A_541 = tpu.memref_slice %arg4[%dma_wait3A_539, %dma_wait3A_540] : memref<10000x16xf32, #tpu.memory_space<hbm>> -> memref<10000x16xf32, #tpu.memory_space<hbm>>
      %dma_wait3A_542 = tpu.memref_slice %arg11[%dma_wait3A_531] : memref<8x!tpu.dma_semaphore, #tpu.memory_space<semaphore_mem>> -> memref<1x!tpu.dma_semaphore, #tpu.memory_space<semaphore_mem>>
      %dma_wait3A_543 = tpu.memref_squeeze %dma_wait3A_542 : memref<1x!tpu.dma_semaphore, #tpu.memory_space<semaphore_mem>> -> memref<!tpu.dma_semaphore, #tpu.memory_space<semaphore_mem>>
      tpu.wait_indirect_dma semaphore(%dma_wait3A_543 : memref<!tpu.dma_semaphore, #tpu.memory_space<semaphore_mem>>) src(%dma_wait3A_541 : memref<10000x16xf32, #tpu.memory_space<hbm>>) dst(%dma_wait3A_535 : memref<128x16xf32, #tpu.memory_space<vmem>>)
      %dma_start3A_544 = arith.constant 6 : i32
      %dma_start3A_545 = arith.constant 6 : i32
      %dma_start3A_546 = arith.constant 0 : i32
      %dma_start3A_547 = arith.constant 0 : i32
      %dma_start3A_548 = tpu.memref_slice %arg8[%dma_start3A_544, %dma_start3A_546, %dma_start3A_547] : memref<8x128x16xf32, #tpu.memory_space<vmem>> -> memref<1x128x16xf32, #tpu.memory_space<vmem>>
      %dma_start3A_549 = tpu.memref_squeeze %dma_start3A_548 : memref<1x128x16xf32, #tpu.memory_space<vmem>> -> memref<128x16xf32, #tpu.memory_space<vmem>>
      %dma_start3A_550 = arith.constant 0 : i32
      %dma_start3A_551 = tpu.memref_slice %arg7[%add3A_529, %dma_start3A_550] : memref<152x128xi32, #tpu.memory_space<vmem>> -> memref<1x128xi32, #tpu.memory_space<vmem>>
      %dma_start3A_552 = tpu.memref_squeeze %dma_start3A_551 : memref<1x128xi32, #tpu.memory_space<vmem>> -> memref<128xi32, #tpu.memory_space<vmem>>
      %dma_start3A_553 = arith.constant 0 : i32
      %dma_start3A_554 = arith.constant 0 : i32
      %dma_start3A_555 = tpu.memref_slice %arg10[%dma_start3A_553, %dma_start3A_554] : memref<10240x16xf32, #tpu.memory_space<vmem_shared>> -> memref<10240x16xf32, #tpu.memory_space<vmem_shared>>
      %dma_start3A_556 = tpu.memref_slice %arg12[%dma_start3A_545] : memref<8x!tpu.dma_semaphore, #tpu.memory_space<semaphore_mem>> -> memref<1x!tpu.dma_semaphore, #tpu.memory_space<semaphore_mem>>
      %dma_start3A_557 = tpu.memref_squeeze %dma_start3A_556 : memref<1x!tpu.dma_semaphore, #tpu.memory_space<semaphore_mem>> -> memref<!tpu.dma_semaphore, #tpu.memory_space<semaphore_mem>>
      tpu.enqueue_indirect_dma source(%dma_start3A_549 : memref<128x16xf32, #tpu.memory_space<vmem>>) target(%dma_start3A_555 : memref<10240x16xf32, #tpu.memory_space<vmem_shared>>) offsets(%dma_start3A_552 : memref<128xi32, #tpu.memory_space<vmem>>) semaphore(%dma_start3A_557 : memref<!tpu.dma_semaphore, #tpu.memory_space<semaphore_mem>>) {add = true}
      %add3A_558 = arith.constant 7 : i32
      %add3A_559 = arith.addi %mul3A_181, %add3A_558 : i32
      %dma_wait3A_560 = arith.constant 7 : i32
      %dma_wait3A_561 = arith.constant 7 : i32
      %dma_wait3A_562 = arith.constant 0 : i32
      %dma_wait3A_563 = arith.constant 0 : i32
      %dma_wait3A_564 = tpu.memref_slice %arg8[%dma_wait3A_560, %dma_wait3A_562, %dma_wait3A_563] : memref<8x128x16xf32, #tpu.memory_space<vmem>> -> memref<1x128x16xf32, #tpu.memory_space<vmem>>
      %dma_wait3A_565 = tpu.memref_squeeze %dma_wait3A_564 : memref<1x128x16xf32, #tpu.memory_space<vmem>> -> memref<128x16xf32, #tpu.memory_space<vmem>>
      %dma_wait3A_566 = arith.constant 0 : i32
      %dma_wait3A_567 = tpu.memref_slice %arg6[%add3A_559, %dma_wait3A_566] : memref<152x128xi32, #tpu.memory_space<vmem>> -> memref<1x128xi32, #tpu.memory_space<vmem>>
      %dma_wait3A_568 = tpu.memref_squeeze %dma_wait3A_567 : memref<1x128xi32, #tpu.memory_space<vmem>> -> memref<128xi32, #tpu.memory_space<vmem>>
      %dma_wait3A_569 = arith.constant 0 : i32
      %dma_wait3A_570 = arith.constant 0 : i32
      %dma_wait3A_571 = tpu.memref_slice %arg4[%dma_wait3A_569, %dma_wait3A_570] : memref<10000x16xf32, #tpu.memory_space<hbm>> -> memref<10000x16xf32, #tpu.memory_space<hbm>>
      %dma_wait3A_572 = tpu.memref_slice %arg11[%dma_wait3A_561] : memref<8x!tpu.dma_semaphore, #tpu.memory_space<semaphore_mem>> -> memref<1x!tpu.dma_semaphore, #tpu.memory_space<semaphore_mem>>
      %dma_wait3A_573 = tpu.memref_squeeze %dma_wait3A_572 : memref<1x!tpu.dma_semaphore, #tpu.memory_space<semaphore_mem>> -> memref<!tpu.dma_semaphore, #tpu.memory_space<semaphore_mem>>
      tpu.wait_indirect_dma semaphore(%dma_wait3A_573 : memref<!tpu.dma_semaphore, #tpu.memory_space<semaphore_mem>>) src(%dma_wait3A_571 : memref<10000x16xf32, #tpu.memory_space<hbm>>) dst(%dma_wait3A_565 : memref<128x16xf32, #tpu.memory_space<vmem>>)
      %dma_start3A_574 = arith.constant 7 : i32
      %dma_start3A_575 = arith.constant 7 : i32
      %dma_start3A_576 = arith.constant 0 : i32
      %dma_start3A_577 = arith.constant 0 : i32
      %dma_start3A_578 = tpu.memref_slice %arg8[%dma_start3A_574, %dma_start3A_576, %dma_start3A_577] : memref<8x128x16xf32, #tpu.memory_space<vmem>> -> memref<1x128x16xf32, #tpu.memory_space<vmem>>
      %dma_start3A_579 = tpu.memref_squeeze %dma_start3A_578 : memref<1x128x16xf32, #tpu.memory_space<vmem>> -> memref<128x16xf32, #tpu.memory_space<vmem>>
      %dma_start3A_580 = arith.constant 0 : i32
      %dma_start3A_581 = tpu.memref_slice %arg7[%add3A_559, %dma_start3A_580] : memref<152x128xi32, #tpu.memory_space<vmem>> -> memref<1x128xi32, #tpu.memory_space<vmem>>
      %dma_start3A_582 = tpu.memref_squeeze %dma_start3A_581 : memref<1x128xi32, #tpu.memory_space<vmem>> -> memref<128xi32, #tpu.memory_space<vmem>>
      %dma_start3A_583 = arith.constant 0 : i32
      %dma_start3A_584 = arith.constant 0 : i32
      %dma_start3A_585 = tpu.memref_slice %arg10[%dma_start3A_583, %dma_start3A_584] : memref<10240x16xf32, #tpu.memory_space<vmem_shared>> -> memref<10240x16xf32, #tpu.memory_space<vmem_shared>>
      %dma_start3A_586 = tpu.memref_slice %arg12[%dma_start3A_575] : memref<8x!tpu.dma_semaphore, #tpu.memory_space<semaphore_mem>> -> memref<1x!tpu.dma_semaphore, #tpu.memory_space<semaphore_mem>>
      %dma_start3A_587 = tpu.memref_squeeze %dma_start3A_586 : memref<1x!tpu.dma_semaphore, #tpu.memory_space<semaphore_mem>> -> memref<!tpu.dma_semaphore, #tpu.memory_space<semaphore_mem>>
      tpu.enqueue_indirect_dma source(%dma_start3A_579 : memref<128x16xf32, #tpu.memory_space<vmem>>) target(%dma_start3A_585 : memref<10240x16xf32, #tpu.memory_space<vmem_shared>>) offsets(%dma_start3A_582 : memref<128xi32, #tpu.memory_space<vmem>>) semaphore(%dma_start3A_587 : memref<!tpu.dma_semaphore, #tpu.memory_space<semaphore_mem>>) {add = true}
      %while3A_588 = arith.constant 0 : i32
      scf.yield %while3A_588 : i32
    }
    %dma_wait3A = arith.constant 0 : i32
    %dma_wait3A_54 = arith.constant 0 : i32
    %dma_wait3A_55 = arith.constant 0 : i32
    %dma_wait3A_56 = arith.constant 0 : i32
    %dma_wait3A_57 = arith.constant 0 : i32
    %dma_wait3A_58 = tpu.memref_slice %arg8[%dma_wait3A, %dma_wait3A_56, %dma_wait3A_57] : memref<8x128x16xf32, #tpu.memory_space<vmem>> -> memref<1x128x16xf32, #tpu.memory_space<vmem>>
    %dma_wait3A_59 = tpu.memref_squeeze %dma_wait3A_58 : memref<1x128x16xf32, #tpu.memory_space<vmem>> -> memref<128x16xf32, #tpu.memory_space<vmem>>
    %dma_wait3A_60 = arith.constant 0 : i32
    %dma_wait3A_61 = tpu.memref_slice %arg7[%dma_wait3A_54, %dma_wait3A_60] : memref<152x128xi32, #tpu.memory_space<vmem>> -> memref<1x128xi32, #tpu.memory_space<vmem>>
    %dma_wait3A_62 = tpu.memref_squeeze %dma_wait3A_61 : memref<1x128xi32, #tpu.memory_space<vmem>> -> memref<128xi32, #tpu.memory_space<vmem>>
    %dma_wait3A_63 = arith.constant 0 : i32
    %dma_wait3A_64 = arith.constant 0 : i32
    %dma_wait3A_65 = tpu.memref_slice %arg10[%dma_wait3A_63, %dma_wait3A_64] : memref<10240x16xf32, #tpu.memory_space<vmem_shared>> -> memref<10240x16xf32, #tpu.memory_space<vmem_shared>>
    %dma_wait3A_66 = tpu.memref_slice %arg12[%dma_wait3A_55] : memref<8x!tpu.dma_semaphore, #tpu.memory_space<semaphore_mem>> -> memref<1x!tpu.dma_semaphore, #tpu.memory_space<semaphore_mem>>
    %dma_wait3A_67 = tpu.memref_squeeze %dma_wait3A_66 : memref<1x!tpu.dma_semaphore, #tpu.memory_space<semaphore_mem>> -> memref<!tpu.dma_semaphore, #tpu.memory_space<semaphore_mem>>
    tpu.wait_indirect_dma semaphore(%dma_wait3A_67 : memref<!tpu.dma_semaphore, #tpu.memory_space<semaphore_mem>>) src(%dma_wait3A_59 : memref<128x16xf32, #tpu.memory_space<vmem>>) dst(%dma_wait3A_65 : memref<10240x16xf32, #tpu.memory_space<vmem_shared>>)
    %dma_wait3A_68 = arith.constant 1 : i32
    %dma_wait3A_69 = arith.constant 1 : i32
    %dma_wait3A_70 = arith.constant 1 : i32
    %dma_wait3A_71 = arith.constant 0 : i32
    %dma_wait3A_72 = arith.constant 0 : i32
    %dma_wait3A_73 = tpu.memref_slice %arg8[%dma_wait3A_68, %dma_wait3A_71, %dma_wait3A_72] : memref<8x128x16xf32, #tpu.memory_space<vmem>> -> memref<1x128x16xf32, #tpu.memory_space<vmem>>
    %dma_wait3A_74 = tpu.memref_squeeze %dma_wait3A_73 : memref<1x128x16xf32, #tpu.memory_space<vmem>> -> memref<128x16xf32, #tpu.memory_space<vmem>>
    %dma_wait3A_75 = arith.constant 0 : i32
    %dma_wait3A_76 = tpu.memref_slice %arg7[%dma_wait3A_69, %dma_wait3A_75] : memref<152x128xi32, #tpu.memory_space<vmem>> -> memref<1x128xi32, #tpu.memory_space<vmem>>
    %dma_wait3A_77 = tpu.memref_squeeze %dma_wait3A_76 : memref<1x128xi32, #tpu.memory_space<vmem>> -> memref<128xi32, #tpu.memory_space<vmem>>
    %dma_wait3A_78 = arith.constant 0 : i32
    %dma_wait3A_79 = arith.constant 0 : i32
    %dma_wait3A_80 = tpu.memref_slice %arg10[%dma_wait3A_78, %dma_wait3A_79] : memref<10240x16xf32, #tpu.memory_space<vmem_shared>> -> memref<10240x16xf32, #tpu.memory_space<vmem_shared>>
    %dma_wait3A_81 = tpu.memref_slice %arg12[%dma_wait3A_70] : memref<8x!tpu.dma_semaphore, #tpu.memory_space<semaphore_mem>> -> memref<1x!tpu.dma_semaphore, #tpu.memory_space<semaphore_mem>>
    %dma_wait3A_82 = tpu.memref_squeeze %dma_wait3A_81 : memref<1x!tpu.dma_semaphore, #tpu.memory_space<semaphore_mem>> -> memref<!tpu.dma_semaphore, #tpu.memory_space<semaphore_mem>>
    tpu.wait_indirect_dma semaphore(%dma_wait3A_82 : memref<!tpu.dma_semaphore, #tpu.memory_space<semaphore_mem>>) src(%dma_wait3A_74 : memref<128x16xf32, #tpu.memory_space<vmem>>) dst(%dma_wait3A_80 : memref<10240x16xf32, #tpu.memory_space<vmem_shared>>)
    %dma_wait3A_83 = arith.constant 2 : i32
    %dma_wait3A_84 = arith.constant 2 : i32
    %dma_wait3A_85 = arith.constant 2 : i32
    %dma_wait3A_86 = arith.constant 0 : i32
    %dma_wait3A_87 = arith.constant 0 : i32
    %dma_wait3A_88 = tpu.memref_slice %arg8[%dma_wait3A_83, %dma_wait3A_86, %dma_wait3A_87] : memref<8x128x16xf32, #tpu.memory_space<vmem>> -> memref<1x128x16xf32, #tpu.memory_space<vmem>>
    %dma_wait3A_89 = tpu.memref_squeeze %dma_wait3A_88 : memref<1x128x16xf32, #tpu.memory_space<vmem>> -> memref<128x16xf32, #tpu.memory_space<vmem>>
    %dma_wait3A_90 = arith.constant 0 : i32
    %dma_wait3A_91 = tpu.memref_slice %arg7[%dma_wait3A_84, %dma_wait3A_90] : memref<152x128xi32, #tpu.memory_space<vmem>> -> memref<1x128xi32, #tpu.memory_space<vmem>>
    %dma_wait3A_92 = tpu.memref_squeeze %dma_wait3A_91 : memref<1x128xi32, #tpu.memory_space<vmem>> -> memref<128xi32, #tpu.memory_space<vmem>>
    %dma_wait3A_93 = arith.constant 0 : i32
    %dma_wait3A_94 = arith.constant 0 : i32
    %dma_wait3A_95 = tpu.memref_slice %arg10[%dma_wait3A_93, %dma_wait3A_94] : memref<10240x16xf32, #tpu.memory_space<vmem_shared>> -> memref<10240x16xf32, #tpu.memory_space<vmem_shared>>
    %dma_wait3A_96 = tpu.memref_slice %arg12[%dma_wait3A_85] : memref<8x!tpu.dma_semaphore, #tpu.memory_space<semaphore_mem>> -> memref<1x!tpu.dma_semaphore, #tpu.memory_space<semaphore_mem>>
    %dma_wait3A_97 = tpu.memref_squeeze %dma_wait3A_96 : memref<1x!tpu.dma_semaphore, #tpu.memory_space<semaphore_mem>> -> memref<!tpu.dma_semaphore, #tpu.memory_space<semaphore_mem>>
    tpu.wait_indirect_dma semaphore(%dma_wait3A_97 : memref<!tpu.dma_semaphore, #tpu.memory_space<semaphore_mem>>) src(%dma_wait3A_89 : memref<128x16xf32, #tpu.memory_space<vmem>>) dst(%dma_wait3A_95 : memref<10240x16xf32, #tpu.memory_space<vmem_shared>>)
    %dma_wait3A_98 = arith.constant 3 : i32
    %dma_wait3A_99 = arith.constant 3 : i32
    %dma_wait3A_100 = arith.constant 3 : i32
    %dma_wait3A_101 = arith.constant 0 : i32
    %dma_wait3A_102 = arith.constant 0 : i32
    %dma_wait3A_103 = tpu.memref_slice %arg8[%dma_wait3A_98, %dma_wait3A_101, %dma_wait3A_102] : memref<8x128x16xf32, #tpu.memory_space<vmem>> -> memref<1x128x16xf32, #tpu.memory_space<vmem>>
    %dma_wait3A_104 = tpu.memref_squeeze %dma_wait3A_103 : memref<1x128x16xf32, #tpu.memory_space<vmem>> -> memref<128x16xf32, #tpu.memory_space<vmem>>
    %dma_wait3A_105 = arith.constant 0 : i32
    %dma_wait3A_106 = tpu.memref_slice %arg7[%dma_wait3A_99, %dma_wait3A_105] : memref<152x128xi32, #tpu.memory_space<vmem>> -> memref<1x128xi32, #tpu.memory_space<vmem>>
    %dma_wait3A_107 = tpu.memref_squeeze %dma_wait3A_106 : memref<1x128xi32, #tpu.memory_space<vmem>> -> memref<128xi32, #tpu.memory_space<vmem>>
    %dma_wait3A_108 = arith.constant 0 : i32
    %dma_wait3A_109 = arith.constant 0 : i32
    %dma_wait3A_110 = tpu.memref_slice %arg10[%dma_wait3A_108, %dma_wait3A_109] : memref<10240x16xf32, #tpu.memory_space<vmem_shared>> -> memref<10240x16xf32, #tpu.memory_space<vmem_shared>>
    %dma_wait3A_111 = tpu.memref_slice %arg12[%dma_wait3A_100] : memref<8x!tpu.dma_semaphore, #tpu.memory_space<semaphore_mem>> -> memref<1x!tpu.dma_semaphore, #tpu.memory_space<semaphore_mem>>
    %dma_wait3A_112 = tpu.memref_squeeze %dma_wait3A_111 : memref<1x!tpu.dma_semaphore, #tpu.memory_space<semaphore_mem>> -> memref<!tpu.dma_semaphore, #tpu.memory_space<semaphore_mem>>
    tpu.wait_indirect_dma semaphore(%dma_wait3A_112 : memref<!tpu.dma_semaphore, #tpu.memory_space<semaphore_mem>>) src(%dma_wait3A_104 : memref<128x16xf32, #tpu.memory_space<vmem>>) dst(%dma_wait3A_110 : memref<10240x16xf32, #tpu.memory_space<vmem_shared>>)
    %dma_wait3A_113 = arith.constant 4 : i32
    %dma_wait3A_114 = arith.constant 4 : i32
    %dma_wait3A_115 = arith.constant 4 : i32
    %dma_wait3A_116 = arith.constant 0 : i32
    %dma_wait3A_117 = arith.constant 0 : i32
    %dma_wait3A_118 = tpu.memref_slice %arg8[%dma_wait3A_113, %dma_wait3A_116, %dma_wait3A_117] : memref<8x128x16xf32, #tpu.memory_space<vmem>> -> memref<1x128x16xf32, #tpu.memory_space<vmem>>
    %dma_wait3A_119 = tpu.memref_squeeze %dma_wait3A_118 : memref<1x128x16xf32, #tpu.memory_space<vmem>> -> memref<128x16xf32, #tpu.memory_space<vmem>>
    %dma_wait3A_120 = arith.constant 0 : i32
    %dma_wait3A_121 = tpu.memref_slice %arg7[%dma_wait3A_114, %dma_wait3A_120] : memref<152x128xi32, #tpu.memory_space<vmem>> -> memref<1x128xi32, #tpu.memory_space<vmem>>
    %dma_wait3A_122 = tpu.memref_squeeze %dma_wait3A_121 : memref<1x128xi32, #tpu.memory_space<vmem>> -> memref<128xi32, #tpu.memory_space<vmem>>
    %dma_wait3A_123 = arith.constant 0 : i32
    %dma_wait3A_124 = arith.constant 0 : i32
    %dma_wait3A_125 = tpu.memref_slice %arg10[%dma_wait3A_123, %dma_wait3A_124] : memref<10240x16xf32, #tpu.memory_space<vmem_shared>> -> memref<10240x16xf32, #tpu.memory_space<vmem_shared>>
    %dma_wait3A_126 = tpu.memref_slice %arg12[%dma_wait3A_115] : memref<8x!tpu.dma_semaphore, #tpu.memory_space<semaphore_mem>> -> memref<1x!tpu.dma_semaphore, #tpu.memory_space<semaphore_mem>>
    %dma_wait3A_127 = tpu.memref_squeeze %dma_wait3A_126 : memref<1x!tpu.dma_semaphore, #tpu.memory_space<semaphore_mem>> -> memref<!tpu.dma_semaphore, #tpu.memory_space<semaphore_mem>>
    tpu.wait_indirect_dma semaphore(%dma_wait3A_127 : memref<!tpu.dma_semaphore, #tpu.memory_space<semaphore_mem>>) src(%dma_wait3A_119 : memref<128x16xf32, #tpu.memory_space<vmem>>) dst(%dma_wait3A_125 : memref<10240x16xf32, #tpu.memory_space<vmem_shared>>)
    %dma_wait3A_128 = arith.constant 5 : i32
    %dma_wait3A_129 = arith.constant 5 : i32
    %dma_wait3A_130 = arith.constant 5 : i32
    %dma_wait3A_131 = arith.constant 0 : i32
    %dma_wait3A_132 = arith.constant 0 : i32
    %dma_wait3A_133 = tpu.memref_slice %arg8[%dma_wait3A_128, %dma_wait3A_131, %dma_wait3A_132] : memref<8x128x16xf32, #tpu.memory_space<vmem>> -> memref<1x128x16xf32, #tpu.memory_space<vmem>>
    %dma_wait3A_134 = tpu.memref_squeeze %dma_wait3A_133 : memref<1x128x16xf32, #tpu.memory_space<vmem>> -> memref<128x16xf32, #tpu.memory_space<vmem>>
    %dma_wait3A_135 = arith.constant 0 : i32
    %dma_wait3A_136 = tpu.memref_slice %arg7[%dma_wait3A_129, %dma_wait3A_135] : memref<152x128xi32, #tpu.memory_space<vmem>> -> memref<1x128xi32, #tpu.memory_space<vmem>>
    %dma_wait3A_137 = tpu.memref_squeeze %dma_wait3A_136 : memref<1x128xi32, #tpu.memory_space<vmem>> -> memref<128xi32, #tpu.memory_space<vmem>>
    %dma_wait3A_138 = arith.constant 0 : i32
    %dma_wait3A_139 = arith.constant 0 : i32
    %dma_wait3A_140 = tpu.memref_slice %arg10[%dma_wait3A_138, %dma_wait3A_139] : memref<10240x16xf32, #tpu.memory_space<vmem_shared>> -> memref<10240x16xf32, #tpu.memory_space<vmem_shared>>
    %dma_wait3A_141 = tpu.memref_slice %arg12[%dma_wait3A_130] : memref<8x!tpu.dma_semaphore, #tpu.memory_space<semaphore_mem>> -> memref<1x!tpu.dma_semaphore, #tpu.memory_space<semaphore_mem>>
    %dma_wait3A_142 = tpu.memref_squeeze %dma_wait3A_141 : memref<1x!tpu.dma_semaphore, #tpu.memory_space<semaphore_mem>> -> memref<!tpu.dma_semaphore, #tpu.memory_space<semaphore_mem>>
    tpu.wait_indirect_dma semaphore(%dma_wait3A_142 : memref<!tpu.dma_semaphore, #tpu.memory_space<semaphore_mem>>) src(%dma_wait3A_134 : memref<128x16xf32, #tpu.memory_space<vmem>>) dst(%dma_wait3A_140 : memref<10240x16xf32, #tpu.memory_space<vmem_shared>>)
    %dma_wait3A_143 = arith.constant 6 : i32
    %dma_wait3A_144 = arith.constant 6 : i32
    %dma_wait3A_145 = arith.constant 6 : i32
    %dma_wait3A_146 = arith.constant 0 : i32
    %dma_wait3A_147 = arith.constant 0 : i32
    %dma_wait3A_148 = tpu.memref_slice %arg8[%dma_wait3A_143, %dma_wait3A_146, %dma_wait3A_147] : memref<8x128x16xf32, #tpu.memory_space<vmem>> -> memref<1x128x16xf32, #tpu.memory_space<vmem>>
    %dma_wait3A_149 = tpu.memref_squeeze %dma_wait3A_148 : memref<1x128x16xf32, #tpu.memory_space<vmem>> -> memref<128x16xf32, #tpu.memory_space<vmem>>
    %dma_wait3A_150 = arith.constant 0 : i32
    %dma_wait3A_151 = tpu.memref_slice %arg7[%dma_wait3A_144, %dma_wait3A_150] : memref<152x128xi32, #tpu.memory_space<vmem>> -> memref<1x128xi32, #tpu.memory_space<vmem>>
    %dma_wait3A_152 = tpu.memref_squeeze %dma_wait3A_151 : memref<1x128xi32, #tpu.memory_space<vmem>> -> memref<128xi32, #tpu.memory_space<vmem>>
    %dma_wait3A_153 = arith.constant 0 : i32
    %dma_wait3A_154 = arith.constant 0 : i32
    %dma_wait3A_155 = tpu.memref_slice %arg10[%dma_wait3A_153, %dma_wait3A_154] : memref<10240x16xf32, #tpu.memory_space<vmem_shared>> -> memref<10240x16xf32, #tpu.memory_space<vmem_shared>>
    %dma_wait3A_156 = tpu.memref_slice %arg12[%dma_wait3A_145] : memref<8x!tpu.dma_semaphore, #tpu.memory_space<semaphore_mem>> -> memref<1x!tpu.dma_semaphore, #tpu.memory_space<semaphore_mem>>
    %dma_wait3A_157 = tpu.memref_squeeze %dma_wait3A_156 : memref<1x!tpu.dma_semaphore, #tpu.memory_space<semaphore_mem>> -> memref<!tpu.dma_semaphore, #tpu.memory_space<semaphore_mem>>
    tpu.wait_indirect_dma semaphore(%dma_wait3A_157 : memref<!tpu.dma_semaphore, #tpu.memory_space<semaphore_mem>>) src(%dma_wait3A_149 : memref<128x16xf32, #tpu.memory_space<vmem>>) dst(%dma_wait3A_155 : memref<10240x16xf32, #tpu.memory_space<vmem_shared>>)
    %dma_wait3A_158 = arith.constant 7 : i32
    %dma_wait3A_159 = arith.constant 7 : i32
    %dma_wait3A_160 = arith.constant 7 : i32
    %dma_wait3A_161 = arith.constant 0 : i32
    %dma_wait3A_162 = arith.constant 0 : i32
    %dma_wait3A_163 = tpu.memref_slice %arg8[%dma_wait3A_158, %dma_wait3A_161, %dma_wait3A_162] : memref<8x128x16xf32, #tpu.memory_space<vmem>> -> memref<1x128x16xf32, #tpu.memory_space<vmem>>
    %dma_wait3A_164 = tpu.memref_squeeze %dma_wait3A_163 : memref<1x128x16xf32, #tpu.memory_space<vmem>> -> memref<128x16xf32, #tpu.memory_space<vmem>>
    %dma_wait3A_165 = arith.constant 0 : i32
    %dma_wait3A_166 = tpu.memref_slice %arg7[%dma_wait3A_159, %dma_wait3A_165] : memref<152x128xi32, #tpu.memory_space<vmem>> -> memref<1x128xi32, #tpu.memory_space<vmem>>
    %dma_wait3A_167 = tpu.memref_squeeze %dma_wait3A_166 : memref<1x128xi32, #tpu.memory_space<vmem>> -> memref<128xi32, #tpu.memory_space<vmem>>
    %dma_wait3A_168 = arith.constant 0 : i32
    %dma_wait3A_169 = arith.constant 0 : i32
    %dma_wait3A_170 = tpu.memref_slice %arg10[%dma_wait3A_168, %dma_wait3A_169] : memref<10240x16xf32, #tpu.memory_space<vmem_shared>> -> memref<10240x16xf32, #tpu.memory_space<vmem_shared>>
    %dma_wait3A_171 = tpu.memref_slice %arg12[%dma_wait3A_160] : memref<8x!tpu.dma_semaphore, #tpu.memory_space<semaphore_mem>> -> memref<1x!tpu.dma_semaphore, #tpu.memory_space<semaphore_mem>>
    %dma_wait3A_172 = tpu.memref_squeeze %dma_wait3A_171 : memref<1x!tpu.dma_semaphore, #tpu.memory_space<semaphore_mem>> -> memref<!tpu.dma_semaphore, #tpu.memory_space<semaphore_mem>>
    tpu.wait_indirect_dma semaphore(%dma_wait3A_172 : memref<!tpu.dma_semaphore, #tpu.memory_space<semaphore_mem>>) src(%dma_wait3A_164 : memref<128x16xf32, #tpu.memory_space<vmem>>) dst(%dma_wait3A_170 : memref<10240x16xf32, #tpu.memory_space<vmem_shared>>)
    %barrier3A_173 = arith.constant 0 : index
    tpu.barrier barrier_id(%barrier3A_173)
    %mul3A_174 = arith.constant 640 : i32
    %mul3A_175 = arith.muli %arg1, %mul3A_174 : i32
    "tpu.region"() ({
      %run_scoped3A = tpu.sem_alloc : memref<!tpu.dma_semaphore, #tpu.memory_space<semaphore_mem>>
      %dma_start3A = arith.constant 0 : i32
      %dma_start3A_178 = tpu.memref_slice %arg10[%mul3A_175, %dma_start3A] : memref<10240x16xf32, #tpu.memory_space<vmem_shared>> -> memref<640x16xf32, #tpu.memory_space<vmem_shared>>
      %dma_start3A_179 = arith.constant 0 : i32
      %dma_start3A_180 = tpu.memref_slice %arg10[%mul3A_175, %dma_start3A_179] : memref<10240x16xf32, #tpu.memory_space<vmem_shared>> -> memref<640x16xf32, #tpu.memory_space<vmem_shared>>
      tpu.enqueue_dma source(%dma_start3A_180 : memref<640x16xf32, #tpu.memory_space<vmem_shared>>) target(%arg9 : memref<640x16xf32, #tpu.memory_space<vmem>>) target_semaphore(%run_scoped3A : memref<!tpu.dma_semaphore, #tpu.memory_space<semaphore_mem>>)
      %dma_wait3A_181 = arith.constant 0 : i32
      %dma_wait3A_182 = tpu.memref_slice %arg10[%mul3A_175, %dma_wait3A_181] : memref<10240x16xf32, #tpu.memory_space<vmem_shared>> -> memref<640x16xf32, #tpu.memory_space<vmem_shared>>
      %dma_wait3A_183 = arith.constant 0 : i32
      %dma_wait3A_184 = tpu.memref_slice %arg10[%mul3A_175, %dma_wait3A_183] : memref<10240x16xf32, #tpu.memory_space<vmem_shared>> -> memref<640x16xf32, #tpu.memory_space<vmem_shared>>
      tpu.wait_dma2 semaphore(%run_scoped3A : memref<!tpu.dma_semaphore, #tpu.memory_space<semaphore_mem>>) src(%dma_wait3A_184 : memref<640x16xf32, #tpu.memory_space<vmem_shared>>) dst(%arg9 : memref<640x16xf32, #tpu.memory_space<vmem>>)
      tpu.yield
    }) : () -> ()
    %mul3A_176 = arith.constant 640 : i32
    %mul3A_177 = arith.muli %arg1, %mul3A_176 : i32
    "tpu.region"() ({
      %run_scoped3A = tpu.sem_alloc : memref<!tpu.dma_semaphore, #tpu.memory_space<semaphore_mem>>
      %dma_start3A = arith.constant 0 : i32
      %dma_start3A_178 = tpu.memref_slice %arg5[%arg0, %mul3A_177, %dma_start3A] : memref<2x10240x16xf32, #tpu.memory_space<hbm>> -> memref<1x640x16xf32, #tpu.memory_space<hbm>>
      %dma_start3A_179 = tpu.memref_squeeze %dma_start3A_178 : memref<1x640x16xf32, #tpu.memory_space<hbm>> -> memref<640x16xf32, #tpu.memory_space<hbm>>
      %dma_start3A_180 = arith.constant 0 : i32
      %dma_start3A_181 = tpu.memref_slice %arg5[%arg0, %mul3A_177, %dma_start3A_180] : memref<2x10240x16xf32, #tpu.memory_space<hbm>> -> memref<1x640x16xf32, #tpu.memory_space<hbm>>
      %dma_start3A_182 = tpu.memref_squeeze %dma_start3A_181 : memref<1x640x16xf32, #tpu.memory_space<hbm>> -> memref<640x16xf32, #tpu.memory_space<hbm>>
      tpu.enqueue_dma source(%arg9 : memref<640x16xf32, #tpu.memory_space<vmem>>) target(%dma_start3A_182 : memref<640x16xf32, #tpu.memory_space<hbm>>) target_semaphore(%run_scoped3A : memref<!tpu.dma_semaphore, #tpu.memory_space<semaphore_mem>>)
      %dma_wait3A_183 = arith.constant 0 : i32
      %dma_wait3A_184 = tpu.memref_slice %arg5[%arg0, %mul3A_177, %dma_wait3A_183] : memref<2x10240x16xf32, #tpu.memory_space<hbm>> -> memref<1x640x16xf32, #tpu.memory_space<hbm>>
      %dma_wait3A_185 = tpu.memref_squeeze %dma_wait3A_184 : memref<1x640x16xf32, #tpu.memory_space<hbm>> -> memref<640x16xf32, #tpu.memory_space<hbm>>
      %dma_wait3A_186 = arith.constant 0 : i32
      %dma_wait3A_187 = tpu.memref_slice %arg5[%arg0, %mul3A_177, %dma_wait3A_186] : memref<2x10240x16xf32, #tpu.memory_space<hbm>> -> memref<1x640x16xf32, #tpu.memory_space<hbm>>
      %dma_wait3A_188 = tpu.memref_squeeze %dma_wait3A_187 : memref<1x640x16xf32, #tpu.memory_space<hbm>> -> memref<640x16xf32, #tpu.memory_space<hbm>>
      tpu.wait_dma2 semaphore(%run_scoped3A : memref<!tpu.dma_semaphore, #tpu.memory_space<semaphore_mem>>) src(%arg9 : memref<640x16xf32, #tpu.memory_space<vmem>>) dst(%dma_wait3A_188 : memref<640x16xf32, #tpu.memory_space<hbm>>)
      tpu.yield
    }) : () -> ()
    return
  }
}

#map = affine_map<(d0, d1) -> (0, 0)>
module attributes {stable_mosaic.version = 14 : i64} {
  func.func @_deg_kernel(%arg0: i32, %arg1: i32, %arg2: memref<2560x128xi32, #tpu.memory_space<hbm>>, %arg3: memref<2x10240xf32, #tpu.memory_space<hbm>>, %arg4: memref<80x128xi32, #tpu.memory_space<vmem>>, %arg5: memref<128xf32, #tpu.memory_space<vmem>>, %arg6: memref<640xf32, #tpu.memory_space<vmem>>, %arg7: memref<10240xf32, #tpu.memory_space<vmem_shared>>) attributes {dimension_semantics = [#tpu.dimension_semantics<core_parallel>, #tpu.dimension_semantics<subcore_parallel>], iteration_bounds = array<i64: 2, 16>, scalar_prefetch = 0 : i64, scratch_operands = 4 : i64, tpu.core_type = #tpu.core_type<sc_vector_subcore>, window_params = [{transform_indices = #map}, {transform_indices = #map}]} {
    %mul3A = arith.constant 16 : i32
    %mul3A_0 = arith.muli %arg0, %mul3A : i32
    %add3A = arith.addi %mul3A_0, %arg1 : i32
    %scan3A = arith.constant 0 : i32
    %scan3A_1 = arith.constant 0 : i32
    %scan3A_2 = arith.constant 8 : i32
    %scan3A_3 = arith.addi %scan3A_1, %scan3A_2 : i32
    %scan3A_4 = arith.constant 1 : i32
    %scan3A_5 = scf.for %scan3A_30 = %scan3A_1 to %scan3A_3 step %scan3A_4 iter_args(%scan3A_31 = %scan3A) -> (i32)  : i32 {
      %broadcast_in_dim3A = arith.constant 1.000000e+00 : f32
      %broadcast_in_dim3A_32 = vector.broadcast %broadcast_in_dim3A : f32 to vector<16xf32>
      %mul3A_33 = arith.constant 16 : i32
      %mul3A_34 = arith.muli %scan3A_30, %mul3A_33 : i32
      %swap3A = arith.index_cast %mul3A_34 : i32 to index
      %swap3A_35 = tpu.vector_load %arg5[%swap3A] {strides = array<i32>} : memref<128xf32, #tpu.memory_space<vmem>>, vector<16xf32>,
      %swap3A_36 = vector.shape_cast %swap3A_35 : vector<16xf32> to vector<16xf32>
      %swap3A_37 = vector.shape_cast %broadcast_in_dim3A_32 : vector<16xf32> to vector<16xf32>
      tpu.vector_store %arg5[%swap3A], %swap3A_37 {strides = array<i32>} : memref<128xf32, #tpu.memory_space<vmem>>, vector<16xf32>,
      %broadcast_in_dim3A_38 = arith.constant 0.000000e+00 : f32
      %broadcast_in_dim3A_39 = vector.broadcast %broadcast_in_dim3A_38 : f32 to vector<16xf32>
      %mul3A_40 = arith.constant 16 : i32
      %mul3A_41 = arith.muli %scan3A_30, %mul3A_40 : i32
      %swap3A_42 = arith.index_cast %mul3A_41 : i32 to index
      %swap3A_43 = tpu.vector_load %arg6[%swap3A_42] {strides = array<i32>} : memref<640xf32, #tpu.memory_space<vmem>>, vector<16xf32>,
      %swap3A_44 = vector.shape_cast %swap3A_43 : vector<16xf32> to vector<16xf32>
      %swap3A_45 = vector.shape_cast %broadcast_in_dim3A_39 : vector<16xf32> to vector<16xf32>
      tpu.vector_store %arg6[%swap3A_42], %swap3A_45 {strides = array<i32>} : memref<640xf32, #tpu.memory_space<vmem>>, vector<16xf32>,
      %scan3A_46 = arith.constant 0 : i32
      scf.yield %scan3A_46 : i32
    }
    %scan3A_6 = arith.constant 8 : i32
    %scan3A_7 = arith.constant 0 : i32
    %scan3A_8 = arith.constant 0 : i32
    %scan3A_9 = arith.constant 40 : i32
    %scan3A_10 = arith.addi %scan3A_8, %scan3A_9 : i32
    %scan3A_11 = arith.constant 1 : i32
    %scan3A_12 = scf.for %scan3A_30 = %scan3A_8 to %scan3A_10 step %scan3A_11 iter_args(%scan3A_31 = %scan3A_7) -> (i32)  : i32 {
      %broadcast_in_dim3A = arith.constant 0.000000e+00 : f32
      %broadcast_in_dim3A_32 = vector.broadcast %broadcast_in_dim3A : f32 to vector<16xf32>
      %mul3A_33 = arith.constant 16 : i32
      %mul3A_34 = arith.muli %scan3A_30, %mul3A_33 : i32
      %swap3A = arith.index_cast %mul3A_34 : i32 to index
      %swap3A_35 = tpu.vector_load %arg6[%swap3A] {strides = array<i32>} : memref<640xf32, #tpu.memory_space<vmem>>, vector<16xf32>,
      %swap3A_36 = vector.shape_cast %swap3A_35 : vector<16xf32> to vector<16xf32>
      %swap3A_37 = vector.shape_cast %broadcast_in_dim3A_32 : vector<16xf32> to vector<16xf32>
      tpu.vector_store %arg6[%swap3A], %swap3A_37 {strides = array<i32>} : memref<640xf32, #tpu.memory_space<vmem>>, vector<16xf32>,
      %scan3A_38 = arith.constant 0 : i32
      scf.yield %scan3A_38 : i32
    }
    %scan3A_13 = arith.constant 40 : i32
    %mul3A_14 = arith.constant 640 : i32
    %mul3A_15 = arith.muli %arg1, %mul3A_14 : i32
    "tpu.region"() ({
      %run_scoped3A = tpu.sem_alloc : memref<!tpu.dma_semaphore, #tpu.memory_space<semaphore_mem>>
      %dma_start3A = tpu.memref_slice %arg7[%mul3A_15] : memref<10240xf32, #tpu.memory_space<vmem_shared>> -> memref<640xf32, #tpu.memory_space<vmem_shared>>
      %dma_start3A_30 = tpu.memref_slice %arg7[%mul3A_15] : memref<10240xf32, #tpu.memory_space<vmem_shared>> -> memref<640xf32, #tpu.memory_space<vmem_shared>>
      tpu.enqueue_dma source(%arg6 : memref<640xf32, #tpu.memory_space<vmem>>) target(%dma_start3A_30 : memref<640xf32, #tpu.memory_space<vmem_shared>>) target_semaphore(%run_scoped3A : memref<!tpu.dma_semaphore, #tpu.memory_space<semaphore_mem>>)
      %dma_wait3A = tpu.memref_slice %arg7[%mul3A_15] : memref<10240xf32, #tpu.memory_space<vmem_shared>> -> memref<640xf32, #tpu.memory_space<vmem_shared>>
      %dma_wait3A_31 = tpu.memref_slice %arg7[%mul3A_15] : memref<10240xf32, #tpu.memory_space<vmem_shared>> -> memref<640xf32, #tpu.memory_space<vmem_shared>>
      tpu.wait_dma2 semaphore(%run_scoped3A : memref<!tpu.dma_semaphore, #tpu.memory_space<semaphore_mem>>) src(%arg6 : memref<640xf32, #tpu.memory_space<vmem>>) dst(%dma_wait3A_31 : memref<640xf32, #tpu.memory_space<vmem_shared>>)
      tpu.yield
    }) : () -> ()
    %mul3A_16 = arith.constant 80 : i32
    %mul3A_17 = arith.muli %add3A, %mul3A_16 : i32
    "tpu.region"() ({
      %run_scoped3A = tpu.sem_alloc : memref<!tpu.dma_semaphore, #tpu.memory_space<semaphore_mem>>
      %dma_start3A = arith.constant 0 : i32
      %dma_start3A_30 = tpu.memref_slice %arg2[%mul3A_17, %dma_start3A] : memref<2560x128xi32, #tpu.memory_space<hbm>> -> memref<80x128xi32, #tpu.memory_space<hbm>>
      %dma_start3A_31 = arith.constant 0 : i32
      %dma_start3A_32 = tpu.memref_slice %arg2[%mul3A_17, %dma_start3A_31] : memref<2560x128xi32, #tpu.memory_space<hbm>> -> memref<80x128xi32, #tpu.memory_space<hbm>>
      tpu.enqueue_dma source(%dma_start3A_32 : memref<80x128xi32, #tpu.memory_space<hbm>>) target(%arg4 : memref<80x128xi32, #tpu.memory_space<vmem>>) target_semaphore(%run_scoped3A : memref<!tpu.dma_semaphore, #tpu.memory_space<semaphore_mem>>)
      %dma_wait3A = arith.constant 0 : i32
      %dma_wait3A_33 = tpu.memref_slice %arg2[%mul3A_17, %dma_wait3A] : memref<2560x128xi32, #tpu.memory_space<hbm>> -> memref<80x128xi32, #tpu.memory_space<hbm>>
      %dma_wait3A_34 = arith.constant 0 : i32
      %dma_wait3A_35 = tpu.memref_slice %arg2[%mul3A_17, %dma_wait3A_34] : memref<2560x128xi32, #tpu.memory_space<hbm>> -> memref<80x128xi32, #tpu.memory_space<hbm>>
      tpu.wait_dma2 semaphore(%run_scoped3A : memref<!tpu.dma_semaphore, #tpu.memory_space<semaphore_mem>>) src(%dma_wait3A_35 : memref<80x128xi32, #tpu.memory_space<hbm>>) dst(%arg4 : memref<80x128xi32, #tpu.memory_space<vmem>>)
      tpu.yield
    }) : () -> ()
    %barrier3A = arith.constant 0 : index
    tpu.barrier barrier_id(%barrier3A)
    %scan3A_18 = arith.constant 0 : i32
    %scan3A_19 = arith.constant 0 : i32
    %scan3A_20 = arith.constant 80 : i32
    %scan3A_21 = arith.addi %scan3A_19, %scan3A_20 : i32
    %scan3A_22 = arith.constant 1 : i32
    %scan3A_23 = scf.for %scan3A_30 = %scan3A_19 to %scan3A_21 step %scan3A_22 iter_args(%scan3A_31 = %scan3A_18) -> (i32)  : i32 {
      "tpu.region"() ({
        %run_scoped3A = tpu.sem_alloc : memref<!tpu.dma_semaphore, #tpu.memory_space<semaphore_mem>>
        %dma_start3A = arith.constant 0 : i32
        %dma_start3A_33 = tpu.memref_slice %arg4[%scan3A_30, %dma_start3A] : memref<80x128xi32, #tpu.memory_space<vmem>> -> memref<1x128xi32, #tpu.memory_space<vmem>>
        %dma_start3A_34 = tpu.memref_squeeze %dma_start3A_33 : memref<1x128xi32, #tpu.memory_space<vmem>> -> memref<128xi32, #tpu.memory_space<vmem>>
        %dma_start3A_35 = arith.constant 0 : i32
        %dma_start3A_36 = tpu.memref_slice %arg7[%dma_start3A_35] : memref<10240xf32, #tpu.memory_space<vmem_shared>> -> memref<10240xf32, #tpu.memory_space<vmem_shared>>
        tpu.enqueue_indirect_dma source(%arg5 : memref<128xf32, #tpu.memory_space<vmem>>) target(%dma_start3A_36 : memref<10240xf32, #tpu.memory_space<vmem_shared>>) offsets(%dma_start3A_34 : memref<128xi32, #tpu.memory_space<vmem>>) semaphore(%run_scoped3A : memref<!tpu.dma_semaphore, #tpu.memory_space<semaphore_mem>>) {add = true}
        %dma_wait3A = arith.constant 0 : i32
        %dma_wait3A_37 = tpu.memref_slice %arg4[%scan3A_30, %dma_wait3A] : memref<80x128xi32, #tpu.memory_space<vmem>> -> memref<1x128xi32, #tpu.memory_space<vmem>>
        %dma_wait3A_38 = tpu.memref_squeeze %dma_wait3A_37 : memref<1x128xi32, #tpu.memory_space<vmem>> -> memref<128xi32, #tpu.memory_space<vmem>>
        %dma_wait3A_39 = arith.constant 0 : i32
        %dma_wait3A_40 = tpu.memref_slice %arg7[%dma_wait3A_39] : memref<10240xf32, #tpu.memory_space<vmem_shared>> -> memref<10240xf32, #tpu.memory_space<vmem_shared>>
        tpu.wait_indirect_dma semaphore(%run_scoped3A : memref<!tpu.dma_semaphore, #tpu.memory_space<semaphore_mem>>) src(%arg5 : memref<128xf32, #tpu.memory_space<vmem>>) dst(%dma_wait3A_40 : memref<10240xf32, #tpu.memory_space<vmem_shared>>)
        tpu.yield
      }) : () -> ()
      %scan3A_32 = arith.constant 0 : i32
      scf.yield %scan3A_32 : i32
    }
    %scan3A_24 = arith.constant 80 : i32
    %barrier3A_25 = arith.constant 0 : index
    tpu.barrier barrier_id(%barrier3A_25)
    %mul3A_26 = arith.constant 640 : i32
    %mul3A_27 = arith.muli %arg1, %mul3A_26 : i32
    "tpu.region"() ({
      %run_scoped3A = tpu.sem_alloc : memref<!tpu.dma_semaphore, #tpu.memory_space<semaphore_mem>>
      %dma_start3A = tpu.memref_slice %arg7[%mul3A_27] : memref<10240xf32, #tpu.memory_space<vmem_shared>> -> memref<640xf32, #tpu.memory_space<vmem_shared>>
      %dma_start3A_30 = tpu.memref_slice %arg7[%mul3A_27] : memref<10240xf32, #tpu.memory_space<vmem_shared>> -> memref<640xf32, #tpu.memory_space<vmem_shared>>
      tpu.enqueue_dma source(%dma_start3A_30 : memref<640xf32, #tpu.memory_space<vmem_shared>>) target(%arg6 : memref<640xf32, #tpu.memory_space<vmem>>) target_semaphore(%run_scoped3A : memref<!tpu.dma_semaphore, #tpu.memory_space<semaphore_mem>>)
      %dma_wait3A = tpu.memref_slice %arg7[%mul3A_27] : memref<10240xf32, #tpu.memory_space<vmem_shared>> -> memref<640xf32, #tpu.memory_space<vmem_shared>>
      %dma_wait3A_31 = tpu.memref_slice %arg7[%mul3A_27] : memref<10240xf32, #tpu.memory_space<vmem_shared>> -> memref<640xf32, #tpu.memory_space<vmem_shared>>
      tpu.wait_dma2 semaphore(%run_scoped3A : memref<!tpu.dma_semaphore, #tpu.memory_space<semaphore_mem>>) src(%dma_wait3A_31 : memref<640xf32, #tpu.memory_space<vmem_shared>>) dst(%arg6 : memref<640xf32, #tpu.memory_space<vmem>>)
      tpu.yield
    }) : () -> ()
    %mul3A_28 = arith.constant 640 : i32
    %mul3A_29 = arith.muli %arg1, %mul3A_28 : i32
    "tpu.region"() ({
      %run_scoped3A = tpu.sem_alloc : memref<!tpu.dma_semaphore, #tpu.memory_space<semaphore_mem>>
      %dma_start3A = tpu.memref_slice %arg3[%arg0, %mul3A_29] : memref<2x10240xf32, #tpu.memory_space<hbm>> -> memref<1x640xf32, #tpu.memory_space<hbm>>
      %dma_start3A_30 = tpu.memref_squeeze %dma_start3A : memref<1x640xf32, #tpu.memory_space<hbm>> -> memref<640xf32, #tpu.memory_space<hbm>>
      %dma_start3A_31 = tpu.memref_slice %arg3[%arg0, %mul3A_29] : memref<2x10240xf32, #tpu.memory_space<hbm>> -> memref<1x640xf32, #tpu.memory_space<hbm>>
      %dma_start3A_32 = tpu.memref_squeeze %dma_start3A_31 : memref<1x640xf32, #tpu.memory_space<hbm>> -> memref<640xf32, #tpu.memory_space<hbm>>
      tpu.enqueue_dma source(%arg6 : memref<640xf32, #tpu.memory_space<vmem>>) target(%dma_start3A_32 : memref<640xf32, #tpu.memory_space<hbm>>) target_semaphore(%run_scoped3A : memref<!tpu.dma_semaphore, #tpu.memory_space<semaphore_mem>>)
      %dma_wait3A = tpu.memref_slice %arg3[%arg0, %mul3A_29] : memref<2x10240xf32, #tpu.memory_space<hbm>> -> memref<1x640xf32, #tpu.memory_space<hbm>>
      %dma_wait3A_33 = tpu.memref_squeeze %dma_wait3A : memref<1x640xf32, #tpu.memory_space<hbm>> -> memref<640xf32, #tpu.memory_space<hbm>>
      %dma_wait3A_34 = tpu.memref_slice %arg3[%arg0, %mul3A_29] : memref<2x10240xf32, #tpu.memory_space<hbm>> -> memref<1x640xf32, #tpu.memory_space<hbm>>
      %dma_wait3A_35 = tpu.memref_squeeze %dma_wait3A_34 : memref<1x640xf32, #tpu.memory_space<hbm>> -> memref<640xf32, #tpu.memory_space<hbm>>
      tpu.wait_dma2 semaphore(%run_scoped3A : memref<!tpu.dma_semaphore, #tpu.memory_space<semaphore_mem>>) src(%arg6 : memref<640xf32, #tpu.memory_space<vmem>>) dst(%dma_wait3A_35 : memref<640xf32, #tpu.memory_space<hbm>>)
      tpu.yield
    }) : () -> ()
    return
  }
}

#map = affine_map<(d0, d1) -> (0, 0)>
#map1 = affine_map<(d0, d1) -> (0, 0, 0)>
module attributes {stable_mosaic.version = 14 : i64} {
  func.func @_agg_kernel(%arg0: i32, %arg1: i32, %arg2: memref<2560x128xi32, #tpu.memory_space<hbm>>, %arg3: memref<2560x128xi32, #tpu.memory_space<hbm>>, %arg4: memref<10000x16xf32, #tpu.memory_space<hbm>>, %arg5: memref<2x10240x16xf32, #tpu.memory_space<hbm>>, %arg6: memref<152x128xi32, #tpu.memory_space<vmem>>, %arg7: memref<152x128xi32, #tpu.memory_space<vmem>>, %arg8: memref<8x128x16xf32, #tpu.memory_space<vmem>>, %arg9: memref<640x16xf32, #tpu.memory_space<vmem>>, %arg10: memref<10240x16xf32, #tpu.memory_space<vmem_shared>>, %arg11: memref<8x!tpu.dma_semaphore, #tpu.memory_space<semaphore_mem>>, %arg12: memref<8x!tpu.dma_semaphore, #tpu.memory_space<semaphore_mem>>) attributes {dimension_semantics = [#tpu.dimension_semantics<core_parallel>, #tpu.dimension_semantics<subcore_parallel>], iteration_bounds = array<i64: 2, 16>, scalar_prefetch = 0 : i64, scratch_operands = 7 : i64, tpu.core_type = #tpu.core_type<sc_vector_subcore>, window_params = [{transform_indices = #map}, {transform_indices = #map}, {transform_indices = #map}, {transform_indices = #map1}]} {
    %eq3A = arith.constant 0 : i32
    %eq3A_0 = arith.cmpi eq, %arg0, %eq3A : i32
    %jit3A = arith.constant 152 : i32
    %jit3A_1 = arith.constant 8 : i32
    %select_n3A = arith.select %eq3A_0, %jit3A, %jit3A_1 : i32
    %eq3A_2 = arith.constant 0 : i32
    %eq3A_3 = arith.cmpi eq, %arg0, %eq3A_2 : i32
    %mul3A = arith.constant 152 : i32
    %mul3A_4 = arith.muli %arg1, %mul3A : i32
    %mul3A_5 = arith.constant 8 : i32
    %mul3A_6 = arith.muli %arg1, %mul3A_5 : i32
    %add3A = arith.constant 2432 : i32
    %add3A_7 = arith.addi %add3A, %mul3A_6 : i32
    %select_n3A_8 = arith.select %eq3A_3, %mul3A_4, %add3A_7 : i32
    %scan3A = arith.constant 0 : i32
    %scan3A_9 = arith.constant 0 : i32
    %scan3A_10 = arith.constant 640 : i32
    %scan3A_11 = arith.addi %scan3A_9, %scan3A_10 : i32
    %scan3A_12 = arith.constant 1 : i32
    %scan3A_13 = scf.for %scan3A_178 = %scan3A_9 to %scan3A_11 step %scan3A_12 iter_args(%scan3A_179 = %scan3A) -> (i32)  : i32 {
      %broadcast_in_dim3A = arith.constant 0.000000e+00 : f32
      %broadcast_in_dim3A_180 = vector.broadcast %broadcast_in_dim3A : f32 to vector<16xf32>
      %swap3A = arith.index_cast %scan3A_178 : i32 to index
      %swap3A_181 = arith.constant 0 : index
      %swap3A_182 = tpu.vector_load %arg9[%swap3A, %swap3A_181] {strides = array<i32>} : memref<640x16xf32, #tpu.memory_space<vmem>>, vector<1x16xf32>,
      %swap3A_183 = vector.shape_cast %swap3A_182 : vector<1x16xf32> to vector<16xf32>
      %swap3A_184 = vector.shape_cast %broadcast_in_dim3A_180 : vector<16xf32> to vector<1x16xf32>
      tpu.vector_store %arg9[%swap3A, %swap3A_181], %swap3A_184 {strides = array<i32>} : memref<640x16xf32, #tpu.memory_space<vmem>>, vector<1x16xf32>,
      %scan3A_185 = arith.constant 0 : i32
      scf.yield %scan3A_185 : i32
    }
    %scan3A_14 = arith.constant 640 : i32
    %mul3A_15 = arith.constant 640 : i32
    %mul3A_16 = arith.muli %arg1, %mul3A_15 : i32
    "tpu.region"() ({
      %run_scoped3A = tpu.sem_alloc : memref<!tpu.dma_semaphore, #tpu.memory_space<semaphore_mem>>
      %dma_start3A = arith.constant 0 : i32
      %dma_start3A_178 = tpu.memref_slice %arg10[%mul3A_16, %dma_start3A] : memref<10240x16xf32, #tpu.memory_space<vmem_shared>> -> memref<640x16xf32, #tpu.memory_space<vmem_shared>>
      %dma_start3A_179 = arith.constant 0 : i32
      %dma_start3A_180 = tpu.memref_slice %arg10[%mul3A_16, %dma_start3A_179] : memref<10240x16xf32, #tpu.memory_space<vmem_shared>> -> memref<640x16xf32, #tpu.memory_space<vmem_shared>>
      tpu.enqueue_dma source(%arg9 : memref<640x16xf32, #tpu.memory_space<vmem>>) target(%dma_start3A_180 : memref<640x16xf32, #tpu.memory_space<vmem_shared>>) target_semaphore(%run_scoped3A : memref<!tpu.dma_semaphore, #tpu.memory_space<semaphore_mem>>)
      %dma_wait3A_181 = arith.constant 0 : i32
      %dma_wait3A_182 = tpu.memref_slice %arg10[%mul3A_16, %dma_wait3A_181] : memref<10240x16xf32, #tpu.memory_space<vmem_shared>> -> memref<640x16xf32, #tpu.memory_space<vmem_shared>>
      %dma_wait3A_183 = arith.constant 0 : i32
      %dma_wait3A_184 = tpu.memref_slice %arg10[%mul3A_16, %dma_wait3A_183] : memref<10240x16xf32, #tpu.memory_space<vmem_shared>> -> memref<640x16xf32, #tpu.memory_space<vmem_shared>>
      tpu.wait_dma2 semaphore(%run_scoped3A : memref<!tpu.dma_semaphore, #tpu.memory_space<semaphore_mem>>) src(%arg9 : memref<640x16xf32, #tpu.memory_space<vmem>>) dst(%dma_wait3A_184 : memref<640x16xf32, #tpu.memory_space<vmem_shared>>)
      tpu.yield
    }) : () -> ()
    %eq3A_17 = arith.constant 0 : i32
    %eq3A_18 = arith.cmpi eq, %arg0, %eq3A_17 : i32
    %convert_element_type3A = arith.extui %eq3A_18 : i1 to i32
    %cond3A = arith.constant 0 : i32
    %cond3A_19 = arith.cmpi ne, %convert_element_type3A, %cond3A : i32
    scf.if %cond3A_19 {
      "tpu.region"() ({
        %run_scoped3A = tpu.sem_alloc : memref<!tpu.dma_semaphore, #tpu.memory_space<semaphore_mem>>
        %dma_start3A = arith.constant 0 : i32
        %dma_start3A_178 = arith.constant 0 : i32
        %dma_start3A_179 = tpu.memref_slice %arg6[%dma_start3A, %dma_start3A_178] : memref<152x128xi32, #tpu.memory_space<vmem>> -> memref<152x128xi32, #tpu.memory_space<vmem>>
        %dma_start3A_180 = arith.constant 0 : i32
        %dma_start3A_181 = tpu.memref_slice %arg2[%select_n3A_8, %dma_start3A_180] : memref<2560x128xi32, #tpu.memory_space<hbm>> -> memref<152x128xi32, #tpu.memory_space<hbm>>
        %dma_start3A_182 = arith.constant 0 : i32
        %dma_start3A_183 = arith.constant 0 : i32
        %dma_start3A_184 = tpu.memref_slice %arg6[%dma_start3A_182, %dma_start3A_183] : memref<152x128xi32, #tpu.memory_space<vmem>> -> memref<152x128xi32, #tpu.memory_space<vmem>>
        %dma_start3A_185 = arith.constant 0 : i32
        %dma_start3A_186 = tpu.memref_slice %arg2[%select_n3A_8, %dma_start3A_185] : memref<2560x128xi32, #tpu.memory_space<hbm>> -> memref<152x128xi32, #tpu.memory_space<hbm>>
        tpu.enqueue_dma source(%dma_start3A_186 : memref<152x128xi32, #tpu.memory_space<hbm>>) target(%dma_start3A_184 : memref<152x128xi32, #tpu.memory_space<vmem>>) target_semaphore(%run_scoped3A : memref<!tpu.dma_semaphore, #tpu.memory_space<semaphore_mem>>)
        %dma_wait3A_187 = arith.constant 0 : i32
        %dma_wait3A_188 = arith.constant 0 : i32
        %dma_wait3A_189 = tpu.memref_slice %arg6[%dma_wait3A_187, %dma_wait3A_188] : memref<152x128xi32, #tpu.memory_space<vmem>> -> memref<152x128xi32, #tpu.memory_space<vmem>>
        %dma_wait3A_190 = arith.constant 0 : i32
        %dma_wait3A_191 = tpu.memref_slice %arg2[%select_n3A_8, %dma_wait3A_190] : memref<2560x128xi32, #tpu.memory_space<hbm>> -> memref<152x128xi32, #tpu.memory_space<hbm>>
        %dma_wait3A_192 = arith.constant 0 : i32
        %dma_wait3A_193 = arith.constant 0 : i32
        %dma_wait3A_194 = tpu.memref_slice %arg6[%dma_wait3A_192, %dma_wait3A_193] : memref<152x128xi32, #tpu.memory_space<vmem>> -> memref<152x128xi32, #tpu.memory_space<vmem>>
        %dma_wait3A_195 = arith.constant 0 : i32
        %dma_wait3A_196 = tpu.memref_slice %arg2[%select_n3A_8, %dma_wait3A_195] : memref<2560x128xi32, #tpu.memory_space<hbm>> -> memref<152x128xi32, #tpu.memory_space<hbm>>
        tpu.wait_dma2 semaphore(%run_scoped3A : memref<!tpu.dma_semaphore, #tpu.memory_space<semaphore_mem>>) src(%dma_wait3A_196 : memref<152x128xi32, #tpu.memory_space<hbm>>) dst(%dma_wait3A_194 : memref<152x128xi32, #tpu.memory_space<vmem>>)
        tpu.yield
      }) : () -> ()
      "tpu.region"() ({
        %run_scoped3A = tpu.sem_alloc : memref<!tpu.dma_semaphore, #tpu.memory_space<semaphore_mem>>
        %dma_start3A = arith.constant 0 : i32
        %dma_start3A_178 = arith.constant 0 : i32
        %dma_start3A_179 = tpu.memref_slice %arg7[%dma_start3A, %dma_start3A_178] : memref<152x128xi32, #tpu.memory_space<vmem>> -> memref<152x128xi32, #tpu.memory_space<vmem>>
        %dma_start3A_180 = arith.constant 0 : i32
        %dma_start3A_181 = tpu.memref_slice %arg3[%select_n3A_8, %dma_start3A_180] : memref<2560x128xi32, #tpu.memory_space<hbm>> -> memref<152x128xi32, #tpu.memory_space<hbm>>
        %dma_start3A_182 = arith.constant 0 : i32
        %dma_start3A_183 = arith.constant 0 : i32
        %dma_start3A_184 = tpu.memref_slice %arg7[%dma_start3A_182, %dma_start3A_183] : memref<152x128xi32, #tpu.memory_space<vmem>> -> memref<152x128xi32, #tpu.memory_space<vmem>>
        %dma_start3A_185 = arith.constant 0 : i32
        %dma_start3A_186 = tpu.memref_slice %arg3[%select_n3A_8, %dma_start3A_185] : memref<2560x128xi32, #tpu.memory_space<hbm>> -> memref<152x128xi32, #tpu.memory_space<hbm>>
        tpu.enqueue_dma source(%dma_start3A_186 : memref<152x128xi32, #tpu.memory_space<hbm>>) target(%dma_start3A_184 : memref<152x128xi32, #tpu.memory_space<vmem>>) target_semaphore(%run_scoped3A : memref<!tpu.dma_semaphore, #tpu.memory_space<semaphore_mem>>)
        %dma_wait3A_187 = arith.constant 0 : i32
        %dma_wait3A_188 = arith.constant 0 : i32
        %dma_wait3A_189 = tpu.memref_slice %arg7[%dma_wait3A_187, %dma_wait3A_188] : memref<152x128xi32, #tpu.memory_space<vmem>> -> memref<152x128xi32, #tpu.memory_space<vmem>>
        %dma_wait3A_190 = arith.constant 0 : i32
        %dma_wait3A_191 = tpu.memref_slice %arg3[%select_n3A_8, %dma_wait3A_190] : memref<2560x128xi32, #tpu.memory_space<hbm>> -> memref<152x128xi32, #tpu.memory_space<hbm>>
        %dma_wait3A_192 = arith.constant 0 : i32
        %dma_wait3A_193 = arith.constant 0 : i32
        %dma_wait3A_194 = tpu.memref_slice %arg7[%dma_wait3A_192, %dma_wait3A_193] : memref<152x128xi32, #tpu.memory_space<vmem>> -> memref<152x128xi32, #tpu.memory_space<vmem>>
        %dma_wait3A_195 = arith.constant 0 : i32
        %dma_wait3A_196 = tpu.memref_slice %arg3[%select_n3A_8, %dma_wait3A_195] : memref<2560x128xi32, #tpu.memory_space<hbm>> -> memref<152x128xi32, #tpu.memory_space<hbm>>
        tpu.wait_dma2 semaphore(%run_scoped3A : memref<!tpu.dma_semaphore, #tpu.memory_space<semaphore_mem>>) src(%dma_wait3A_196 : memref<152x128xi32, #tpu.memory_space<hbm>>) dst(%dma_wait3A_194 : memref<152x128xi32, #tpu.memory_space<vmem>>)
        tpu.yield
      }) : () -> ()
    } else {
    }
    %eq3A_20 = arith.constant 1 : i32
    %eq3A_21 = arith.cmpi eq, %arg0, %eq3A_20 : i32
    %convert_element_type3A_22 = arith.extui %eq3A_21 : i1 to i32
    %cond3A_23 = arith.constant 0 : i32
    %cond3A_24 = arith.cmpi ne, %convert_element_type3A_22, %cond3A_23 : i32
    scf.if %cond3A_24 {
      "tpu.region"() ({
        %run_scoped3A = tpu.sem_alloc : memref<!tpu.dma_semaphore, #tpu.memory_space<semaphore_mem>>
        %dma_start3A = arith.constant 0 : i32
        %dma_start3A_178 = arith.constant 0 : i32
        %dma_start3A_179 = tpu.memref_slice %arg6[%dma_start3A, %dma_start3A_178] : memref<152x128xi32, #tpu.memory_space<vmem>> -> memref<8x128xi32, #tpu.memory_space<vmem>>
        %dma_start3A_180 = arith.constant 0 : i32
        %dma_start3A_181 = tpu.memref_slice %arg2[%select_n3A_8, %dma_start3A_180] : memref<2560x128xi32, #tpu.memory_space<hbm>> -> memref<8x128xi32, #tpu.memory_space<hbm>>
        %dma_start3A_182 = arith.constant 0 : i32
        %dma_start3A_183 = arith.constant 0 : i32
        %dma_start3A_184 = tpu.memref_slice %arg6[%dma_start3A_182, %dma_start3A_183] : memref<152x128xi32, #tpu.memory_space<vmem>> -> memref<8x128xi32, #tpu.memory_space<vmem>>
        %dma_start3A_185 = arith.constant 0 : i32
        %dma_start3A_186 = tpu.memref_slice %arg2[%select_n3A_8, %dma_start3A_185] : memref<2560x128xi32, #tpu.memory_space<hbm>> -> memref<8x128xi32, #tpu.memory_space<hbm>>
        tpu.enqueue_dma source(%dma_start3A_186 : memref<8x128xi32, #tpu.memory_space<hbm>>) target(%dma_start3A_184 : memref<8x128xi32, #tpu.memory_space<vmem>>) target_semaphore(%run_scoped3A : memref<!tpu.dma_semaphore, #tpu.memory_space<semaphore_mem>>)
        %dma_wait3A_187 = arith.constant 0 : i32
        %dma_wait3A_188 = arith.constant 0 : i32
        %dma_wait3A_189 = tpu.memref_slice %arg6[%dma_wait3A_187, %dma_wait3A_188] : memref<152x128xi32, #tpu.memory_space<vmem>> -> memref<8x128xi32, #tpu.memory_space<vmem>>
        %dma_wait3A_190 = arith.constant 0 : i32
        %dma_wait3A_191 = tpu.memref_slice %arg2[%select_n3A_8, %dma_wait3A_190] : memref<2560x128xi32, #tpu.memory_space<hbm>> -> memref<8x128xi32, #tpu.memory_space<hbm>>
        %dma_wait3A_192 = arith.constant 0 : i32
        %dma_wait3A_193 = arith.constant 0 : i32
        %dma_wait3A_194 = tpu.memref_slice %arg6[%dma_wait3A_192, %dma_wait3A_193] : memref<152x128xi32, #tpu.memory_space<vmem>> -> memref<8x128xi32, #tpu.memory_space<vmem>>
        %dma_wait3A_195 = arith.constant 0 : i32
        %dma_wait3A_196 = tpu.memref_slice %arg2[%select_n3A_8, %dma_wait3A_195] : memref<2560x128xi32, #tpu.memory_space<hbm>> -> memref<8x128xi32, #tpu.memory_space<hbm>>
        tpu.wait_dma2 semaphore(%run_scoped3A : memref<!tpu.dma_semaphore, #tpu.memory_space<semaphore_mem>>) src(%dma_wait3A_196 : memref<8x128xi32, #tpu.memory_space<hbm>>) dst(%dma_wait3A_194 : memref<8x128xi32, #tpu.memory_space<vmem>>)
        tpu.yield
      }) : () -> ()
      "tpu.region"() ({
        %run_scoped3A = tpu.sem_alloc : memref<!tpu.dma_semaphore, #tpu.memory_space<semaphore_mem>>
        %dma_start3A = arith.constant 0 : i32
        %dma_start3A_178 = arith.constant 0 : i32
        %dma_start3A_179 = tpu.memref_slice %arg7[%dma_start3A, %dma_start3A_178] : memref<152x128xi32, #tpu.memory_space<vmem>> -> memref<8x128xi32, #tpu.memory_space<vmem>>
        %dma_start3A_180 = arith.constant 0 : i32
        %dma_start3A_181 = tpu.memref_slice %arg3[%select_n3A_8, %dma_start3A_180] : memref<2560x128xi32, #tpu.memory_space<hbm>> -> memref<8x128xi32, #tpu.memory_space<hbm>>
        %dma_start3A_182 = arith.constant 0 : i32
        %dma_start3A_183 = arith.constant 0 : i32
        %dma_start3A_184 = tpu.memref_slice %arg7[%dma_start3A_182, %dma_start3A_183] : memref<152x128xi32, #tpu.memory_space<vmem>> -> memref<8x128xi32, #tpu.memory_space<vmem>>
        %dma_start3A_185 = arith.constant 0 : i32
        %dma_start3A_186 = tpu.memref_slice %arg3[%select_n3A_8, %dma_start3A_185] : memref<2560x128xi32, #tpu.memory_space<hbm>> -> memref<8x128xi32, #tpu.memory_space<hbm>>
        tpu.enqueue_dma source(%dma_start3A_186 : memref<8x128xi32, #tpu.memory_space<hbm>>) target(%dma_start3A_184 : memref<8x128xi32, #tpu.memory_space<vmem>>) target_semaphore(%run_scoped3A : memref<!tpu.dma_semaphore, #tpu.memory_space<semaphore_mem>>)
        %dma_wait3A_187 = arith.constant 0 : i32
        %dma_wait3A_188 = arith.constant 0 : i32
        %dma_wait3A_189 = tpu.memref_slice %arg7[%dma_wait3A_187, %dma_wait3A_188] : memref<152x128xi32, #tpu.memory_space<vmem>> -> memref<8x128xi32, #tpu.memory_space<vmem>>
        %dma_wait3A_190 = arith.constant 0 : i32
        %dma_wait3A_191 = tpu.memref_slice %arg3[%select_n3A_8, %dma_wait3A_190] : memref<2560x128xi32, #tpu.memory_space<hbm>> -> memref<8x128xi32, #tpu.memory_space<hbm>>
        %dma_wait3A_192 = arith.constant 0 : i32
        %dma_wait3A_193 = arith.constant 0 : i32
        %dma_wait3A_194 = tpu.memref_slice %arg7[%dma_wait3A_192, %dma_wait3A_193] : memref<152x128xi32, #tpu.memory_space<vmem>> -> memref<8x128xi32, #tpu.memory_space<vmem>>
        %dma_wait3A_195 = arith.constant 0 : i32
        %dma_wait3A_196 = tpu.memref_slice %arg3[%select_n3A_8, %dma_wait3A_195] : memref<2560x128xi32, #tpu.memory_space<hbm>> -> memref<8x128xi32, #tpu.memory_space<hbm>>
        tpu.wait_dma2 semaphore(%run_scoped3A : memref<!tpu.dma_semaphore, #tpu.memory_space<semaphore_mem>>) src(%dma_wait3A_196 : memref<8x128xi32, #tpu.memory_space<hbm>>) dst(%dma_wait3A_194 : memref<8x128xi32, #tpu.memory_space<vmem>>)
        tpu.yield
      }) : () -> ()
    } else {
    }
    %barrier3A = arith.constant 0 : index
    tpu.barrier barrier_id(%barrier3A)
    %jit3A_25 = arith.constant 8 : i32
    %div3A = arith.divsi %select_n3A, %jit3A_25 : i32
    %sign3A = arith.constant 0 : i32
    %sign3A_26 = arith.cmpi sgt, %select_n3A, %sign3A : i32
    %sign3A_27 = arith.extui %sign3A_26 : i1 to i32
    %sign3A_28 = arith.constant 0 : i32
    %sign3A_29 = arith.cmpi slt, %select_n3A, %sign3A_28 : i32
    %sign3A_30 = arith.extui %sign3A_29 : i1 to i32
    %sign3A_31 = arith.subi %sign3A_27, %sign3A_30 : i32
    %sign3A_32 = arith.constant 0 : i32
    %sign3A_33 = arith.cmpi sgt, %jit3A_25, %sign3A_32 : i32
    %sign3A_34 = arith.extui %sign3A_33 : i1 to i32
    %sign3A_35 = arith.constant 0 : i32
    %sign3A_36 = arith.cmpi slt, %jit3A_25, %sign3A_35 : i32
    %sign3A_37 = arith.extui %sign3A_36 : i1 to i32
    %sign3A_38 = arith.subi %sign3A_34, %sign3A_37 : i32
    %ne3A = arith.cmpi ne, %sign3A_31, %sign3A_38 : i32
    %rem3A = arith.remsi %select_n3A, %jit3A_25 : i32
    %ne3A_39 = arith.constant 0 : i32
    %ne3A_40 = arith.cmpi ne, %rem3A, %ne3A_39 : i32
    %and3A = arith.andi %ne3A, %ne3A_40 : i1
    %sub3A = arith.constant 1 : i32
    %sub3A_41 = arith.subi %div3A, %sub3A : i32
    %select_n3A_42 = arith.select %and3A, %sub3A_41, %div3A : i32
    %while3A = arith.constant 0 : i32
    %while3A_43 = arith.constant 0 : i32
    %while3A_44 = arith.subi %select_n3A_42, %while3A : i32
    %while3A_45 = arith.addi %while3A, %while3A_44 : i32
    %while3A_46 = arith.constant 1 : i32
    %while3A_47 = arith.divsi %while3A_44, %while3A_46 : i32
    %while3A_48 = arith.muli %while3A_47, %while3A_46 : i32
    %while3A_49 = arith.addi %while3A, %while3A_48 : i32
    %while3A_50 = arith.constant 1 : i32
    %while3A_51 = scf.for %while3A_178 = %while3A to %while3A_49 step %while3A_50 iter_args(%while3A_179 = %while3A_43) -> (i32)  : i32 {
      %mul3A_180 = arith.constant 8 : i32
      %mul3A_181 = arith.muli %while3A_178, %mul3A_180 : i32
      %add3A_182 = arith.constant 0 : i32
      %add3A_183 = arith.addi %mul3A_181, %add3A_182 : i32
      %gt3A = arith.constant 0 : i32
      %gt3A_184 = arith.cmpi sgt, %while3A_178, %gt3A : i32
      %convert_element_type3A_185 = arith.extui %gt3A_184 : i1 to i32
      %cond3A_186 = arith.constant 0 : i32
      %cond3A_187 = arith.cmpi ne, %convert_element_type3A_185, %cond3A_186 : i32
      scf.if %cond3A_187 {
        %dma_wait3A_589 = arith.constant 0 : i32
        %dma_wait3A_590 = arith.constant 0 : i32
        %dma_wait3A_591 = arith.constant 0 : i32
        %dma_wait3A_592 = arith.constant 0 : i32
        %dma_wait3A_593 = tpu.memref_slice %arg8[%dma_wait3A_589, %dma_wait3A_591, %dma_wait3A_592] : memref<8x128x16xf32, #tpu.memory_space<vmem>> -> memref<1x128x16xf32, #tpu.memory_space<vmem>>
        %dma_wait3A_594 = tpu.memref_squeeze %dma_wait3A_593 : memref<1x128x16xf32, #tpu.memory_space<vmem>> -> memref<128x16xf32, #tpu.memory_space<vmem>>
        %dma_wait3A_595 = arith.constant 0 : i32
        %dma_wait3A_596 = tpu.memref_slice %arg7[%add3A_183, %dma_wait3A_595] : memref<152x128xi32, #tpu.memory_space<vmem>> -> memref<1x128xi32, #tpu.memory_space<vmem>>
        %dma_wait3A_597 = tpu.memref_squeeze %dma_wait3A_596 : memref<1x128xi32, #tpu.memory_space<vmem>> -> memref<128xi32, #tpu.memory_space<vmem>>
        %dma_wait3A_598 = arith.constant 0 : i32
        %dma_wait3A_599 = arith.constant 0 : i32
        %dma_wait3A_600 = tpu.memref_slice %arg10[%dma_wait3A_598, %dma_wait3A_599] : memref<10240x16xf32, #tpu.memory_space<vmem_shared>> -> memref<10240x16xf32, #tpu.memory_space<vmem_shared>>
        %dma_wait3A_601 = tpu.memref_slice %arg12[%dma_wait3A_590] : memref<8x!tpu.dma_semaphore, #tpu.memory_space<semaphore_mem>> -> memref<1x!tpu.dma_semaphore, #tpu.memory_space<semaphore_mem>>
        %dma_wait3A_602 = tpu.memref_squeeze %dma_wait3A_601 : memref<1x!tpu.dma_semaphore, #tpu.memory_space<semaphore_mem>> -> memref<!tpu.dma_semaphore, #tpu.memory_space<semaphore_mem>>
        tpu.wait_indirect_dma semaphore(%dma_wait3A_602 : memref<!tpu.dma_semaphore, #tpu.memory_space<semaphore_mem>>) src(%dma_wait3A_594 : memref<128x16xf32, #tpu.memory_space<vmem>>) dst(%dma_wait3A_600 : memref<10240x16xf32, #tpu.memory_space<vmem_shared>>)
      } else {
      }
      %dma_start3A = arith.constant 0 : i32
      %dma_start3A_188 = arith.constant 0 : i32
      %dma_start3A_189 = arith.constant 0 : i32
      %dma_start3A_190 = arith.constant 0 : i32
      %dma_start3A_191 = tpu.memref_slice %arg8[%dma_start3A, %dma_start3A_189, %dma_start3A_190] : memref<8x128x16xf32, #tpu.memory_space<vmem>> -> memref<1x128x16xf32, #tpu.memory_space<vmem>>
      %dma_start3A_192 = tpu.memref_squeeze %dma_start3A_191 : memref<1x128x16xf32, #tpu.memory_space<vmem>> -> memref<128x16xf32, #tpu.memory_space<vmem>>
      %dma_start3A_193 = arith.constant 0 : i32
      %dma_start3A_194 = tpu.memref_slice %arg6[%add3A_183, %dma_start3A_193] : memref<152x128xi32, #tpu.memory_space<vmem>> -> memref<1x128xi32, #tpu.memory_space<vmem>>
      %dma_start3A_195 = tpu.memref_squeeze %dma_start3A_194 : memref<1x128xi32, #tpu.memory_space<vmem>> -> memref<128xi32, #tpu.memory_space<vmem>>
      %dma_start3A_196 = arith.constant 0 : i32
      %dma_start3A_197 = arith.constant 0 : i32
      %dma_start3A_198 = tpu.memref_slice %arg4[%dma_start3A_196, %dma_start3A_197] : memref<10000x16xf32, #tpu.memory_space<hbm>> -> memref<10000x16xf32, #tpu.memory_space<hbm>>
      %dma_start3A_199 = tpu.memref_slice %arg11[%dma_start3A_188] : memref<8x!tpu.dma_semaphore, #tpu.memory_space<semaphore_mem>> -> memref<1x!tpu.dma_semaphore, #tpu.memory_space<semaphore_mem>>
      %dma_start3A_200 = tpu.memref_squeeze %dma_start3A_199 : memref<1x!tpu.dma_semaphore, #tpu.memory_space<semaphore_mem>> -> memref<!tpu.dma_semaphore, #tpu.memory_space<semaphore_mem>>
      tpu.enqueue_indirect_dma source(%dma_start3A_198 : memref<10000x16xf32, #tpu.memory_space<hbm>>) target(%dma_start3A_192 : memref<128x16xf32, #tpu.memory_space<vmem>>) offsets(%dma_start3A_195 : memref<128xi32, #tpu.memory_space<vmem>>) semaphore(%dma_start3A_200 : memref<!tpu.dma_semaphore, #tpu.memory_space<semaphore_mem>>)
      %add3A_201 = arith.constant 1 : i32
      %add3A_202 = arith.addi %mul3A_181, %add3A_201 : i32
      %gt3A_203 = arith.constant 0 : i32
      %gt3A_204 = arith.cmpi sgt, %while3A_178, %gt3A_203 : i32
      %convert_element_type3A_205 = arith.extui %gt3A_204 : i1 to i32
      %cond3A_206 = arith.constant 0 : i32
      %cond3A_207 = arith.cmpi ne, %convert_element_type3A_205, %cond3A_206 : i32
      scf.if %cond3A_207 {
        %dma_wait3A_589 = arith.constant 1 : i32
        %dma_wait3A_590 = arith.constant 1 : i32
        %dma_wait3A_591 = arith.constant 0 : i32
        %dma_wait3A_592 = arith.constant 0 : i32
        %dma_wait3A_593 = tpu.memref_slice %arg8[%dma_wait3A_589, %dma_wait3A_591, %dma_wait3A_592] : memref<8x128x16xf32, #tpu.memory_space<vmem>> -> memref<1x128x16xf32, #tpu.memory_space<vmem>>
        %dma_wait3A_594 = tpu.memref_squeeze %dma_wait3A_593 : memref<1x128x16xf32, #tpu.memory_space<vmem>> -> memref<128x16xf32, #tpu.memory_space<vmem>>
        %dma_wait3A_595 = arith.constant 0 : i32
        %dma_wait3A_596 = tpu.memref_slice %arg7[%add3A_202, %dma_wait3A_595] : memref<152x128xi32, #tpu.memory_space<vmem>> -> memref<1x128xi32, #tpu.memory_space<vmem>>
        %dma_wait3A_597 = tpu.memref_squeeze %dma_wait3A_596 : memref<1x128xi32, #tpu.memory_space<vmem>> -> memref<128xi32, #tpu.memory_space<vmem>>
        %dma_wait3A_598 = arith.constant 0 : i32
        %dma_wait3A_599 = arith.constant 0 : i32
        %dma_wait3A_600 = tpu.memref_slice %arg10[%dma_wait3A_598, %dma_wait3A_599] : memref<10240x16xf32, #tpu.memory_space<vmem_shared>> -> memref<10240x16xf32, #tpu.memory_space<vmem_shared>>
        %dma_wait3A_601 = tpu.memref_slice %arg12[%dma_wait3A_590] : memref<8x!tpu.dma_semaphore, #tpu.memory_space<semaphore_mem>> -> memref<1x!tpu.dma_semaphore, #tpu.memory_space<semaphore_mem>>
        %dma_wait3A_602 = tpu.memref_squeeze %dma_wait3A_601 : memref<1x!tpu.dma_semaphore, #tpu.memory_space<semaphore_mem>> -> memref<!tpu.dma_semaphore, #tpu.memory_space<semaphore_mem>>
        tpu.wait_indirect_dma semaphore(%dma_wait3A_602 : memref<!tpu.dma_semaphore, #tpu.memory_space<semaphore_mem>>) src(%dma_wait3A_594 : memref<128x16xf32, #tpu.memory_space<vmem>>) dst(%dma_wait3A_600 : memref<10240x16xf32, #tpu.memory_space<vmem_shared>>)
      } else {
      }
      %dma_start3A_208 = arith.constant 1 : i32
      %dma_start3A_209 = arith.constant 1 : i32
      %dma_start3A_210 = arith.constant 0 : i32
      %dma_start3A_211 = arith.constant 0 : i32
      %dma_start3A_212 = tpu.memref_slice %arg8[%dma_start3A_208, %dma_start3A_210, %dma_start3A_211] : memref<8x128x16xf32, #tpu.memory_space<vmem>> -> memref<1x128x16xf32, #tpu.memory_space<vmem>>
      %dma_start3A_213 = tpu.memref_squeeze %dma_start3A_212 : memref<1x128x16xf32, #tpu.memory_space<vmem>> -> memref<128x16xf32, #tpu.memory_space<vmem>>
      %dma_start3A_214 = arith.constant 0 : i32
      %dma_start3A_215 = tpu.memref_slice %arg6[%add3A_202, %dma_start3A_214] : memref<152x128xi32, #tpu.memory_space<vmem>> -> memref<1x128xi32, #tpu.memory_space<vmem>>
      %dma_start3A_216 = tpu.memref_squeeze %dma_start3A_215 : memref<1x128xi32, #tpu.memory_space<vmem>> -> memref<128xi32, #tpu.memory_space<vmem>>
      %dma_start3A_217 = arith.constant 0 : i32
      %dma_start3A_218 = arith.constant 0 : i32
      %dma_start3A_219 = tpu.memref_slice %arg4[%dma_start3A_217, %dma_start3A_218] : memref<10000x16xf32, #tpu.memory_space<hbm>> -> memref<10000x16xf32, #tpu.memory_space<hbm>>
      %dma_start3A_220 = tpu.memref_slice %arg11[%dma_start3A_209] : memref<8x!tpu.dma_semaphore, #tpu.memory_space<semaphore_mem>> -> memref<1x!tpu.dma_semaphore, #tpu.memory_space<semaphore_mem>>
      %dma_start3A_221 = tpu.memref_squeeze %dma_start3A_220 : memref<1x!tpu.dma_semaphore, #tpu.memory_space<semaphore_mem>> -> memref<!tpu.dma_semaphore, #tpu.memory_space<semaphore_mem>>
      tpu.enqueue_indirect_dma source(%dma_start3A_219 : memref<10000x16xf32, #tpu.memory_space<hbm>>) target(%dma_start3A_213 : memref<128x16xf32, #tpu.memory_space<vmem>>) offsets(%dma_start3A_216 : memref<128xi32, #tpu.memory_space<vmem>>) semaphore(%dma_start3A_221 : memref<!tpu.dma_semaphore, #tpu.memory_space<semaphore_mem>>)
      %add3A_222 = arith.constant 2 : i32
      %add3A_223 = arith.addi %mul3A_181, %add3A_222 : i32
      %gt3A_224 = arith.constant 0 : i32
      %gt3A_225 = arith.cmpi sgt, %while3A_178, %gt3A_224 : i32
      %convert_element_type3A_226 = arith.extui %gt3A_225 : i1 to i32
      %cond3A_227 = arith.constant 0 : i32
      %cond3A_228 = arith.cmpi ne, %convert_element_type3A_226, %cond3A_227 : i32
      scf.if %cond3A_228 {
        %dma_wait3A_589 = arith.constant 2 : i32
        %dma_wait3A_590 = arith.constant 2 : i32
        %dma_wait3A_591 = arith.constant 0 : i32
        %dma_wait3A_592 = arith.constant 0 : i32
        %dma_wait3A_593 = tpu.memref_slice %arg8[%dma_wait3A_589, %dma_wait3A_591, %dma_wait3A_592] : memref<8x128x16xf32, #tpu.memory_space<vmem>> -> memref<1x128x16xf32, #tpu.memory_space<vmem>>
        %dma_wait3A_594 = tpu.memref_squeeze %dma_wait3A_593 : memref<1x128x16xf32, #tpu.memory_space<vmem>> -> memref<128x16xf32, #tpu.memory_space<vmem>>
        %dma_wait3A_595 = arith.constant 0 : i32
        %dma_wait3A_596 = tpu.memref_slice %arg7[%add3A_223, %dma_wait3A_595] : memref<152x128xi32, #tpu.memory_space<vmem>> -> memref<1x128xi32, #tpu.memory_space<vmem>>
        %dma_wait3A_597 = tpu.memref_squeeze %dma_wait3A_596 : memref<1x128xi32, #tpu.memory_space<vmem>> -> memref<128xi32, #tpu.memory_space<vmem>>
        %dma_wait3A_598 = arith.constant 0 : i32
        %dma_wait3A_599 = arith.constant 0 : i32
        %dma_wait3A_600 = tpu.memref_slice %arg10[%dma_wait3A_598, %dma_wait3A_599] : memref<10240x16xf32, #tpu.memory_space<vmem_shared>> -> memref<10240x16xf32, #tpu.memory_space<vmem_shared>>
        %dma_wait3A_601 = tpu.memref_slice %arg12[%dma_wait3A_590] : memref<8x!tpu.dma_semaphore, #tpu.memory_space<semaphore_mem>> -> memref<1x!tpu.dma_semaphore, #tpu.memory_space<semaphore_mem>>
        %dma_wait3A_602 = tpu.memref_squeeze %dma_wait3A_601 : memref<1x!tpu.dma_semaphore, #tpu.memory_space<semaphore_mem>> -> memref<!tpu.dma_semaphore, #tpu.memory_space<semaphore_mem>>
        tpu.wait_indirect_dma semaphore(%dma_wait3A_602 : memref<!tpu.dma_semaphore, #tpu.memory_space<semaphore_mem>>) src(%dma_wait3A_594 : memref<128x16xf32, #tpu.memory_space<vmem>>) dst(%dma_wait3A_600 : memref<10240x16xf32, #tpu.memory_space<vmem_shared>>)
      } else {
      }
      %dma_start3A_229 = arith.constant 2 : i32
      %dma_start3A_230 = arith.constant 2 : i32
      %dma_start3A_231 = arith.constant 0 : i32
      %dma_start3A_232 = arith.constant 0 : i32
      %dma_start3A_233 = tpu.memref_slice %arg8[%dma_start3A_229, %dma_start3A_231, %dma_start3A_232] : memref<8x128x16xf32, #tpu.memory_space<vmem>> -> memref<1x128x16xf32, #tpu.memory_space<vmem>>
      %dma_start3A_234 = tpu.memref_squeeze %dma_start3A_233 : memref<1x128x16xf32, #tpu.memory_space<vmem>> -> memref<128x16xf32, #tpu.memory_space<vmem>>
      %dma_start3A_235 = arith.constant 0 : i32
      %dma_start3A_236 = tpu.memref_slice %arg6[%add3A_223, %dma_start3A_235] : memref<152x128xi32, #tpu.memory_space<vmem>> -> memref<1x128xi32, #tpu.memory_space<vmem>>
      %dma_start3A_237 = tpu.memref_squeeze %dma_start3A_236 : memref<1x128xi32, #tpu.memory_space<vmem>> -> memref<128xi32, #tpu.memory_space<vmem>>
      %dma_start3A_238 = arith.constant 0 : i32
      %dma_start3A_239 = arith.constant 0 : i32
      %dma_start3A_240 = tpu.memref_slice %arg4[%dma_start3A_238, %dma_start3A_239] : memref<10000x16xf32, #tpu.memory_space<hbm>> -> memref<10000x16xf32, #tpu.memory_space<hbm>>
      %dma_start3A_241 = tpu.memref_slice %arg11[%dma_start3A_230] : memref<8x!tpu.dma_semaphore, #tpu.memory_space<semaphore_mem>> -> memref<1x!tpu.dma_semaphore, #tpu.memory_space<semaphore_mem>>
      %dma_start3A_242 = tpu.memref_squeeze %dma_start3A_241 : memref<1x!tpu.dma_semaphore, #tpu.memory_space<semaphore_mem>> -> memref<!tpu.dma_semaphore, #tpu.memory_space<semaphore_mem>>
      tpu.enqueue_indirect_dma source(%dma_start3A_240 : memref<10000x16xf32, #tpu.memory_space<hbm>>) target(%dma_start3A_234 : memref<128x16xf32, #tpu.memory_space<vmem>>) offsets(%dma_start3A_237 : memref<128xi32, #tpu.memory_space<vmem>>) semaphore(%dma_start3A_242 : memref<!tpu.dma_semaphore, #tpu.memory_space<semaphore_mem>>)
      %add3A_243 = arith.constant 3 : i32
      %add3A_244 = arith.addi %mul3A_181, %add3A_243 : i32
      %gt3A_245 = arith.constant 0 : i32
      %gt3A_246 = arith.cmpi sgt, %while3A_178, %gt3A_245 : i32
      %convert_element_type3A_247 = arith.extui %gt3A_246 : i1 to i32
      %cond3A_248 = arith.constant 0 : i32
      %cond3A_249 = arith.cmpi ne, %convert_element_type3A_247, %cond3A_248 : i32
      scf.if %cond3A_249 {
        %dma_wait3A_589 = arith.constant 3 : i32
        %dma_wait3A_590 = arith.constant 3 : i32
        %dma_wait3A_591 = arith.constant 0 : i32
        %dma_wait3A_592 = arith.constant 0 : i32
        %dma_wait3A_593 = tpu.memref_slice %arg8[%dma_wait3A_589, %dma_wait3A_591, %dma_wait3A_592] : memref<8x128x16xf32, #tpu.memory_space<vmem>> -> memref<1x128x16xf32, #tpu.memory_space<vmem>>
        %dma_wait3A_594 = tpu.memref_squeeze %dma_wait3A_593 : memref<1x128x16xf32, #tpu.memory_space<vmem>> -> memref<128x16xf32, #tpu.memory_space<vmem>>
        %dma_wait3A_595 = arith.constant 0 : i32
        %dma_wait3A_596 = tpu.memref_slice %arg7[%add3A_244, %dma_wait3A_595] : memref<152x128xi32, #tpu.memory_space<vmem>> -> memref<1x128xi32, #tpu.memory_space<vmem>>
        %dma_wait3A_597 = tpu.memref_squeeze %dma_wait3A_596 : memref<1x128xi32, #tpu.memory_space<vmem>> -> memref<128xi32, #tpu.memory_space<vmem>>
        %dma_wait3A_598 = arith.constant 0 : i32
        %dma_wait3A_599 = arith.constant 0 : i32
        %dma_wait3A_600 = tpu.memref_slice %arg10[%dma_wait3A_598, %dma_wait3A_599] : memref<10240x16xf32, #tpu.memory_space<vmem_shared>> -> memref<10240x16xf32, #tpu.memory_space<vmem_shared>>
        %dma_wait3A_601 = tpu.memref_slice %arg12[%dma_wait3A_590] : memref<8x!tpu.dma_semaphore, #tpu.memory_space<semaphore_mem>> -> memref<1x!tpu.dma_semaphore, #tpu.memory_space<semaphore_mem>>
        %dma_wait3A_602 = tpu.memref_squeeze %dma_wait3A_601 : memref<1x!tpu.dma_semaphore, #tpu.memory_space<semaphore_mem>> -> memref<!tpu.dma_semaphore, #tpu.memory_space<semaphore_mem>>
        tpu.wait_indirect_dma semaphore(%dma_wait3A_602 : memref<!tpu.dma_semaphore, #tpu.memory_space<semaphore_mem>>) src(%dma_wait3A_594 : memref<128x16xf32, #tpu.memory_space<vmem>>) dst(%dma_wait3A_600 : memref<10240x16xf32, #tpu.memory_space<vmem_shared>>)
      } else {
      }
      %dma_start3A_250 = arith.constant 3 : i32
      %dma_start3A_251 = arith.constant 3 : i32
      %dma_start3A_252 = arith.constant 0 : i32
      %dma_start3A_253 = arith.constant 0 : i32
      %dma_start3A_254 = tpu.memref_slice %arg8[%dma_start3A_250, %dma_start3A_252, %dma_start3A_253] : memref<8x128x16xf32, #tpu.memory_space<vmem>> -> memref<1x128x16xf32, #tpu.memory_space<vmem>>
      %dma_start3A_255 = tpu.memref_squeeze %dma_start3A_254 : memref<1x128x16xf32, #tpu.memory_space<vmem>> -> memref<128x16xf32, #tpu.memory_space<vmem>>
      %dma_start3A_256 = arith.constant 0 : i32
      %dma_start3A_257 = tpu.memref_slice %arg6[%add3A_244, %dma_start3A_256] : memref<152x128xi32, #tpu.memory_space<vmem>> -> memref<1x128xi32, #tpu.memory_space<vmem>>
      %dma_start3A_258 = tpu.memref_squeeze %dma_start3A_257 : memref<1x128xi32, #tpu.memory_space<vmem>> -> memref<128xi32, #tpu.memory_space<vmem>>
      %dma_start3A_259 = arith.constant 0 : i32
      %dma_start3A_260 = arith.constant 0 : i32
      %dma_start3A_261 = tpu.memref_slice %arg4[%dma_start3A_259, %dma_start3A_260] : memref<10000x16xf32, #tpu.memory_space<hbm>> -> memref<10000x16xf32, #tpu.memory_space<hbm>>
      %dma_start3A_262 = tpu.memref_slice %arg11[%dma_start3A_251] : memref<8x!tpu.dma_semaphore, #tpu.memory_space<semaphore_mem>> -> memref<1x!tpu.dma_semaphore, #tpu.memory_space<semaphore_mem>>
      %dma_start3A_263 = tpu.memref_squeeze %dma_start3A_262 : memref<1x!tpu.dma_semaphore, #tpu.memory_space<semaphore_mem>> -> memref<!tpu.dma_semaphore, #tpu.memory_space<semaphore_mem>>
      tpu.enqueue_indirect_dma source(%dma_start3A_261 : memref<10000x16xf32, #tpu.memory_space<hbm>>) target(%dma_start3A_255 : memref<128x16xf32, #tpu.memory_space<vmem>>) offsets(%dma_start3A_258 : memref<128xi32, #tpu.memory_space<vmem>>) semaphore(%dma_start3A_263 : memref<!tpu.dma_semaphore, #tpu.memory_space<semaphore_mem>>)
      %add3A_264 = arith.constant 4 : i32
      %add3A_265 = arith.addi %mul3A_181, %add3A_264 : i32
      %gt3A_266 = arith.constant 0 : i32
      %gt3A_267 = arith.cmpi sgt, %while3A_178, %gt3A_266 : i32
      %convert_element_type3A_268 = arith.extui %gt3A_267 : i1 to i32
      %cond3A_269 = arith.constant 0 : i32
      %cond3A_270 = arith.cmpi ne, %convert_element_type3A_268, %cond3A_269 : i32
      scf.if %cond3A_270 {
        %dma_wait3A_589 = arith.constant 4 : i32
        %dma_wait3A_590 = arith.constant 4 : i32
        %dma_wait3A_591 = arith.constant 0 : i32
        %dma_wait3A_592 = arith.constant 0 : i32
        %dma_wait3A_593 = tpu.memref_slice %arg8[%dma_wait3A_589, %dma_wait3A_591, %dma_wait3A_592] : memref<8x128x16xf32, #tpu.memory_space<vmem>> -> memref<1x128x16xf32, #tpu.memory_space<vmem>>
        %dma_wait3A_594 = tpu.memref_squeeze %dma_wait3A_593 : memref<1x128x16xf32, #tpu.memory_space<vmem>> -> memref<128x16xf32, #tpu.memory_space<vmem>>
        %dma_wait3A_595 = arith.constant 0 : i32
        %dma_wait3A_596 = tpu.memref_slice %arg7[%add3A_265, %dma_wait3A_595] : memref<152x128xi32, #tpu.memory_space<vmem>> -> memref<1x128xi32, #tpu.memory_space<vmem>>
        %dma_wait3A_597 = tpu.memref_squeeze %dma_wait3A_596 : memref<1x128xi32, #tpu.memory_space<vmem>> -> memref<128xi32, #tpu.memory_space<vmem>>
        %dma_wait3A_598 = arith.constant 0 : i32
        %dma_wait3A_599 = arith.constant 0 : i32
        %dma_wait3A_600 = tpu.memref_slice %arg10[%dma_wait3A_598, %dma_wait3A_599] : memref<10240x16xf32, #tpu.memory_space<vmem_shared>> -> memref<10240x16xf32, #tpu.memory_space<vmem_shared>>
        %dma_wait3A_601 = tpu.memref_slice %arg12[%dma_wait3A_590] : memref<8x!tpu.dma_semaphore, #tpu.memory_space<semaphore_mem>> -> memref<1x!tpu.dma_semaphore, #tpu.memory_space<semaphore_mem>>
        %dma_wait3A_602 = tpu.memref_squeeze %dma_wait3A_601 : memref<1x!tpu.dma_semaphore, #tpu.memory_space<semaphore_mem>> -> memref<!tpu.dma_semaphore, #tpu.memory_space<semaphore_mem>>
        tpu.wait_indirect_dma semaphore(%dma_wait3A_602 : memref<!tpu.dma_semaphore, #tpu.memory_space<semaphore_mem>>) src(%dma_wait3A_594 : memref<128x16xf32, #tpu.memory_space<vmem>>) dst(%dma_wait3A_600 : memref<10240x16xf32, #tpu.memory_space<vmem_shared>>)
      } else {
      }
      %dma_start3A_271 = arith.constant 4 : i32
      %dma_start3A_272 = arith.constant 4 : i32
      %dma_start3A_273 = arith.constant 0 : i32
      %dma_start3A_274 = arith.constant 0 : i32
      %dma_start3A_275 = tpu.memref_slice %arg8[%dma_start3A_271, %dma_start3A_273, %dma_start3A_274] : memref<8x128x16xf32, #tpu.memory_space<vmem>> -> memref<1x128x16xf32, #tpu.memory_space<vmem>>
      %dma_start3A_276 = tpu.memref_squeeze %dma_start3A_275 : memref<1x128x16xf32, #tpu.memory_space<vmem>> -> memref<128x16xf32, #tpu.memory_space<vmem>>
      %dma_start3A_277 = arith.constant 0 : i32
      %dma_start3A_278 = tpu.memref_slice %arg6[%add3A_265, %dma_start3A_277] : memref<152x128xi32, #tpu.memory_space<vmem>> -> memref<1x128xi32, #tpu.memory_space<vmem>>
      %dma_start3A_279 = tpu.memref_squeeze %dma_start3A_278 : memref<1x128xi32, #tpu.memory_space<vmem>> -> memref<128xi32, #tpu.memory_space<vmem>>
      %dma_start3A_280 = arith.constant 0 : i32
      %dma_start3A_281 = arith.constant 0 : i32
      %dma_start3A_282 = tpu.memref_slice %arg4[%dma_start3A_280, %dma_start3A_281] : memref<10000x16xf32, #tpu.memory_space<hbm>> -> memref<10000x16xf32, #tpu.memory_space<hbm>>
      %dma_start3A_283 = tpu.memref_slice %arg11[%dma_start3A_272] : memref<8x!tpu.dma_semaphore, #tpu.memory_space<semaphore_mem>> -> memref<1x!tpu.dma_semaphore, #tpu.memory_space<semaphore_mem>>
      %dma_start3A_284 = tpu.memref_squeeze %dma_start3A_283 : memref<1x!tpu.dma_semaphore, #tpu.memory_space<semaphore_mem>> -> memref<!tpu.dma_semaphore, #tpu.memory_space<semaphore_mem>>
      tpu.enqueue_indirect_dma source(%dma_start3A_282 : memref<10000x16xf32, #tpu.memory_space<hbm>>) target(%dma_start3A_276 : memref<128x16xf32, #tpu.memory_space<vmem>>) offsets(%dma_start3A_279 : memref<128xi32, #tpu.memory_space<vmem>>) semaphore(%dma_start3A_284 : memref<!tpu.dma_semaphore, #tpu.memory_space<semaphore_mem>>)
      %add3A_285 = arith.constant 5 : i32
      %add3A_286 = arith.addi %mul3A_181, %add3A_285 : i32
      %gt3A_287 = arith.constant 0 : i32
      %gt3A_288 = arith.cmpi sgt, %while3A_178, %gt3A_287 : i32
      %convert_element_type3A_289 = arith.extui %gt3A_288 : i1 to i32
      %cond3A_290 = arith.constant 0 : i32
      %cond3A_291 = arith.cmpi ne, %convert_element_type3A_289, %cond3A_290 : i32
      scf.if %cond3A_291 {
        %dma_wait3A_589 = arith.constant 5 : i32
        %dma_wait3A_590 = arith.constant 5 : i32
        %dma_wait3A_591 = arith.constant 0 : i32
        %dma_wait3A_592 = arith.constant 0 : i32
        %dma_wait3A_593 = tpu.memref_slice %arg8[%dma_wait3A_589, %dma_wait3A_591, %dma_wait3A_592] : memref<8x128x16xf32, #tpu.memory_space<vmem>> -> memref<1x128x16xf32, #tpu.memory_space<vmem>>
        %dma_wait3A_594 = tpu.memref_squeeze %dma_wait3A_593 : memref<1x128x16xf32, #tpu.memory_space<vmem>> -> memref<128x16xf32, #tpu.memory_space<vmem>>
        %dma_wait3A_595 = arith.constant 0 : i32
        %dma_wait3A_596 = tpu.memref_slice %arg7[%add3A_286, %dma_wait3A_595] : memref<152x128xi32, #tpu.memory_space<vmem>> -> memref<1x128xi32, #tpu.memory_space<vmem>>
        %dma_wait3A_597 = tpu.memref_squeeze %dma_wait3A_596 : memref<1x128xi32, #tpu.memory_space<vmem>> -> memref<128xi32, #tpu.memory_space<vmem>>
        %dma_wait3A_598 = arith.constant 0 : i32
        %dma_wait3A_599 = arith.constant 0 : i32
        %dma_wait3A_600 = tpu.memref_slice %arg10[%dma_wait3A_598, %dma_wait3A_599] : memref<10240x16xf32, #tpu.memory_space<vmem_shared>> -> memref<10240x16xf32, #tpu.memory_space<vmem_shared>>
        %dma_wait3A_601 = tpu.memref_slice %arg12[%dma_wait3A_590] : memref<8x!tpu.dma_semaphore, #tpu.memory_space<semaphore_mem>> -> memref<1x!tpu.dma_semaphore, #tpu.memory_space<semaphore_mem>>
        %dma_wait3A_602 = tpu.memref_squeeze %dma_wait3A_601 : memref<1x!tpu.dma_semaphore, #tpu.memory_space<semaphore_mem>> -> memref<!tpu.dma_semaphore, #tpu.memory_space<semaphore_mem>>
        tpu.wait_indirect_dma semaphore(%dma_wait3A_602 : memref<!tpu.dma_semaphore, #tpu.memory_space<semaphore_mem>>) src(%dma_wait3A_594 : memref<128x16xf32, #tpu.memory_space<vmem>>) dst(%dma_wait3A_600 : memref<10240x16xf32, #tpu.memory_space<vmem_shared>>)
      } else {
      }
      %dma_start3A_292 = arith.constant 5 : i32
      %dma_start3A_293 = arith.constant 5 : i32
      %dma_start3A_294 = arith.constant 0 : i32
      %dma_start3A_295 = arith.constant 0 : i32
      %dma_start3A_296 = tpu.memref_slice %arg8[%dma_start3A_292, %dma_start3A_294, %dma_start3A_295] : memref<8x128x16xf32, #tpu.memory_space<vmem>> -> memref<1x128x16xf32, #tpu.memory_space<vmem>>
      %dma_start3A_297 = tpu.memref_squeeze %dma_start3A_296 : memref<1x128x16xf32, #tpu.memory_space<vmem>> -> memref<128x16xf32, #tpu.memory_space<vmem>>
      %dma_start3A_298 = arith.constant 0 : i32
      %dma_start3A_299 = tpu.memref_slice %arg6[%add3A_286, %dma_start3A_298] : memref<152x128xi32, #tpu.memory_space<vmem>> -> memref<1x128xi32, #tpu.memory_space<vmem>>
      %dma_start3A_300 = tpu.memref_squeeze %dma_start3A_299 : memref<1x128xi32, #tpu.memory_space<vmem>> -> memref<128xi32, #tpu.memory_space<vmem>>
      %dma_start3A_301 = arith.constant 0 : i32
      %dma_start3A_302 = arith.constant 0 : i32
      %dma_start3A_303 = tpu.memref_slice %arg4[%dma_start3A_301, %dma_start3A_302] : memref<10000x16xf32, #tpu.memory_space<hbm>> -> memref<10000x16xf32, #tpu.memory_space<hbm>>
      %dma_start3A_304 = tpu.memref_slice %arg11[%dma_start3A_293] : memref<8x!tpu.dma_semaphore, #tpu.memory_space<semaphore_mem>> -> memref<1x!tpu.dma_semaphore, #tpu.memory_space<semaphore_mem>>
      %dma_start3A_305 = tpu.memref_squeeze %dma_start3A_304 : memref<1x!tpu.dma_semaphore, #tpu.memory_space<semaphore_mem>> -> memref<!tpu.dma_semaphore, #tpu.memory_space<semaphore_mem>>
      tpu.enqueue_indirect_dma source(%dma_start3A_303 : memref<10000x16xf32, #tpu.memory_space<hbm>>) target(%dma_start3A_297 : memref<128x16xf32, #tpu.memory_space<vmem>>) offsets(%dma_start3A_300 : memref<128xi32, #tpu.memory_space<vmem>>) semaphore(%dma_start3A_305 : memref<!tpu.dma_semaphore, #tpu.memory_space<semaphore_mem>>)
      %add3A_306 = arith.constant 6 : i32
      %add3A_307 = arith.addi %mul3A_181, %add3A_306 : i32
      %gt3A_308 = arith.constant 0 : i32
      %gt3A_309 = arith.cmpi sgt, %while3A_178, %gt3A_308 : i32
      %convert_element_type3A_310 = arith.extui %gt3A_309 : i1 to i32
      %cond3A_311 = arith.constant 0 : i32
      %cond3A_312 = arith.cmpi ne, %convert_element_type3A_310, %cond3A_311 : i32
      scf.if %cond3A_312 {
        %dma_wait3A_589 = arith.constant 6 : i32
        %dma_wait3A_590 = arith.constant 6 : i32
        %dma_wait3A_591 = arith.constant 0 : i32
        %dma_wait3A_592 = arith.constant 0 : i32
        %dma_wait3A_593 = tpu.memref_slice %arg8[%dma_wait3A_589, %dma_wait3A_591, %dma_wait3A_592] : memref<8x128x16xf32, #tpu.memory_space<vmem>> -> memref<1x128x16xf32, #tpu.memory_space<vmem>>
        %dma_wait3A_594 = tpu.memref_squeeze %dma_wait3A_593 : memref<1x128x16xf32, #tpu.memory_space<vmem>> -> memref<128x16xf32, #tpu.memory_space<vmem>>
        %dma_wait3A_595 = arith.constant 0 : i32
        %dma_wait3A_596 = tpu.memref_slice %arg7[%add3A_307, %dma_wait3A_595] : memref<152x128xi32, #tpu.memory_space<vmem>> -> memref<1x128xi32, #tpu.memory_space<vmem>>
        %dma_wait3A_597 = tpu.memref_squeeze %dma_wait3A_596 : memref<1x128xi32, #tpu.memory_space<vmem>> -> memref<128xi32, #tpu.memory_space<vmem>>
        %dma_wait3A_598 = arith.constant 0 : i32
        %dma_wait3A_599 = arith.constant 0 : i32
        %dma_wait3A_600 = tpu.memref_slice %arg10[%dma_wait3A_598, %dma_wait3A_599] : memref<10240x16xf32, #tpu.memory_space<vmem_shared>> -> memref<10240x16xf32, #tpu.memory_space<vmem_shared>>
        %dma_wait3A_601 = tpu.memref_slice %arg12[%dma_wait3A_590] : memref<8x!tpu.dma_semaphore, #tpu.memory_space<semaphore_mem>> -> memref<1x!tpu.dma_semaphore, #tpu.memory_space<semaphore_mem>>
        %dma_wait3A_602 = tpu.memref_squeeze %dma_wait3A_601 : memref<1x!tpu.dma_semaphore, #tpu.memory_space<semaphore_mem>> -> memref<!tpu.dma_semaphore, #tpu.memory_space<semaphore_mem>>
        tpu.wait_indirect_dma semaphore(%dma_wait3A_602 : memref<!tpu.dma_semaphore, #tpu.memory_space<semaphore_mem>>) src(%dma_wait3A_594 : memref<128x16xf32, #tpu.memory_space<vmem>>) dst(%dma_wait3A_600 : memref<10240x16xf32, #tpu.memory_space<vmem_shared>>)
      } else {
      }
      %dma_start3A_313 = arith.constant 6 : i32
      %dma_start3A_314 = arith.constant 6 : i32
      %dma_start3A_315 = arith.constant 0 : i32
      %dma_start3A_316 = arith.constant 0 : i32
      %dma_start3A_317 = tpu.memref_slice %arg8[%dma_start3A_313, %dma_start3A_315, %dma_start3A_316] : memref<8x128x16xf32, #tpu.memory_space<vmem>> -> memref<1x128x16xf32, #tpu.memory_space<vmem>>
      %dma_start3A_318 = tpu.memref_squeeze %dma_start3A_317 : memref<1x128x16xf32, #tpu.memory_space<vmem>> -> memref<128x16xf32, #tpu.memory_space<vmem>>
      %dma_start3A_319 = arith.constant 0 : i32
      %dma_start3A_320 = tpu.memref_slice %arg6[%add3A_307, %dma_start3A_319] : memref<152x128xi32, #tpu.memory_space<vmem>> -> memref<1x128xi32, #tpu.memory_space<vmem>>
      %dma_start3A_321 = tpu.memref_squeeze %dma_start3A_320 : memref<1x128xi32, #tpu.memory_space<vmem>> -> memref<128xi32, #tpu.memory_space<vmem>>
      %dma_start3A_322 = arith.constant 0 : i32
      %dma_start3A_323 = arith.constant 0 : i32
      %dma_start3A_324 = tpu.memref_slice %arg4[%dma_start3A_322, %dma_start3A_323] : memref<10000x16xf32, #tpu.memory_space<hbm>> -> memref<10000x16xf32, #tpu.memory_space<hbm>>
      %dma_start3A_325 = tpu.memref_slice %arg11[%dma_start3A_314] : memref<8x!tpu.dma_semaphore, #tpu.memory_space<semaphore_mem>> -> memref<1x!tpu.dma_semaphore, #tpu.memory_space<semaphore_mem>>
      %dma_start3A_326 = tpu.memref_squeeze %dma_start3A_325 : memref<1x!tpu.dma_semaphore, #tpu.memory_space<semaphore_mem>> -> memref<!tpu.dma_semaphore, #tpu.memory_space<semaphore_mem>>
      tpu.enqueue_indirect_dma source(%dma_start3A_324 : memref<10000x16xf32, #tpu.memory_space<hbm>>) target(%dma_start3A_318 : memref<128x16xf32, #tpu.memory_space<vmem>>) offsets(%dma_start3A_321 : memref<128xi32, #tpu.memory_space<vmem>>) semaphore(%dma_start3A_326 : memref<!tpu.dma_semaphore, #tpu.memory_space<semaphore_mem>>)
      %add3A_327 = arith.constant 7 : i32
      %add3A_328 = arith.addi %mul3A_181, %add3A_327 : i32
      %gt3A_329 = arith.constant 0 : i32
      %gt3A_330 = arith.cmpi sgt, %while3A_178, %gt3A_329 : i32
      %convert_element_type3A_331 = arith.extui %gt3A_330 : i1 to i32
      %cond3A_332 = arith.constant 0 : i32
      %cond3A_333 = arith.cmpi ne, %convert_element_type3A_331, %cond3A_332 : i32
      scf.if %cond3A_333 {
        %dma_wait3A_589 = arith.constant 7 : i32
        %dma_wait3A_590 = arith.constant 7 : i32
        %dma_wait3A_591 = arith.constant 0 : i32
        %dma_wait3A_592 = arith.constant 0 : i32
        %dma_wait3A_593 = tpu.memref_slice %arg8[%dma_wait3A_589, %dma_wait3A_591, %dma_wait3A_592] : memref<8x128x16xf32, #tpu.memory_space<vmem>> -> memref<1x128x16xf32, #tpu.memory_space<vmem>>
        %dma_wait3A_594 = tpu.memref_squeeze %dma_wait3A_593 : memref<1x128x16xf32, #tpu.memory_space<vmem>> -> memref<128x16xf32, #tpu.memory_space<vmem>>
        %dma_wait3A_595 = arith.constant 0 : i32
        %dma_wait3A_596 = tpu.memref_slice %arg7[%add3A_328, %dma_wait3A_595] : memref<152x128xi32, #tpu.memory_space<vmem>> -> memref<1x128xi32, #tpu.memory_space<vmem>>
        %dma_wait3A_597 = tpu.memref_squeeze %dma_wait3A_596 : memref<1x128xi32, #tpu.memory_space<vmem>> -> memref<128xi32, #tpu.memory_space<vmem>>
        %dma_wait3A_598 = arith.constant 0 : i32
        %dma_wait3A_599 = arith.constant 0 : i32
        %dma_wait3A_600 = tpu.memref_slice %arg10[%dma_wait3A_598, %dma_wait3A_599] : memref<10240x16xf32, #tpu.memory_space<vmem_shared>> -> memref<10240x16xf32, #tpu.memory_space<vmem_shared>>
        %dma_wait3A_601 = tpu.memref_slice %arg12[%dma_wait3A_590] : memref<8x!tpu.dma_semaphore, #tpu.memory_space<semaphore_mem>> -> memref<1x!tpu.dma_semaphore, #tpu.memory_space<semaphore_mem>>
        %dma_wait3A_602 = tpu.memref_squeeze %dma_wait3A_601 : memref<1x!tpu.dma_semaphore, #tpu.memory_space<semaphore_mem>> -> memref<!tpu.dma_semaphore, #tpu.memory_space<semaphore_mem>>
        tpu.wait_indirect_dma semaphore(%dma_wait3A_602 : memref<!tpu.dma_semaphore, #tpu.memory_space<semaphore_mem>>) src(%dma_wait3A_594 : memref<128x16xf32, #tpu.memory_space<vmem>>) dst(%dma_wait3A_600 : memref<10240x16xf32, #tpu.memory_space<vmem_shared>>)
      } else {
      }
      %dma_start3A_334 = arith.constant 7 : i32
      %dma_start3A_335 = arith.constant 7 : i32
      %dma_start3A_336 = arith.constant 0 : i32
      %dma_start3A_337 = arith.constant 0 : i32
      %dma_start3A_338 = tpu.memref_slice %arg8[%dma_start3A_334, %dma_start3A_336, %dma_start3A_337] : memref<8x128x16xf32, #tpu.memory_space<vmem>> -> memref<1x128x16xf32, #tpu.memory_space<vmem>>
      %dma_start3A_339 = tpu.memref_squeeze %dma_start3A_338 : memref<1x128x16xf32, #tpu.memory_space<vmem>> -> memref<128x16xf32, #tpu.memory_space<vmem>>
      %dma_start3A_340 = arith.constant 0 : i32
      %dma_start3A_341 = tpu.memref_slice %arg6[%add3A_328, %dma_start3A_340] : memref<152x128xi32, #tpu.memory_space<vmem>> -> memref<1x128xi32, #tpu.memory_space<vmem>>
      %dma_start3A_342 = tpu.memref_squeeze %dma_start3A_341 : memref<1x128xi32, #tpu.memory_space<vmem>> -> memref<128xi32, #tpu.memory_space<vmem>>
      %dma_start3A_343 = arith.constant 0 : i32
      %dma_start3A_344 = arith.constant 0 : i32
      %dma_start3A_345 = tpu.memref_slice %arg4[%dma_start3A_343, %dma_start3A_344] : memref<10000x16xf32, #tpu.memory_space<hbm>> -> memref<10000x16xf32, #tpu.memory_space<hbm>>
      %dma_start3A_346 = tpu.memref_slice %arg11[%dma_start3A_335] : memref<8x!tpu.dma_semaphore, #tpu.memory_space<semaphore_mem>> -> memref<1x!tpu.dma_semaphore, #tpu.memory_space<semaphore_mem>>
      %dma_start3A_347 = tpu.memref_squeeze %dma_start3A_346 : memref<1x!tpu.dma_semaphore, #tpu.memory_space<semaphore_mem>> -> memref<!tpu.dma_semaphore, #tpu.memory_space<semaphore_mem>>
      tpu.enqueue_indirect_dma source(%dma_start3A_345 : memref<10000x16xf32, #tpu.memory_space<hbm>>) target(%dma_start3A_339 : memref<128x16xf32, #tpu.memory_space<vmem>>) offsets(%dma_start3A_342 : memref<128xi32, #tpu.memory_space<vmem>>) semaphore(%dma_start3A_347 : memref<!tpu.dma_semaphore, #tpu.memory_space<semaphore_mem>>)
      %add3A_348 = arith.constant 0 : i32
      %add3A_349 = arith.addi %mul3A_181, %add3A_348 : i32
      %dma_wait3A_350 = arith.constant 0 : i32
      %dma_wait3A_351 = arith.constant 0 : i32
      %dma_wait3A_352 = arith.constant 0 : i32
      %dma_wait3A_353 = arith.constant 0 : i32
      %dma_wait3A_354 = tpu.memref_slice %arg8[%dma_wait3A_350, %dma_wait3A_352, %dma_wait3A_353] : memref<8x128x16xf32, #tpu.memory_space<vmem>> -> memref<1x128x16xf32, #tpu.memory_space<vmem>>
      %dma_wait3A_355 = tpu.memref_squeeze %dma_wait3A_354 : memref<1x128x16xf32, #tpu.memory_space<vmem>> -> memref<128x16xf32, #tpu.memory_space<vmem>>
      %dma_wait3A_356 = arith.constant 0 : i32
      %dma_wait3A_357 = tpu.memref_slice %arg6[%add3A_349, %dma_wait3A_356] : memref<152x128xi32, #tpu.memory_space<vmem>> -> memref<1x128xi32, #tpu.memory_space<vmem>>
      %dma_wait3A_358 = tpu.memref_squeeze %dma_wait3A_357 : memref<1x128xi32, #tpu.memory_space<vmem>> -> memref<128xi32, #tpu.memory_space<vmem>>
      %dma_wait3A_359 = arith.constant 0 : i32
      %dma_wait3A_360 = arith.constant 0 : i32
      %dma_wait3A_361 = tpu.memref_slice %arg4[%dma_wait3A_359, %dma_wait3A_360] : memref<10000x16xf32, #tpu.memory_space<hbm>> -> memref<10000x16xf32, #tpu.memory_space<hbm>>
      %dma_wait3A_362 = tpu.memref_slice %arg11[%dma_wait3A_351] : memref<8x!tpu.dma_semaphore, #tpu.memory_space<semaphore_mem>> -> memref<1x!tpu.dma_semaphore, #tpu.memory_space<semaphore_mem>>
      %dma_wait3A_363 = tpu.memref_squeeze %dma_wait3A_362 : memref<1x!tpu.dma_semaphore, #tpu.memory_space<semaphore_mem>> -> memref<!tpu.dma_semaphore, #tpu.memory_space<semaphore_mem>>
      tpu.wait_indirect_dma semaphore(%dma_wait3A_363 : memref<!tpu.dma_semaphore, #tpu.memory_space<semaphore_mem>>) src(%dma_wait3A_361 : memref<10000x16xf32, #tpu.memory_space<hbm>>) dst(%dma_wait3A_355 : memref<128x16xf32, #tpu.memory_space<vmem>>)
      %dma_start3A_364 = arith.constant 0 : i32
      %dma_start3A_365 = arith.constant 0 : i32
      %dma_start3A_366 = arith.constant 0 : i32
      %dma_start3A_367 = arith.constant 0 : i32
      %dma_start3A_368 = tpu.memref_slice %arg8[%dma_start3A_364, %dma_start3A_366, %dma_start3A_367] : memref<8x128x16xf32, #tpu.memory_space<vmem>> -> memref<1x128x16xf32, #tpu.memory_space<vmem>>
      %dma_start3A_369 = tpu.memref_squeeze %dma_start3A_368 : memref<1x128x16xf32, #tpu.memory_space<vmem>> -> memref<128x16xf32, #tpu.memory_space<vmem>>
      %dma_start3A_370 = arith.constant 0 : i32
      %dma_start3A_371 = tpu.memref_slice %arg7[%add3A_349, %dma_start3A_370] : memref<152x128xi32, #tpu.memory_space<vmem>> -> memref<1x128xi32, #tpu.memory_space<vmem>>
      %dma_start3A_372 = tpu.memref_squeeze %dma_start3A_371 : memref<1x128xi32, #tpu.memory_space<vmem>> -> memref<128xi32, #tpu.memory_space<vmem>>
      %dma_start3A_373 = arith.constant 0 : i32
      %dma_start3A_374 = arith.constant 0 : i32
      %dma_start3A_375 = tpu.memref_slice %arg10[%dma_start3A_373, %dma_start3A_374] : memref<10240x16xf32, #tpu.memory_space<vmem_shared>> -> memref<10240x16xf32, #tpu.memory_space<vmem_shared>>
      %dma_start3A_376 = tpu.memref_slice %arg12[%dma_start3A_365] : memref<8x!tpu.dma_semaphore, #tpu.memory_space<semaphore_mem>> -> memref<1x!tpu.dma_semaphore, #tpu.memory_space<semaphore_mem>>
      %dma_start3A_377 = tpu.memref_squeeze %dma_start3A_376 : memref<1x!tpu.dma_semaphore, #tpu.memory_space<semaphore_mem>> -> memref<!tpu.dma_semaphore, #tpu.memory_space<semaphore_mem>>
      tpu.enqueue_indirect_dma source(%dma_start3A_369 : memref<128x16xf32, #tpu.memory_space<vmem>>) target(%dma_start3A_375 : memref<10240x16xf32, #tpu.memory_space<vmem_shared>>) offsets(%dma_start3A_372 : memref<128xi32, #tpu.memory_space<vmem>>) semaphore(%dma_start3A_377 : memref<!tpu.dma_semaphore, #tpu.memory_space<semaphore_mem>>) {add = true}
      %add3A_378 = arith.constant 1 : i32
      %add3A_379 = arith.addi %mul3A_181, %add3A_378 : i32
      %dma_wait3A_380 = arith.constant 1 : i32
      %dma_wait3A_381 = arith.constant 1 : i32
      %dma_wait3A_382 = arith.constant 0 : i32
      %dma_wait3A_383 = arith.constant 0 : i32
      %dma_wait3A_384 = tpu.memref_slice %arg8[%dma_wait3A_380, %dma_wait3A_382, %dma_wait3A_383] : memref<8x128x16xf32, #tpu.memory_space<vmem>> -> memref<1x128x16xf32, #tpu.memory_space<vmem>>
      %dma_wait3A_385 = tpu.memref_squeeze %dma_wait3A_384 : memref<1x128x16xf32, #tpu.memory_space<vmem>> -> memref<128x16xf32, #tpu.memory_space<vmem>>
      %dma_wait3A_386 = arith.constant 0 : i32
      %dma_wait3A_387 = tpu.memref_slice %arg6[%add3A_379, %dma_wait3A_386] : memref<152x128xi32, #tpu.memory_space<vmem>> -> memref<1x128xi32, #tpu.memory_space<vmem>>
      %dma_wait3A_388 = tpu.memref_squeeze %dma_wait3A_387 : memref<1x128xi32, #tpu.memory_space<vmem>> -> memref<128xi32, #tpu.memory_space<vmem>>
      %dma_wait3A_389 = arith.constant 0 : i32
      %dma_wait3A_390 = arith.constant 0 : i32
      %dma_wait3A_391 = tpu.memref_slice %arg4[%dma_wait3A_389, %dma_wait3A_390] : memref<10000x16xf32, #tpu.memory_space<hbm>> -> memref<10000x16xf32, #tpu.memory_space<hbm>>
      %dma_wait3A_392 = tpu.memref_slice %arg11[%dma_wait3A_381] : memref<8x!tpu.dma_semaphore, #tpu.memory_space<semaphore_mem>> -> memref<1x!tpu.dma_semaphore, #tpu.memory_space<semaphore_mem>>
      %dma_wait3A_393 = tpu.memref_squeeze %dma_wait3A_392 : memref<1x!tpu.dma_semaphore, #tpu.memory_space<semaphore_mem>> -> memref<!tpu.dma_semaphore, #tpu.memory_space<semaphore_mem>>
      tpu.wait_indirect_dma semaphore(%dma_wait3A_393 : memref<!tpu.dma_semaphore, #tpu.memory_space<semaphore_mem>>) src(%dma_wait3A_391 : memref<10000x16xf32, #tpu.memory_space<hbm>>) dst(%dma_wait3A_385 : memref<128x16xf32, #tpu.memory_space<vmem>>)
      %dma_start3A_394 = arith.constant 1 : i32
      %dma_start3A_395 = arith.constant 1 : i32
      %dma_start3A_396 = arith.constant 0 : i32
      %dma_start3A_397 = arith.constant 0 : i32
      %dma_start3A_398 = tpu.memref_slice %arg8[%dma_start3A_394, %dma_start3A_396, %dma_start3A_397] : memref<8x128x16xf32, #tpu.memory_space<vmem>> -> memref<1x128x16xf32, #tpu.memory_space<vmem>>
      %dma_start3A_399 = tpu.memref_squeeze %dma_start3A_398 : memref<1x128x16xf32, #tpu.memory_space<vmem>> -> memref<128x16xf32, #tpu.memory_space<vmem>>
      %dma_start3A_400 = arith.constant 0 : i32
      %dma_start3A_401 = tpu.memref_slice %arg7[%add3A_379, %dma_start3A_400] : memref<152x128xi32, #tpu.memory_space<vmem>> -> memref<1x128xi32, #tpu.memory_space<vmem>>
      %dma_start3A_402 = tpu.memref_squeeze %dma_start3A_401 : memref<1x128xi32, #tpu.memory_space<vmem>> -> memref<128xi32, #tpu.memory_space<vmem>>
      %dma_start3A_403 = arith.constant 0 : i32
      %dma_start3A_404 = arith.constant 0 : i32
      %dma_start3A_405 = tpu.memref_slice %arg10[%dma_start3A_403, %dma_start3A_404] : memref<10240x16xf32, #tpu.memory_space<vmem_shared>> -> memref<10240x16xf32, #tpu.memory_space<vmem_shared>>
      %dma_start3A_406 = tpu.memref_slice %arg12[%dma_start3A_395] : memref<8x!tpu.dma_semaphore, #tpu.memory_space<semaphore_mem>> -> memref<1x!tpu.dma_semaphore, #tpu.memory_space<semaphore_mem>>
      %dma_start3A_407 = tpu.memref_squeeze %dma_start3A_406 : memref<1x!tpu.dma_semaphore, #tpu.memory_space<semaphore_mem>> -> memref<!tpu.dma_semaphore, #tpu.memory_space<semaphore_mem>>
      tpu.enqueue_indirect_dma source(%dma_start3A_399 : memref<128x16xf32, #tpu.memory_space<vmem>>) target(%dma_start3A_405 : memref<10240x16xf32, #tpu.memory_space<vmem_shared>>) offsets(%dma_start3A_402 : memref<128xi32, #tpu.memory_space<vmem>>) semaphore(%dma_start3A_407 : memref<!tpu.dma_semaphore, #tpu.memory_space<semaphore_mem>>) {add = true}
      %add3A_408 = arith.constant 2 : i32
      %add3A_409 = arith.addi %mul3A_181, %add3A_408 : i32
      %dma_wait3A_410 = arith.constant 2 : i32
      %dma_wait3A_411 = arith.constant 2 : i32
      %dma_wait3A_412 = arith.constant 0 : i32
      %dma_wait3A_413 = arith.constant 0 : i32
      %dma_wait3A_414 = tpu.memref_slice %arg8[%dma_wait3A_410, %dma_wait3A_412, %dma_wait3A_413] : memref<8x128x16xf32, #tpu.memory_space<vmem>> -> memref<1x128x16xf32, #tpu.memory_space<vmem>>
      %dma_wait3A_415 = tpu.memref_squeeze %dma_wait3A_414 : memref<1x128x16xf32, #tpu.memory_space<vmem>> -> memref<128x16xf32, #tpu.memory_space<vmem>>
      %dma_wait3A_416 = arith.constant 0 : i32
      %dma_wait3A_417 = tpu.memref_slice %arg6[%add3A_409, %dma_wait3A_416] : memref<152x128xi32, #tpu.memory_space<vmem>> -> memref<1x128xi32, #tpu.memory_space<vmem>>
      %dma_wait3A_418 = tpu.memref_squeeze %dma_wait3A_417 : memref<1x128xi32, #tpu.memory_space<vmem>> -> memref<128xi32, #tpu.memory_space<vmem>>
      %dma_wait3A_419 = arith.constant 0 : i32
      %dma_wait3A_420 = arith.constant 0 : i32
      %dma_wait3A_421 = tpu.memref_slice %arg4[%dma_wait3A_419, %dma_wait3A_420] : memref<10000x16xf32, #tpu.memory_space<hbm>> -> memref<10000x16xf32, #tpu.memory_space<hbm>>
      %dma_wait3A_422 = tpu.memref_slice %arg11[%dma_wait3A_411] : memref<8x!tpu.dma_semaphore, #tpu.memory_space<semaphore_mem>> -> memref<1x!tpu.dma_semaphore, #tpu.memory_space<semaphore_mem>>
      %dma_wait3A_423 = tpu.memref_squeeze %dma_wait3A_422 : memref<1x!tpu.dma_semaphore, #tpu.memory_space<semaphore_mem>> -> memref<!tpu.dma_semaphore, #tpu.memory_space<semaphore_mem>>
      tpu.wait_indirect_dma semaphore(%dma_wait3A_423 : memref<!tpu.dma_semaphore, #tpu.memory_space<semaphore_mem>>) src(%dma_wait3A_421 : memref<10000x16xf32, #tpu.memory_space<hbm>>) dst(%dma_wait3A_415 : memref<128x16xf32, #tpu.memory_space<vmem>>)
      %dma_start3A_424 = arith.constant 2 : i32
      %dma_start3A_425 = arith.constant 2 : i32
      %dma_start3A_426 = arith.constant 0 : i32
      %dma_start3A_427 = arith.constant 0 : i32
      %dma_start3A_428 = tpu.memref_slice %arg8[%dma_start3A_424, %dma_start3A_426, %dma_start3A_427] : memref<8x128x16xf32, #tpu.memory_space<vmem>> -> memref<1x128x16xf32, #tpu.memory_space<vmem>>
      %dma_start3A_429 = tpu.memref_squeeze %dma_start3A_428 : memref<1x128x16xf32, #tpu.memory_space<vmem>> -> memref<128x16xf32, #tpu.memory_space<vmem>>
      %dma_start3A_430 = arith.constant 0 : i32
      %dma_start3A_431 = tpu.memref_slice %arg7[%add3A_409, %dma_start3A_430] : memref<152x128xi32, #tpu.memory_space<vmem>> -> memref<1x128xi32, #tpu.memory_space<vmem>>
      %dma_start3A_432 = tpu.memref_squeeze %dma_start3A_431 : memref<1x128xi32, #tpu.memory_space<vmem>> -> memref<128xi32, #tpu.memory_space<vmem>>
      %dma_start3A_433 = arith.constant 0 : i32
      %dma_start3A_434 = arith.constant 0 : i32
      %dma_start3A_435 = tpu.memref_slice %arg10[%dma_start3A_433, %dma_start3A_434] : memref<10240x16xf32, #tpu.memory_space<vmem_shared>> -> memref<10240x16xf32, #tpu.memory_space<vmem_shared>>
      %dma_start3A_436 = tpu.memref_slice %arg12[%dma_start3A_425] : memref<8x!tpu.dma_semaphore, #tpu.memory_space<semaphore_mem>> -> memref<1x!tpu.dma_semaphore, #tpu.memory_space<semaphore_mem>>
      %dma_start3A_437 = tpu.memref_squeeze %dma_start3A_436 : memref<1x!tpu.dma_semaphore, #tpu.memory_space<semaphore_mem>> -> memref<!tpu.dma_semaphore, #tpu.memory_space<semaphore_mem>>
      tpu.enqueue_indirect_dma source(%dma_start3A_429 : memref<128x16xf32, #tpu.memory_space<vmem>>) target(%dma_start3A_435 : memref<10240x16xf32, #tpu.memory_space<vmem_shared>>) offsets(%dma_start3A_432 : memref<128xi32, #tpu.memory_space<vmem>>) semaphore(%dma_start3A_437 : memref<!tpu.dma_semaphore, #tpu.memory_space<semaphore_mem>>) {add = true}
      %add3A_438 = arith.constant 3 : i32
      %add3A_439 = arith.addi %mul3A_181, %add3A_438 : i32
      %dma_wait3A_440 = arith.constant 3 : i32
      %dma_wait3A_441 = arith.constant 3 : i32
      %dma_wait3A_442 = arith.constant 0 : i32
      %dma_wait3A_443 = arith.constant 0 : i32
      %dma_wait3A_444 = tpu.memref_slice %arg8[%dma_wait3A_440, %dma_wait3A_442, %dma_wait3A_443] : memref<8x128x16xf32, #tpu.memory_space<vmem>> -> memref<1x128x16xf32, #tpu.memory_space<vmem>>
      %dma_wait3A_445 = tpu.memref_squeeze %dma_wait3A_444 : memref<1x128x16xf32, #tpu.memory_space<vmem>> -> memref<128x16xf32, #tpu.memory_space<vmem>>
      %dma_wait3A_446 = arith.constant 0 : i32
      %dma_wait3A_447 = tpu.memref_slice %arg6[%add3A_439, %dma_wait3A_446] : memref<152x128xi32, #tpu.memory_space<vmem>> -> memref<1x128xi32, #tpu.memory_space<vmem>>
      %dma_wait3A_448 = tpu.memref_squeeze %dma_wait3A_447 : memref<1x128xi32, #tpu.memory_space<vmem>> -> memref<128xi32, #tpu.memory_space<vmem>>
      %dma_wait3A_449 = arith.constant 0 : i32
      %dma_wait3A_450 = arith.constant 0 : i32
      %dma_wait3A_451 = tpu.memref_slice %arg4[%dma_wait3A_449, %dma_wait3A_450] : memref<10000x16xf32, #tpu.memory_space<hbm>> -> memref<10000x16xf32, #tpu.memory_space<hbm>>
      %dma_wait3A_452 = tpu.memref_slice %arg11[%dma_wait3A_441] : memref<8x!tpu.dma_semaphore, #tpu.memory_space<semaphore_mem>> -> memref<1x!tpu.dma_semaphore, #tpu.memory_space<semaphore_mem>>
      %dma_wait3A_453 = tpu.memref_squeeze %dma_wait3A_452 : memref<1x!tpu.dma_semaphore, #tpu.memory_space<semaphore_mem>> -> memref<!tpu.dma_semaphore, #tpu.memory_space<semaphore_mem>>
      tpu.wait_indirect_dma semaphore(%dma_wait3A_453 : memref<!tpu.dma_semaphore, #tpu.memory_space<semaphore_mem>>) src(%dma_wait3A_451 : memref<10000x16xf32, #tpu.memory_space<hbm>>) dst(%dma_wait3A_445 : memref<128x16xf32, #tpu.memory_space<vmem>>)
      %dma_start3A_454 = arith.constant 3 : i32
      %dma_start3A_455 = arith.constant 3 : i32
      %dma_start3A_456 = arith.constant 0 : i32
      %dma_start3A_457 = arith.constant 0 : i32
      %dma_start3A_458 = tpu.memref_slice %arg8[%dma_start3A_454, %dma_start3A_456, %dma_start3A_457] : memref<8x128x16xf32, #tpu.memory_space<vmem>> -> memref<1x128x16xf32, #tpu.memory_space<vmem>>
      %dma_start3A_459 = tpu.memref_squeeze %dma_start3A_458 : memref<1x128x16xf32, #tpu.memory_space<vmem>> -> memref<128x16xf32, #tpu.memory_space<vmem>>
      %dma_start3A_460 = arith.constant 0 : i32
      %dma_start3A_461 = tpu.memref_slice %arg7[%add3A_439, %dma_start3A_460] : memref<152x128xi32, #tpu.memory_space<vmem>> -> memref<1x128xi32, #tpu.memory_space<vmem>>
      %dma_start3A_462 = tpu.memref_squeeze %dma_start3A_461 : memref<1x128xi32, #tpu.memory_space<vmem>> -> memref<128xi32, #tpu.memory_space<vmem>>
      %dma_start3A_463 = arith.constant 0 : i32
      %dma_start3A_464 = arith.constant 0 : i32
      %dma_start3A_465 = tpu.memref_slice %arg10[%dma_start3A_463, %dma_start3A_464] : memref<10240x16xf32, #tpu.memory_space<vmem_shared>> -> memref<10240x16xf32, #tpu.memory_space<vmem_shared>>
      %dma_start3A_466 = tpu.memref_slice %arg12[%dma_start3A_455] : memref<8x!tpu.dma_semaphore, #tpu.memory_space<semaphore_mem>> -> memref<1x!tpu.dma_semaphore, #tpu.memory_space<semaphore_mem>>
      %dma_start3A_467 = tpu.memref_squeeze %dma_start3A_466 : memref<1x!tpu.dma_semaphore, #tpu.memory_space<semaphore_mem>> -> memref<!tpu.dma_semaphore, #tpu.memory_space<semaphore_mem>>
      tpu.enqueue_indirect_dma source(%dma_start3A_459 : memref<128x16xf32, #tpu.memory_space<vmem>>) target(%dma_start3A_465 : memref<10240x16xf32, #tpu.memory_space<vmem_shared>>) offsets(%dma_start3A_462 : memref<128xi32, #tpu.memory_space<vmem>>) semaphore(%dma_start3A_467 : memref<!tpu.dma_semaphore, #tpu.memory_space<semaphore_mem>>) {add = true}
      %add3A_468 = arith.constant 4 : i32
      %add3A_469 = arith.addi %mul3A_181, %add3A_468 : i32
      %dma_wait3A_470 = arith.constant 4 : i32
      %dma_wait3A_471 = arith.constant 4 : i32
      %dma_wait3A_472 = arith.constant 0 : i32
      %dma_wait3A_473 = arith.constant 0 : i32
      %dma_wait3A_474 = tpu.memref_slice %arg8[%dma_wait3A_470, %dma_wait3A_472, %dma_wait3A_473] : memref<8x128x16xf32, #tpu.memory_space<vmem>> -> memref<1x128x16xf32, #tpu.memory_space<vmem>>
      %dma_wait3A_475 = tpu.memref_squeeze %dma_wait3A_474 : memref<1x128x16xf32, #tpu.memory_space<vmem>> -> memref<128x16xf32, #tpu.memory_space<vmem>>
      %dma_wait3A_476 = arith.constant 0 : i32
      %dma_wait3A_477 = tpu.memref_slice %arg6[%add3A_469, %dma_wait3A_476] : memref<152x128xi32, #tpu.memory_space<vmem>> -> memref<1x128xi32, #tpu.memory_space<vmem>>
      %dma_wait3A_478 = tpu.memref_squeeze %dma_wait3A_477 : memref<1x128xi32, #tpu.memory_space<vmem>> -> memref<128xi32, #tpu.memory_space<vmem>>
      %dma_wait3A_479 = arith.constant 0 : i32
      %dma_wait3A_480 = arith.constant 0 : i32
      %dma_wait3A_481 = tpu.memref_slice %arg4[%dma_wait3A_479, %dma_wait3A_480] : memref<10000x16xf32, #tpu.memory_space<hbm>> -> memref<10000x16xf32, #tpu.memory_space<hbm>>
      %dma_wait3A_482 = tpu.memref_slice %arg11[%dma_wait3A_471] : memref<8x!tpu.dma_semaphore, #tpu.memory_space<semaphore_mem>> -> memref<1x!tpu.dma_semaphore, #tpu.memory_space<semaphore_mem>>
      %dma_wait3A_483 = tpu.memref_squeeze %dma_wait3A_482 : memref<1x!tpu.dma_semaphore, #tpu.memory_space<semaphore_mem>> -> memref<!tpu.dma_semaphore, #tpu.memory_space<semaphore_mem>>
      tpu.wait_indirect_dma semaphore(%dma_wait3A_483 : memref<!tpu.dma_semaphore, #tpu.memory_space<semaphore_mem>>) src(%dma_wait3A_481 : memref<10000x16xf32, #tpu.memory_space<hbm>>) dst(%dma_wait3A_475 : memref<128x16xf32, #tpu.memory_space<vmem>>)
      %dma_start3A_484 = arith.constant 4 : i32
      %dma_start3A_485 = arith.constant 4 : i32
      %dma_start3A_486 = arith.constant 0 : i32
      %dma_start3A_487 = arith.constant 0 : i32
      %dma_start3A_488 = tpu.memref_slice %arg8[%dma_start3A_484, %dma_start3A_486, %dma_start3A_487] : memref<8x128x16xf32, #tpu.memory_space<vmem>> -> memref<1x128x16xf32, #tpu.memory_space<vmem>>
      %dma_start3A_489 = tpu.memref_squeeze %dma_start3A_488 : memref<1x128x16xf32, #tpu.memory_space<vmem>> -> memref<128x16xf32, #tpu.memory_space<vmem>>
      %dma_start3A_490 = arith.constant 0 : i32
      %dma_start3A_491 = tpu.memref_slice %arg7[%add3A_469, %dma_start3A_490] : memref<152x128xi32, #tpu.memory_space<vmem>> -> memref<1x128xi32, #tpu.memory_space<vmem>>
      %dma_start3A_492 = tpu.memref_squeeze %dma_start3A_491 : memref<1x128xi32, #tpu.memory_space<vmem>> -> memref<128xi32, #tpu.memory_space<vmem>>
      %dma_start3A_493 = arith.constant 0 : i32
      %dma_start3A_494 = arith.constant 0 : i32
      %dma_start3A_495 = tpu.memref_slice %arg10[%dma_start3A_493, %dma_start3A_494] : memref<10240x16xf32, #tpu.memory_space<vmem_shared>> -> memref<10240x16xf32, #tpu.memory_space<vmem_shared>>
      %dma_start3A_496 = tpu.memref_slice %arg12[%dma_start3A_485] : memref<8x!tpu.dma_semaphore, #tpu.memory_space<semaphore_mem>> -> memref<1x!tpu.dma_semaphore, #tpu.memory_space<semaphore_mem>>
      %dma_start3A_497 = tpu.memref_squeeze %dma_start3A_496 : memref<1x!tpu.dma_semaphore, #tpu.memory_space<semaphore_mem>> -> memref<!tpu.dma_semaphore, #tpu.memory_space<semaphore_mem>>
      tpu.enqueue_indirect_dma source(%dma_start3A_489 : memref<128x16xf32, #tpu.memory_space<vmem>>) target(%dma_start3A_495 : memref<10240x16xf32, #tpu.memory_space<vmem_shared>>) offsets(%dma_start3A_492 : memref<128xi32, #tpu.memory_space<vmem>>) semaphore(%dma_start3A_497 : memref<!tpu.dma_semaphore, #tpu.memory_space<semaphore_mem>>) {add = true}
      %add3A_498 = arith.constant 5 : i32
      %add3A_499 = arith.addi %mul3A_181, %add3A_498 : i32
      %dma_wait3A_500 = arith.constant 5 : i32
      %dma_wait3A_501 = arith.constant 5 : i32
      %dma_wait3A_502 = arith.constant 0 : i32
      %dma_wait3A_503 = arith.constant 0 : i32
      %dma_wait3A_504 = tpu.memref_slice %arg8[%dma_wait3A_500, %dma_wait3A_502, %dma_wait3A_503] : memref<8x128x16xf32, #tpu.memory_space<vmem>> -> memref<1x128x16xf32, #tpu.memory_space<vmem>>
      %dma_wait3A_505 = tpu.memref_squeeze %dma_wait3A_504 : memref<1x128x16xf32, #tpu.memory_space<vmem>> -> memref<128x16xf32, #tpu.memory_space<vmem>>
      %dma_wait3A_506 = arith.constant 0 : i32
      %dma_wait3A_507 = tpu.memref_slice %arg6[%add3A_499, %dma_wait3A_506] : memref<152x128xi32, #tpu.memory_space<vmem>> -> memref<1x128xi32, #tpu.memory_space<vmem>>
      %dma_wait3A_508 = tpu.memref_squeeze %dma_wait3A_507 : memref<1x128xi32, #tpu.memory_space<vmem>> -> memref<128xi32, #tpu.memory_space<vmem>>
      %dma_wait3A_509 = arith.constant 0 : i32
      %dma_wait3A_510 = arith.constant 0 : i32
      %dma_wait3A_511 = tpu.memref_slice %arg4[%dma_wait3A_509, %dma_wait3A_510] : memref<10000x16xf32, #tpu.memory_space<hbm>> -> memref<10000x16xf32, #tpu.memory_space<hbm>>
      %dma_wait3A_512 = tpu.memref_slice %arg11[%dma_wait3A_501] : memref<8x!tpu.dma_semaphore, #tpu.memory_space<semaphore_mem>> -> memref<1x!tpu.dma_semaphore, #tpu.memory_space<semaphore_mem>>
      %dma_wait3A_513 = tpu.memref_squeeze %dma_wait3A_512 : memref<1x!tpu.dma_semaphore, #tpu.memory_space<semaphore_mem>> -> memref<!tpu.dma_semaphore, #tpu.memory_space<semaphore_mem>>
      tpu.wait_indirect_dma semaphore(%dma_wait3A_513 : memref<!tpu.dma_semaphore, #tpu.memory_space<semaphore_mem>>) src(%dma_wait3A_511 : memref<10000x16xf32, #tpu.memory_space<hbm>>) dst(%dma_wait3A_505 : memref<128x16xf32, #tpu.memory_space<vmem>>)
      %dma_start3A_514 = arith.constant 5 : i32
      %dma_start3A_515 = arith.constant 5 : i32
      %dma_start3A_516 = arith.constant 0 : i32
      %dma_start3A_517 = arith.constant 0 : i32
      %dma_start3A_518 = tpu.memref_slice %arg8[%dma_start3A_514, %dma_start3A_516, %dma_start3A_517] : memref<8x128x16xf32, #tpu.memory_space<vmem>> -> memref<1x128x16xf32, #tpu.memory_space<vmem>>
      %dma_start3A_519 = tpu.memref_squeeze %dma_start3A_518 : memref<1x128x16xf32, #tpu.memory_space<vmem>> -> memref<128x16xf32, #tpu.memory_space<vmem>>
      %dma_start3A_520 = arith.constant 0 : i32
      %dma_start3A_521 = tpu.memref_slice %arg7[%add3A_499, %dma_start3A_520] : memref<152x128xi32, #tpu.memory_space<vmem>> -> memref<1x128xi32, #tpu.memory_space<vmem>>
      %dma_start3A_522 = tpu.memref_squeeze %dma_start3A_521 : memref<1x128xi32, #tpu.memory_space<vmem>> -> memref<128xi32, #tpu.memory_space<vmem>>
      %dma_start3A_523 = arith.constant 0 : i32
      %dma_start3A_524 = arith.constant 0 : i32
      %dma_start3A_525 = tpu.memref_slice %arg10[%dma_start3A_523, %dma_start3A_524] : memref<10240x16xf32, #tpu.memory_space<vmem_shared>> -> memref<10240x16xf32, #tpu.memory_space<vmem_shared>>
      %dma_start3A_526 = tpu.memref_slice %arg12[%dma_start3A_515] : memref<8x!tpu.dma_semaphore, #tpu.memory_space<semaphore_mem>> -> memref<1x!tpu.dma_semaphore, #tpu.memory_space<semaphore_mem>>
      %dma_start3A_527 = tpu.memref_squeeze %dma_start3A_526 : memref<1x!tpu.dma_semaphore, #tpu.memory_space<semaphore_mem>> -> memref<!tpu.dma_semaphore, #tpu.memory_space<semaphore_mem>>
      tpu.enqueue_indirect_dma source(%dma_start3A_519 : memref<128x16xf32, #tpu.memory_space<vmem>>) target(%dma_start3A_525 : memref<10240x16xf32, #tpu.memory_space<vmem_shared>>) offsets(%dma_start3A_522 : memref<128xi32, #tpu.memory_space<vmem>>) semaphore(%dma_start3A_527 : memref<!tpu.dma_semaphore, #tpu.memory_space<semaphore_mem>>) {add = true}
      %add3A_528 = arith.constant 6 : i32
      %add3A_529 = arith.addi %mul3A_181, %add3A_528 : i32
      %dma_wait3A_530 = arith.constant 6 : i32
      %dma_wait3A_531 = arith.constant 6 : i32
      %dma_wait3A_532 = arith.constant 0 : i32
      %dma_wait3A_533 = arith.constant 0 : i32
      %dma_wait3A_534 = tpu.memref_slice %arg8[%dma_wait3A_530, %dma_wait3A_532, %dma_wait3A_533] : memref<8x128x16xf32, #tpu.memory_space<vmem>> -> memref<1x128x16xf32, #tpu.memory_space<vmem>>
      %dma_wait3A_535 = tpu.memref_squeeze %dma_wait3A_534 : memref<1x128x16xf32, #tpu.memory_space<vmem>> -> memref<128x16xf32, #tpu.memory_space<vmem>>
      %dma_wait3A_536 = arith.constant 0 : i32
      %dma_wait3A_537 = tpu.memref_slice %arg6[%add3A_529, %dma_wait3A_536] : memref<152x128xi32, #tpu.memory_space<vmem>> -> memref<1x128xi32, #tpu.memory_space<vmem>>
      %dma_wait3A_538 = tpu.memref_squeeze %dma_wait3A_537 : memref<1x128xi32, #tpu.memory_space<vmem>> -> memref<128xi32, #tpu.memory_space<vmem>>
      %dma_wait3A_539 = arith.constant 0 : i32
      %dma_wait3A_540 = arith.constant 0 : i32
      %dma_wait3A_541 = tpu.memref_slice %arg4[%dma_wait3A_539, %dma_wait3A_540] : memref<10000x16xf32, #tpu.memory_space<hbm>> -> memref<10000x16xf32, #tpu.memory_space<hbm>>
      %dma_wait3A_542 = tpu.memref_slice %arg11[%dma_wait3A_531] : memref<8x!tpu.dma_semaphore, #tpu.memory_space<semaphore_mem>> -> memref<1x!tpu.dma_semaphore, #tpu.memory_space<semaphore_mem>>
      %dma_wait3A_543 = tpu.memref_squeeze %dma_wait3A_542 : memref<1x!tpu.dma_semaphore, #tpu.memory_space<semaphore_mem>> -> memref<!tpu.dma_semaphore, #tpu.memory_space<semaphore_mem>>
      tpu.wait_indirect_dma semaphore(%dma_wait3A_543 : memref<!tpu.dma_semaphore, #tpu.memory_space<semaphore_mem>>) src(%dma_wait3A_541 : memref<10000x16xf32, #tpu.memory_space<hbm>>) dst(%dma_wait3A_535 : memref<128x16xf32, #tpu.memory_space<vmem>>)
      %dma_start3A_544 = arith.constant 6 : i32
      %dma_start3A_545 = arith.constant 6 : i32
      %dma_start3A_546 = arith.constant 0 : i32
      %dma_start3A_547 = arith.constant 0 : i32
      %dma_start3A_548 = tpu.memref_slice %arg8[%dma_start3A_544, %dma_start3A_546, %dma_start3A_547] : memref<8x128x16xf32, #tpu.memory_space<vmem>> -> memref<1x128x16xf32, #tpu.memory_space<vmem>>
      %dma_start3A_549 = tpu.memref_squeeze %dma_start3A_548 : memref<1x128x16xf32, #tpu.memory_space<vmem>> -> memref<128x16xf32, #tpu.memory_space<vmem>>
      %dma_start3A_550 = arith.constant 0 : i32
      %dma_start3A_551 = tpu.memref_slice %arg7[%add3A_529, %dma_start3A_550] : memref<152x128xi32, #tpu.memory_space<vmem>> -> memref<1x128xi32, #tpu.memory_space<vmem>>
      %dma_start3A_552 = tpu.memref_squeeze %dma_start3A_551 : memref<1x128xi32, #tpu.memory_space<vmem>> -> memref<128xi32, #tpu.memory_space<vmem>>
      %dma_start3A_553 = arith.constant 0 : i32
      %dma_start3A_554 = arith.constant 0 : i32
      %dma_start3A_555 = tpu.memref_slice %arg10[%dma_start3A_553, %dma_start3A_554] : memref<10240x16xf32, #tpu.memory_space<vmem_shared>> -> memref<10240x16xf32, #tpu.memory_space<vmem_shared>>
      %dma_start3A_556 = tpu.memref_slice %arg12[%dma_start3A_545] : memref<8x!tpu.dma_semaphore, #tpu.memory_space<semaphore_mem>> -> memref<1x!tpu.dma_semaphore, #tpu.memory_space<semaphore_mem>>
      %dma_start3A_557 = tpu.memref_squeeze %dma_start3A_556 : memref<1x!tpu.dma_semaphore, #tpu.memory_space<semaphore_mem>> -> memref<!tpu.dma_semaphore, #tpu.memory_space<semaphore_mem>>
      tpu.enqueue_indirect_dma source(%dma_start3A_549 : memref<128x16xf32, #tpu.memory_space<vmem>>) target(%dma_start3A_555 : memref<10240x16xf32, #tpu.memory_space<vmem_shared>>) offsets(%dma_start3A_552 : memref<128xi32, #tpu.memory_space<vmem>>) semaphore(%dma_start3A_557 : memref<!tpu.dma_semaphore, #tpu.memory_space<semaphore_mem>>) {add = true}
      %add3A_558 = arith.constant 7 : i32
      %add3A_559 = arith.addi %mul3A_181, %add3A_558 : i32
      %dma_wait3A_560 = arith.constant 7 : i32
      %dma_wait3A_561 = arith.constant 7 : i32
      %dma_wait3A_562 = arith.constant 0 : i32
      %dma_wait3A_563 = arith.constant 0 : i32
      %dma_wait3A_564 = tpu.memref_slice %arg8[%dma_wait3A_560, %dma_wait3A_562, %dma_wait3A_563] : memref<8x128x16xf32, #tpu.memory_space<vmem>> -> memref<1x128x16xf32, #tpu.memory_space<vmem>>
      %dma_wait3A_565 = tpu.memref_squeeze %dma_wait3A_564 : memref<1x128x16xf32, #tpu.memory_space<vmem>> -> memref<128x16xf32, #tpu.memory_space<vmem>>
      %dma_wait3A_566 = arith.constant 0 : i32
      %dma_wait3A_567 = tpu.memref_slice %arg6[%add3A_559, %dma_wait3A_566] : memref<152x128xi32, #tpu.memory_space<vmem>> -> memref<1x128xi32, #tpu.memory_space<vmem>>
      %dma_wait3A_568 = tpu.memref_squeeze %dma_wait3A_567 : memref<1x128xi32, #tpu.memory_space<vmem>> -> memref<128xi32, #tpu.memory_space<vmem>>
      %dma_wait3A_569 = arith.constant 0 : i32
      %dma_wait3A_570 = arith.constant 0 : i32
      %dma_wait3A_571 = tpu.memref_slice %arg4[%dma_wait3A_569, %dma_wait3A_570] : memref<10000x16xf32, #tpu.memory_space<hbm>> -> memref<10000x16xf32, #tpu.memory_space<hbm>>
      %dma_wait3A_572 = tpu.memref_slice %arg11[%dma_wait3A_561] : memref<8x!tpu.dma_semaphore, #tpu.memory_space<semaphore_mem>> -> memref<1x!tpu.dma_semaphore, #tpu.memory_space<semaphore_mem>>
      %dma_wait3A_573 = tpu.memref_squeeze %dma_wait3A_572 : memref<1x!tpu.dma_semaphore, #tpu.memory_space<semaphore_mem>> -> memref<!tpu.dma_semaphore, #tpu.memory_space<semaphore_mem>>
      tpu.wait_indirect_dma semaphore(%dma_wait3A_573 : memref<!tpu.dma_semaphore, #tpu.memory_space<semaphore_mem>>) src(%dma_wait3A_571 : memref<10000x16xf32, #tpu.memory_space<hbm>>) dst(%dma_wait3A_565 : memref<128x16xf32, #tpu.memory_space<vmem>>)
      %dma_start3A_574 = arith.constant 7 : i32
      %dma_start3A_575 = arith.constant 7 : i32
      %dma_start3A_576 = arith.constant 0 : i32
      %dma_start3A_577 = arith.constant 0 : i32
      %dma_start3A_578 = tpu.memref_slice %arg8[%dma_start3A_574, %dma_start3A_576, %dma_start3A_577] : memref<8x128x16xf32, #tpu.memory_space<vmem>> -> memref<1x128x16xf32, #tpu.memory_space<vmem>>
      %dma_start3A_579 = tpu.memref_squeeze %dma_start3A_578 : memref<1x128x16xf32, #tpu.memory_space<vmem>> -> memref<128x16xf32, #tpu.memory_space<vmem>>
      %dma_start3A_580 = arith.constant 0 : i32
      %dma_start3A_581 = tpu.memref_slice %arg7[%add3A_559, %dma_start3A_580] : memref<152x128xi32, #tpu.memory_space<vmem>> -> memref<1x128xi32, #tpu.memory_space<vmem>>
      %dma_start3A_582 = tpu.memref_squeeze %dma_start3A_581 : memref<1x128xi32, #tpu.memory_space<vmem>> -> memref<128xi32, #tpu.memory_space<vmem>>
      %dma_start3A_583 = arith.constant 0 : i32
      %dma_start3A_584 = arith.constant 0 : i32
      %dma_start3A_585 = tpu.memref_slice %arg10[%dma_start3A_583, %dma_start3A_584] : memref<10240x16xf32, #tpu.memory_space<vmem_shared>> -> memref<10240x16xf32, #tpu.memory_space<vmem_shared>>
      %dma_start3A_586 = tpu.memref_slice %arg12[%dma_start3A_575] : memref<8x!tpu.dma_semaphore, #tpu.memory_space<semaphore_mem>> -> memref<1x!tpu.dma_semaphore, #tpu.memory_space<semaphore_mem>>
      %dma_start3A_587 = tpu.memref_squeeze %dma_start3A_586 : memref<1x!tpu.dma_semaphore, #tpu.memory_space<semaphore_mem>> -> memref<!tpu.dma_semaphore, #tpu.memory_space<semaphore_mem>>
      tpu.enqueue_indirect_dma source(%dma_start3A_579 : memref<128x16xf32, #tpu.memory_space<vmem>>) target(%dma_start3A_585 : memref<10240x16xf32, #tpu.memory_space<vmem_shared>>) offsets(%dma_start3A_582 : memref<128xi32, #tpu.memory_space<vmem>>) semaphore(%dma_start3A_587 : memref<!tpu.dma_semaphore, #tpu.memory_space<semaphore_mem>>) {add = true}
      %while3A_588 = arith.constant 0 : i32
      scf.yield %while3A_588 : i32
    }
    %while3A_52 = arith.constant 1 : i32
    %while3A_53 = scf.for %while3A_178 = %while3A_49 to %while3A_45 step %while3A_52 iter_args(%while3A_179 = %while3A_51) -> (i32)  : i32 {
      %mul3A_180 = arith.constant 8 : i32
      %mul3A_181 = arith.muli %while3A_178, %mul3A_180 : i32
      %add3A_182 = arith.constant 0 : i32
      %add3A_183 = arith.addi %mul3A_181, %add3A_182 : i32
      %gt3A = arith.constant 0 : i32
      %gt3A_184 = arith.cmpi sgt, %while3A_178, %gt3A : i32
      %convert_element_type3A_185 = arith.extui %gt3A_184 : i1 to i32
      %cond3A_186 = arith.constant 0 : i32
      %cond3A_187 = arith.cmpi ne, %convert_element_type3A_185, %cond3A_186 : i32
      scf.if %cond3A_187 {
        %dma_wait3A_589 = arith.constant 0 : i32
        %dma_wait3A_590 = arith.constant 0 : i32
        %dma_wait3A_591 = arith.constant 0 : i32
        %dma_wait3A_592 = arith.constant 0 : i32
        %dma_wait3A_593 = tpu.memref_slice %arg8[%dma_wait3A_589, %dma_wait3A_591, %dma_wait3A_592] : memref<8x128x16xf32, #tpu.memory_space<vmem>> -> memref<1x128x16xf32, #tpu.memory_space<vmem>>
        %dma_wait3A_594 = tpu.memref_squeeze %dma_wait3A_593 : memref<1x128x16xf32, #tpu.memory_space<vmem>> -> memref<128x16xf32, #tpu.memory_space<vmem>>
        %dma_wait3A_595 = arith.constant 0 : i32
        %dma_wait3A_596 = tpu.memref_slice %arg7[%add3A_183, %dma_wait3A_595] : memref<152x128xi32, #tpu.memory_space<vmem>> -> memref<1x128xi32, #tpu.memory_space<vmem>>
        %dma_wait3A_597 = tpu.memref_squeeze %dma_wait3A_596 : memref<1x128xi32, #tpu.memory_space<vmem>> -> memref<128xi32, #tpu.memory_space<vmem>>
        %dma_wait3A_598 = arith.constant 0 : i32
        %dma_wait3A_599 = arith.constant 0 : i32
        %dma_wait3A_600 = tpu.memref_slice %arg10[%dma_wait3A_598, %dma_wait3A_599] : memref<10240x16xf32, #tpu.memory_space<vmem_shared>> -> memref<10240x16xf32, #tpu.memory_space<vmem_shared>>
        %dma_wait3A_601 = tpu.memref_slice %arg12[%dma_wait3A_590] : memref<8x!tpu.dma_semaphore, #tpu.memory_space<semaphore_mem>> -> memref<1x!tpu.dma_semaphore, #tpu.memory_space<semaphore_mem>>
        %dma_wait3A_602 = tpu.memref_squeeze %dma_wait3A_601 : memref<1x!tpu.dma_semaphore, #tpu.memory_space<semaphore_mem>> -> memref<!tpu.dma_semaphore, #tpu.memory_space<semaphore_mem>>
        tpu.wait_indirect_dma semaphore(%dma_wait3A_602 : memref<!tpu.dma_semaphore, #tpu.memory_space<semaphore_mem>>) src(%dma_wait3A_594 : memref<128x16xf32, #tpu.memory_space<vmem>>) dst(%dma_wait3A_600 : memref<10240x16xf32, #tpu.memory_space<vmem_shared>>)
      } else {
      }
      %dma_start3A = arith.constant 0 : i32
      %dma_start3A_188 = arith.constant 0 : i32
      %dma_start3A_189 = arith.constant 0 : i32
      %dma_start3A_190 = arith.constant 0 : i32
      %dma_start3A_191 = tpu.memref_slice %arg8[%dma_start3A, %dma_start3A_189, %dma_start3A_190] : memref<8x128x16xf32, #tpu.memory_space<vmem>> -> memref<1x128x16xf32, #tpu.memory_space<vmem>>
      %dma_start3A_192 = tpu.memref_squeeze %dma_start3A_191 : memref<1x128x16xf32, #tpu.memory_space<vmem>> -> memref<128x16xf32, #tpu.memory_space<vmem>>
      %dma_start3A_193 = arith.constant 0 : i32
      %dma_start3A_194 = tpu.memref_slice %arg6[%add3A_183, %dma_start3A_193] : memref<152x128xi32, #tpu.memory_space<vmem>> -> memref<1x128xi32, #tpu.memory_space<vmem>>
      %dma_start3A_195 = tpu.memref_squeeze %dma_start3A_194 : memref<1x128xi32, #tpu.memory_space<vmem>> -> memref<128xi32, #tpu.memory_space<vmem>>
      %dma_start3A_196 = arith.constant 0 : i32
      %dma_start3A_197 = arith.constant 0 : i32
      %dma_start3A_198 = tpu.memref_slice %arg4[%dma_start3A_196, %dma_start3A_197] : memref<10000x16xf32, #tpu.memory_space<hbm>> -> memref<10000x16xf32, #tpu.memory_space<hbm>>
      %dma_start3A_199 = tpu.memref_slice %arg11[%dma_start3A_188] : memref<8x!tpu.dma_semaphore, #tpu.memory_space<semaphore_mem>> -> memref<1x!tpu.dma_semaphore, #tpu.memory_space<semaphore_mem>>
      %dma_start3A_200 = tpu.memref_squeeze %dma_start3A_199 : memref<1x!tpu.dma_semaphore, #tpu.memory_space<semaphore_mem>> -> memref<!tpu.dma_semaphore, #tpu.memory_space<semaphore_mem>>
      tpu.enqueue_indirect_dma source(%dma_start3A_198 : memref<10000x16xf32, #tpu.memory_space<hbm>>) target(%dma_start3A_192 : memref<128x16xf32, #tpu.memory_space<vmem>>) offsets(%dma_start3A_195 : memref<128xi32, #tpu.memory_space<vmem>>) semaphore(%dma_start3A_200 : memref<!tpu.dma_semaphore, #tpu.memory_space<semaphore_mem>>)
      %add3A_201 = arith.constant 1 : i32
      %add3A_202 = arith.addi %mul3A_181, %add3A_201 : i32
      %gt3A_203 = arith.constant 0 : i32
      %gt3A_204 = arith.cmpi sgt, %while3A_178, %gt3A_203 : i32
      %convert_element_type3A_205 = arith.extui %gt3A_204 : i1 to i32
      %cond3A_206 = arith.constant 0 : i32
      %cond3A_207 = arith.cmpi ne, %convert_element_type3A_205, %cond3A_206 : i32
      scf.if %cond3A_207 {
        %dma_wait3A_589 = arith.constant 1 : i32
        %dma_wait3A_590 = arith.constant 1 : i32
        %dma_wait3A_591 = arith.constant 0 : i32
        %dma_wait3A_592 = arith.constant 0 : i32
        %dma_wait3A_593 = tpu.memref_slice %arg8[%dma_wait3A_589, %dma_wait3A_591, %dma_wait3A_592] : memref<8x128x16xf32, #tpu.memory_space<vmem>> -> memref<1x128x16xf32, #tpu.memory_space<vmem>>
        %dma_wait3A_594 = tpu.memref_squeeze %dma_wait3A_593 : memref<1x128x16xf32, #tpu.memory_space<vmem>> -> memref<128x16xf32, #tpu.memory_space<vmem>>
        %dma_wait3A_595 = arith.constant 0 : i32
        %dma_wait3A_596 = tpu.memref_slice %arg7[%add3A_202, %dma_wait3A_595] : memref<152x128xi32, #tpu.memory_space<vmem>> -> memref<1x128xi32, #tpu.memory_space<vmem>>
        %dma_wait3A_597 = tpu.memref_squeeze %dma_wait3A_596 : memref<1x128xi32, #tpu.memory_space<vmem>> -> memref<128xi32, #tpu.memory_space<vmem>>
        %dma_wait3A_598 = arith.constant 0 : i32
        %dma_wait3A_599 = arith.constant 0 : i32
        %dma_wait3A_600 = tpu.memref_slice %arg10[%dma_wait3A_598, %dma_wait3A_599] : memref<10240x16xf32, #tpu.memory_space<vmem_shared>> -> memref<10240x16xf32, #tpu.memory_space<vmem_shared>>
        %dma_wait3A_601 = tpu.memref_slice %arg12[%dma_wait3A_590] : memref<8x!tpu.dma_semaphore, #tpu.memory_space<semaphore_mem>> -> memref<1x!tpu.dma_semaphore, #tpu.memory_space<semaphore_mem>>
        %dma_wait3A_602 = tpu.memref_squeeze %dma_wait3A_601 : memref<1x!tpu.dma_semaphore, #tpu.memory_space<semaphore_mem>> -> memref<!tpu.dma_semaphore, #tpu.memory_space<semaphore_mem>>
        tpu.wait_indirect_dma semaphore(%dma_wait3A_602 : memref<!tpu.dma_semaphore, #tpu.memory_space<semaphore_mem>>) src(%dma_wait3A_594 : memref<128x16xf32, #tpu.memory_space<vmem>>) dst(%dma_wait3A_600 : memref<10240x16xf32, #tpu.memory_space<vmem_shared>>)
      } else {
      }
      %dma_start3A_208 = arith.constant 1 : i32
      %dma_start3A_209 = arith.constant 1 : i32
      %dma_start3A_210 = arith.constant 0 : i32
      %dma_start3A_211 = arith.constant 0 : i32
      %dma_start3A_212 = tpu.memref_slice %arg8[%dma_start3A_208, %dma_start3A_210, %dma_start3A_211] : memref<8x128x16xf32, #tpu.memory_space<vmem>> -> memref<1x128x16xf32, #tpu.memory_space<vmem>>
      %dma_start3A_213 = tpu.memref_squeeze %dma_start3A_212 : memref<1x128x16xf32, #tpu.memory_space<vmem>> -> memref<128x16xf32, #tpu.memory_space<vmem>>
      %dma_start3A_214 = arith.constant 0 : i32
      %dma_start3A_215 = tpu.memref_slice %arg6[%add3A_202, %dma_start3A_214] : memref<152x128xi32, #tpu.memory_space<vmem>> -> memref<1x128xi32, #tpu.memory_space<vmem>>
      %dma_start3A_216 = tpu.memref_squeeze %dma_start3A_215 : memref<1x128xi32, #tpu.memory_space<vmem>> -> memref<128xi32, #tpu.memory_space<vmem>>
      %dma_start3A_217 = arith.constant 0 : i32
      %dma_start3A_218 = arith.constant 0 : i32
      %dma_start3A_219 = tpu.memref_slice %arg4[%dma_start3A_217, %dma_start3A_218] : memref<10000x16xf32, #tpu.memory_space<hbm>> -> memref<10000x16xf32, #tpu.memory_space<hbm>>
      %dma_start3A_220 = tpu.memref_slice %arg11[%dma_start3A_209] : memref<8x!tpu.dma_semaphore, #tpu.memory_space<semaphore_mem>> -> memref<1x!tpu.dma_semaphore, #tpu.memory_space<semaphore_mem>>
      %dma_start3A_221 = tpu.memref_squeeze %dma_start3A_220 : memref<1x!tpu.dma_semaphore, #tpu.memory_space<semaphore_mem>> -> memref<!tpu.dma_semaphore, #tpu.memory_space<semaphore_mem>>
      tpu.enqueue_indirect_dma source(%dma_start3A_219 : memref<10000x16xf32, #tpu.memory_space<hbm>>) target(%dma_start3A_213 : memref<128x16xf32, #tpu.memory_space<vmem>>) offsets(%dma_start3A_216 : memref<128xi32, #tpu.memory_space<vmem>>) semaphore(%dma_start3A_221 : memref<!tpu.dma_semaphore, #tpu.memory_space<semaphore_mem>>)
      %add3A_222 = arith.constant 2 : i32
      %add3A_223 = arith.addi %mul3A_181, %add3A_222 : i32
      %gt3A_224 = arith.constant 0 : i32
      %gt3A_225 = arith.cmpi sgt, %while3A_178, %gt3A_224 : i32
      %convert_element_type3A_226 = arith.extui %gt3A_225 : i1 to i32
      %cond3A_227 = arith.constant 0 : i32
      %cond3A_228 = arith.cmpi ne, %convert_element_type3A_226, %cond3A_227 : i32
      scf.if %cond3A_228 {
        %dma_wait3A_589 = arith.constant 2 : i32
        %dma_wait3A_590 = arith.constant 2 : i32
        %dma_wait3A_591 = arith.constant 0 : i32
        %dma_wait3A_592 = arith.constant 0 : i32
        %dma_wait3A_593 = tpu.memref_slice %arg8[%dma_wait3A_589, %dma_wait3A_591, %dma_wait3A_592] : memref<8x128x16xf32, #tpu.memory_space<vmem>> -> memref<1x128x16xf32, #tpu.memory_space<vmem>>
        %dma_wait3A_594 = tpu.memref_squeeze %dma_wait3A_593 : memref<1x128x16xf32, #tpu.memory_space<vmem>> -> memref<128x16xf32, #tpu.memory_space<vmem>>
        %dma_wait3A_595 = arith.constant 0 : i32
        %dma_wait3A_596 = tpu.memref_slice %arg7[%add3A_223, %dma_wait3A_595] : memref<152x128xi32, #tpu.memory_space<vmem>> -> memref<1x128xi32, #tpu.memory_space<vmem>>
        %dma_wait3A_597 = tpu.memref_squeeze %dma_wait3A_596 : memref<1x128xi32, #tpu.memory_space<vmem>> -> memref<128xi32, #tpu.memory_space<vmem>>
        %dma_wait3A_598 = arith.constant 0 : i32
        %dma_wait3A_599 = arith.constant 0 : i32
        %dma_wait3A_600 = tpu.memref_slice %arg10[%dma_wait3A_598, %dma_wait3A_599] : memref<10240x16xf32, #tpu.memory_space<vmem_shared>> -> memref<10240x16xf32, #tpu.memory_space<vmem_shared>>
        %dma_wait3A_601 = tpu.memref_slice %arg12[%dma_wait3A_590] : memref<8x!tpu.dma_semaphore, #tpu.memory_space<semaphore_mem>> -> memref<1x!tpu.dma_semaphore, #tpu.memory_space<semaphore_mem>>
        %dma_wait3A_602 = tpu.memref_squeeze %dma_wait3A_601 : memref<1x!tpu.dma_semaphore, #tpu.memory_space<semaphore_mem>> -> memref<!tpu.dma_semaphore, #tpu.memory_space<semaphore_mem>>
        tpu.wait_indirect_dma semaphore(%dma_wait3A_602 : memref<!tpu.dma_semaphore, #tpu.memory_space<semaphore_mem>>) src(%dma_wait3A_594 : memref<128x16xf32, #tpu.memory_space<vmem>>) dst(%dma_wait3A_600 : memref<10240x16xf32, #tpu.memory_space<vmem_shared>>)
      } else {
      }
      %dma_start3A_229 = arith.constant 2 : i32
      %dma_start3A_230 = arith.constant 2 : i32
      %dma_start3A_231 = arith.constant 0 : i32
      %dma_start3A_232 = arith.constant 0 : i32
      %dma_start3A_233 = tpu.memref_slice %arg8[%dma_start3A_229, %dma_start3A_231, %dma_start3A_232] : memref<8x128x16xf32, #tpu.memory_space<vmem>> -> memref<1x128x16xf32, #tpu.memory_space<vmem>>
      %dma_start3A_234 = tpu.memref_squeeze %dma_start3A_233 : memref<1x128x16xf32, #tpu.memory_space<vmem>> -> memref<128x16xf32, #tpu.memory_space<vmem>>
      %dma_start3A_235 = arith.constant 0 : i32
      %dma_start3A_236 = tpu.memref_slice %arg6[%add3A_223, %dma_start3A_235] : memref<152x128xi32, #tpu.memory_space<vmem>> -> memref<1x128xi32, #tpu.memory_space<vmem>>
      %dma_start3A_237 = tpu.memref_squeeze %dma_start3A_236 : memref<1x128xi32, #tpu.memory_space<vmem>> -> memref<128xi32, #tpu.memory_space<vmem>>
      %dma_start3A_238 = arith.constant 0 : i32
      %dma_start3A_239 = arith.constant 0 : i32
      %dma_start3A_240 = tpu.memref_slice %arg4[%dma_start3A_238, %dma_start3A_239] : memref<10000x16xf32, #tpu.memory_space<hbm>> -> memref<10000x16xf32, #tpu.memory_space<hbm>>
      %dma_start3A_241 = tpu.memref_slice %arg11[%dma_start3A_230] : memref<8x!tpu.dma_semaphore, #tpu.memory_space<semaphore_mem>> -> memref<1x!tpu.dma_semaphore, #tpu.memory_space<semaphore_mem>>
      %dma_start3A_242 = tpu.memref_squeeze %dma_start3A_241 : memref<1x!tpu.dma_semaphore, #tpu.memory_space<semaphore_mem>> -> memref<!tpu.dma_semaphore, #tpu.memory_space<semaphore_mem>>
      tpu.enqueue_indirect_dma source(%dma_start3A_240 : memref<10000x16xf32, #tpu.memory_space<hbm>>) target(%dma_start3A_234 : memref<128x16xf32, #tpu.memory_space<vmem>>) offsets(%dma_start3A_237 : memref<128xi32, #tpu.memory_space<vmem>>) semaphore(%dma_start3A_242 : memref<!tpu.dma_semaphore, #tpu.memory_space<semaphore_mem>>)
      %add3A_243 = arith.constant 3 : i32
      %add3A_244 = arith.addi %mul3A_181, %add3A_243 : i32
      %gt3A_245 = arith.constant 0 : i32
      %gt3A_246 = arith.cmpi sgt, %while3A_178, %gt3A_245 : i32
      %convert_element_type3A_247 = arith.extui %gt3A_246 : i1 to i32
      %cond3A_248 = arith.constant 0 : i32
      %cond3A_249 = arith.cmpi ne, %convert_element_type3A_247, %cond3A_248 : i32
      scf.if %cond3A_249 {
        %dma_wait3A_589 = arith.constant 3 : i32
        %dma_wait3A_590 = arith.constant 3 : i32
        %dma_wait3A_591 = arith.constant 0 : i32
        %dma_wait3A_592 = arith.constant 0 : i32
        %dma_wait3A_593 = tpu.memref_slice %arg8[%dma_wait3A_589, %dma_wait3A_591, %dma_wait3A_592] : memref<8x128x16xf32, #tpu.memory_space<vmem>> -> memref<1x128x16xf32, #tpu.memory_space<vmem>>
        %dma_wait3A_594 = tpu.memref_squeeze %dma_wait3A_593 : memref<1x128x16xf32, #tpu.memory_space<vmem>> -> memref<128x16xf32, #tpu.memory_space<vmem>>
        %dma_wait3A_595 = arith.constant 0 : i32
        %dma_wait3A_596 = tpu.memref_slice %arg7[%add3A_244, %dma_wait3A_595] : memref<152x128xi32, #tpu.memory_space<vmem>> -> memref<1x128xi32, #tpu.memory_space<vmem>>
        %dma_wait3A_597 = tpu.memref_squeeze %dma_wait3A_596 : memref<1x128xi32, #tpu.memory_space<vmem>> -> memref<128xi32, #tpu.memory_space<vmem>>
        %dma_wait3A_598 = arith.constant 0 : i32
        %dma_wait3A_599 = arith.constant 0 : i32
        %dma_wait3A_600 = tpu.memref_slice %arg10[%dma_wait3A_598, %dma_wait3A_599] : memref<10240x16xf32, #tpu.memory_space<vmem_shared>> -> memref<10240x16xf32, #tpu.memory_space<vmem_shared>>
        %dma_wait3A_601 = tpu.memref_slice %arg12[%dma_wait3A_590] : memref<8x!tpu.dma_semaphore, #tpu.memory_space<semaphore_mem>> -> memref<1x!tpu.dma_semaphore, #tpu.memory_space<semaphore_mem>>
        %dma_wait3A_602 = tpu.memref_squeeze %dma_wait3A_601 : memref<1x!tpu.dma_semaphore, #tpu.memory_space<semaphore_mem>> -> memref<!tpu.dma_semaphore, #tpu.memory_space<semaphore_mem>>
        tpu.wait_indirect_dma semaphore(%dma_wait3A_602 : memref<!tpu.dma_semaphore, #tpu.memory_space<semaphore_mem>>) src(%dma_wait3A_594 : memref<128x16xf32, #tpu.memory_space<vmem>>) dst(%dma_wait3A_600 : memref<10240x16xf32, #tpu.memory_space<vmem_shared>>)
      } else {
      }
      %dma_start3A_250 = arith.constant 3 : i32
      %dma_start3A_251 = arith.constant 3 : i32
      %dma_start3A_252 = arith.constant 0 : i32
      %dma_start3A_253 = arith.constant 0 : i32
      %dma_start3A_254 = tpu.memref_slice %arg8[%dma_start3A_250, %dma_start3A_252, %dma_start3A_253] : memref<8x128x16xf32, #tpu.memory_space<vmem>> -> memref<1x128x16xf32, #tpu.memory_space<vmem>>
      %dma_start3A_255 = tpu.memref_squeeze %dma_start3A_254 : memref<1x128x16xf32, #tpu.memory_space<vmem>> -> memref<128x16xf32, #tpu.memory_space<vmem>>
      %dma_start3A_256 = arith.constant 0 : i32
      %dma_start3A_257 = tpu.memref_slice %arg6[%add3A_244, %dma_start3A_256] : memref<152x128xi32, #tpu.memory_space<vmem>> -> memref<1x128xi32, #tpu.memory_space<vmem>>
      %dma_start3A_258 = tpu.memref_squeeze %dma_start3A_257 : memref<1x128xi32, #tpu.memory_space<vmem>> -> memref<128xi32, #tpu.memory_space<vmem>>
      %dma_start3A_259 = arith.constant 0 : i32
      %dma_start3A_260 = arith.constant 0 : i32
      %dma_start3A_261 = tpu.memref_slice %arg4[%dma_start3A_259, %dma_start3A_260] : memref<10000x16xf32, #tpu.memory_space<hbm>> -> memref<10000x16xf32, #tpu.memory_space<hbm>>
      %dma_start3A_262 = tpu.memref_slice %arg11[%dma_start3A_251] : memref<8x!tpu.dma_semaphore, #tpu.memory_space<semaphore_mem>> -> memref<1x!tpu.dma_semaphore, #tpu.memory_space<semaphore_mem>>
      %dma_start3A_263 = tpu.memref_squeeze %dma_start3A_262 : memref<1x!tpu.dma_semaphore, #tpu.memory_space<semaphore_mem>> -> memref<!tpu.dma_semaphore, #tpu.memory_space<semaphore_mem>>
      tpu.enqueue_indirect_dma source(%dma_start3A_261 : memref<10000x16xf32, #tpu.memory_space<hbm>>) target(%dma_start3A_255 : memref<128x16xf32, #tpu.memory_space<vmem>>) offsets(%dma_start3A_258 : memref<128xi32, #tpu.memory_space<vmem>>) semaphore(%dma_start3A_263 : memref<!tpu.dma_semaphore, #tpu.memory_space<semaphore_mem>>)
      %add3A_264 = arith.constant 4 : i32
      %add3A_265 = arith.addi %mul3A_181, %add3A_264 : i32
      %gt3A_266 = arith.constant 0 : i32
      %gt3A_267 = arith.cmpi sgt, %while3A_178, %gt3A_266 : i32
      %convert_element_type3A_268 = arith.extui %gt3A_267 : i1 to i32
      %cond3A_269 = arith.constant 0 : i32
      %cond3A_270 = arith.cmpi ne, %convert_element_type3A_268, %cond3A_269 : i32
      scf.if %cond3A_270 {
        %dma_wait3A_589 = arith.constant 4 : i32
        %dma_wait3A_590 = arith.constant 4 : i32
        %dma_wait3A_591 = arith.constant 0 : i32
        %dma_wait3A_592 = arith.constant 0 : i32
        %dma_wait3A_593 = tpu.memref_slice %arg8[%dma_wait3A_589, %dma_wait3A_591, %dma_wait3A_592] : memref<8x128x16xf32, #tpu.memory_space<vmem>> -> memref<1x128x16xf32, #tpu.memory_space<vmem>>
        %dma_wait3A_594 = tpu.memref_squeeze %dma_wait3A_593 : memref<1x128x16xf32, #tpu.memory_space<vmem>> -> memref<128x16xf32, #tpu.memory_space<vmem>>
        %dma_wait3A_595 = arith.constant 0 : i32
        %dma_wait3A_596 = tpu.memref_slice %arg7[%add3A_265, %dma_wait3A_595] : memref<152x128xi32, #tpu.memory_space<vmem>> -> memref<1x128xi32, #tpu.memory_space<vmem>>
        %dma_wait3A_597 = tpu.memref_squeeze %dma_wait3A_596 : memref<1x128xi32, #tpu.memory_space<vmem>> -> memref<128xi32, #tpu.memory_space<vmem>>
        %dma_wait3A_598 = arith.constant 0 : i32
        %dma_wait3A_599 = arith.constant 0 : i32
        %dma_wait3A_600 = tpu.memref_slice %arg10[%dma_wait3A_598, %dma_wait3A_599] : memref<10240x16xf32, #tpu.memory_space<vmem_shared>> -> memref<10240x16xf32, #tpu.memory_space<vmem_shared>>
        %dma_wait3A_601 = tpu.memref_slice %arg12[%dma_wait3A_590] : memref<8x!tpu.dma_semaphore, #tpu.memory_space<semaphore_mem>> -> memref<1x!tpu.dma_semaphore, #tpu.memory_space<semaphore_mem>>
        %dma_wait3A_602 = tpu.memref_squeeze %dma_wait3A_601 : memref<1x!tpu.dma_semaphore, #tpu.memory_space<semaphore_mem>> -> memref<!tpu.dma_semaphore, #tpu.memory_space<semaphore_mem>>
        tpu.wait_indirect_dma semaphore(%dma_wait3A_602 : memref<!tpu.dma_semaphore, #tpu.memory_space<semaphore_mem>>) src(%dma_wait3A_594 : memref<128x16xf32, #tpu.memory_space<vmem>>) dst(%dma_wait3A_600 : memref<10240x16xf32, #tpu.memory_space<vmem_shared>>)
      } else {
      }
      %dma_start3A_271 = arith.constant 4 : i32
      %dma_start3A_272 = arith.constant 4 : i32
      %dma_start3A_273 = arith.constant 0 : i32
      %dma_start3A_274 = arith.constant 0 : i32
      %dma_start3A_275 = tpu.memref_slice %arg8[%dma_start3A_271, %dma_start3A_273, %dma_start3A_274] : memref<8x128x16xf32, #tpu.memory_space<vmem>> -> memref<1x128x16xf32, #tpu.memory_space<vmem>>
      %dma_start3A_276 = tpu.memref_squeeze %dma_start3A_275 : memref<1x128x16xf32, #tpu.memory_space<vmem>> -> memref<128x16xf32, #tpu.memory_space<vmem>>
      %dma_start3A_277 = arith.constant 0 : i32
      %dma_start3A_278 = tpu.memref_slice %arg6[%add3A_265, %dma_start3A_277] : memref<152x128xi32, #tpu.memory_space<vmem>> -> memref<1x128xi32, #tpu.memory_space<vmem>>
      %dma_start3A_279 = tpu.memref_squeeze %dma_start3A_278 : memref<1x128xi32, #tpu.memory_space<vmem>> -> memref<128xi32, #tpu.memory_space<vmem>>
      %dma_start3A_280 = arith.constant 0 : i32
      %dma_start3A_281 = arith.constant 0 : i32
      %dma_start3A_282 = tpu.memref_slice %arg4[%dma_start3A_280, %dma_start3A_281] : memref<10000x16xf32, #tpu.memory_space<hbm>> -> memref<10000x16xf32, #tpu.memory_space<hbm>>
      %dma_start3A_283 = tpu.memref_slice %arg11[%dma_start3A_272] : memref<8x!tpu.dma_semaphore, #tpu.memory_space<semaphore_mem>> -> memref<1x!tpu.dma_semaphore, #tpu.memory_space<semaphore_mem>>
      %dma_start3A_284 = tpu.memref_squeeze %dma_start3A_283 : memref<1x!tpu.dma_semaphore, #tpu.memory_space<semaphore_mem>> -> memref<!tpu.dma_semaphore, #tpu.memory_space<semaphore_mem>>
      tpu.enqueue_indirect_dma source(%dma_start3A_282 : memref<10000x16xf32, #tpu.memory_space<hbm>>) target(%dma_start3A_276 : memref<128x16xf32, #tpu.memory_space<vmem>>) offsets(%dma_start3A_279 : memref<128xi32, #tpu.memory_space<vmem>>) semaphore(%dma_start3A_284 : memref<!tpu.dma_semaphore, #tpu.memory_space<semaphore_mem>>)
      %add3A_285 = arith.constant 5 : i32
      %add3A_286 = arith.addi %mul3A_181, %add3A_285 : i32
      %gt3A_287 = arith.constant 0 : i32
      %gt3A_288 = arith.cmpi sgt, %while3A_178, %gt3A_287 : i32
      %convert_element_type3A_289 = arith.extui %gt3A_288 : i1 to i32
      %cond3A_290 = arith.constant 0 : i32
      %cond3A_291 = arith.cmpi ne, %convert_element_type3A_289, %cond3A_290 : i32
      scf.if %cond3A_291 {
        %dma_wait3A_589 = arith.constant 5 : i32
        %dma_wait3A_590 = arith.constant 5 : i32
        %dma_wait3A_591 = arith.constant 0 : i32
        %dma_wait3A_592 = arith.constant 0 : i32
        %dma_wait3A_593 = tpu.memref_slice %arg8[%dma_wait3A_589, %dma_wait3A_591, %dma_wait3A_592] : memref<8x128x16xf32, #tpu.memory_space<vmem>> -> memref<1x128x16xf32, #tpu.memory_space<vmem>>
        %dma_wait3A_594 = tpu.memref_squeeze %dma_wait3A_593 : memref<1x128x16xf32, #tpu.memory_space<vmem>> -> memref<128x16xf32, #tpu.memory_space<vmem>>
        %dma_wait3A_595 = arith.constant 0 : i32
        %dma_wait3A_596 = tpu.memref_slice %arg7[%add3A_286, %dma_wait3A_595] : memref<152x128xi32, #tpu.memory_space<vmem>> -> memref<1x128xi32, #tpu.memory_space<vmem>>
        %dma_wait3A_597 = tpu.memref_squeeze %dma_wait3A_596 : memref<1x128xi32, #tpu.memory_space<vmem>> -> memref<128xi32, #tpu.memory_space<vmem>>
        %dma_wait3A_598 = arith.constant 0 : i32
        %dma_wait3A_599 = arith.constant 0 : i32
        %dma_wait3A_600 = tpu.memref_slice %arg10[%dma_wait3A_598, %dma_wait3A_599] : memref<10240x16xf32, #tpu.memory_space<vmem_shared>> -> memref<10240x16xf32, #tpu.memory_space<vmem_shared>>
        %dma_wait3A_601 = tpu.memref_slice %arg12[%dma_wait3A_590] : memref<8x!tpu.dma_semaphore, #tpu.memory_space<semaphore_mem>> -> memref<1x!tpu.dma_semaphore, #tpu.memory_space<semaphore_mem>>
        %dma_wait3A_602 = tpu.memref_squeeze %dma_wait3A_601 : memref<1x!tpu.dma_semaphore, #tpu.memory_space<semaphore_mem>> -> memref<!tpu.dma_semaphore, #tpu.memory_space<semaphore_mem>>
        tpu.wait_indirect_dma semaphore(%dma_wait3A_602 : memref<!tpu.dma_semaphore, #tpu.memory_space<semaphore_mem>>) src(%dma_wait3A_594 : memref<128x16xf32, #tpu.memory_space<vmem>>) dst(%dma_wait3A_600 : memref<10240x16xf32, #tpu.memory_space<vmem_shared>>)
      } else {
      }
      %dma_start3A_292 = arith.constant 5 : i32
      %dma_start3A_293 = arith.constant 5 : i32
      %dma_start3A_294 = arith.constant 0 : i32
      %dma_start3A_295 = arith.constant 0 : i32
      %dma_start3A_296 = tpu.memref_slice %arg8[%dma_start3A_292, %dma_start3A_294, %dma_start3A_295] : memref<8x128x16xf32, #tpu.memory_space<vmem>> -> memref<1x128x16xf32, #tpu.memory_space<vmem>>
      %dma_start3A_297 = tpu.memref_squeeze %dma_start3A_296 : memref<1x128x16xf32, #tpu.memory_space<vmem>> -> memref<128x16xf32, #tpu.memory_space<vmem>>
      %dma_start3A_298 = arith.constant 0 : i32
      %dma_start3A_299 = tpu.memref_slice %arg6[%add3A_286, %dma_start3A_298] : memref<152x128xi32, #tpu.memory_space<vmem>> -> memref<1x128xi32, #tpu.memory_space<vmem>>
      %dma_start3A_300 = tpu.memref_squeeze %dma_start3A_299 : memref<1x128xi32, #tpu.memory_space<vmem>> -> memref<128xi32, #tpu.memory_space<vmem>>
      %dma_start3A_301 = arith.constant 0 : i32
      %dma_start3A_302 = arith.constant 0 : i32
      %dma_start3A_303 = tpu.memref_slice %arg4[%dma_start3A_301, %dma_start3A_302] : memref<10000x16xf32, #tpu.memory_space<hbm>> -> memref<10000x16xf32, #tpu.memory_space<hbm>>
      %dma_start3A_304 = tpu.memref_slice %arg11[%dma_start3A_293] : memref<8x!tpu.dma_semaphore, #tpu.memory_space<semaphore_mem>> -> memref<1x!tpu.dma_semaphore, #tpu.memory_space<semaphore_mem>>
      %dma_start3A_305 = tpu.memref_squeeze %dma_start3A_304 : memref<1x!tpu.dma_semaphore, #tpu.memory_space<semaphore_mem>> -> memref<!tpu.dma_semaphore, #tpu.memory_space<semaphore_mem>>
      tpu.enqueue_indirect_dma source(%dma_start3A_303 : memref<10000x16xf32, #tpu.memory_space<hbm>>) target(%dma_start3A_297 : memref<128x16xf32, #tpu.memory_space<vmem>>) offsets(%dma_start3A_300 : memref<128xi32, #tpu.memory_space<vmem>>) semaphore(%dma_start3A_305 : memref<!tpu.dma_semaphore, #tpu.memory_space<semaphore_mem>>)
      %add3A_306 = arith.constant 6 : i32
      %add3A_307 = arith.addi %mul3A_181, %add3A_306 : i32
      %gt3A_308 = arith.constant 0 : i32
      %gt3A_309 = arith.cmpi sgt, %while3A_178, %gt3A_308 : i32
      %convert_element_type3A_310 = arith.extui %gt3A_309 : i1 to i32
      %cond3A_311 = arith.constant 0 : i32
      %cond3A_312 = arith.cmpi ne, %convert_element_type3A_310, %cond3A_311 : i32
      scf.if %cond3A_312 {
        %dma_wait3A_589 = arith.constant 6 : i32
        %dma_wait3A_590 = arith.constant 6 : i32
        %dma_wait3A_591 = arith.constant 0 : i32
        %dma_wait3A_592 = arith.constant 0 : i32
        %dma_wait3A_593 = tpu.memref_slice %arg8[%dma_wait3A_589, %dma_wait3A_591, %dma_wait3A_592] : memref<8x128x16xf32, #tpu.memory_space<vmem>> -> memref<1x128x16xf32, #tpu.memory_space<vmem>>
        %dma_wait3A_594 = tpu.memref_squeeze %dma_wait3A_593 : memref<1x128x16xf32, #tpu.memory_space<vmem>> -> memref<128x16xf32, #tpu.memory_space<vmem>>
        %dma_wait3A_595 = arith.constant 0 : i32
        %dma_wait3A_596 = tpu.memref_slice %arg7[%add3A_307, %dma_wait3A_595] : memref<152x128xi32, #tpu.memory_space<vmem>> -> memref<1x128xi32, #tpu.memory_space<vmem>>
        %dma_wait3A_597 = tpu.memref_squeeze %dma_wait3A_596 : memref<1x128xi32, #tpu.memory_space<vmem>> -> memref<128xi32, #tpu.memory_space<vmem>>
        %dma_wait3A_598 = arith.constant 0 : i32
        %dma_wait3A_599 = arith.constant 0 : i32
        %dma_wait3A_600 = tpu.memref_slice %arg10[%dma_wait3A_598, %dma_wait3A_599] : memref<10240x16xf32, #tpu.memory_space<vmem_shared>> -> memref<10240x16xf32, #tpu.memory_space<vmem_shared>>
        %dma_wait3A_601 = tpu.memref_slice %arg12[%dma_wait3A_590] : memref<8x!tpu.dma_semaphore, #tpu.memory_space<semaphore_mem>> -> memref<1x!tpu.dma_semaphore, #tpu.memory_space<semaphore_mem>>
        %dma_wait3A_602 = tpu.memref_squeeze %dma_wait3A_601 : memref<1x!tpu.dma_semaphore, #tpu.memory_space<semaphore_mem>> -> memref<!tpu.dma_semaphore, #tpu.memory_space<semaphore_mem>>
        tpu.wait_indirect_dma semaphore(%dma_wait3A_602 : memref<!tpu.dma_semaphore, #tpu.memory_space<semaphore_mem>>) src(%dma_wait3A_594 : memref<128x16xf32, #tpu.memory_space<vmem>>) dst(%dma_wait3A_600 : memref<10240x16xf32, #tpu.memory_space<vmem_shared>>)
      } else {
      }
      %dma_start3A_313 = arith.constant 6 : i32
      %dma_start3A_314 = arith.constant 6 : i32
      %dma_start3A_315 = arith.constant 0 : i32
      %dma_start3A_316 = arith.constant 0 : i32
      %dma_start3A_317 = tpu.memref_slice %arg8[%dma_start3A_313, %dma_start3A_315, %dma_start3A_316] : memref<8x128x16xf32, #tpu.memory_space<vmem>> -> memref<1x128x16xf32, #tpu.memory_space<vmem>>
      %dma_start3A_318 = tpu.memref_squeeze %dma_start3A_317 : memref<1x128x16xf32, #tpu.memory_space<vmem>> -> memref<128x16xf32, #tpu.memory_space<vmem>>
      %dma_start3A_319 = arith.constant 0 : i32
      %dma_start3A_320 = tpu.memref_slice %arg6[%add3A_307, %dma_start3A_319] : memref<152x128xi32, #tpu.memory_space<vmem>> -> memref<1x128xi32, #tpu.memory_space<vmem>>
      %dma_start3A_321 = tpu.memref_squeeze %dma_start3A_320 : memref<1x128xi32, #tpu.memory_space<vmem>> -> memref<128xi32, #tpu.memory_space<vmem>>
      %dma_start3A_322 = arith.constant 0 : i32
      %dma_start3A_323 = arith.constant 0 : i32
      %dma_start3A_324 = tpu.memref_slice %arg4[%dma_start3A_322, %dma_start3A_323] : memref<10000x16xf32, #tpu.memory_space<hbm>> -> memref<10000x16xf32, #tpu.memory_space<hbm>>
      %dma_start3A_325 = tpu.memref_slice %arg11[%dma_start3A_314] : memref<8x!tpu.dma_semaphore, #tpu.memory_space<semaphore_mem>> -> memref<1x!tpu.dma_semaphore, #tpu.memory_space<semaphore_mem>>
      %dma_start3A_326 = tpu.memref_squeeze %dma_start3A_325 : memref<1x!tpu.dma_semaphore, #tpu.memory_space<semaphore_mem>> -> memref<!tpu.dma_semaphore, #tpu.memory_space<semaphore_mem>>
      tpu.enqueue_indirect_dma source(%dma_start3A_324 : memref<10000x16xf32, #tpu.memory_space<hbm>>) target(%dma_start3A_318 : memref<128x16xf32, #tpu.memory_space<vmem>>) offsets(%dma_start3A_321 : memref<128xi32, #tpu.memory_space<vmem>>) semaphore(%dma_start3A_326 : memref<!tpu.dma_semaphore, #tpu.memory_space<semaphore_mem>>)
      %add3A_327 = arith.constant 7 : i32
      %add3A_328 = arith.addi %mul3A_181, %add3A_327 : i32
      %gt3A_329 = arith.constant 0 : i32
      %gt3A_330 = arith.cmpi sgt, %while3A_178, %gt3A_329 : i32
      %convert_element_type3A_331 = arith.extui %gt3A_330 : i1 to i32
      %cond3A_332 = arith.constant 0 : i32
      %cond3A_333 = arith.cmpi ne, %convert_element_type3A_331, %cond3A_332 : i32
      scf.if %cond3A_333 {
        %dma_wait3A_589 = arith.constant 7 : i32
        %dma_wait3A_590 = arith.constant 7 : i32
        %dma_wait3A_591 = arith.constant 0 : i32
        %dma_wait3A_592 = arith.constant 0 : i32
        %dma_wait3A_593 = tpu.memref_slice %arg8[%dma_wait3A_589, %dma_wait3A_591, %dma_wait3A_592] : memref<8x128x16xf32, #tpu.memory_space<vmem>> -> memref<1x128x16xf32, #tpu.memory_space<vmem>>
        %dma_wait3A_594 = tpu.memref_squeeze %dma_wait3A_593 : memref<1x128x16xf32, #tpu.memory_space<vmem>> -> memref<128x16xf32, #tpu.memory_space<vmem>>
        %dma_wait3A_595 = arith.constant 0 : i32
        %dma_wait3A_596 = tpu.memref_slice %arg7[%add3A_328, %dma_wait3A_595] : memref<152x128xi32, #tpu.memory_space<vmem>> -> memref<1x128xi32, #tpu.memory_space<vmem>>
        %dma_wait3A_597 = tpu.memref_squeeze %dma_wait3A_596 : memref<1x128xi32, #tpu.memory_space<vmem>> -> memref<128xi32, #tpu.memory_space<vmem>>
        %dma_wait3A_598 = arith.constant 0 : i32
        %dma_wait3A_599 = arith.constant 0 : i32
        %dma_wait3A_600 = tpu.memref_slice %arg10[%dma_wait3A_598, %dma_wait3A_599] : memref<10240x16xf32, #tpu.memory_space<vmem_shared>> -> memref<10240x16xf32, #tpu.memory_space<vmem_shared>>
        %dma_wait3A_601 = tpu.memref_slice %arg12[%dma_wait3A_590] : memref<8x!tpu.dma_semaphore, #tpu.memory_space<semaphore_mem>> -> memref<1x!tpu.dma_semaphore, #tpu.memory_space<semaphore_mem>>
        %dma_wait3A_602 = tpu.memref_squeeze %dma_wait3A_601 : memref<1x!tpu.dma_semaphore, #tpu.memory_space<semaphore_mem>> -> memref<!tpu.dma_semaphore, #tpu.memory_space<semaphore_mem>>
        tpu.wait_indirect_dma semaphore(%dma_wait3A_602 : memref<!tpu.dma_semaphore, #tpu.memory_space<semaphore_mem>>) src(%dma_wait3A_594 : memref<128x16xf32, #tpu.memory_space<vmem>>) dst(%dma_wait3A_600 : memref<10240x16xf32, #tpu.memory_space<vmem_shared>>)
      } else {
      }
      %dma_start3A_334 = arith.constant 7 : i32
      %dma_start3A_335 = arith.constant 7 : i32
      %dma_start3A_336 = arith.constant 0 : i32
      %dma_start3A_337 = arith.constant 0 : i32
      %dma_start3A_338 = tpu.memref_slice %arg8[%dma_start3A_334, %dma_start3A_336, %dma_start3A_337] : memref<8x128x16xf32, #tpu.memory_space<vmem>> -> memref<1x128x16xf32, #tpu.memory_space<vmem>>
      %dma_start3A_339 = tpu.memref_squeeze %dma_start3A_338 : memref<1x128x16xf32, #tpu.memory_space<vmem>> -> memref<128x16xf32, #tpu.memory_space<vmem>>
      %dma_start3A_340 = arith.constant 0 : i32
      %dma_start3A_341 = tpu.memref_slice %arg6[%add3A_328, %dma_start3A_340] : memref<152x128xi32, #tpu.memory_space<vmem>> -> memref<1x128xi32, #tpu.memory_space<vmem>>
      %dma_start3A_342 = tpu.memref_squeeze %dma_start3A_341 : memref<1x128xi32, #tpu.memory_space<vmem>> -> memref<128xi32, #tpu.memory_space<vmem>>
      %dma_start3A_343 = arith.constant 0 : i32
      %dma_start3A_344 = arith.constant 0 : i32
      %dma_start3A_345 = tpu.memref_slice %arg4[%dma_start3A_343, %dma_start3A_344] : memref<10000x16xf32, #tpu.memory_space<hbm>> -> memref<10000x16xf32, #tpu.memory_space<hbm>>
      %dma_start3A_346 = tpu.memref_slice %arg11[%dma_start3A_335] : memref<8x!tpu.dma_semaphore, #tpu.memory_space<semaphore_mem>> -> memref<1x!tpu.dma_semaphore, #tpu.memory_space<semaphore_mem>>
      %dma_start3A_347 = tpu.memref_squeeze %dma_start3A_346 : memref<1x!tpu.dma_semaphore, #tpu.memory_space<semaphore_mem>> -> memref<!tpu.dma_semaphore, #tpu.memory_space<semaphore_mem>>
      tpu.enqueue_indirect_dma source(%dma_start3A_345 : memref<10000x16xf32, #tpu.memory_space<hbm>>) target(%dma_start3A_339 : memref<128x16xf32, #tpu.memory_space<vmem>>) offsets(%dma_start3A_342 : memref<128xi32, #tpu.memory_space<vmem>>) semaphore(%dma_start3A_347 : memref<!tpu.dma_semaphore, #tpu.memory_space<semaphore_mem>>)
      %add3A_348 = arith.constant 0 : i32
      %add3A_349 = arith.addi %mul3A_181, %add3A_348 : i32
      %dma_wait3A_350 = arith.constant 0 : i32
      %dma_wait3A_351 = arith.constant 0 : i32
      %dma_wait3A_352 = arith.constant 0 : i32
      %dma_wait3A_353 = arith.constant 0 : i32
      %dma_wait3A_354 = tpu.memref_slice %arg8[%dma_wait3A_350, %dma_wait3A_352, %dma_wait3A_353] : memref<8x128x16xf32, #tpu.memory_space<vmem>> -> memref<1x128x16xf32, #tpu.memory_space<vmem>>
      %dma_wait3A_355 = tpu.memref_squeeze %dma_wait3A_354 : memref<1x128x16xf32, #tpu.memory_space<vmem>> -> memref<128x16xf32, #tpu.memory_space<vmem>>
      %dma_wait3A_356 = arith.constant 0 : i32
      %dma_wait3A_357 = tpu.memref_slice %arg6[%add3A_349, %dma_wait3A_356] : memref<152x128xi32, #tpu.memory_space<vmem>> -> memref<1x128xi32, #tpu.memory_space<vmem>>
      %dma_wait3A_358 = tpu.memref_squeeze %dma_wait3A_357 : memref<1x128xi32, #tpu.memory_space<vmem>> -> memref<128xi32, #tpu.memory_space<vmem>>
      %dma_wait3A_359 = arith.constant 0 : i32
      %dma_wait3A_360 = arith.constant 0 : i32
      %dma_wait3A_361 = tpu.memref_slice %arg4[%dma_wait3A_359, %dma_wait3A_360] : memref<10000x16xf32, #tpu.memory_space<hbm>> -> memref<10000x16xf32, #tpu.memory_space<hbm>>
      %dma_wait3A_362 = tpu.memref_slice %arg11[%dma_wait3A_351] : memref<8x!tpu.dma_semaphore, #tpu.memory_space<semaphore_mem>> -> memref<1x!tpu.dma_semaphore, #tpu.memory_space<semaphore_mem>>
      %dma_wait3A_363 = tpu.memref_squeeze %dma_wait3A_362 : memref<1x!tpu.dma_semaphore, #tpu.memory_space<semaphore_mem>> -> memref<!tpu.dma_semaphore, #tpu.memory_space<semaphore_mem>>
      tpu.wait_indirect_dma semaphore(%dma_wait3A_363 : memref<!tpu.dma_semaphore, #tpu.memory_space<semaphore_mem>>) src(%dma_wait3A_361 : memref<10000x16xf32, #tpu.memory_space<hbm>>) dst(%dma_wait3A_355 : memref<128x16xf32, #tpu.memory_space<vmem>>)
      %dma_start3A_364 = arith.constant 0 : i32
      %dma_start3A_365 = arith.constant 0 : i32
      %dma_start3A_366 = arith.constant 0 : i32
      %dma_start3A_367 = arith.constant 0 : i32
      %dma_start3A_368 = tpu.memref_slice %arg8[%dma_start3A_364, %dma_start3A_366, %dma_start3A_367] : memref<8x128x16xf32, #tpu.memory_space<vmem>> -> memref<1x128x16xf32, #tpu.memory_space<vmem>>
      %dma_start3A_369 = tpu.memref_squeeze %dma_start3A_368 : memref<1x128x16xf32, #tpu.memory_space<vmem>> -> memref<128x16xf32, #tpu.memory_space<vmem>>
      %dma_start3A_370 = arith.constant 0 : i32
      %dma_start3A_371 = tpu.memref_slice %arg7[%add3A_349, %dma_start3A_370] : memref<152x128xi32, #tpu.memory_space<vmem>> -> memref<1x128xi32, #tpu.memory_space<vmem>>
      %dma_start3A_372 = tpu.memref_squeeze %dma_start3A_371 : memref<1x128xi32, #tpu.memory_space<vmem>> -> memref<128xi32, #tpu.memory_space<vmem>>
      %dma_start3A_373 = arith.constant 0 : i32
      %dma_start3A_374 = arith.constant 0 : i32
      %dma_start3A_375 = tpu.memref_slice %arg10[%dma_start3A_373, %dma_start3A_374] : memref<10240x16xf32, #tpu.memory_space<vmem_shared>> -> memref<10240x16xf32, #tpu.memory_space<vmem_shared>>
      %dma_start3A_376 = tpu.memref_slice %arg12[%dma_start3A_365] : memref<8x!tpu.dma_semaphore, #tpu.memory_space<semaphore_mem>> -> memref<1x!tpu.dma_semaphore, #tpu.memory_space<semaphore_mem>>
      %dma_start3A_377 = tpu.memref_squeeze %dma_start3A_376 : memref<1x!tpu.dma_semaphore, #tpu.memory_space<semaphore_mem>> -> memref<!tpu.dma_semaphore, #tpu.memory_space<semaphore_mem>>
      tpu.enqueue_indirect_dma source(%dma_start3A_369 : memref<128x16xf32, #tpu.memory_space<vmem>>) target(%dma_start3A_375 : memref<10240x16xf32, #tpu.memory_space<vmem_shared>>) offsets(%dma_start3A_372 : memref<128xi32, #tpu.memory_space<vmem>>) semaphore(%dma_start3A_377 : memref<!tpu.dma_semaphore, #tpu.memory_space<semaphore_mem>>) {add = true}
      %add3A_378 = arith.constant 1 : i32
      %add3A_379 = arith.addi %mul3A_181, %add3A_378 : i32
      %dma_wait3A_380 = arith.constant 1 : i32
      %dma_wait3A_381 = arith.constant 1 : i32
      %dma_wait3A_382 = arith.constant 0 : i32
      %dma_wait3A_383 = arith.constant 0 : i32
      %dma_wait3A_384 = tpu.memref_slice %arg8[%dma_wait3A_380, %dma_wait3A_382, %dma_wait3A_383] : memref<8x128x16xf32, #tpu.memory_space<vmem>> -> memref<1x128x16xf32, #tpu.memory_space<vmem>>
      %dma_wait3A_385 = tpu.memref_squeeze %dma_wait3A_384 : memref<1x128x16xf32, #tpu.memory_space<vmem>> -> memref<128x16xf32, #tpu.memory_space<vmem>>
      %dma_wait3A_386 = arith.constant 0 : i32
      %dma_wait3A_387 = tpu.memref_slice %arg6[%add3A_379, %dma_wait3A_386] : memref<152x128xi32, #tpu.memory_space<vmem>> -> memref<1x128xi32, #tpu.memory_space<vmem>>
      %dma_wait3A_388 = tpu.memref_squeeze %dma_wait3A_387 : memref<1x128xi32, #tpu.memory_space<vmem>> -> memref<128xi32, #tpu.memory_space<vmem>>
      %dma_wait3A_389 = arith.constant 0 : i32
      %dma_wait3A_390 = arith.constant 0 : i32
      %dma_wait3A_391 = tpu.memref_slice %arg4[%dma_wait3A_389, %dma_wait3A_390] : memref<10000x16xf32, #tpu.memory_space<hbm>> -> memref<10000x16xf32, #tpu.memory_space<hbm>>
      %dma_wait3A_392 = tpu.memref_slice %arg11[%dma_wait3A_381] : memref<8x!tpu.dma_semaphore, #tpu.memory_space<semaphore_mem>> -> memref<1x!tpu.dma_semaphore, #tpu.memory_space<semaphore_mem>>
      %dma_wait3A_393 = tpu.memref_squeeze %dma_wait3A_392 : memref<1x!tpu.dma_semaphore, #tpu.memory_space<semaphore_mem>> -> memref<!tpu.dma_semaphore, #tpu.memory_space<semaphore_mem>>
      tpu.wait_indirect_dma semaphore(%dma_wait3A_393 : memref<!tpu.dma_semaphore, #tpu.memory_space<semaphore_mem>>) src(%dma_wait3A_391 : memref<10000x16xf32, #tpu.memory_space<hbm>>) dst(%dma_wait3A_385 : memref<128x16xf32, #tpu.memory_space<vmem>>)
      %dma_start3A_394 = arith.constant 1 : i32
      %dma_start3A_395 = arith.constant 1 : i32
      %dma_start3A_396 = arith.constant 0 : i32
      %dma_start3A_397 = arith.constant 0 : i32
      %dma_start3A_398 = tpu.memref_slice %arg8[%dma_start3A_394, %dma_start3A_396, %dma_start3A_397] : memref<8x128x16xf32, #tpu.memory_space<vmem>> -> memref<1x128x16xf32, #tpu.memory_space<vmem>>
      %dma_start3A_399 = tpu.memref_squeeze %dma_start3A_398 : memref<1x128x16xf32, #tpu.memory_space<vmem>> -> memref<128x16xf32, #tpu.memory_space<vmem>>
      %dma_start3A_400 = arith.constant 0 : i32
      %dma_start3A_401 = tpu.memref_slice %arg7[%add3A_379, %dma_start3A_400] : memref<152x128xi32, #tpu.memory_space<vmem>> -> memref<1x128xi32, #tpu.memory_space<vmem>>
      %dma_start3A_402 = tpu.memref_squeeze %dma_start3A_401 : memref<1x128xi32, #tpu.memory_space<vmem>> -> memref<128xi32, #tpu.memory_space<vmem>>
      %dma_start3A_403 = arith.constant 0 : i32
      %dma_start3A_404 = arith.constant 0 : i32
      %dma_start3A_405 = tpu.memref_slice %arg10[%dma_start3A_403, %dma_start3A_404] : memref<10240x16xf32, #tpu.memory_space<vmem_shared>> -> memref<10240x16xf32, #tpu.memory_space<vmem_shared>>
      %dma_start3A_406 = tpu.memref_slice %arg12[%dma_start3A_395] : memref<8x!tpu.dma_semaphore, #tpu.memory_space<semaphore_mem>> -> memref<1x!tpu.dma_semaphore, #tpu.memory_space<semaphore_mem>>
      %dma_start3A_407 = tpu.memref_squeeze %dma_start3A_406 : memref<1x!tpu.dma_semaphore, #tpu.memory_space<semaphore_mem>> -> memref<!tpu.dma_semaphore, #tpu.memory_space<semaphore_mem>>
      tpu.enqueue_indirect_dma source(%dma_start3A_399 : memref<128x16xf32, #tpu.memory_space<vmem>>) target(%dma_start3A_405 : memref<10240x16xf32, #tpu.memory_space<vmem_shared>>) offsets(%dma_start3A_402 : memref<128xi32, #tpu.memory_space<vmem>>) semaphore(%dma_start3A_407 : memref<!tpu.dma_semaphore, #tpu.memory_space<semaphore_mem>>) {add = true}
      %add3A_408 = arith.constant 2 : i32
      %add3A_409 = arith.addi %mul3A_181, %add3A_408 : i32
      %dma_wait3A_410 = arith.constant 2 : i32
      %dma_wait3A_411 = arith.constant 2 : i32
      %dma_wait3A_412 = arith.constant 0 : i32
      %dma_wait3A_413 = arith.constant 0 : i32
      %dma_wait3A_414 = tpu.memref_slice %arg8[%dma_wait3A_410, %dma_wait3A_412, %dma_wait3A_413] : memref<8x128x16xf32, #tpu.memory_space<vmem>> -> memref<1x128x16xf32, #tpu.memory_space<vmem>>
      %dma_wait3A_415 = tpu.memref_squeeze %dma_wait3A_414 : memref<1x128x16xf32, #tpu.memory_space<vmem>> -> memref<128x16xf32, #tpu.memory_space<vmem>>
      %dma_wait3A_416 = arith.constant 0 : i32
      %dma_wait3A_417 = tpu.memref_slice %arg6[%add3A_409, %dma_wait3A_416] : memref<152x128xi32, #tpu.memory_space<vmem>> -> memref<1x128xi32, #tpu.memory_space<vmem>>
      %dma_wait3A_418 = tpu.memref_squeeze %dma_wait3A_417 : memref<1x128xi32, #tpu.memory_space<vmem>> -> memref<128xi32, #tpu.memory_space<vmem>>
      %dma_wait3A_419 = arith.constant 0 : i32
      %dma_wait3A_420 = arith.constant 0 : i32
      %dma_wait3A_421 = tpu.memref_slice %arg4[%dma_wait3A_419, %dma_wait3A_420] : memref<10000x16xf32, #tpu.memory_space<hbm>> -> memref<10000x16xf32, #tpu.memory_space<hbm>>
      %dma_wait3A_422 = tpu.memref_slice %arg11[%dma_wait3A_411] : memref<8x!tpu.dma_semaphore, #tpu.memory_space<semaphore_mem>> -> memref<1x!tpu.dma_semaphore, #tpu.memory_space<semaphore_mem>>
      %dma_wait3A_423 = tpu.memref_squeeze %dma_wait3A_422 : memref<1x!tpu.dma_semaphore, #tpu.memory_space<semaphore_mem>> -> memref<!tpu.dma_semaphore, #tpu.memory_space<semaphore_mem>>
      tpu.wait_indirect_dma semaphore(%dma_wait3A_423 : memref<!tpu.dma_semaphore, #tpu.memory_space<semaphore_mem>>) src(%dma_wait3A_421 : memref<10000x16xf32, #tpu.memory_space<hbm>>) dst(%dma_wait3A_415 : memref<128x16xf32, #tpu.memory_space<vmem>>)
      %dma_start3A_424 = arith.constant 2 : i32
      %dma_start3A_425 = arith.constant 2 : i32
      %dma_start3A_426 = arith.constant 0 : i32
      %dma_start3A_427 = arith.constant 0 : i32
      %dma_start3A_428 = tpu.memref_slice %arg8[%dma_start3A_424, %dma_start3A_426, %dma_start3A_427] : memref<8x128x16xf32, #tpu.memory_space<vmem>> -> memref<1x128x16xf32, #tpu.memory_space<vmem>>
      %dma_start3A_429 = tpu.memref_squeeze %dma_start3A_428 : memref<1x128x16xf32, #tpu.memory_space<vmem>> -> memref<128x16xf32, #tpu.memory_space<vmem>>
      %dma_start3A_430 = arith.constant 0 : i32
      %dma_start3A_431 = tpu.memref_slice %arg7[%add3A_409, %dma_start3A_430] : memref<152x128xi32, #tpu.memory_space<vmem>> -> memref<1x128xi32, #tpu.memory_space<vmem>>
      %dma_start3A_432 = tpu.memref_squeeze %dma_start3A_431 : memref<1x128xi32, #tpu.memory_space<vmem>> -> memref<128xi32, #tpu.memory_space<vmem>>
      %dma_start3A_433 = arith.constant 0 : i32
      %dma_start3A_434 = arith.constant 0 : i32
      %dma_start3A_435 = tpu.memref_slice %arg10[%dma_start3A_433, %dma_start3A_434] : memref<10240x16xf32, #tpu.memory_space<vmem_shared>> -> memref<10240x16xf32, #tpu.memory_space<vmem_shared>>
      %dma_start3A_436 = tpu.memref_slice %arg12[%dma_start3A_425] : memref<8x!tpu.dma_semaphore, #tpu.memory_space<semaphore_mem>> -> memref<1x!tpu.dma_semaphore, #tpu.memory_space<semaphore_mem>>
      %dma_start3A_437 = tpu.memref_squeeze %dma_start3A_436 : memref<1x!tpu.dma_semaphore, #tpu.memory_space<semaphore_mem>> -> memref<!tpu.dma_semaphore, #tpu.memory_space<semaphore_mem>>
      tpu.enqueue_indirect_dma source(%dma_start3A_429 : memref<128x16xf32, #tpu.memory_space<vmem>>) target(%dma_start3A_435 : memref<10240x16xf32, #tpu.memory_space<vmem_shared>>) offsets(%dma_start3A_432 : memref<128xi32, #tpu.memory_space<vmem>>) semaphore(%dma_start3A_437 : memref<!tpu.dma_semaphore, #tpu.memory_space<semaphore_mem>>) {add = true}
      %add3A_438 = arith.constant 3 : i32
      %add3A_439 = arith.addi %mul3A_181, %add3A_438 : i32
      %dma_wait3A_440 = arith.constant 3 : i32
      %dma_wait3A_441 = arith.constant 3 : i32
      %dma_wait3A_442 = arith.constant 0 : i32
      %dma_wait3A_443 = arith.constant 0 : i32
      %dma_wait3A_444 = tpu.memref_slice %arg8[%dma_wait3A_440, %dma_wait3A_442, %dma_wait3A_443] : memref<8x128x16xf32, #tpu.memory_space<vmem>> -> memref<1x128x16xf32, #tpu.memory_space<vmem>>
      %dma_wait3A_445 = tpu.memref_squeeze %dma_wait3A_444 : memref<1x128x16xf32, #tpu.memory_space<vmem>> -> memref<128x16xf32, #tpu.memory_space<vmem>>
      %dma_wait3A_446 = arith.constant 0 : i32
      %dma_wait3A_447 = tpu.memref_slice %arg6[%add3A_439, %dma_wait3A_446] : memref<152x128xi32, #tpu.memory_space<vmem>> -> memref<1x128xi32, #tpu.memory_space<vmem>>
      %dma_wait3A_448 = tpu.memref_squeeze %dma_wait3A_447 : memref<1x128xi32, #tpu.memory_space<vmem>> -> memref<128xi32, #tpu.memory_space<vmem>>
      %dma_wait3A_449 = arith.constant 0 : i32
      %dma_wait3A_450 = arith.constant 0 : i32
      %dma_wait3A_451 = tpu.memref_slice %arg4[%dma_wait3A_449, %dma_wait3A_450] : memref<10000x16xf32, #tpu.memory_space<hbm>> -> memref<10000x16xf32, #tpu.memory_space<hbm>>
      %dma_wait3A_452 = tpu.memref_slice %arg11[%dma_wait3A_441] : memref<8x!tpu.dma_semaphore, #tpu.memory_space<semaphore_mem>> -> memref<1x!tpu.dma_semaphore, #tpu.memory_space<semaphore_mem>>
      %dma_wait3A_453 = tpu.memref_squeeze %dma_wait3A_452 : memref<1x!tpu.dma_semaphore, #tpu.memory_space<semaphore_mem>> -> memref<!tpu.dma_semaphore, #tpu.memory_space<semaphore_mem>>
      tpu.wait_indirect_dma semaphore(%dma_wait3A_453 : memref<!tpu.dma_semaphore, #tpu.memory_space<semaphore_mem>>) src(%dma_wait3A_451 : memref<10000x16xf32, #tpu.memory_space<hbm>>) dst(%dma_wait3A_445 : memref<128x16xf32, #tpu.memory_space<vmem>>)
      %dma_start3A_454 = arith.constant 3 : i32
      %dma_start3A_455 = arith.constant 3 : i32
      %dma_start3A_456 = arith.constant 0 : i32
      %dma_start3A_457 = arith.constant 0 : i32
      %dma_start3A_458 = tpu.memref_slice %arg8[%dma_start3A_454, %dma_start3A_456, %dma_start3A_457] : memref<8x128x16xf32, #tpu.memory_space<vmem>> -> memref<1x128x16xf32, #tpu.memory_space<vmem>>
      %dma_start3A_459 = tpu.memref_squeeze %dma_start3A_458 : memref<1x128x16xf32, #tpu.memory_space<vmem>> -> memref<128x16xf32, #tpu.memory_space<vmem>>
      %dma_start3A_460 = arith.constant 0 : i32
      %dma_start3A_461 = tpu.memref_slice %arg7[%add3A_439, %dma_start3A_460] : memref<152x128xi32, #tpu.memory_space<vmem>> -> memref<1x128xi32, #tpu.memory_space<vmem>>
      %dma_start3A_462 = tpu.memref_squeeze %dma_start3A_461 : memref<1x128xi32, #tpu.memory_space<vmem>> -> memref<128xi32, #tpu.memory_space<vmem>>
      %dma_start3A_463 = arith.constant 0 : i32
      %dma_start3A_464 = arith.constant 0 : i32
      %dma_start3A_465 = tpu.memref_slice %arg10[%dma_start3A_463, %dma_start3A_464] : memref<10240x16xf32, #tpu.memory_space<vmem_shared>> -> memref<10240x16xf32, #tpu.memory_space<vmem_shared>>
      %dma_start3A_466 = tpu.memref_slice %arg12[%dma_start3A_455] : memref<8x!tpu.dma_semaphore, #tpu.memory_space<semaphore_mem>> -> memref<1x!tpu.dma_semaphore, #tpu.memory_space<semaphore_mem>>
      %dma_start3A_467 = tpu.memref_squeeze %dma_start3A_466 : memref<1x!tpu.dma_semaphore, #tpu.memory_space<semaphore_mem>> -> memref<!tpu.dma_semaphore, #tpu.memory_space<semaphore_mem>>
      tpu.enqueue_indirect_dma source(%dma_start3A_459 : memref<128x16xf32, #tpu.memory_space<vmem>>) target(%dma_start3A_465 : memref<10240x16xf32, #tpu.memory_space<vmem_shared>>) offsets(%dma_start3A_462 : memref<128xi32, #tpu.memory_space<vmem>>) semaphore(%dma_start3A_467 : memref<!tpu.dma_semaphore, #tpu.memory_space<semaphore_mem>>) {add = true}
      %add3A_468 = arith.constant 4 : i32
      %add3A_469 = arith.addi %mul3A_181, %add3A_468 : i32
      %dma_wait3A_470 = arith.constant 4 : i32
      %dma_wait3A_471 = arith.constant 4 : i32
      %dma_wait3A_472 = arith.constant 0 : i32
      %dma_wait3A_473 = arith.constant 0 : i32
      %dma_wait3A_474 = tpu.memref_slice %arg8[%dma_wait3A_470, %dma_wait3A_472, %dma_wait3A_473] : memref<8x128x16xf32, #tpu.memory_space<vmem>> -> memref<1x128x16xf32, #tpu.memory_space<vmem>>
      %dma_wait3A_475 = tpu.memref_squeeze %dma_wait3A_474 : memref<1x128x16xf32, #tpu.memory_space<vmem>> -> memref<128x16xf32, #tpu.memory_space<vmem>>
      %dma_wait3A_476 = arith.constant 0 : i32
      %dma_wait3A_477 = tpu.memref_slice %arg6[%add3A_469, %dma_wait3A_476] : memref<152x128xi32, #tpu.memory_space<vmem>> -> memref<1x128xi32, #tpu.memory_space<vmem>>
      %dma_wait3A_478 = tpu.memref_squeeze %dma_wait3A_477 : memref<1x128xi32, #tpu.memory_space<vmem>> -> memref<128xi32, #tpu.memory_space<vmem>>
      %dma_wait3A_479 = arith.constant 0 : i32
      %dma_wait3A_480 = arith.constant 0 : i32
      %dma_wait3A_481 = tpu.memref_slice %arg4[%dma_wait3A_479, %dma_wait3A_480] : memref<10000x16xf32, #tpu.memory_space<hbm>> -> memref<10000x16xf32, #tpu.memory_space<hbm>>
      %dma_wait3A_482 = tpu.memref_slice %arg11[%dma_wait3A_471] : memref<8x!tpu.dma_semaphore, #tpu.memory_space<semaphore_mem>> -> memref<1x!tpu.dma_semaphore, #tpu.memory_space<semaphore_mem>>
      %dma_wait3A_483 = tpu.memref_squeeze %dma_wait3A_482 : memref<1x!tpu.dma_semaphore, #tpu.memory_space<semaphore_mem>> -> memref<!tpu.dma_semaphore, #tpu.memory_space<semaphore_mem>>
      tpu.wait_indirect_dma semaphore(%dma_wait3A_483 : memref<!tpu.dma_semaphore, #tpu.memory_space<semaphore_mem>>) src(%dma_wait3A_481 : memref<10000x16xf32, #tpu.memory_space<hbm>>) dst(%dma_wait3A_475 : memref<128x16xf32, #tpu.memory_space<vmem>>)
      %dma_start3A_484 = arith.constant 4 : i32
      %dma_start3A_485 = arith.constant 4 : i32
      %dma_start3A_486 = arith.constant 0 : i32
      %dma_start3A_487 = arith.constant 0 : i32
      %dma_start3A_488 = tpu.memref_slice %arg8[%dma_start3A_484, %dma_start3A_486, %dma_start3A_487] : memref<8x128x16xf32, #tpu.memory_space<vmem>> -> memref<1x128x16xf32, #tpu.memory_space<vmem>>
      %dma_start3A_489 = tpu.memref_squeeze %dma_start3A_488 : memref<1x128x16xf32, #tpu.memory_space<vmem>> -> memref<128x16xf32, #tpu.memory_space<vmem>>
      %dma_start3A_490 = arith.constant 0 : i32
      %dma_start3A_491 = tpu.memref_slice %arg7[%add3A_469, %dma_start3A_490] : memref<152x128xi32, #tpu.memory_space<vmem>> -> memref<1x128xi32, #tpu.memory_space<vmem>>
      %dma_start3A_492 = tpu.memref_squeeze %dma_start3A_491 : memref<1x128xi32, #tpu.memory_space<vmem>> -> memref<128xi32, #tpu.memory_space<vmem>>
      %dma_start3A_493 = arith.constant 0 : i32
      %dma_start3A_494 = arith.constant 0 : i32
      %dma_start3A_495 = tpu.memref_slice %arg10[%dma_start3A_493, %dma_start3A_494] : memref<10240x16xf32, #tpu.memory_space<vmem_shared>> -> memref<10240x16xf32, #tpu.memory_space<vmem_shared>>
      %dma_start3A_496 = tpu.memref_slice %arg12[%dma_start3A_485] : memref<8x!tpu.dma_semaphore, #tpu.memory_space<semaphore_mem>> -> memref<1x!tpu.dma_semaphore, #tpu.memory_space<semaphore_mem>>
      %dma_start3A_497 = tpu.memref_squeeze %dma_start3A_496 : memref<1x!tpu.dma_semaphore, #tpu.memory_space<semaphore_mem>> -> memref<!tpu.dma_semaphore, #tpu.memory_space<semaphore_mem>>
      tpu.enqueue_indirect_dma source(%dma_start3A_489 : memref<128x16xf32, #tpu.memory_space<vmem>>) target(%dma_start3A_495 : memref<10240x16xf32, #tpu.memory_space<vmem_shared>>) offsets(%dma_start3A_492 : memref<128xi32, #tpu.memory_space<vmem>>) semaphore(%dma_start3A_497 : memref<!tpu.dma_semaphore, #tpu.memory_space<semaphore_mem>>) {add = true}
      %add3A_498 = arith.constant 5 : i32
      %add3A_499 = arith.addi %mul3A_181, %add3A_498 : i32
      %dma_wait3A_500 = arith.constant 5 : i32
      %dma_wait3A_501 = arith.constant 5 : i32
      %dma_wait3A_502 = arith.constant 0 : i32
      %dma_wait3A_503 = arith.constant 0 : i32
      %dma_wait3A_504 = tpu.memref_slice %arg8[%dma_wait3A_500, %dma_wait3A_502, %dma_wait3A_503] : memref<8x128x16xf32, #tpu.memory_space<vmem>> -> memref<1x128x16xf32, #tpu.memory_space<vmem>>
      %dma_wait3A_505 = tpu.memref_squeeze %dma_wait3A_504 : memref<1x128x16xf32, #tpu.memory_space<vmem>> -> memref<128x16xf32, #tpu.memory_space<vmem>>
      %dma_wait3A_506 = arith.constant 0 : i32
      %dma_wait3A_507 = tpu.memref_slice %arg6[%add3A_499, %dma_wait3A_506] : memref<152x128xi32, #tpu.memory_space<vmem>> -> memref<1x128xi32, #tpu.memory_space<vmem>>
      %dma_wait3A_508 = tpu.memref_squeeze %dma_wait3A_507 : memref<1x128xi32, #tpu.memory_space<vmem>> -> memref<128xi32, #tpu.memory_space<vmem>>
      %dma_wait3A_509 = arith.constant 0 : i32
      %dma_wait3A_510 = arith.constant 0 : i32
      %dma_wait3A_511 = tpu.memref_slice %arg4[%dma_wait3A_509, %dma_wait3A_510] : memref<10000x16xf32, #tpu.memory_space<hbm>> -> memref<10000x16xf32, #tpu.memory_space<hbm>>
      %dma_wait3A_512 = tpu.memref_slice %arg11[%dma_wait3A_501] : memref<8x!tpu.dma_semaphore, #tpu.memory_space<semaphore_mem>> -> memref<1x!tpu.dma_semaphore, #tpu.memory_space<semaphore_mem>>
      %dma_wait3A_513 = tpu.memref_squeeze %dma_wait3A_512 : memref<1x!tpu.dma_semaphore, #tpu.memory_space<semaphore_mem>> -> memref<!tpu.dma_semaphore, #tpu.memory_space<semaphore_mem>>
      tpu.wait_indirect_dma semaphore(%dma_wait3A_513 : memref<!tpu.dma_semaphore, #tpu.memory_space<semaphore_mem>>) src(%dma_wait3A_511 : memref<10000x16xf32, #tpu.memory_space<hbm>>) dst(%dma_wait3A_505 : memref<128x16xf32, #tpu.memory_space<vmem>>)
      %dma_start3A_514 = arith.constant 5 : i32
      %dma_start3A_515 = arith.constant 5 : i32
      %dma_start3A_516 = arith.constant 0 : i32
      %dma_start3A_517 = arith.constant 0 : i32
      %dma_start3A_518 = tpu.memref_slice %arg8[%dma_start3A_514, %dma_start3A_516, %dma_start3A_517] : memref<8x128x16xf32, #tpu.memory_space<vmem>> -> memref<1x128x16xf32, #tpu.memory_space<vmem>>
      %dma_start3A_519 = tpu.memref_squeeze %dma_start3A_518 : memref<1x128x16xf32, #tpu.memory_space<vmem>> -> memref<128x16xf32, #tpu.memory_space<vmem>>
      %dma_start3A_520 = arith.constant 0 : i32
      %dma_start3A_521 = tpu.memref_slice %arg7[%add3A_499, %dma_start3A_520] : memref<152x128xi32, #tpu.memory_space<vmem>> -> memref<1x128xi32, #tpu.memory_space<vmem>>
      %dma_start3A_522 = tpu.memref_squeeze %dma_start3A_521 : memref<1x128xi32, #tpu.memory_space<vmem>> -> memref<128xi32, #tpu.memory_space<vmem>>
      %dma_start3A_523 = arith.constant 0 : i32
      %dma_start3A_524 = arith.constant 0 : i32
      %dma_start3A_525 = tpu.memref_slice %arg10[%dma_start3A_523, %dma_start3A_524] : memref<10240x16xf32, #tpu.memory_space<vmem_shared>> -> memref<10240x16xf32, #tpu.memory_space<vmem_shared>>
      %dma_start3A_526 = tpu.memref_slice %arg12[%dma_start3A_515] : memref<8x!tpu.dma_semaphore, #tpu.memory_space<semaphore_mem>> -> memref<1x!tpu.dma_semaphore, #tpu.memory_space<semaphore_mem>>
      %dma_start3A_527 = tpu.memref_squeeze %dma_start3A_526 : memref<1x!tpu.dma_semaphore, #tpu.memory_space<semaphore_mem>> -> memref<!tpu.dma_semaphore, #tpu.memory_space<semaphore_mem>>
      tpu.enqueue_indirect_dma source(%dma_start3A_519 : memref<128x16xf32, #tpu.memory_space<vmem>>) target(%dma_start3A_525 : memref<10240x16xf32, #tpu.memory_space<vmem_shared>>) offsets(%dma_start3A_522 : memref<128xi32, #tpu.memory_space<vmem>>) semaphore(%dma_start3A_527 : memref<!tpu.dma_semaphore, #tpu.memory_space<semaphore_mem>>) {add = true}
      %add3A_528 = arith.constant 6 : i32
      %add3A_529 = arith.addi %mul3A_181, %add3A_528 : i32
      %dma_wait3A_530 = arith.constant 6 : i32
      %dma_wait3A_531 = arith.constant 6 : i32
      %dma_wait3A_532 = arith.constant 0 : i32
      %dma_wait3A_533 = arith.constant 0 : i32
      %dma_wait3A_534 = tpu.memref_slice %arg8[%dma_wait3A_530, %dma_wait3A_532, %dma_wait3A_533] : memref<8x128x16xf32, #tpu.memory_space<vmem>> -> memref<1x128x16xf32, #tpu.memory_space<vmem>>
      %dma_wait3A_535 = tpu.memref_squeeze %dma_wait3A_534 : memref<1x128x16xf32, #tpu.memory_space<vmem>> -> memref<128x16xf32, #tpu.memory_space<vmem>>
      %dma_wait3A_536 = arith.constant 0 : i32
      %dma_wait3A_537 = tpu.memref_slice %arg6[%add3A_529, %dma_wait3A_536] : memref<152x128xi32, #tpu.memory_space<vmem>> -> memref<1x128xi32, #tpu.memory_space<vmem>>
      %dma_wait3A_538 = tpu.memref_squeeze %dma_wait3A_537 : memref<1x128xi32, #tpu.memory_space<vmem>> -> memref<128xi32, #tpu.memory_space<vmem>>
      %dma_wait3A_539 = arith.constant 0 : i32
      %dma_wait3A_540 = arith.constant 0 : i32
      %dma_wait3A_541 = tpu.memref_slice %arg4[%dma_wait3A_539, %dma_wait3A_540] : memref<10000x16xf32, #tpu.memory_space<hbm>> -> memref<10000x16xf32, #tpu.memory_space<hbm>>
      %dma_wait3A_542 = tpu.memref_slice %arg11[%dma_wait3A_531] : memref<8x!tpu.dma_semaphore, #tpu.memory_space<semaphore_mem>> -> memref<1x!tpu.dma_semaphore, #tpu.memory_space<semaphore_mem>>
      %dma_wait3A_543 = tpu.memref_squeeze %dma_wait3A_542 : memref<1x!tpu.dma_semaphore, #tpu.memory_space<semaphore_mem>> -> memref<!tpu.dma_semaphore, #tpu.memory_space<semaphore_mem>>
      tpu.wait_indirect_dma semaphore(%dma_wait3A_543 : memref<!tpu.dma_semaphore, #tpu.memory_space<semaphore_mem>>) src(%dma_wait3A_541 : memref<10000x16xf32, #tpu.memory_space<hbm>>) dst(%dma_wait3A_535 : memref<128x16xf32, #tpu.memory_space<vmem>>)
      %dma_start3A_544 = arith.constant 6 : i32
      %dma_start3A_545 = arith.constant 6 : i32
      %dma_start3A_546 = arith.constant 0 : i32
      %dma_start3A_547 = arith.constant 0 : i32
      %dma_start3A_548 = tpu.memref_slice %arg8[%dma_start3A_544, %dma_start3A_546, %dma_start3A_547] : memref<8x128x16xf32, #tpu.memory_space<vmem>> -> memref<1x128x16xf32, #tpu.memory_space<vmem>>
      %dma_start3A_549 = tpu.memref_squeeze %dma_start3A_548 : memref<1x128x16xf32, #tpu.memory_space<vmem>> -> memref<128x16xf32, #tpu.memory_space<vmem>>
      %dma_start3A_550 = arith.constant 0 : i32
      %dma_start3A_551 = tpu.memref_slice %arg7[%add3A_529, %dma_start3A_550] : memref<152x128xi32, #tpu.memory_space<vmem>> -> memref<1x128xi32, #tpu.memory_space<vmem>>
      %dma_start3A_552 = tpu.memref_squeeze %dma_start3A_551 : memref<1x128xi32, #tpu.memory_space<vmem>> -> memref<128xi32, #tpu.memory_space<vmem>>
      %dma_start3A_553 = arith.constant 0 : i32
      %dma_start3A_554 = arith.constant 0 : i32
      %dma_start3A_555 = tpu.memref_slice %arg10[%dma_start3A_553, %dma_start3A_554] : memref<10240x16xf32, #tpu.memory_space<vmem_shared>> -> memref<10240x16xf32, #tpu.memory_space<vmem_shared>>
      %dma_start3A_556 = tpu.memref_slice %arg12[%dma_start3A_545] : memref<8x!tpu.dma_semaphore, #tpu.memory_space<semaphore_mem>> -> memref<1x!tpu.dma_semaphore, #tpu.memory_space<semaphore_mem>>
      %dma_start3A_557 = tpu.memref_squeeze %dma_start3A_556 : memref<1x!tpu.dma_semaphore, #tpu.memory_space<semaphore_mem>> -> memref<!tpu.dma_semaphore, #tpu.memory_space<semaphore_mem>>
      tpu.enqueue_indirect_dma source(%dma_start3A_549 : memref<128x16xf32, #tpu.memory_space<vmem>>) target(%dma_start3A_555 : memref<10240x16xf32, #tpu.memory_space<vmem_shared>>) offsets(%dma_start3A_552 : memref<128xi32, #tpu.memory_space<vmem>>) semaphore(%dma_start3A_557 : memref<!tpu.dma_semaphore, #tpu.memory_space<semaphore_mem>>) {add = true}
      %add3A_558 = arith.constant 7 : i32
      %add3A_559 = arith.addi %mul3A_181, %add3A_558 : i32
      %dma_wait3A_560 = arith.constant 7 : i32
      %dma_wait3A_561 = arith.constant 7 : i32
      %dma_wait3A_562 = arith.constant 0 : i32
      %dma_wait3A_563 = arith.constant 0 : i32
      %dma_wait3A_564 = tpu.memref_slice %arg8[%dma_wait3A_560, %dma_wait3A_562, %dma_wait3A_563] : memref<8x128x16xf32, #tpu.memory_space<vmem>> -> memref<1x128x16xf32, #tpu.memory_space<vmem>>
      %dma_wait3A_565 = tpu.memref_squeeze %dma_wait3A_564 : memref<1x128x16xf32, #tpu.memory_space<vmem>> -> memref<128x16xf32, #tpu.memory_space<vmem>>
      %dma_wait3A_566 = arith.constant 0 : i32
      %dma_wait3A_567 = tpu.memref_slice %arg6[%add3A_559, %dma_wait3A_566] : memref<152x128xi32, #tpu.memory_space<vmem>> -> memref<1x128xi32, #tpu.memory_space<vmem>>
      %dma_wait3A_568 = tpu.memref_squeeze %dma_wait3A_567 : memref<1x128xi32, #tpu.memory_space<vmem>> -> memref<128xi32, #tpu.memory_space<vmem>>
      %dma_wait3A_569 = arith.constant 0 : i32
      %dma_wait3A_570 = arith.constant 0 : i32
      %dma_wait3A_571 = tpu.memref_slice %arg4[%dma_wait3A_569, %dma_wait3A_570] : memref<10000x16xf32, #tpu.memory_space<hbm>> -> memref<10000x16xf32, #tpu.memory_space<hbm>>
      %dma_wait3A_572 = tpu.memref_slice %arg11[%dma_wait3A_561] : memref<8x!tpu.dma_semaphore, #tpu.memory_space<semaphore_mem>> -> memref<1x!tpu.dma_semaphore, #tpu.memory_space<semaphore_mem>>
      %dma_wait3A_573 = tpu.memref_squeeze %dma_wait3A_572 : memref<1x!tpu.dma_semaphore, #tpu.memory_space<semaphore_mem>> -> memref<!tpu.dma_semaphore, #tpu.memory_space<semaphore_mem>>
      tpu.wait_indirect_dma semaphore(%dma_wait3A_573 : memref<!tpu.dma_semaphore, #tpu.memory_space<semaphore_mem>>) src(%dma_wait3A_571 : memref<10000x16xf32, #tpu.memory_space<hbm>>) dst(%dma_wait3A_565 : memref<128x16xf32, #tpu.memory_space<vmem>>)
      %dma_start3A_574 = arith.constant 7 : i32
      %dma_start3A_575 = arith.constant 7 : i32
      %dma_start3A_576 = arith.constant 0 : i32
      %dma_start3A_577 = arith.constant 0 : i32
      %dma_start3A_578 = tpu.memref_slice %arg8[%dma_start3A_574, %dma_start3A_576, %dma_start3A_577] : memref<8x128x16xf32, #tpu.memory_space<vmem>> -> memref<1x128x16xf32, #tpu.memory_space<vmem>>
      %dma_start3A_579 = tpu.memref_squeeze %dma_start3A_578 : memref<1x128x16xf32, #tpu.memory_space<vmem>> -> memref<128x16xf32, #tpu.memory_space<vmem>>
      %dma_start3A_580 = arith.constant 0 : i32
      %dma_start3A_581 = tpu.memref_slice %arg7[%add3A_559, %dma_start3A_580] : memref<152x128xi32, #tpu.memory_space<vmem>> -> memref<1x128xi32, #tpu.memory_space<vmem>>
      %dma_start3A_582 = tpu.memref_squeeze %dma_start3A_581 : memref<1x128xi32, #tpu.memory_space<vmem>> -> memref<128xi32, #tpu.memory_space<vmem>>
      %dma_start3A_583 = arith.constant 0 : i32
      %dma_start3A_584 = arith.constant 0 : i32
      %dma_start3A_585 = tpu.memref_slice %arg10[%dma_start3A_583, %dma_start3A_584] : memref<10240x16xf32, #tpu.memory_space<vmem_shared>> -> memref<10240x16xf32, #tpu.memory_space<vmem_shared>>
      %dma_start3A_586 = tpu.memref_slice %arg12[%dma_start3A_575] : memref<8x!tpu.dma_semaphore, #tpu.memory_space<semaphore_mem>> -> memref<1x!tpu.dma_semaphore, #tpu.memory_space<semaphore_mem>>
      %dma_start3A_587 = tpu.memref_squeeze %dma_start3A_586 : memref<1x!tpu.dma_semaphore, #tpu.memory_space<semaphore_mem>> -> memref<!tpu.dma_semaphore, #tpu.memory_space<semaphore_mem>>
      tpu.enqueue_indirect_dma source(%dma_start3A_579 : memref<128x16xf32, #tpu.memory_space<vmem>>) target(%dma_start3A_585 : memref<10240x16xf32, #tpu.memory_space<vmem_shared>>) offsets(%dma_start3A_582 : memref<128xi32, #tpu.memory_space<vmem>>) semaphore(%dma_start3A_587 : memref<!tpu.dma_semaphore, #tpu.memory_space<semaphore_mem>>) {add = true}
      %while3A_588 = arith.constant 0 : i32
      scf.yield %while3A_588 : i32
    }
    %dma_wait3A = arith.constant 0 : i32
    %dma_wait3A_54 = arith.constant 0 : i32
    %dma_wait3A_55 = arith.constant 0 : i32
    %dma_wait3A_56 = arith.constant 0 : i32
    %dma_wait3A_57 = arith.constant 0 : i32
    %dma_wait3A_58 = tpu.memref_slice %arg8[%dma_wait3A, %dma_wait3A_56, %dma_wait3A_57] : memref<8x128x16xf32, #tpu.memory_space<vmem>> -> memref<1x128x16xf32, #tpu.memory_space<vmem>>
    %dma_wait3A_59 = tpu.memref_squeeze %dma_wait3A_58 : memref<1x128x16xf32, #tpu.memory_space<vmem>> -> memref<128x16xf32, #tpu.memory_space<vmem>>
    %dma_wait3A_60 = arith.constant 0 : i32
    %dma_wait3A_61 = tpu.memref_slice %arg7[%dma_wait3A_54, %dma_wait3A_60] : memref<152x128xi32, #tpu.memory_space<vmem>> -> memref<1x128xi32, #tpu.memory_space<vmem>>
    %dma_wait3A_62 = tpu.memref_squeeze %dma_wait3A_61 : memref<1x128xi32, #tpu.memory_space<vmem>> -> memref<128xi32, #tpu.memory_space<vmem>>
    %dma_wait3A_63 = arith.constant 0 : i32
    %dma_wait3A_64 = arith.constant 0 : i32
    %dma_wait3A_65 = tpu.memref_slice %arg10[%dma_wait3A_63, %dma_wait3A_64] : memref<10240x16xf32, #tpu.memory_space<vmem_shared>> -> memref<10240x16xf32, #tpu.memory_space<vmem_shared>>
    %dma_wait3A_66 = tpu.memref_slice %arg12[%dma_wait3A_55] : memref<8x!tpu.dma_semaphore, #tpu.memory_space<semaphore_mem>> -> memref<1x!tpu.dma_semaphore, #tpu.memory_space<semaphore_mem>>
    %dma_wait3A_67 = tpu.memref_squeeze %dma_wait3A_66 : memref<1x!tpu.dma_semaphore, #tpu.memory_space<semaphore_mem>> -> memref<!tpu.dma_semaphore, #tpu.memory_space<semaphore_mem>>
    tpu.wait_indirect_dma semaphore(%dma_wait3A_67 : memref<!tpu.dma_semaphore, #tpu.memory_space<semaphore_mem>>) src(%dma_wait3A_59 : memref<128x16xf32, #tpu.memory_space<vmem>>) dst(%dma_wait3A_65 : memref<10240x16xf32, #tpu.memory_space<vmem_shared>>)
    %dma_wait3A_68 = arith.constant 1 : i32
    %dma_wait3A_69 = arith.constant 1 : i32
    %dma_wait3A_70 = arith.constant 1 : i32
    %dma_wait3A_71 = arith.constant 0 : i32
    %dma_wait3A_72 = arith.constant 0 : i32
    %dma_wait3A_73 = tpu.memref_slice %arg8[%dma_wait3A_68, %dma_wait3A_71, %dma_wait3A_72] : memref<8x128x16xf32, #tpu.memory_space<vmem>> -> memref<1x128x16xf32, #tpu.memory_space<vmem>>
    %dma_wait3A_74 = tpu.memref_squeeze %dma_wait3A_73 : memref<1x128x16xf32, #tpu.memory_space<vmem>> -> memref<128x16xf32, #tpu.memory_space<vmem>>
    %dma_wait3A_75 = arith.constant 0 : i32
    %dma_wait3A_76 = tpu.memref_slice %arg7[%dma_wait3A_69, %dma_wait3A_75] : memref<152x128xi32, #tpu.memory_space<vmem>> -> memref<1x128xi32, #tpu.memory_space<vmem>>
    %dma_wait3A_77 = tpu.memref_squeeze %dma_wait3A_76 : memref<1x128xi32, #tpu.memory_space<vmem>> -> memref<128xi32, #tpu.memory_space<vmem>>
    %dma_wait3A_78 = arith.constant 0 : i32
    %dma_wait3A_79 = arith.constant 0 : i32
    %dma_wait3A_80 = tpu.memref_slice %arg10[%dma_wait3A_78, %dma_wait3A_79] : memref<10240x16xf32, #tpu.memory_space<vmem_shared>> -> memref<10240x16xf32, #tpu.memory_space<vmem_shared>>
    %dma_wait3A_81 = tpu.memref_slice %arg12[%dma_wait3A_70] : memref<8x!tpu.dma_semaphore, #tpu.memory_space<semaphore_mem>> -> memref<1x!tpu.dma_semaphore, #tpu.memory_space<semaphore_mem>>
    %dma_wait3A_82 = tpu.memref_squeeze %dma_wait3A_81 : memref<1x!tpu.dma_semaphore, #tpu.memory_space<semaphore_mem>> -> memref<!tpu.dma_semaphore, #tpu.memory_space<semaphore_mem>>
    tpu.wait_indirect_dma semaphore(%dma_wait3A_82 : memref<!tpu.dma_semaphore, #tpu.memory_space<semaphore_mem>>) src(%dma_wait3A_74 : memref<128x16xf32, #tpu.memory_space<vmem>>) dst(%dma_wait3A_80 : memref<10240x16xf32, #tpu.memory_space<vmem_shared>>)
    %dma_wait3A_83 = arith.constant 2 : i32
    %dma_wait3A_84 = arith.constant 2 : i32
    %dma_wait3A_85 = arith.constant 2 : i32
    %dma_wait3A_86 = arith.constant 0 : i32
    %dma_wait3A_87 = arith.constant 0 : i32
    %dma_wait3A_88 = tpu.memref_slice %arg8[%dma_wait3A_83, %dma_wait3A_86, %dma_wait3A_87] : memref<8x128x16xf32, #tpu.memory_space<vmem>> -> memref<1x128x16xf32, #tpu.memory_space<vmem>>
    %dma_wait3A_89 = tpu.memref_squeeze %dma_wait3A_88 : memref<1x128x16xf32, #tpu.memory_space<vmem>> -> memref<128x16xf32, #tpu.memory_space<vmem>>
    %dma_wait3A_90 = arith.constant 0 : i32
    %dma_wait3A_91 = tpu.memref_slice %arg7[%dma_wait3A_84, %dma_wait3A_90] : memref<152x128xi32, #tpu.memory_space<vmem>> -> memref<1x128xi32, #tpu.memory_space<vmem>>
    %dma_wait3A_92 = tpu.memref_squeeze %dma_wait3A_91 : memref<1x128xi32, #tpu.memory_space<vmem>> -> memref<128xi32, #tpu.memory_space<vmem>>
    %dma_wait3A_93 = arith.constant 0 : i32
    %dma_wait3A_94 = arith.constant 0 : i32
    %dma_wait3A_95 = tpu.memref_slice %arg10[%dma_wait3A_93, %dma_wait3A_94] : memref<10240x16xf32, #tpu.memory_space<vmem_shared>> -> memref<10240x16xf32, #tpu.memory_space<vmem_shared>>
    %dma_wait3A_96 = tpu.memref_slice %arg12[%dma_wait3A_85] : memref<8x!tpu.dma_semaphore, #tpu.memory_space<semaphore_mem>> -> memref<1x!tpu.dma_semaphore, #tpu.memory_space<semaphore_mem>>
    %dma_wait3A_97 = tpu.memref_squeeze %dma_wait3A_96 : memref<1x!tpu.dma_semaphore, #tpu.memory_space<semaphore_mem>> -> memref<!tpu.dma_semaphore, #tpu.memory_space<semaphore_mem>>
    tpu.wait_indirect_dma semaphore(%dma_wait3A_97 : memref<!tpu.dma_semaphore, #tpu.memory_space<semaphore_mem>>) src(%dma_wait3A_89 : memref<128x16xf32, #tpu.memory_space<vmem>>) dst(%dma_wait3A_95 : memref<10240x16xf32, #tpu.memory_space<vmem_shared>>)
    %dma_wait3A_98 = arith.constant 3 : i32
    %dma_wait3A_99 = arith.constant 3 : i32
    %dma_wait3A_100 = arith.constant 3 : i32
    %dma_wait3A_101 = arith.constant 0 : i32
    %dma_wait3A_102 = arith.constant 0 : i32
    %dma_wait3A_103 = tpu.memref_slice %arg8[%dma_wait3A_98, %dma_wait3A_101, %dma_wait3A_102] : memref<8x128x16xf32, #tpu.memory_space<vmem>> -> memref<1x128x16xf32, #tpu.memory_space<vmem>>
    %dma_wait3A_104 = tpu.memref_squeeze %dma_wait3A_103 : memref<1x128x16xf32, #tpu.memory_space<vmem>> -> memref<128x16xf32, #tpu.memory_space<vmem>>
    %dma_wait3A_105 = arith.constant 0 : i32
    %dma_wait3A_106 = tpu.memref_slice %arg7[%dma_wait3A_99, %dma_wait3A_105] : memref<152x128xi32, #tpu.memory_space<vmem>> -> memref<1x128xi32, #tpu.memory_space<vmem>>
    %dma_wait3A_107 = tpu.memref_squeeze %dma_wait3A_106 : memref<1x128xi32, #tpu.memory_space<vmem>> -> memref<128xi32, #tpu.memory_space<vmem>>
    %dma_wait3A_108 = arith.constant 0 : i32
    %dma_wait3A_109 = arith.constant 0 : i32
    %dma_wait3A_110 = tpu.memref_slice %arg10[%dma_wait3A_108, %dma_wait3A_109] : memref<10240x16xf32, #tpu.memory_space<vmem_shared>> -> memref<10240x16xf32, #tpu.memory_space<vmem_shared>>
    %dma_wait3A_111 = tpu.memref_slice %arg12[%dma_wait3A_100] : memref<8x!tpu.dma_semaphore, #tpu.memory_space<semaphore_mem>> -> memref<1x!tpu.dma_semaphore, #tpu.memory_space<semaphore_mem>>
    %dma_wait3A_112 = tpu.memref_squeeze %dma_wait3A_111 : memref<1x!tpu.dma_semaphore, #tpu.memory_space<semaphore_mem>> -> memref<!tpu.dma_semaphore, #tpu.memory_space<semaphore_mem>>
    tpu.wait_indirect_dma semaphore(%dma_wait3A_112 : memref<!tpu.dma_semaphore, #tpu.memory_space<semaphore_mem>>) src(%dma_wait3A_104 : memref<128x16xf32, #tpu.memory_space<vmem>>) dst(%dma_wait3A_110 : memref<10240x16xf32, #tpu.memory_space<vmem_shared>>)
    %dma_wait3A_113 = arith.constant 4 : i32
    %dma_wait3A_114 = arith.constant 4 : i32
    %dma_wait3A_115 = arith.constant 4 : i32
    %dma_wait3A_116 = arith.constant 0 : i32
    %dma_wait3A_117 = arith.constant 0 : i32
    %dma_wait3A_118 = tpu.memref_slice %arg8[%dma_wait3A_113, %dma_wait3A_116, %dma_wait3A_117] : memref<8x128x16xf32, #tpu.memory_space<vmem>> -> memref<1x128x16xf32, #tpu.memory_space<vmem>>
    %dma_wait3A_119 = tpu.memref_squeeze %dma_wait3A_118 : memref<1x128x16xf32, #tpu.memory_space<vmem>> -> memref<128x16xf32, #tpu.memory_space<vmem>>
    %dma_wait3A_120 = arith.constant 0 : i32
    %dma_wait3A_121 = tpu.memref_slice %arg7[%dma_wait3A_114, %dma_wait3A_120] : memref<152x128xi32, #tpu.memory_space<vmem>> -> memref<1x128xi32, #tpu.memory_space<vmem>>
    %dma_wait3A_122 = tpu.memref_squeeze %dma_wait3A_121 : memref<1x128xi32, #tpu.memory_space<vmem>> -> memref<128xi32, #tpu.memory_space<vmem>>
    %dma_wait3A_123 = arith.constant 0 : i32
    %dma_wait3A_124 = arith.constant 0 : i32
    %dma_wait3A_125 = tpu.memref_slice %arg10[%dma_wait3A_123, %dma_wait3A_124] : memref<10240x16xf32, #tpu.memory_space<vmem_shared>> -> memref<10240x16xf32, #tpu.memory_space<vmem_shared>>
    %dma_wait3A_126 = tpu.memref_slice %arg12[%dma_wait3A_115] : memref<8x!tpu.dma_semaphore, #tpu.memory_space<semaphore_mem>> -> memref<1x!tpu.dma_semaphore, #tpu.memory_space<semaphore_mem>>
    %dma_wait3A_127 = tpu.memref_squeeze %dma_wait3A_126 : memref<1x!tpu.dma_semaphore, #tpu.memory_space<semaphore_mem>> -> memref<!tpu.dma_semaphore, #tpu.memory_space<semaphore_mem>>
    tpu.wait_indirect_dma semaphore(%dma_wait3A_127 : memref<!tpu.dma_semaphore, #tpu.memory_space<semaphore_mem>>) src(%dma_wait3A_119 : memref<128x16xf32, #tpu.memory_space<vmem>>) dst(%dma_wait3A_125 : memref<10240x16xf32, #tpu.memory_space<vmem_shared>>)
    %dma_wait3A_128 = arith.constant 5 : i32
    %dma_wait3A_129 = arith.constant 5 : i32
    %dma_wait3A_130 = arith.constant 5 : i32
    %dma_wait3A_131 = arith.constant 0 : i32
    %dma_wait3A_132 = arith.constant 0 : i32
    %dma_wait3A_133 = tpu.memref_slice %arg8[%dma_wait3A_128, %dma_wait3A_131, %dma_wait3A_132] : memref<8x128x16xf32, #tpu.memory_space<vmem>> -> memref<1x128x16xf32, #tpu.memory_space<vmem>>
    %dma_wait3A_134 = tpu.memref_squeeze %dma_wait3A_133 : memref<1x128x16xf32, #tpu.memory_space<vmem>> -> memref<128x16xf32, #tpu.memory_space<vmem>>
    %dma_wait3A_135 = arith.constant 0 : i32
    %dma_wait3A_136 = tpu.memref_slice %arg7[%dma_wait3A_129, %dma_wait3A_135] : memref<152x128xi32, #tpu.memory_space<vmem>> -> memref<1x128xi32, #tpu.memory_space<vmem>>
    %dma_wait3A_137 = tpu.memref_squeeze %dma_wait3A_136 : memref<1x128xi32, #tpu.memory_space<vmem>> -> memref<128xi32, #tpu.memory_space<vmem>>
    %dma_wait3A_138 = arith.constant 0 : i32
    %dma_wait3A_139 = arith.constant 0 : i32
    %dma_wait3A_140 = tpu.memref_slice %arg10[%dma_wait3A_138, %dma_wait3A_139] : memref<10240x16xf32, #tpu.memory_space<vmem_shared>> -> memref<10240x16xf32, #tpu.memory_space<vmem_shared>>
    %dma_wait3A_141 = tpu.memref_slice %arg12[%dma_wait3A_130] : memref<8x!tpu.dma_semaphore, #tpu.memory_space<semaphore_mem>> -> memref<1x!tpu.dma_semaphore, #tpu.memory_space<semaphore_mem>>
    %dma_wait3A_142 = tpu.memref_squeeze %dma_wait3A_141 : memref<1x!tpu.dma_semaphore, #tpu.memory_space<semaphore_mem>> -> memref<!tpu.dma_semaphore, #tpu.memory_space<semaphore_mem>>
    tpu.wait_indirect_dma semaphore(%dma_wait3A_142 : memref<!tpu.dma_semaphore, #tpu.memory_space<semaphore_mem>>) src(%dma_wait3A_134 : memref<128x16xf32, #tpu.memory_space<vmem>>) dst(%dma_wait3A_140 : memref<10240x16xf32, #tpu.memory_space<vmem_shared>>)
    %dma_wait3A_143 = arith.constant 6 : i32
    %dma_wait3A_144 = arith.constant 6 : i32
    %dma_wait3A_145 = arith.constant 6 : i32
    %dma_wait3A_146 = arith.constant 0 : i32
    %dma_wait3A_147 = arith.constant 0 : i32
    %dma_wait3A_148 = tpu.memref_slice %arg8[%dma_wait3A_143, %dma_wait3A_146, %dma_wait3A_147] : memref<8x128x16xf32, #tpu.memory_space<vmem>> -> memref<1x128x16xf32, #tpu.memory_space<vmem>>
    %dma_wait3A_149 = tpu.memref_squeeze %dma_wait3A_148 : memref<1x128x16xf32, #tpu.memory_space<vmem>> -> memref<128x16xf32, #tpu.memory_space<vmem>>
    %dma_wait3A_150 = arith.constant 0 : i32
    %dma_wait3A_151 = tpu.memref_slice %arg7[%dma_wait3A_144, %dma_wait3A_150] : memref<152x128xi32, #tpu.memory_space<vmem>> -> memref<1x128xi32, #tpu.memory_space<vmem>>
    %dma_wait3A_152 = tpu.memref_squeeze %dma_wait3A_151 : memref<1x128xi32, #tpu.memory_space<vmem>> -> memref<128xi32, #tpu.memory_space<vmem>>
    %dma_wait3A_153 = arith.constant 0 : i32
    %dma_wait3A_154 = arith.constant 0 : i32
    %dma_wait3A_155 = tpu.memref_slice %arg10[%dma_wait3A_153, %dma_wait3A_154] : memref<10240x16xf32, #tpu.memory_space<vmem_shared>> -> memref<10240x16xf32, #tpu.memory_space<vmem_shared>>
    %dma_wait3A_156 = tpu.memref_slice %arg12[%dma_wait3A_145] : memref<8x!tpu.dma_semaphore, #tpu.memory_space<semaphore_mem>> -> memref<1x!tpu.dma_semaphore, #tpu.memory_space<semaphore_mem>>
    %dma_wait3A_157 = tpu.memref_squeeze %dma_wait3A_156 : memref<1x!tpu.dma_semaphore, #tpu.memory_space<semaphore_mem>> -> memref<!tpu.dma_semaphore, #tpu.memory_space<semaphore_mem>>
    tpu.wait_indirect_dma semaphore(%dma_wait3A_157 : memref<!tpu.dma_semaphore, #tpu.memory_space<semaphore_mem>>) src(%dma_wait3A_149 : memref<128x16xf32, #tpu.memory_space<vmem>>) dst(%dma_wait3A_155 : memref<10240x16xf32, #tpu.memory_space<vmem_shared>>)
    %dma_wait3A_158 = arith.constant 7 : i32
    %dma_wait3A_159 = arith.constant 7 : i32
    %dma_wait3A_160 = arith.constant 7 : i32
    %dma_wait3A_161 = arith.constant 0 : i32
    %dma_wait3A_162 = arith.constant 0 : i32
    %dma_wait3A_163 = tpu.memref_slice %arg8[%dma_wait3A_158, %dma_wait3A_161, %dma_wait3A_162] : memref<8x128x16xf32, #tpu.memory_space<vmem>> -> memref<1x128x16xf32, #tpu.memory_space<vmem>>
    %dma_wait3A_164 = tpu.memref_squeeze %dma_wait3A_163 : memref<1x128x16xf32, #tpu.memory_space<vmem>> -> memref<128x16xf32, #tpu.memory_space<vmem>>
    %dma_wait3A_165 = arith.constant 0 : i32
    %dma_wait3A_166 = tpu.memref_slice %arg7[%dma_wait3A_159, %dma_wait3A_165] : memref<152x128xi32, #tpu.memory_space<vmem>> -> memref<1x128xi32, #tpu.memory_space<vmem>>
    %dma_wait3A_167 = tpu.memref_squeeze %dma_wait3A_166 : memref<1x128xi32, #tpu.memory_space<vmem>> -> memref<128xi32, #tpu.memory_space<vmem>>
    %dma_wait3A_168 = arith.constant 0 : i32
    %dma_wait3A_169 = arith.constant 0 : i32
    %dma_wait3A_170 = tpu.memref_slice %arg10[%dma_wait3A_168, %dma_wait3A_169] : memref<10240x16xf32, #tpu.memory_space<vmem_shared>> -> memref<10240x16xf32, #tpu.memory_space<vmem_shared>>
    %dma_wait3A_171 = tpu.memref_slice %arg12[%dma_wait3A_160] : memref<8x!tpu.dma_semaphore, #tpu.memory_space<semaphore_mem>> -> memref<1x!tpu.dma_semaphore, #tpu.memory_space<semaphore_mem>>
    %dma_wait3A_172 = tpu.memref_squeeze %dma_wait3A_171 : memref<1x!tpu.dma_semaphore, #tpu.memory_space<semaphore_mem>> -> memref<!tpu.dma_semaphore, #tpu.memory_space<semaphore_mem>>
    tpu.wait_indirect_dma semaphore(%dma_wait3A_172 : memref<!tpu.dma_semaphore, #tpu.memory_space<semaphore_mem>>) src(%dma_wait3A_164 : memref<128x16xf32, #tpu.memory_space<vmem>>) dst(%dma_wait3A_170 : memref<10240x16xf32, #tpu.memory_space<vmem_shared>>)
    %barrier3A_173 = arith.constant 0 : index
    tpu.barrier barrier_id(%barrier3A_173)
    %mul3A_174 = arith.constant 640 : i32
    %mul3A_175 = arith.muli %arg1, %mul3A_174 : i32
    "tpu.region"() ({
      %run_scoped3A = tpu.sem_alloc : memref<!tpu.dma_semaphore, #tpu.memory_space<semaphore_mem>>
      %dma_start3A = arith.constant 0 : i32
      %dma_start3A_178 = tpu.memref_slice %arg10[%mul3A_175, %dma_start3A] : memref<10240x16xf32, #tpu.memory_space<vmem_shared>> -> memref<640x16xf32, #tpu.memory_space<vmem_shared>>
      %dma_start3A_179 = arith.constant 0 : i32
      %dma_start3A_180 = tpu.memref_slice %arg10[%mul3A_175, %dma_start3A_179] : memref<10240x16xf32, #tpu.memory_space<vmem_shared>> -> memref<640x16xf32, #tpu.memory_space<vmem_shared>>
      tpu.enqueue_dma source(%dma_start3A_180 : memref<640x16xf32, #tpu.memory_space<vmem_shared>>) target(%arg9 : memref<640x16xf32, #tpu.memory_space<vmem>>) target_semaphore(%run_scoped3A : memref<!tpu.dma_semaphore, #tpu.memory_space<semaphore_mem>>)
      %dma_wait3A_181 = arith.constant 0 : i32
      %dma_wait3A_182 = tpu.memref_slice %arg10[%mul3A_175, %dma_wait3A_181] : memref<10240x16xf32, #tpu.memory_space<vmem_shared>> -> memref<640x16xf32, #tpu.memory_space<vmem_shared>>
      %dma_wait3A_183 = arith.constant 0 : i32
      %dma_wait3A_184 = tpu.memref_slice %arg10[%mul3A_175, %dma_wait3A_183] : memref<10240x16xf32, #tpu.memory_space<vmem_shared>> -> memref<640x16xf32, #tpu.memory_space<vmem_shared>>
      tpu.wait_dma2 semaphore(%run_scoped3A : memref<!tpu.dma_semaphore, #tpu.memory_space<semaphore_mem>>) src(%dma_wait3A_184 : memref<640x16xf32, #tpu.memory_space<vmem_shared>>) dst(%arg9 : memref<640x16xf32, #tpu.memory_space<vmem>>)
      tpu.yield
    }) : () -> ()
    %mul3A_176 = arith.constant 640 : i32
    %mul3A_177 = arith.muli %arg1, %mul3A_176 : i32
    "tpu.region"() ({
      %run_scoped3A = tpu.sem_alloc : memref<!tpu.dma_semaphore, #tpu.memory_space<semaphore_mem>>
      %dma_start3A = arith.constant 0 : i32
      %dma_start3A_178 = tpu.memref_slice %arg5[%arg0, %mul3A_177, %dma_start3A] : memref<2x10240x16xf32, #tpu.memory_space<hbm>> -> memref<1x640x16xf32, #tpu.memory_space<hbm>>
      %dma_start3A_179 = tpu.memref_squeeze %dma_start3A_178 : memref<1x640x16xf32, #tpu.memory_space<hbm>> -> memref<640x16xf32, #tpu.memory_space<hbm>>
      %dma_start3A_180 = arith.constant 0 : i32
      %dma_start3A_181 = tpu.memref_slice %arg5[%arg0, %mul3A_177, %dma_start3A_180] : memref<2x10240x16xf32, #tpu.memory_space<hbm>> -> memref<1x640x16xf32, #tpu.memory_space<hbm>>
      %dma_start3A_182 = tpu.memref_squeeze %dma_start3A_181 : memref<1x640x16xf32, #tpu.memory_space<hbm>> -> memref<640x16xf32, #tpu.memory_space<hbm>>
      tpu.enqueue_dma source(%arg9 : memref<640x16xf32, #tpu.memory_space<vmem>>) target(%dma_start3A_182 : memref<640x16xf32, #tpu.memory_space<hbm>>) target_semaphore(%run_scoped3A : memref<!tpu.dma_semaphore, #tpu.memory_space<semaphore_mem>>)
      %dma_wait3A_183 = arith.constant 0 : i32
      %dma_wait3A_184 = tpu.memref_slice %arg5[%arg0, %mul3A_177, %dma_wait3A_183] : memref<2x10240x16xf32, #tpu.memory_space<hbm>> -> memref<1x640x16xf32, #tpu.memory_space<hbm>>
      %dma_wait3A_185 = tpu.memref_squeeze %dma_wait3A_184 : memref<1x640x16xf32, #tpu.memory_space<hbm>> -> memref<640x16xf32, #tpu.memory_space<hbm>>
      %dma_wait3A_186 = arith.constant 0 : i32
      %dma_wait3A_187 = tpu.memref_slice %arg5[%arg0, %mul3A_177, %dma_wait3A_186] : memref<2x10240x16xf32, #tpu.memory_space<hbm>> -> memref<1x640x16xf32, #tpu.memory_space<hbm>>
      %dma_wait3A_188 = tpu.memref_squeeze %dma_wait3A_187 : memref<1x640x16xf32, #tpu.memory_space<hbm>> -> memref<640x16xf32, #tpu.memory_space<hbm>>
      tpu.wait_dma2 semaphore(%run_scoped3A : memref<!tpu.dma_semaphore, #tpu.memory_space<semaphore_mem>>) src(%arg9 : memref<640x16xf32, #tpu.memory_space<vmem>>) dst(%dma_wait3A_188 : memref<640x16xf32, #tpu.memory_space<hbm>>)
      tpu.yield
    }) : () -> ()
    return
  }
}

module attributes {stable_mosaic.version = 14 : i64} {
  func.func @_tc1_body(%arg0: i32, %arg1: memref<1000x128xf32, #tpu.memory_space<vmem>>, %arg2: memref<128x16xf32, #tpu.memory_space<vmem>>, %arg3: memref<1000x2xf32, #tpu.memory_space<vmem>>, %arg4: memref<1000x16xf32, #tpu.memory_space<vmem>>, %arg5: memref<1000x1xf32, #tpu.memory_space<vmem>>) attributes {dimension_semantics = [#tpu.dimension_semantics<arbitrary>], iteration_bounds = array<i64: 10>, scalar_prefetch = 0 : i64, scratch_operands = 0 : i64, tpu.core_type = #tpu.core_type<tc>, window_params = [{transform_indices = @transform_0, window_bounds = array<i64: 1000, 128>}, {pipeline_mode = #tpu.pipeline_mode<synchronous>, transform_indices = @transform_1, window_bounds = array<i64: 128, 16>}, {transform_indices = @transform_2, window_bounds = array<i64: 1000, 2>}, {transform_indices = @transform_3, window_bounds = array<i64: 1000, 16>}, {transform_indices = @transform_4, window_bounds = array<i64: 1000, 1>}]} {
    %get3A = arith.constant 0 : index
    %get3A_0 = arith.constant 0 : index
    %get3A_1 = vector.load %arg3[%get3A, %get3A_0] : memref<1000x2xf32, #tpu.memory_space<vmem>>, vector<1000x1xf32>
    %get3A_2 = vector.shape_cast %get3A_1 : vector<1000x1xf32> to vector<1000xf32>
    %add3A = arith.constant 1.000000e+00 : f32
    %add3A_3 = vector.broadcast %add3A : f32 to vector<1000xf32>
    %add3A_4 = arith.addf %add3A_3, %get3A_2 : vector<1000xf32>
    %get3A_5 = arith.constant 0 : index
    %get3A_6 = arith.constant 1 : index
    %get3A_7 = vector.load %arg3[%get3A_5, %get3A_6] : memref<1000x2xf32, #tpu.memory_space<vmem>>, vector<1000x1xf32>
    %get3A_8 = vector.shape_cast %get3A_7 : vector<1000x1xf32> to vector<1000xf32>
    %add3A_9 = arith.addf %add3A_4, %get3A_8 : vector<1000xf32>
    %rsqrt3A = math.rsqrt %add3A_9 : vector<1000xf32>
    %broadcast_in_dim3A = vector.shape_cast %rsqrt3A : vector<1000xf32> to vector<1000x1xf32>
    %get3A_10 = arith.constant 0 : index
    %get3A_11 = arith.constant 0 : index
    %get3A_12 = vector.load %arg1[%get3A_10, %get3A_11] : memref<1000x128xf32, #tpu.memory_space<vmem>>, vector<1000x128xf32>
    %get3A_13 = arith.constant 0 : index
    %get3A_14 = arith.constant 0 : index
    %get3A_15 = vector.load %arg2[%get3A_13, %get3A_14] : memref<128x16xf32, #tpu.memory_space<vmem>>, vector<128x16xf32>
    %dot_general3A = arith.constant dense<0.000000e+00> : vector<1000x16xf32>
    %dot_general3A_16 = tpu.matmul %get3A_12, %get3A_15, %dot_general3A {dimension_numbers = #tpu.dot_dimension_numbers<[1], [0], [0], [1], [0, 0, 1, 1], [], []>, transpose_lhs_hint = false} : vector<1000x128xf32>, vector<128x16xf32>, vector<1000x16xf32> -> vector<1000x16xf32>
    %mul3A = vector.broadcast %broadcast_in_dim3A : vector<1000x1xf32> to vector<1000x16xf32>
    %mul3A_17 = arith.mulf %dot_general3A_16, %mul3A : vector<1000x16xf32>
    %swap3A = arith.constant 0 : index
    %swap3A_18 = arith.constant 0 : index
    %swap3A_19 = vector.load %arg4[%swap3A, %swap3A_18] : memref<1000x16xf32, #tpu.memory_space<vmem>>, vector<1000x16xf32>
    tpu.vector_store %arg4[%swap3A, %swap3A_18], %mul3A_17 {strides = array<i32>} : memref<1000x16xf32, #tpu.memory_space<vmem>>, vector<1000x16xf32>,
    %swap3A_20 = arith.constant 0 : index
    %swap3A_21 = arith.constant 0 : index
    %swap3A_22 = vector.load %arg5[%swap3A_20, %swap3A_21] : memref<1000x1xf32, #tpu.memory_space<vmem>>, vector<1000x1xf32>
    tpu.vector_store %arg5[%swap3A_20, %swap3A_21], %broadcast_in_dim3A {strides = array<i32>} : memref<1000x1xf32, #tpu.memory_space<vmem>>, vector<1000x1xf32>,
    return
  }
  func.func @transform_0(%arg0: i32) -> (i32, i32) {
    %c0_i32 = arith.constant 0 : i32
    %c0_i32_0 = arith.constant 0 : i32
    return %arg0, %c0_i32 : i32, i32
  }
  func.func @transform_1(%arg0: i32) -> (i32, i32) {
    %c0_i32 = arith.constant 0 : i32
    %c0_i32_0 = arith.constant 0 : i32
    %c0_i32_1 = arith.constant 0 : i32
    return %c0_i32, %c0_i32_0 : i32, i32
  }
  func.func @transform_2(%arg0: i32) -> (i32, i32) {
    %c0_i32 = arith.constant 0 : i32
    %c0_i32_0 = arith.constant 0 : i32
    return %arg0, %c0_i32 : i32, i32
  }
  func.func @transform_3(%arg0: i32) -> (i32, i32) {
    %c0_i32 = arith.constant 0 : i32
    %c0_i32_0 = arith.constant 0 : i32
    return %arg0, %c0_i32 : i32, i32
  }
  func.func @transform_4(%arg0: i32) -> (i32, i32) {
    %c0_i32 = arith.constant 0 : i32
    %c0_i32_0 = arith.constant 0 : i32
    return %arg0, %c0_i32 : i32, i32
  }
}

module attributes {stable_mosaic.version = 14 : i64} {
  func.func @_tc2_body(%arg0: i32, %arg1: memref<2x1000x16xf32, #tpu.memory_space<vmem>>, %arg2: memref<1000x16xf32, #tpu.memory_space<vmem>>, %arg3: memref<1000x1xf32, #tpu.memory_space<vmem>>, %arg4: memref<1x16xf32, #tpu.memory_space<vmem>>, %arg5: memref<1000x16xf32, #tpu.memory_space<vmem>>) attributes {dimension_semantics = [#tpu.dimension_semantics<arbitrary>], iteration_bounds = array<i64: 10>, scalar_prefetch = 0 : i64, scratch_operands = 0 : i64, tpu.core_type = #tpu.core_type<tc>, window_params = [{transform_indices = @transform_0, window_bounds = array<i64: 2, 1000, 16>}, {transform_indices = @transform_1, window_bounds = array<i64: 1000, 16>}, {transform_indices = @transform_2, window_bounds = array<i64: 1000, 1>}, {pipeline_mode = #tpu.pipeline_mode<synchronous>, transform_indices = @transform_3, window_bounds = array<i64: 1, 16>}, {transform_indices = @transform_4, window_bounds = array<i64: 1000, 16>}]} {
    %get3A = arith.constant 0 : index
    %get3A_0 = arith.constant 0 : index
    %get3A_1 = arith.constant 0 : index
    %get3A_2 = vector.load %arg1[%get3A, %get3A_0, %get3A_1] : memref<2x1000x16xf32, #tpu.memory_space<vmem>>, vector<1x1000x16xf32>
    %get3A_3 = vector.shape_cast %get3A_2 : vector<1x1000x16xf32> to vector<1000x16xf32>
    %get3A_4 = arith.constant 1 : index
    %get3A_5 = arith.constant 0 : index
    %get3A_6 = arith.constant 0 : index
    %get3A_7 = vector.load %arg1[%get3A_4, %get3A_5, %get3A_6] : memref<2x1000x16xf32, #tpu.memory_space<vmem>>, vector<1x1000x16xf32>
    %get3A_8 = vector.shape_cast %get3A_7 : vector<1x1000x16xf32> to vector<1000x16xf32>
    %add3A = arith.addf %get3A_3, %get3A_8 : vector<1000x16xf32>
    %get3A_9 = arith.constant 0 : index
    %get3A_10 = arith.constant 0 : index
    %get3A_11 = vector.load %arg2[%get3A_9, %get3A_10] : memref<1000x16xf32, #tpu.memory_space<vmem>>, vector<1000x16xf32>
    %add3A_12 = arith.addf %add3A, %get3A_11 : vector<1000x16xf32>
    %get3A_13 = arith.constant 0 : index
    %get3A_14 = arith.constant 0 : index
    %get3A_15 = vector.load %arg3[%get3A_13, %get3A_14] : memref<1000x1xf32, #tpu.memory_space<vmem>>, vector<1000x1xf32>
    %mul3A = vector.broadcast %get3A_15 : vector<1000x1xf32> to vector<1000x16xf32>
    %mul3A_16 = arith.mulf %mul3A, %add3A_12 : vector<1000x16xf32>
    %get3A_17 = arith.constant 0 : index
    %get3A_18 = arith.constant 0 : index
    %get3A_19 = vector.load %arg4[%get3A_17, %get3A_18] : memref<1x16xf32, #tpu.memory_space<vmem>>, vector<1x16xf32>
    %add3A_20 = vector.broadcast %get3A_19 : vector<1x16xf32> to vector<1000x16xf32>
    %add3A_21 = arith.addf %mul3A_16, %add3A_20 : vector<1000x16xf32>
    %max3A = arith.constant 0.000000e+00 : f32
    %max3A_22 = vector.broadcast %max3A : f32 to vector<1000x16xf32>
    %max3A_23 = arith.maximumf %add3A_21, %max3A_22 : vector<1000x16xf32>
    %mul3A_24 = vector.broadcast %get3A_15 : vector<1000x1xf32> to vector<1000x16xf32>
    %mul3A_25 = arith.mulf %mul3A_24, %max3A_23 : vector<1000x16xf32>
    %swap3A = arith.constant 0 : index
    %swap3A_26 = arith.constant 0 : index
    %swap3A_27 = vector.load %arg5[%swap3A, %swap3A_26] : memref<1000x16xf32, #tpu.memory_space<vmem>>, vector<1000x16xf32>
    tpu.vector_store %arg5[%swap3A, %swap3A_26], %mul3A_25 {strides = array<i32>} : memref<1000x16xf32, #tpu.memory_space<vmem>>, vector<1000x16xf32>,
    return
  }
  func.func @transform_0(%arg0: i32) -> (i32, i32, i32) {
    %c0_i32 = arith.constant 0 : i32
    %c0_i32_0 = arith.constant 0 : i32
    %c0_i32_1 = arith.constant 0 : i32
    return %c0_i32, %arg0, %c0_i32_0 : i32, i32, i32
  }
  func.func @transform_1(%arg0: i32) -> (i32, i32) {
    %c0_i32 = arith.constant 0 : i32
    %c0_i32_0 = arith.constant 0 : i32
    return %arg0, %c0_i32 : i32, i32
  }
  func.func @transform_2(%arg0: i32) -> (i32, i32) {
    %c0_i32 = arith.constant 0 : i32
    %c0_i32_0 = arith.constant 0 : i32
    return %arg0, %c0_i32 : i32, i32
  }
  func.func @transform_3(%arg0: i32) -> (i32, i32) {
    %c0_i32 = arith.constant 0 : i32
    %c0_i32_0 = arith.constant 0 : i32
    %c0_i32_1 = arith.constant 0 : i32
    return %c0_i32, %c0_i32_0 : i32, i32
  }
  func.func @transform_4(%arg0: i32) -> (i32, i32) {
    %c0_i32 = arith.constant 0 : i32
    %c0_i32_0 = arith.constant 0 : i32
    return %arg0, %c0_i32 : i32, i32
  }
}

module attributes {stable_mosaic.version = 14 : i64} {
  func.func @_tc3_body(%arg0: i32, %arg1: memref<2x1000x16xf32, #tpu.memory_space<vmem>>, %arg2: memref<1000x16xf32, #tpu.memory_space<vmem>>, %arg3: memref<1000x1xf32, #tpu.memory_space<vmem>>, %arg4: memref<16x128xf32, #tpu.memory_space<vmem>>, %arg5: memref<1x128xf32, #tpu.memory_space<vmem>>, %arg6: memref<1000x128xf32, #tpu.memory_space<vmem>>) attributes {dimension_semantics = [#tpu.dimension_semantics<arbitrary>], iteration_bounds = array<i64: 10>, scalar_prefetch = 0 : i64, scratch_operands = 0 : i64, tpu.core_type = #tpu.core_type<tc>, window_params = [{transform_indices = @transform_0, window_bounds = array<i64: 2, 1000, 16>}, {transform_indices = @transform_1, window_bounds = array<i64: 1000, 16>}, {transform_indices = @transform_2, window_bounds = array<i64: 1000, 1>}, {pipeline_mode = #tpu.pipeline_mode<synchronous>, transform_indices = @transform_3, window_bounds = array<i64: 16, 128>}, {pipeline_mode = #tpu.pipeline_mode<synchronous>, transform_indices = @transform_4, window_bounds = array<i64: 1, 128>}, {transform_indices = @transform_5, window_bounds = array<i64: 1000, 128>}]} {
    %get3A = arith.constant 0 : index
    %get3A_0 = arith.constant 0 : index
    %get3A_1 = vector.load %arg3[%get3A, %get3A_0] : memref<1000x1xf32, #tpu.memory_space<vmem>>, vector<1000x1xf32>
    %get3A_2 = arith.constant 0 : index
    %get3A_3 = arith.constant 0 : index
    %get3A_4 = arith.constant 0 : index
    %get3A_5 = vector.load %arg1[%get3A_2, %get3A_3, %get3A_4] : memref<2x1000x16xf32, #tpu.memory_space<vmem>>, vector<1x1000x16xf32>
    %get3A_6 = vector.shape_cast %get3A_5 : vector<1x1000x16xf32> to vector<1000x16xf32>
    %get3A_7 = arith.constant 1 : index
    %get3A_8 = arith.constant 0 : index
    %get3A_9 = arith.constant 0 : index
    %get3A_10 = vector.load %arg1[%get3A_7, %get3A_8, %get3A_9] : memref<2x1000x16xf32, #tpu.memory_space<vmem>>, vector<1x1000x16xf32>
    %get3A_11 = vector.shape_cast %get3A_10 : vector<1x1000x16xf32> to vector<1000x16xf32>
    %add3A = arith.addf %get3A_6, %get3A_11 : vector<1000x16xf32>
    %get3A_12 = arith.constant 0 : index
    %get3A_13 = arith.constant 0 : index
    %get3A_14 = vector.load %arg2[%get3A_12, %get3A_13] : memref<1000x16xf32, #tpu.memory_space<vmem>>, vector<1000x16xf32>
    %add3A_15 = arith.addf %add3A, %get3A_14 : vector<1000x16xf32>
    %mul3A = vector.broadcast %get3A_1 : vector<1000x1xf32> to vector<1000x16xf32>
    %mul3A_16 = arith.mulf %mul3A, %add3A_15 : vector<1000x16xf32>
    %get3A_17 = arith.constant 0 : index
    %get3A_18 = arith.constant 0 : index
    %get3A_19 = vector.load %arg4[%get3A_17, %get3A_18] : memref<16x128xf32, #tpu.memory_space<vmem>>, vector<16x128xf32>
    %dot_general3A = arith.constant dense<0.000000e+00> : vector<1000x128xf32>
    %dot_general3A_20 = tpu.matmul %mul3A_16, %get3A_19, %dot_general3A {dimension_numbers = #tpu.dot_dimension_numbers<[1], [0], [0], [1], [0, 0, 1, 1], [], []>, transpose_lhs_hint = false} : vector<1000x16xf32>, vector<16x128xf32>, vector<1000x128xf32> -> vector<1000x128xf32>
    %get3A_21 = arith.constant 0 : index
    %get3A_22 = arith.constant 0 : index
    %get3A_23 = vector.load %arg5[%get3A_21, %get3A_22] : memref<1x128xf32, #tpu.memory_space<vmem>>, vector<1x128xf32>
    %add3A_24 = vector.broadcast %get3A_23 : vector<1x128xf32> to vector<1000x128xf32>
    %add3A_25 = arith.addf %dot_general3A_20, %add3A_24 : vector<1000x128xf32>
    %swap3A = arith.constant 0 : index
    %swap3A_26 = arith.constant 0 : index
    %swap3A_27 = vector.load %arg6[%swap3A, %swap3A_26] : memref<1000x128xf32, #tpu.memory_space<vmem>>, vector<1000x128xf32>
    tpu.vector_store %arg6[%swap3A, %swap3A_26], %add3A_25 {strides = array<i32>} : memref<1000x128xf32, #tpu.memory_space<vmem>>, vector<1000x128xf32>,
    return
  }
  func.func @transform_0(%arg0: i32) -> (i32, i32, i32) {
    %c0_i32 = arith.constant 0 : i32
    %c0_i32_0 = arith.constant 0 : i32
    %c0_i32_1 = arith.constant 0 : i32
    return %c0_i32, %arg0, %c0_i32_0 : i32, i32, i32
  }
  func.func @transform_1(%arg0: i32) -> (i32, i32) {
    %c0_i32 = arith.constant 0 : i32
    %c0_i32_0 = arith.constant 0 : i32
    return %arg0, %c0_i32 : i32, i32
  }
  func.func @transform_2(%arg0: i32) -> (i32, i32) {
    %c0_i32 = arith.constant 0 : i32
    %c0_i32_0 = arith.constant 0 : i32
    return %arg0, %c0_i32 : i32, i32
  }
  func.func @transform_3(%arg0: i32) -> (i32, i32) {
    %c0_i32 = arith.constant 0 : i32
    %c0_i32_0 = arith.constant 0 : i32
    %c0_i32_1 = arith.constant 0 : i32
    return %c0_i32, %c0_i32_0 : i32, i32
  }
  func.func @transform_4(%arg0: i32) -> (i32, i32) {
    %c0_i32 = arith.constant 0 : i32
    %c0_i32_0 = arith.constant 0 : i32
    %c0_i32_1 = arith.constant 0 : i32
    return %c0_i32, %c0_i32_0 : i32, i32
  }
  func.func @transform_5(%arg0: i32) -> (i32, i32) {
    %c0_i32 = arith.constant 0 : i32
    %c0_i32_0 = arith.constant 0 : i32
    return %arg0, %c0_i32 : i32, i32
  }
}

</mosaic_0001>

<sc_bundles>
// kernel: kernel.11.cloned.1.call-start
scs
__scs_entry_jumppad:
0x0: {  	(pc) =	sbr.rel $0x88, $3  }
0x1: {  	(tag) =	ssettag $0x0;
	lr =	simm.s32 $0x1  }
0x2: {  	[smem:$0x3F9B] =	sst lr;
	_ =	strace $0xD0000000  }
0x3: {  	_ = 	snop  }
0x4: {  	_ = 	snop  }
0x5: {  	_ = 	snop  }
0x6: {  	_ = 	snop  }
0x7: {  	_ = 	snop  }
__scs_overlays_trampoline_lowered:
0x8: {  	[smem:$0x3FAA] =	sst s0  }
0x9: {  	[smem:$0x3FAB] =	sst s1  }
0xa: {  	[smem:$0x3FAC] =	sst s2  }
0xb: {  	[smem:$0x3FAD] =	sst s3  }
0xc: {  	[smem:$0x3FAE] =	sst s4  }
0xd: {  	[smem:$0x3FAF] =	sst s5  }
0xe: {  	[smem:$0x3FB0] =	sst s6  }
0xf: {  	[smem:$0x3FB1] =	sst s7  }
0x10: {  	[smem:$0x3FB2] =	sst s8  }
0x11: {  	[smem:$0x3FB3] =	sst s9;
	s0 =	simm.s32 @!p0 $0x0  }
0x12: {  	s1 =	sld [smem:$0x3F99];
	s0 =	simm.s32 @p0 $0x1  }
0x13: {  	[smem:$0x3FB4] =	sst s0;
	s0 =	simm.s32 @!p1 $0x0  }
0x14: {  	s2 =	sld [smem:$0x3F98];
	s0 =	simm.s32 @p1 $0x1  }
0x15: {  	[smem:$0x3FB5] =	sst s0;
	s0 =	simm.s32 @!p2 $0x0  }
0x16: {  	s3 =	sld [smem:$0x3FDB];
	s0 =	simm.s32 @p2 $0x1  }
0x17: {  	s4 =	simm.s32 $0x1BF5;
	[smem:$0x3FB7] =	sst s0  }
0x18: {  	s0 =	sld [smem:$0x3F9A];
	_ =	swait.ge [sflag:s4], $0x0  }
0x19: {  	s7 =	sld [smem:$0x3F9B]  }
0x1a: {  	s8 =	sadd.s32 $0xFFFFE003, lr  }
0x1b: {  	s9 =	sadd.s32 $0xFFFFFEF7, lr;
	s5 =	simm.s32 $0xFFFFFFFF;
	p2 =	slt.u32 s8, $0xFFFFF086  }
0x1c: {  	p1 =	slt.u32 s9, $0xF7A;
	s5 =	simm.s32 @!p2 $0x0  }
0x1d: {  	s5 =	simm.s32 @p1 $0x1;
	p0 =	seq.s32 s7, s2  }
0x1e: {  	s7 =	smul.u32 @!p0 $0xF7A, s2;
	p2 =	seq.s32 @!p0 s5, $0x0  }
0x1f: {  	s9 =	smul.u32 $0xF7A, s1;
	s8 =	simm.s32 @!p0 $0x1BF5;
	p2 =	por !p2, p0  }
0x20: {  	[sflag:s8] =	ssyncset.s32 @!p0 $0xFFFFF086;
	s6 =	sadd.s32 @!p0 s3, s7;
	s7 =	simm.s32 @!p0 $0x108  }
0x21: {  	s3 =	sadd.s32 s3, s9;
	s6 =	sadd.s32 @!p0 $0x88, s6;
	s7 =	simm.s32 @p2 $0x1082  }
0x22: {  	[simem:s7], [sflag:s8] =	dma.local @!p0 [hbm:s6], $0xF7A  }
0x23: {  	s9 =	sor.u32 $0xD0000000, s2;
	s6 =	simm.s32 $0x108;
	_ =	swait.ge @!p0 [sflag:s8], $0x0  }
0x24: {  	s3 =	sadd.s32 $0x88, s3;
	s6 =	simm.s32 @!p1 $0x1082;
	[sflag:s4] =	ssyncset.s32 $0xFFFFF086  }
0x25: {  	[simem:s6], [sflag:s4] =	dma.local [hbm:s3], $0xF7A  }
0x26: {  	[smem:$0x3F9B] =	sst s1;
	(tag) =	ssettag s2;
	_ =	strace s9  }
0x27: {  	s1 =	sld [smem:$0x3FAB]  }
0x28: {  	s2 =	sld [smem:$0x3FAC]  }
0x29: {  	s4 =	sld [smem:$0x3FAE]  }
0x2a: {  	p0 =	seq.s32 s5, $0x0;
	s5 =	sld [smem:$0x3FAF]  }
0x2b: {  	s6 =	sld [smem:$0x3FB0]  }
0x2c: {  	s7 =	sld [smem:$0x3FB1]  }
0x2d: {  	s3 =	simm.s32 $0x108;
	s8 =	sld [smem:$0x3FB2]  }
0x2e: {  	s3 =	simm.s32 @!p0 $0x1082;
	s9 =	sld [smem:$0x3FB3]  }
0x2f: {  	lr =	sadd.s32 s0, s3;
	s0 =	sld [smem:$0x3FAA]  }
0x30: {  	s3 =	sld [smem:$0x3FAD]  }
0x31: {  	[smem:$0x3FB6] =	sst s10  }
0x32: {  	s10 =	sld [smem:$0x3FB4];
	_ =	sdelay $0x3  }
0x33: {  	p0 =	seq.s32 s10, $0x1;
	s10 =	sld [smem:$0x3FB6];
	_ =	sdelay $0x3  }
0x34: {  	[smem:$0x3FB6] =	sst s10  }
0x35: {  	s10 =	sld [smem:$0x3FB5];
	_ =	sdelay $0x3  }
0x36: {  	p1 =	seq.s32 s10, $0x1;
	s10 =	sld [smem:$0x3FB6];
	_ =	sdelay $0x3  }
0x37: {  	[smem:$0x3FB6] =	sst s10  }
0x38: {  	s10 =	sld [smem:$0x3FB7]  }
0x39: {  	_ = 	snop;
	(pc) =	sbr.ind lr, $3  }
0x3a: {  	_ = 	snop  }
0x3b: {  	_ = 	snop  }
0x3c: {  	p2 =	seq.s32 s10, $0x1;
	s10 =	sld [smem:$0x3FB6]  }
0x3d: {  	_ =	shalt  }
0x3e: {  	_ =	shalt  }
0x3f: {  	_ =	shalt  }
0x40: {  	_ =	shalt  }
0x41: {  	_ =	shalt  }
0x42: {  	_ =	shalt  }
0x43: {  	_ =	shalt  }
0x44: {  	_ =	shalt  }
0x45: {  	_ =	shalt  }
0x46: {  	_ =	shalt  }
0x47: {  	_ =	shalt  }
0x48: {  	_ =	shalt  }
0x49: {  	_ =	shalt  }
0x4a: {  	_ =	shalt  }
0x4b: {  	_ =	shalt  }
0x4c: {  	_ =	shalt  }
0x4d: {  	_ =	shalt  }
0x4e: {  	_ =	shalt  }
0x4f: {  	_ =	shalt  }
0x50: {  	_ =	shalt  }
0x51: {  	_ =	shalt  }
0x52: {  	_ =	shalt  }
0x53: {  	_ =	shalt  }
0x54: {  	_ =	shalt  }
0x55: {  	_ =	shalt  }
0x56: {  	_ =	shalt  }
0x57: {  	_ =	shalt  }
0x58: {  	_ =	shalt  }
0x59: {  	_ =	shalt  }
0x5a: {  	_ =	shalt  }
0x5b: {  	_ =	shalt  }
0x5c: {  	_ =	shalt  }
0x5d: {  	_ =	shalt  }
0x5e: {  	_ =	shalt  }
0x5f: {  	_ =	shalt  }
0x60: {  	_ =	shalt  }
0x61: {  	_ =	shalt  }
0x62: {  	_ =	shalt  }
0x63: {  	_ =	shalt  }
0x64: {  	_ =	shalt  }
0x65: {  	_ =	shalt  }
0x66: {  	_ =	shalt  }
0x67: {  	_ =	shalt  }
0x68: {  	_ =	shalt  }
0x69: {  	_ =	shalt  }
0x6a: {  	_ =	shalt  }
0x6b: {  	_ =	shalt  }
0x6c: {  	_ =	shalt  }
0x6d: {  	_ =	shalt  }
0x6e: {  	_ =	shalt  }
0x6f: {  	_ =	shalt  }
0x70: {  	_ =	shalt  }
0x71: {  	_ =	shalt  }
0x72: {  	_ =	shalt  }
0x73: {  	_ =	shalt  }
0x74: {  	_ =	shalt  }
0x75: {  	_ =	shalt  }
0x76: {  	_ =	shalt  }
0x77: {  	_ =	shalt  }
0x78: {  	_ =	shalt  }
0x79: {  	_ =	shalt  }
0x7a: {  	_ =	shalt  }
0x7b: {  	_ =	shalt  }
0x7c: {  	_ =	shalt  }
0x7d: {  	_ =	shalt  }
0x7e: {  	_ =	shalt  }
0x7f: {  	_ =	shalt  }
0x80: {  	_ =	shalt  }
0x81: {  	_ =	shalt  }
0x82: {  	_ =	shalt  }
0x83: {  	_ =	shalt  }
0x84: {  	_ =	shalt  }
0x85: {  	_ =	shalt  }
0x86: {  	_ =	shalt  }
0x87: {  	_ =	shalt  }
.Lfunc_end0:
.L_simem_size_0:
called_computation.1_lowered:
.L_overlay_start_0:
0x88: {  	s2 =	sld [smem:$0x3FD9]  }
0x89: {  	s3 =	sld [smem:$0x3FFE];
	_ =	sdelay $0x1  }
0x8a: {  	s1 =	srdreg.scid  }
0x8b: {  	s0 =	sand.u32 $0x1, s1  }
0x8c: {  	s17 =	sshll.u32 s0, $0xA;
	s2 =	sadd.s32 s3, s2  }
0x8d: {  	s2 =	sadd.s32 s2, s17  }
0x8e: {  	[smem:$0x3FC2] =	sst s2  }
0x8f: {  	_ = 	snop  }
0x90: {  	s2 =	sld [smem:$0x3FD0];
	(tm) =	ssettm $0x1  }
0x91: {  	s18 =	sld [smem:$0x3FFB];
	_ =	sdelay $0x3  }
0x92: {  	_ =	strace s18  }
0x93: {  	s3 =	sld [smem:$0x3FFC];
	_ =	sdelay $0x3  }
0x94: {  	_ =	strace s3  }
0x95: {  	s3 =	sld [smem:$0x3FFD];
	_ =	sdelay $0x3  }
0x96: {  	_ =	strace s3  }
0x97: {  	_ =	strace $0x8FFFFFFF  }
0x98: {  	s19 =	sld [smem:$0x3FDB];
	_ =	sdelay $0x1  }
0x99: {  	s4 =	simm.s32 $_scs_section_size  }
0x9a: {  	s5 =	simm.s32 $_size__tile_overlayer_lowered;
	s6 =	simm.s32 $_tile_overlayer_lowered  }
0x9b: {  	s22 =	simm.s32 $0x1BFF;
	s21 =	sshll.u32 s6, $0x1;
	s3 =	sadd.s32 s4, s19  }
0x9c: {  	s7 =	simm.s32 $0x0;
	s20 =	sshll.u32 s5, $0x1;
	s5 =	sadd.s32 s21, s3  }
0x9d: {  	[timem:s7], [sflag:s22] =	dma.local [hbm:s5], s20  }
0x9e: {  	_ =	swait.ge [sflag:s22], s20  }
0x9f: {  	s4 =	ssub.s32 $0x0, s20;
	[sflag:s22] =	ssyncset.done $0x0  }
0xa0: {  	[sflag:s22] =	ssyncadd.s32 s4;
	_ =	sdelay $0x1  }
0xa1: {  	s23 =	simm.s32 $0x1B8B  }
0xa2: {  	_ =	swait.ge [sflag:s23], $0x1  }
0xa3: {  	[sflag:s23] =	ssyncset.done $0x0  }
0xa4: {  	s25 =	simm.s32 $0x1B8E;
	s24 =	sld [smem:$0x3FFE];
	[sflag:s23] =	ssyncadd.s32 $0xFFFFFFFF  }
0xa5: {  	s26 =	simm.s32 $execute0_lowered;
	[smem:$0x3FD2] =	sst s25  }
0xa6: {  	s5 =	sshll.u32 s26, $0x1;
	_ =	strace $0x80000049;
	[dreg:$0x1] =	wrdreg $0xFFFFFFFF  }
0xa7: {  	s28 =	simm.s32 $_size_execute0_lowered;
	s3 =	sadd.s32 s3, s5;
	[dreg:$0x0] =	wrdreg $0x0  }
0xa8: {  	s5 =	sshll.u32 s28, $0x1;
	[dreg:$0x2] =	wrdreg s3  }
0xa9: {  	[dreg:$0x3] =	wrdreg s5  }
0xaa: {  	[dreg:$0x4] =	wrdreg $0xC0  }
0xab: {  	_ =	task [dreg:s7], $0x5FFFF  }
0xac: {  	[dreg:$0x1] =	wrdreg $0xFFFFFFFF  }
0xad: {  	[dreg:$0x0] =	wrdreg $0x60  }
0xae: {  	[dreg:$0x2] =	wrdreg s2  }
0xaf: {  	[dreg:$0x3] =	wrdreg s24  }
0xb0: {  	[dreg:$0x4] =	wrdreg $0x100000  }
0xb1: {  	[dreg:$0x5] =	wrdreg $0x9  }
0xb2: {  	_ =	task.clear_ibuf [dreg:s7], $0x6FFFF;
	_ =	strace $0x90000049  }
0xb3: {  	s29 =	simm.s32 $0x9;
	_ =	strace $0x8000004B  }
0xb4: {  	_ =	swait.ge [sflag:s29], $0x1  }
0xb5: {  	[sflag:s29] =	ssyncadd.s32 $0xFFFFFFFF  }
0xb6: {  	_ =	strace $0x9000004B  }
0xb7: {  	_ =	sfence  }
0xb8: {  	s30 =	sld [smem:$0x0];
	_ =	sdelay $0x2  }
0xb9: {  	s31 =	sshll.u32 s1, $0xD;
	s1 =	sshrl.u32 s1, $0x2  }
0xba: {  	s3 =	sand.u32 $0x4000, s31;
	s1 =	sadd.s32 s1, s30  }
0xbb: {  	s0 =	sor.u32 s3, s0;
	s1 =	sshll.u32 s1, $0x11  }
0xbc: {  	s0 =	sor.u32 s1, s0  }
0xbd: {  	s0 =	sadd.s32 $0x8F2B, s0  }
0xbe: {  	[sflag:s0] =	ssyncadd.remote.s32 $0x1  }
0xbf: {  	_ =	sfence.sel $0xFFFF  }
0xc0: {  	[dreg:$0x0] =	wrdreg $0xFFFFFFFF;
	(pc) =	sbr.abs _section_cstart, $3  }
0xc1: {  	[dreg:$0x1] =	wrdreg $0xFFFFFFFF  }
0xc2: {  	_ =	task.clear_ibuf [dreg:s7], $0x2FFFF;
	_ =	strace $0x9FFFFFFF  }
0xc3: {  	(tm) =	ssettm $0x7FFFFFFF  }
tec
execute0_lowered:
.L_overlay_start_1:
0x0: {  	(tag) =	ssettag $0x1  }
0x1: {  	s0 =	rddreg [dreg:$0x0];
	s1 =	srdreg.scid  }
0x2: {  	s10 =	stileid.u32;
	s3 =	rddreg [dreg:$0x1]  }
0x3: {  	s2 =	rddreg [dreg:$0x2];
	s6 =	simm.s32 $0x0;
	s12 =	simm.s32 $0xD800  }
0x4: {  	s13 =	simm.s32 $0x11;
	s20 =	simm.s32 $0x9800;
	s21 =	simm.s32 $0xA000  }
0x5: {  	s22 =	simm.s32 $0xA800;
	s23 =	simm.s32 $0xB000;
	s24 =	simm.s32 $0xB800  }
0x6: {  	s25 =	simm.s32 $0xC000;
	s26 =	simm.s32 $0xC800;
	s28 =	simm.s32 $0xC  }
0x7: {  	s29 =	simm.s32 $0xD;
	s30 =	simm.s32 $0xE;
	[smem:$0x7FF] =	sst s6  }
0x8: {  	s31 =	simm.s32 $0xF;
	_ =	strace $0x8000004A;
	[dreg:$0x5] =	wrdreg s20  }
0x9: {  	s1 =	sand.u32 $0x1, s1;
	s5 =	smul.u32 $0x2800, s10;
	[dreg:$0x6] =	wrdreg s21  }
0xa: {  	s9 =	sshll.u32 s10, $0x7;
	s10 =	smul.u32 $0x980, s10;
	[dreg:$0x7] =	wrdreg s22  }
0xb: {  	s14 =	sadd.s32 $0xC000, s3;
	s4 =	smul.u32 $0x28000, s1;
	[dreg:$0x8] =	wrdreg s23  }
0xc: {  	s15 =	ssub.s32 $0x2, s1;
	s16 =	sor.u32 $0x9800, s9;
	[dreg:$0x9] =	wrdreg s24  }
0xd: {  	p0 =	sne.s32 s1, $0x0;
	s20 =	simm.s32 $0x5;
	[dreg:$0xa] =	wrdreg s25  }
0xe: {  	s21 =	simm.s32 $0x6;
	s22 =	simm.s32 $0x7;
	[dreg:$0xb] =	wrdreg s26  }
0xf: {  	s23 =	simm.s32 $0x8;
	s24 =	simm.s32 $0x9;
	s25 =	simm.s32 $0xA  }
0x10: {  	s26 =	simm.s32 $0xB;
	s1 =	simm.s32 $0x10;
	s17 =	sadd.s32 s0, s16  }
0x11: {  	s8 =	sshrl.u32 s15, $0x1;
	s0 =	sadd.s32 s0, s10;
	[dreg:$0xc] =	wrdreg s17  }
0x12: {  	s18 =	sadd.s32 s14, s10;
	s4 =	sadd.s32 s5, s4;
	[dreg:$0xe] =	wrdreg s0  }
0x13: {  	s11 =	ssub.s32 s15, s8;
	s5 =	sadd.s32 s5, s2;
	[dreg:$0xf] =	wrdreg s18  }
0x14: {  	s15 =	simm.s32 $0xD000;
	s17 =	simm.s32 $0x2;
	s18 =	simm.s32 $0x3  }
0x15: {  	s0 =	simm.s32 $0x0;
	s7 =	sshrl.u32 s4, $0x3;
	s4 =	sadd.s32 $0x1600, s3  }
0x16: {  	s11 =	smax.u32 s11, $0x1;
	s3 =	sadd.s32 s7, s3;
	s7 =	sadd.s32 s14, s16  }
0x17: {  	s14 =	simm.s32 $0x80;
	[dreg:$0xd] =	wrdreg s7;
	s19 =	sadd.s32 $0x16000, s3  }
0x18: {  	v0 =	vimm.f32 $0.0e+00;
	s16 =	simm.s32 $0x1;
	[dreg:$0x10] =	wrdreg s19;
	s19 =	simm.s32 $0x4  }
.LBB2_1:
0x19: {  	s3 =	simm.s32 $0x40;
	s6 =	simm.s32 $0x0  }
.LBB2_2:
0x1a: {  	p1 =	sne.s32 s3, $0x9FC0;
	[tilespmem:s6+$0xD800] =	vst v0;
	s6 =	smov.u32 s3;
	s3 =	sadd.s32 $0x40, s3  }
.Ltmp0:
0x1b: {  	(pc) =	sbr.rel @p1 .LBB2_2-.Ltmp0, $2  }
0x1c: {  	_ =	sdelay $0x2  }
0x1d: {  	s6 =	sshra.s32 s6, $0x2  }
0x1e: {  	[tilespmem:s6+$0xD800] =	vst v0  }
0x1f: {  	[spmem:s5] =	stream.linear.scatter [tilespmem:s12], [sflag:$0x11], $0x2800, $0x38;
	[tilespmem:$0x12800] =	vst v63  }
0x20: {  	_ =	swait.ge [sflag:s13], $0x2800  }
0x21: {  	[sflag:s13] =	ssyncset.done $0x0  }
0x22: {  	s3 =	simm.s32 @p0 $0x0;
	s6 =	rddreg [dreg:$0xc];
	[sflag:s13] =	ssyncadd.s32 $0xFFFFD800  }
0x23: {  	[tilespmem:s3], [sflag:$0x11] =	stream.linear.gather @p0 [hbm4b:s6+s3], $0x400, $0x38;
	[tilespmem:$0x12800] =	vst v63  }
0x24: {  	s6 =	simm.s32 @p0 $0x11  }
0x25: {  	_ =	swait.ge @p0 [sflag:s6], $0x400  }
0x26: {  	[sflag:s6] =	ssyncset.done @p0 $0x0  }
0x27: {  	s7 =	simm.s32 @p0 $0x4C00;
	s8 =	rddreg [dreg:$0xd];
	[sflag:s6] =	ssyncadd.s32 @p0 $0xFFFFFC00  }
0x28: {  	[tilespmem:s7], [sflag:$0x11] =	stream.linear.gather @p0 [hbm4b:s8+s3], $0x400, $0x38;
	[tilespmem:$0x12800] =	vst v63  }
0x29: {  	_ =	swait.ge @p0 [sflag:s6], $0x400  }
0x2a: {  	[sflag:s6] =	ssyncset.done @p0 $0x0  }
0x2b: {  	s3 =	simm.s32 @!p0 $0x0;
	[sflag:s6] =	ssyncadd.s32 @p0 $0xFFFFFC00;
	s6 =	rddreg [dreg:$0xe]  }
0x2c: {  	[tilespmem:s3], [sflag:$0x11] =	stream.linear.gather @!p0 [hbm4b:s6+s3], $0x4C00, $0x38;
	[tilespmem:$0x12800] =	vst v63  }
0x2d: {  	s6 =	simm.s32 @!p0 $0x11  }
0x2e: {  	_ =	swait.ge @!p0 [sflag:s6], $0x4C00  }
0x2f: {  	[sflag:s6] =	ssyncset.done @!p0 $0x0  }
0x30: {  	s7 =	simm.s32 @!p0 $0x4C00;
	s8 =	rddreg [dreg:$0xf];
	[sflag:s6] =	ssyncadd.s32 @!p0 $0xFFFFB400  }
0x31: {  	[tilespmem:s7], [sflag:$0x11] =	stream.linear.gather @!p0 [hbm4b:s8+s3], $0x4C00, $0x38;
	[tilespmem:$0x12800] =	vst v63  }
0x32: {  	_ =	swait.ge @!p0 [sflag:s6], $0x4C00  }
0x33: {  	s3 =	simm.s32 @!p0 $0x13;
	[sflag:s6] =	ssyncset.done @!p0 $0x0  }
0x34: {  	s3 =	simm.s32 @p0 $0x1;
	[sflag:s6] =	ssyncadd.s32 @!p0 $0xFFFFB400  }
0x35: {  	s3 =	sshll.u32 s3, $0xC;
	[bflag:$0x0] =	sbarrier.arrive $0xFFFF  }
0x36: {  	s6 =	simm.s32 $0x380;
	[dreg:$0x4] =	wrdreg s3;
	s3 =	simm.s32 $0x0  }
.LBB2_4:
0x37: {  	p1 =	sne.s32 s3, $0x0  }
0x38: {  	s7 =	simm.s32 @p1 $0x9  }
0x39: {  	_ =	swait.ge @p1 [sflag:s7], $0x800  }
0x3a: {  	s8 =	simm.s32 @p1 $0x80;
	[sflag:s7] =	ssyncset.done @p1 $0x0  }
0x3b: {  	s9 =	simm.s32 @p1 $0x9800;
	[sflag:s7] =	ssyncadd.s32 @p1 $0xFFFFF800;
	s7 =	sshra.s32 @p1 s3, $0x2  }
0x3c: {  	[tilespmem:s9], [sflag:$0x1] =	stream.indirect.gather @p1 [hbm4b:s4+s8], $0x10, s7, s8, $0xb8;
	[tilespmem:$0x12800] =	vst v63  }
0x3d: {  	s9 =	simm.s32 @p1 $0xA  }
0x3e: {  	_ =	swait.ge @p1 [sflag:s9], $0x800  }
0x3f: {  	[sflag:s9] =	ssyncset.done @p1 $0x0  }
0x40: {  	s10 =	simm.s32 @p1 $0xA000;
	[sflag:s9] =	ssyncadd.s32 @p1 $0xFFFFF800;
	s9 =	sadd.s32 @p1 $0x80, s7  }
0x41: {  	[tilespmem:s10], [sflag:$0x2] =	stream.indirect.gather @p1 [hbm4b:s4+s8], $0x10, s9, s8, $0xb8;
	[tilespmem:$0x12800] =	vst v63  }
0x42: {  	s9 =	simm.s32 @p1 $0xB  }
0x43: {  	_ =	swait.ge @p1 [sflag:s9], $0x800  }
0x44: {  	[sflag:s9] =	ssyncset.done @p1 $0x0  }
0x45: {  	s10 =	simm.s32 @p1 $0xA800;
	[sflag:s9] =	ssyncadd.s32 @p1 $0xFFFFF800;
	s9 =	sadd.s32 @p1 $0x100, s7  }
0x46: {  	[tilespmem:s10], [sflag:$0x3] =	stream.indirect.gather @p1 [hbm4b:s4+s8], $0x10, s9, s8, $0xb8;
	[tilespmem:$0x12800] =	vst v63  }
0x47: {  	s9 =	simm.s32 @p1 $0xC  }
0x48: {  	_ =	swait.ge @p1 [sflag:s9], $0x800  }
0x49: {  	[sflag:s9] =	ssyncset.done @p1 $0x0  }
0x4a: {  	s10 =	simm.s32 @p1 $0xB000;
	[sflag:s9] =	ssyncadd.s32 @p1 $0xFFFFF800;
	s9 =	sadd.s32 @p1 $0x180, s7  }
0x4b: {  	[tilespmem:s10], [sflag:$0x4] =	stream.indirect.gather @p1 [hbm4b:s4+s8], $0x10, s9, s8, $0xb8;
	[tilespmem:$0x12800] =	vst v63  }
0x4c: {  	s9 =	simm.s32 @p1 $0xD  }
0x4d: {  	_ =	swait.ge @p1 [sflag:s9], $0x800  }
0x4e: {  	[sflag:s9] =	ssyncset.done @p1 $0x0  }
0x4f: {  	s10 =	simm.s32 @p1 $0xB800;
	[sflag:s9] =	ssyncadd.s32 @p1 $0xFFFFF800;
	s9 =	sadd.s32 @p1 $0x200, s7  }
0x50: {  	[tilespmem:s10], [sflag:$0x5] =	stream.indirect.gather @p1 [hbm4b:s4+s8], $0x10, s9, s8, $0xb8;
	[tilespmem:$0x12800] =	vst v63  }
0x51: {  	s9 =	simm.s32 @p1 $0xE  }
0x52: {  	_ =	swait.ge @p1 [sflag:s9], $0x800  }
0x53: {  	[sflag:s9] =	ssyncset.done @p1 $0x0  }
0x54: {  	s10 =	simm.s32 @p1 $0xC000;
	[sflag:s9] =	ssyncadd.s32 @p1 $0xFFFFF800;
	s9 =	sadd.s32 @p1 $0x280, s7  }
0x55: {  	[tilespmem:s10], [sflag:$0x6] =	stream.indirect.gather @p1 [hbm4b:s4+s8], $0x10, s9, s8, $0xb8;
	[tilespmem:$0x12800] =	vst v63  }
0x56: {  	s9 =	simm.s32 @p1 $0xF  }
0x57: {  	_ =	swait.ge @p1 [sflag:s9], $0x800  }
0x58: {  	[sflag:s9] =	ssyncset.done @p1 $0x0  }
0x59: {  	s7 =	sadd.s32 @p1 $0x300, s7;
	[sflag:s9] =	ssyncadd.s32 @p1 $0xFFFFF800;
	s9 =	simm.s32 @p1 $0xC800  }
0x5a: {  	[tilespmem:s9], [sflag:$0x7] =	stream.indirect.gather @p1 [hbm4b:s4+s8], $0x10, s7, s8, $0xb8;
	[tilespmem:$0x12800] =	vst v63  }
0x5b: {  	s7 =	simm.s32 @p1 $0x10  }
0x5c: {  	_ =	swait.ge @p1 [sflag:s7], $0x800  }
0x5d: {  	s8 =	simm.s32 @!p1 $0x80;
	[sflag:s7] =	ssyncset.done @p1 $0x0  }
0x5e: {  	s9 =	simm.s32 @!p1 $0x9800;
	[sflag:s7] =	ssyncadd.s32 @p1 $0xFFFFF800;
	s7 =	sshra.s32 @!p1 s3, $0x2  }
0x5f: {  	[tilespmem:s9], [sflag:$0x1] =	stream.indirect.gather @!p1 [hbm4b:s4+s8], $0x10, s7, s8, $0xb8;
	[tilespmem:$0x12800] =	vst v63  }
0x60: {  	s7 =	simm.s32 @!p1 $0xA000  }
0x61: {  	[tilespmem:s7], [sflag:$0x2] =	stream.indirect.gather @!p1 [hbm4b:s4+s8], $0x10, s8, s8, $0xb8;
	[tilespmem:$0x12800] =	vst v63  }
0x62: {  	s9 =	simm.s32 @!p1 $0xA800;
	s7 =	simm.s32 @!p1 $0x100  }
0x63: {  	[tilespmem:s9], [sflag:$0x3] =	stream.indirect.gather @!p1 [hbm4b:s4+s8], $0x10, s7, s8, $0xb8;
	[tilespmem:$0x12800] =	vst v63  }
0x64: {  	s7 =	simm.s32 @!p1 $0x180;
	s9 =	simm.s32 @!p1 $0xB000  }
0x65: {  	[tilespmem:s9], [sflag:$0x4] =	stream.indirect.gather @!p1 [hbm4b:s4+s8], $0x10, s7, s8, $0xb8;
	[tilespmem:$0x12800] =	vst v63  }
0x66: {  	s7 =	simm.s32 @!p1 $0x200;
	s9 =	simm.s32 @!p1 $0xB800  }
0x67: {  	[tilespmem:s9], [sflag:$0x5] =	stream.indirect.gather @!p1 [hbm4b:s4+s8], $0x10, s7, s8, $0xb8;
	[tilespmem:$0x12800] =	vst v63  }
0x68: {  	s7 =	simm.s32 @!p1 $0x280;
	s9 =	simm.s32 @!p1 $0xC000  }
0x69: {  	[tilespmem:s9], [sflag:$0x6] =	stream.indirect.gather @!p1 [hbm4b:s4+s8], $0x10, s7, s8, $0xb8;
	[tilespmem:$0x12800] =	vst v63  }
0x6a: {  	s7 =	simm.s32 @!p1 $0x300;
	s9 =	simm.s32 @!p1 $0xC800  }
0x6b: {  	[tilespmem:s9], [sflag:$0x7] =	stream.indirect.gather @!p1 [hbm4b:s4+s8], $0x10, s7, s8, $0xb8;
	[tilespmem:$0x12800] =	vst v63  }
0x6c: {  	s7 =	smov.u32 s6  }
0x6d: {  	s7 =	simm.s32 @!p1 $0x380  }
0x6e: {  	[tilespmem:s15], [sflag:$0x8] =	stream.indirect.gather [hbm4b:s4+s14], $0x10, s7, s14, $0xb8;
	[tilespmem:$0x12800] =	vst v63  }
0x6f: {  	_ =	swait.ge [sflag:s16], $0x800  }
0x70: {  	s10 =	sshra.s32 s3, $0x2;
	[sflag:s16] =	ssyncset.done $0x0  }
0x71: {  	s9 =	sadd.s32 $0x4C00, s10;
	s8 =	rddreg [dreg:$0x5];
	[sflag:s16] =	ssyncadd.s32 $0xFFFFF800  }
0x72: {  	[spmem:s2] =	stream.indirect.scatter.add.f32 [tilespmem:s8], [sflag:$0x9], $0x10, s9, s14, $0xb8;
	[tilespmem:$0x12800] =	vst v63  }
0x73: {  	s8 =	sadd.s32 @p1 $0xFFFFFD00, s6;
	_ =	swait.ge [sflag:s17], $0x800  }
0x74: {  	s8 =	simm.s32 @!p1 $0x80;
	[sflag:s17] =	ssyncset.done $0x0  }
0x75: {  	s10 =	rddreg [dreg:$0x6];
	s8 =	sadd.s32 $0x4C00, s8;
	[sflag:s17] =	ssyncadd.s32 $0xFFFFF800  }
0x76: {  	[spmem:s2] =	stream.indirect.scatter.add.f32 [tilespmem:s10], [sflag:$0xA], $0x10, s8, s14, $0xb8;
	[tilespmem:$0x12800] =	vst v63  }
0x77: {  	s8 =	sadd.s32 @p1 $0xFFFFFD80, s6;
	_ =	swait.ge [sflag:s18], $0x800  }
0x78: {  	s8 =	simm.s32 @!p1 $0x100;
	[sflag:s18] =	ssyncset.done $0x0  }
0x79: {  	s10 =	rddreg [dreg:$0x7];
	s8 =	sadd.s32 $0x4C00, s8;
	[sflag:s18] =	ssyncadd.s32 $0xFFFFF800  }
0x7a: {  	[spmem:s2] =	stream.indirect.scatter.add.f32 [tilespmem:s10], [sflag:$0xB], $0x10, s8, s14, $0xb8;
	[tilespmem:$0x12800] =	vst v63  }
0x7b: {  	s8 =	sadd.s32 @p1 $0xFFFFFE00, s6;
	_ =	swait.ge [sflag:s19], $0x800  }
0x7c: {  	s8 =	simm.s32 @!p1 $0x180;
	[sflag:s19] =	ssyncset.done $0x0  }
0x7d: {  	s10 =	rddreg [dreg:$0x8];
	s8 =	sadd.s32 $0x4C00, s8;
	[sflag:s19] =	ssyncadd.s32 $0xFFFFF800  }
0x7e: {  	[spmem:s2] =	stream.indirect.scatter.add.f32 [tilespmem:s10], [sflag:$0xC], $0x10, s8, s14, $0xb8;
	[tilespmem:$0x12800] =	vst v63  }
0x7f: {  	s8 =	sadd.s32 @p1 $0xFFFFFE80, s6;
	_ =	swait.ge [sflag:s20], $0x800  }
0x80: {  	s8 =	simm.s32 @!p1 $0x200;
	[sflag:s20] =	ssyncset.done $0x0  }
0x81: {  	s10 =	rddreg [dreg:$0x9];
	s8 =	sadd.s32 $0x4C00, s8;
	[sflag:s20] =	ssyncadd.s32 $0xFFFFF800  }
0x82: {  	[spmem:s2] =	stream.indirect.scatter.add.f32 [tilespmem:s10], [sflag:$0xD], $0x10, s8, s14, $0xb8;
	[tilespmem:$0x12800] =	vst v63  }
0x83: {  	s8 =	sadd.s32 @p1 $0xFFFFFF00, s6;
	_ =	swait.ge [sflag:s21], $0x800  }
0x84: {  	s8 =	simm.s32 @!p1 $0x280;
	[sflag:s21] =	ssyncset.done $0x0  }
0x85: {  	s10 =	rddreg [dreg:$0xa];
	s8 =	sadd.s32 $0x4C00, s8;
	[sflag:s21] =	ssyncadd.s32 $0xFFFFF800  }
0x86: {  	[spmem:s2] =	stream.indirect.scatter.add.f32 [tilespmem:s10], [sflag:$0xE], $0x10, s8, s14, $0xb8;
	[tilespmem:$0x12800] =	vst v63  }
0x87: {  	s8 =	sadd.s32 @p1 $0xFFFFFF80, s6;
	_ =	swait.ge [sflag:s22], $0x800  }
0x88: {  	s8 =	simm.s32 @!p1 $0x300;
	[sflag:s22] =	ssyncset.done $0x0  }
0x89: {  	s10 =	rddreg [dreg:$0xb];
	s8 =	sadd.s32 $0x4C00, s8;
	[sflag:s22] =	ssyncadd.s32 $0xFFFFF800  }
0x8a: {  	[spmem:s2] =	stream.indirect.scatter.add.f32 [tilespmem:s10], [sflag:$0xF], $0x10, s8, s14, $0xb8;
	[tilespmem:$0x12800] =	vst v63  }
0x8b: {  	_ =	swait.ge [sflag:s23], $0x800  }
0x8c: {  	s3 =	sadd.s32 $0x1000, s3;
	s10 =	rddreg [dreg:$0x4]  }
0x8d: {  	p1 =	sne.s32 s10, s3  }
.Ltmp1:
0x8e: {  	_ = 	snop;
	(pc) =	sbr.rel @p1 .LBB2_4-.Ltmp1, $4  }
0x8f: {  	_ = 	snop  }
0x90: {  	[sflag:s23] =	ssyncset.done $0x0  }
0x91: {  	s7 =	sadd.s32 $0x4C00, s7;
	s6 =	sadd.s32 $0x400, s6;
	[sflag:s23] =	ssyncadd.s32 $0xFFFFF800  }
0x92: {  	[spmem:s2] =	stream.indirect.scatter.add.f32 [tilespmem:s15], [sflag:$0x10], $0x10, s7, s14, $0xb8;
	[tilespmem:$0x12800] =	vst v63  }
0x93: {  	_ =	swait.ge [sflag:s24], $0x800  }
0x94: {  	[sflag:s24] =	ssyncset.done $0x0  }
0x95: {  	[sflag:s24] =	ssyncadd.s32 $0xFFFFF800  }
0x96: {  	_ =	swait.ge [sflag:s25], $0x800  }
0x97: {  	[sflag:s25] =	ssyncset.done $0x0  }
0x98: {  	[sflag:s25] =	ssyncadd.s32 $0xFFFFF800  }
0x99: {  	_ =	swait.ge [sflag:s26], $0x800  }
0x9a: {  	[sflag:s26] =	ssyncset.done $0x0  }
0x9b: {  	[sflag:s26] =	ssyncadd.s32 $0xFFFFF800  }
0x9c: {  	_ =	swait.ge [sflag:s28], $0x800  }
0x9d: {  	[sflag:s28] =	ssyncset.done $0x0  }
0x9e: {  	[sflag:s28] =	ssyncadd.s32 $0xFFFFF800  }
0x9f: {  	_ =	swait.ge [sflag:s29], $0x800  }
0xa0: {  	[sflag:s29] =	ssyncset.done $0x0  }
0xa1: {  	[sflag:s29] =	ssyncadd.s32 $0xFFFFF800  }
0xa2: {  	_ =	swait.ge [sflag:s30], $0x800  }
0xa3: {  	[sflag:s30] =	ssyncset.done $0x0  }
0xa4: {  	[sflag:s30] =	ssyncadd.s32 $0xFFFFF800  }
0xa5: {  	_ =	swait.ge [sflag:s31], $0x800  }
0xa6: {  	[sflag:s31] =	ssyncset.done $0x0  }
0xa7: {  	[sflag:s31] =	ssyncadd.s32 $0xFFFFF800  }
0xa8: {  	_ =	swait.ge [sflag:s1], $0x800  }
0xa9: {  	[sflag:s1] =	ssyncset.done $0x0  }
0xaa: {  	[sflag:s1] =	ssyncadd.s32 $0xFFFFF800  }
0xab: {  	[bflag:$0x0] =	sbarrier.arrive $0xFFFF  }
0xac: {  	[tilespmem:s12], [sflag:$0x11] =	stream.linear.gather [spmem:s5], $0x2800, $0x38;
	[tilespmem:$0x12800] =	vst v63  }
0xad: {  	s0 =	sadd.s32 $0x1, s0;
	_ =	swait.ge [sflag:s13], $0x2800  }
0xae: {  	s3 =	simm.s32 $0x0;
	p1 =	sne.s32 s0, s11;
	[sflag:s13] =	ssyncset.done $0x0  }
.Ltmp2:
0xaf: {  	s6 =	rddreg [dreg:$0x10];
	[sflag:s13] =	ssyncadd.s32 $0xFFFFD800;
	(pc) =	sbr.rel @p1 .LBB2_1-.Ltmp2, $4  }
0xb0: {  	[hbm4b:s6+s3] =	stream.linear.scatter [tilespmem:s12], [sflag:$0x11], $0x2800, $0x38;
	[tilespmem:$0x12800] =	vst v63  }
0xb1: {  	_ =	swait.ge [sflag:s13], $0x2800  }
0xb2: {  	[sflag:s13] =	ssyncset.done $0x0  }
0xb3: {  	[sflag:s13] =	ssyncadd.s32 $0xFFFFD800  }
0xb4: {  	_ =	sfence.sel $0x180000  }
0xb5: {  	[bflag:$0x0] =	sbarrier.arrive $0xFFFF  }
0xb6: {  	_ =	strace $0x9000004A  }
0xb7: {  	s0 =	stileid.u32;
	[bflag:$0x2] =	sbarrier.arrive $0xFFFF  }
0xb8: {  	p0 =	sne.s32 s0, $0x0;
	s0 =	rddreg [dreg:$0x3]  }
0xb9: {  	s0 =	sadd.s32 @!p0 $0x100000, s0  }
0xba: {  	[sflag:s0] =	ssyncadd.tile.s32 @!p0 $0x1;
	_ =	shalt  }
.Lfunc_end2:
_tile_overlayer_lowered:
.L_overlay_start_2:
0xbb: {  	(tag) =	ssettag $0x2  }
0xbc: {  	s0 =	rddreg [dreg:$0x0];
	s2 =	stileid.u32  }
0xbd: {  	s1 =	rddreg [dreg:$0x1];
	p0 =	sne.s32 s2, $0x0  }
0xbe: {  	s3 =	rddreg [dreg:$0x2];
	[bflag:$0x3] =	sbarrier.arrive $0xFFFF;
	s2 =	simm.s32 @!p0 $0x1C11  }
0xbf: {  	[timem:s3], [sflag:s2] =	dma.local @!p0 [hbm:s0], s1  }
0xc0: {  	s0 =	simm.s32 @!p0 $0x11  }
0xc1: {  	_ =	swait.ge @!p0 [sflag:s0], s1  }
0xc2: {  	s1 =	ssub.s32 @!p0 $0x0, s1;
	[sflag:s0] =	ssyncset.done @!p0 $0x0  }
0xc3: {  	[sflag:s0] =	ssyncadd.s32 @!p0 s1  }
0xc4: {  	[bflag:$0x3] =	sbarrier.arrive $0xFFFF  }
0xc5: {  	_ =	shalt  }

// kernel: kernel.14.cloned.1.call-start
scs
__scs_entry_jumppad:
0x0: {  	(pc) =	sbr.rel $0x88, $3  }
0x1: {  	(tag) =	ssettag $0x0;
	lr =	simm.s32 $0x1  }
0x2: {  	[smem:$0x3F9B] =	sst lr;
	_ =	strace $0xD0000000  }
0x3: {  	_ = 	snop  }
0x4: {  	_ = 	snop  }
0x5: {  	_ = 	snop  }
0x6: {  	_ = 	snop  }
0x7: {  	_ = 	snop  }
__scs_overlays_trampoline_lowered:
0x8: {  	[smem:$0x3FAA] =	sst s0  }
0x9: {  	[smem:$0x3FAB] =	sst s1  }
0xa: {  	[smem:$0x3FAC] =	sst s2  }
0xb: {  	[smem:$0x3FAD] =	sst s3  }
0xc: {  	[smem:$0x3FAE] =	sst s4  }
0xd: {  	[smem:$0x3FAF] =	sst s5  }
0xe: {  	[smem:$0x3FB0] =	sst s6  }
0xf: {  	[smem:$0x3FB1] =	sst s7  }
0x10: {  	[smem:$0x3FB2] =	sst s8  }
0x11: {  	[smem:$0x3FB3] =	sst s9;
	s0 =	simm.s32 @!p0 $0x0  }
0x12: {  	s1 =	sld [smem:$0x3F99];
	s0 =	simm.s32 @p0 $0x1  }
0x13: {  	[smem:$0x3FB4] =	sst s0;
	s0 =	simm.s32 @!p1 $0x0  }
0x14: {  	s2 =	sld [smem:$0x3F98];
	s0 =	simm.s32 @p1 $0x1  }
0x15: {  	[smem:$0x3FB5] =	sst s0;
	s0 =	simm.s32 @!p2 $0x0  }
0x16: {  	s3 =	sld [smem:$0x3FDB];
	s0 =	simm.s32 @p2 $0x1  }
0x17: {  	s4 =	simm.s32 $0x1BF5;
	[smem:$0x3FB7] =	sst s0  }
0x18: {  	s0 =	sld [smem:$0x3F9A];
	_ =	swait.ge [sflag:s4], $0x0  }
0x19: {  	s7 =	sld [smem:$0x3F9B]  }
0x1a: {  	s8 =	sadd.s32 $0xFFFFE003, lr  }
0x1b: {  	s9 =	sadd.s32 $0xFFFFFEF7, lr;
	s5 =	simm.s32 $0xFFFFFFFF;
	p2 =	slt.u32 s8, $0xFFFFF086  }
0x1c: {  	p1 =	slt.u32 s9, $0xF7A;
	s5 =	simm.s32 @!p2 $0x0  }
0x1d: {  	s5 =	simm.s32 @p1 $0x1;
	p0 =	seq.s32 s7, s2  }
0x1e: {  	s7 =	smul.u32 @!p0 $0xF7A, s2;
	p2 =	seq.s32 @!p0 s5, $0x0  }
0x1f: {  	s9 =	smul.u32 $0xF7A, s1;
	s8 =	simm.s32 @!p0 $0x1BF5;
	p2 =	por !p2, p0  }
0x20: {  	[sflag:s8] =	ssyncset.s32 @!p0 $0xFFFFF086;
	s6 =	sadd.s32 @!p0 s3, s7;
	s7 =	simm.s32 @!p0 $0x108  }
0x21: {  	s3 =	sadd.s32 s3, s9;
	s6 =	sadd.s32 @!p0 $0x88, s6;
	s7 =	simm.s32 @p2 $0x1082  }
0x22: {  	[simem:s7], [sflag:s8] =	dma.local @!p0 [hbm:s6], $0xF7A  }
0x23: {  	s9 =	sor.u32 $0xD0000000, s2;
	s6 =	simm.s32 $0x108;
	_ =	swait.ge @!p0 [sflag:s8], $0x0  }
0x24: {  	s3 =	sadd.s32 $0x88, s3;
	s6 =	simm.s32 @!p1 $0x1082;
	[sflag:s4] =	ssyncset.s32 $0xFFFFF086  }
0x25: {  	[simem:s6], [sflag:s4] =	dma.local [hbm:s3], $0xF7A  }
0x26: {  	[smem:$0x3F9B] =	sst s1;
	(tag) =	ssettag s2;
	_ =	strace s9  }
0x27: {  	s1 =	sld [smem:$0x3FAB]  }
0x28: {  	s2 =	sld [smem:$0x3FAC]  }
0x29: {  	s4 =	sld [smem:$0x3FAE]  }
0x2a: {  	p0 =	seq.s32 s5, $0x0;
	s5 =	sld [smem:$0x3FAF]  }
0x2b: {  	s6 =	sld [smem:$0x3FB0]  }
0x2c: {  	s7 =	sld [smem:$0x3FB1]  }
0x2d: {  	s3 =	simm.s32 $0x108;
	s8 =	sld [smem:$0x3FB2]  }
0x2e: {  	s3 =	simm.s32 @!p0 $0x1082;
	s9 =	sld [smem:$0x3FB3]  }
0x2f: {  	lr =	sadd.s32 s0, s3;
	s0 =	sld [smem:$0x3FAA]  }
0x30: {  	s3 =	sld [smem:$0x3FAD]  }
0x31: {  	[smem:$0x3FB6] =	sst s10  }
0x32: {  	s10 =	sld [smem:$0x3FB4];
	_ =	sdelay $0x3  }
0x33: {  	p0 =	seq.s32 s10, $0x1;
	s10 =	sld [smem:$0x3FB6];
	_ =	sdelay $0x3  }
0x34: {  	[smem:$0x3FB6] =	sst s10  }
0x35: {  	s10 =	sld [smem:$0x3FB5];
	_ =	sdelay $0x3  }
0x36: {  	p1 =	seq.s32 s10, $0x1;
	s10 =	sld [smem:$0x3FB6];
	_ =	sdelay $0x3  }
0x37: {  	[smem:$0x3FB6] =	sst s10  }
0x38: {  	s10 =	sld [smem:$0x3FB7]  }
0x39: {  	_ = 	snop;
	(pc) =	sbr.ind lr, $3  }
0x3a: {  	_ = 	snop  }
0x3b: {  	_ = 	snop  }
0x3c: {  	p2 =	seq.s32 s10, $0x1;
	s10 =	sld [smem:$0x3FB6]  }
0x3d: {  	_ =	shalt  }
0x3e: {  	_ =	shalt  }
0x3f: {  	_ =	shalt  }
0x40: {  	_ =	shalt  }
0x41: {  	_ =	shalt  }
0x42: {  	_ =	shalt  }
0x43: {  	_ =	shalt  }
0x44: {  	_ =	shalt  }
0x45: {  	_ =	shalt  }
0x46: {  	_ =	shalt  }
0x47: {  	_ =	shalt  }
0x48: {  	_ =	shalt  }
0x49: {  	_ =	shalt  }
0x4a: {  	_ =	shalt  }
0x4b: {  	_ =	shalt  }
0x4c: {  	_ =	shalt  }
0x4d: {  	_ =	shalt  }
0x4e: {  	_ =	shalt  }
0x4f: {  	_ =	shalt  }
0x50: {  	_ =	shalt  }
0x51: {  	_ =	shalt  }
0x52: {  	_ =	shalt  }
0x53: {  	_ =	shalt  }
0x54: {  	_ =	shalt  }
0x55: {  	_ =	shalt  }
0x56: {  	_ =	shalt  }
0x57: {  	_ =	shalt  }
0x58: {  	_ =	shalt  }
0x59: {  	_ =	shalt  }
0x5a: {  	_ =	shalt  }
0x5b: {  	_ =	shalt  }
0x5c: {  	_ =	shalt  }
0x5d: {  	_ =	shalt  }
0x5e: {  	_ =	shalt  }
0x5f: {  	_ =	shalt  }
0x60: {  	_ =	shalt  }
0x61: {  	_ =	shalt  }
0x62: {  	_ =	shalt  }
0x63: {  	_ =	shalt  }
0x64: {  	_ =	shalt  }
0x65: {  	_ =	shalt  }
0x66: {  	_ =	shalt  }
0x67: {  	_ =	shalt  }
0x68: {  	_ =	shalt  }
0x69: {  	_ =	shalt  }
0x6a: {  	_ =	shalt  }
0x6b: {  	_ =	shalt  }
0x6c: {  	_ =	shalt  }
0x6d: {  	_ =	shalt  }
0x6e: {  	_ =	shalt  }
0x6f: {  	_ =	shalt  }
0x70: {  	_ =	shalt  }
0x71: {  	_ =	shalt  }
0x72: {  	_ =	shalt  }
0x73: {  	_ =	shalt  }
0x74: {  	_ =	shalt  }
0x75: {  	_ =	shalt  }
0x76: {  	_ =	shalt  }
0x77: {  	_ =	shalt  }
0x78: {  	_ =	shalt  }
0x79: {  	_ =	shalt  }
0x7a: {  	_ =	shalt  }
0x7b: {  	_ =	shalt  }
0x7c: {  	_ =	shalt  }
0x7d: {  	_ =	shalt  }
0x7e: {  	_ =	shalt  }
0x7f: {  	_ =	shalt  }
0x80: {  	_ =	shalt  }
0x81: {  	_ =	shalt  }
0x82: {  	_ =	shalt  }
0x83: {  	_ =	shalt  }
0x84: {  	_ =	shalt  }
0x85: {  	_ =	shalt  }
0x86: {  	_ =	shalt  }
0x87: {  	_ =	shalt  }
.Lfunc_end0:
.L_simem_size_0:
called_computation.2_lowered:
.L_overlay_start_0:
0x88: {  	s2 =	sld [smem:$0x3FD9]  }
0x89: {  	s3 =	sld [smem:$0x3FFE];
	_ =	sdelay $0x1  }
0x8a: {  	s1 =	srdreg.scid  }
0x8b: {  	s0 =	sand.u32 $0x1, s1  }
0x8c: {  	s17 =	sshll.u32 s0, $0xA;
	s2 =	sadd.s32 s3, s2  }
0x8d: {  	s2 =	sadd.s32 s2, s17  }
0x8e: {  	[smem:$0x3FC2] =	sst s2  }
0x8f: {  	_ = 	snop  }
0x90: {  	s2 =	sld [smem:$0x3FD0];
	(tm) =	ssettm $0x1  }
0x91: {  	s18 =	sld [smem:$0x3FFB];
	_ =	sdelay $0x3  }
0x92: {  	_ =	strace s18  }
0x93: {  	s3 =	sld [smem:$0x3FFC];
	_ =	sdelay $0x3  }
0x94: {  	_ =	strace s3  }
0x95: {  	s3 =	sld [smem:$0x3FFD];
	_ =	sdelay $0x3  }
0x96: {  	_ =	strace s3  }
0x97: {  	_ =	strace $0x8FFFFFFF  }
0x98: {  	s19 =	sld [smem:$0x3FDB];
	_ =	sdelay $0x1  }
0x99: {  	s4 =	simm.s32 $_scs_section_size  }
0x9a: {  	s5 =	simm.s32 $_size__tile_overlayer_lowered;
	s6 =	simm.s32 $_tile_overlayer_lowered  }
0x9b: {  	s22 =	simm.s32 $0x1BFF;
	s21 =	sshll.u32 s6, $0x1;
	s3 =	sadd.s32 s4, s19  }
0x9c: {  	s7 =	simm.s32 $0x0;
	s20 =	sshll.u32 s5, $0x1;
	s5 =	sadd.s32 s21, s3  }
0x9d: {  	[timem:s7], [sflag:s22] =	dma.local [hbm:s5], s20  }
0x9e: {  	_ =	swait.ge [sflag:s22], s20  }
0x9f: {  	s4 =	ssub.s32 $0x0, s20;
	[sflag:s22] =	ssyncset.done $0x0  }
0xa0: {  	[sflag:s22] =	ssyncadd.s32 s4;
	_ =	sdelay $0x1  }
0xa1: {  	s23 =	simm.s32 $0x1B8B  }
0xa2: {  	_ =	swait.ge [sflag:s23], $0x1  }
0xa3: {  	[sflag:s23] =	ssyncset.done $0x0  }
0xa4: {  	s25 =	simm.s32 $0x1B8E;
	s24 =	sld [smem:$0x3FFE];
	[sflag:s23] =	ssyncadd.s32 $0xFFFFFFFF  }
0xa5: {  	s26 =	simm.s32 $execute0_lowered;
	[smem:$0x3FD2] =	sst s25  }
0xa6: {  	s5 =	sshll.u32 s26, $0x1;
	_ =	strace $0x8000004C;
	[dreg:$0x1] =	wrdreg $0xFFFFFFFF  }
0xa7: {  	s28 =	simm.s32 $_size_execute0_lowered;
	s3 =	sadd.s32 s3, s5;
	[dreg:$0x0] =	wrdreg $0x0  }
0xa8: {  	s5 =	sshll.u32 s28, $0x1;
	[dreg:$0x2] =	wrdreg s3  }
0xa9: {  	[dreg:$0x3] =	wrdreg s5  }
0xaa: {  	[dreg:$0x4] =	wrdreg $0xC0  }
0xab: {  	_ =	task [dreg:s7], $0x5FFFF  }
0xac: {  	[dreg:$0x1] =	wrdreg $0xFFFFFFFF  }
0xad: {  	[dreg:$0x0] =	wrdreg $0x60  }
0xae: {  	[dreg:$0x2] =	wrdreg s2  }
0xaf: {  	[dreg:$0x3] =	wrdreg s24  }
0xb0: {  	[dreg:$0x4] =	wrdreg $0x100000  }
0xb1: {  	[dreg:$0x5] =	wrdreg $0x9  }
0xb2: {  	_ =	task.clear_ibuf [dreg:s7], $0x6FFFF;
	_ =	strace $0x9000004C  }
0xb3: {  	s29 =	simm.s32 $0x9;
	_ =	strace $0x8000004E  }
0xb4: {  	_ =	swait.ge [sflag:s29], $0x1  }
0xb5: {  	[sflag:s29] =	ssyncadd.s32 $0xFFFFFFFF  }
0xb6: {  	_ =	strace $0x9000004E  }
0xb7: {  	_ =	sfence  }
0xb8: {  	s30 =	sld [smem:$0x0];
	_ =	sdelay $0x2  }
0xb9: {  	s31 =	sshll.u32 s1, $0xD;
	s1 =	sshrl.u32 s1, $0x2  }
0xba: {  	s3 =	sand.u32 $0x4000, s31;
	s1 =	sadd.s32 s1, s30  }
0xbb: {  	s0 =	sor.u32 s3, s0;
	s1 =	sshll.u32 s1, $0x11  }
0xbc: {  	s0 =	sor.u32 s1, s0  }
0xbd: {  	s0 =	sadd.s32 $0x8F2B, s0  }
0xbe: {  	[sflag:s0] =	ssyncadd.remote.s32 $0x1  }
0xbf: {  	_ =	sfence.sel $0xFFFF  }
0xc0: {  	[dreg:$0x0] =	wrdreg $0xFFFFFFFF;
	(pc) =	sbr.abs _section_cstart, $3  }
0xc1: {  	[dreg:$0x1] =	wrdreg $0xFFFFFFFF  }
0xc2: {  	_ =	task.clear_ibuf [dreg:s7], $0x2FFFF;
	_ =	strace $0x9FFFFFFF  }
0xc3: {  	(tm) =	ssettm $0x7FFFFFFF  }
tec
execute0_lowered:
.L_overlay_start_1:
0x0: {  	(tag) =	ssettag $0x1  }
0x1: {  	s0 =	rddreg [dreg:$0x0];
	s1 =	srdreg.scid  }
0x2: {  	s10 =	stileid.u32;
	s3 =	rddreg [dreg:$0x1]  }
0x3: {  	s2 =	rddreg [dreg:$0x2];
	s6 =	simm.s32 $0x0;
	s12 =	simm.s32 $0xD800  }
0x4: {  	s13 =	simm.s32 $0x11;
	s20 =	simm.s32 $0x9800;
	s21 =	simm.s32 $0xA000  }
0x5: {  	s22 =	simm.s32 $0xA800;
	s23 =	simm.s32 $0xB000;
	s24 =	simm.s32 $0xB800  }
0x6: {  	s25 =	simm.s32 $0xC000;
	s26 =	simm.s32 $0xC800;
	s28 =	simm.s32 $0xC  }
0x7: {  	s29 =	simm.s32 $0xD;
	s30 =	simm.s32 $0xE;
	[smem:$0x7FF] =	sst s6  }
0x8: {  	s31 =	simm.s32 $0xF;
	_ =	strace $0x8000004D;
	[dreg:$0x5] =	wrdreg s20  }
0x9: {  	s1 =	sand.u32 $0x1, s1;
	s5 =	smul.u32 $0x2800, s10;
	[dreg:$0x6] =	wrdreg s21  }
0xa: {  	s9 =	sshll.u32 s10, $0x7;
	s10 =	smul.u32 $0x980, s10;
	[dreg:$0x7] =	wrdreg s22  }
0xb: {  	s14 =	sadd.s32 $0xC000, s3;
	s4 =	smul.u32 $0x28000, s1;
	[dreg:$0x8] =	wrdreg s23  }
0xc: {  	s15 =	ssub.s32 $0x2, s1;
	s16 =	sor.u32 $0x9800, s9;
	[dreg:$0x9] =	wrdreg s24  }
0xd: {  	p0 =	sne.s32 s1, $0x0;
	s20 =	simm.s32 $0x5;
	[dreg:$0xa] =	wrdreg s25  }
0xe: {  	s21 =	simm.s32 $0x6;
	s22 =	simm.s32 $0x7;
	[dreg:$0xb] =	wrdreg s26  }
0xf: {  	s23 =	simm.s32 $0x8;
	s24 =	simm.s32 $0x9;
	s25 =	simm.s32 $0xA  }
0x10: {  	s26 =	simm.s32 $0xB;
	s1 =	simm.s32 $0x10;
	s17 =	sadd.s32 s0, s16  }
0x11: {  	s8 =	sshrl.u32 s15, $0x1;
	s0 =	sadd.s32 s0, s10;
	[dreg:$0xc] =	wrdreg s17  }
0x12: {  	s18 =	sadd.s32 s14, s10;
	s4 =	sadd.s32 s5, s4;
	[dreg:$0xe] =	wrdreg s0  }
0x13: {  	s11 =	ssub.s32 s15, s8;
	s5 =	sadd.s32 s5, s2;
	[dreg:$0xf] =	wrdreg s18  }
0x14: {  	s15 =	simm.s32 $0xD000;
	s17 =	simm.s32 $0x2;
	s18 =	simm.s32 $0x3  }
0x15: {  	s0 =	simm.s32 $0x0;
	s7 =	sshrl.u32 s4, $0x3;
	s4 =	sadd.s32 $0x1600, s3  }
0x16: {  	s11 =	smax.u32 s11, $0x1;
	s3 =	sadd.s32 s7, s3;
	s7 =	sadd.s32 s14, s16  }
0x17: {  	s14 =	simm.s32 $0x80;
	[dreg:$0xd] =	wrdreg s7;
	s19 =	sadd.s32 $0x16000, s3  }
0x18: {  	v0 =	vimm.f32 $0.0e+00;
	s16 =	simm.s32 $0x1;
	[dreg:$0x10] =	wrdreg s19;
	s19 =	simm.s32 $0x4  }
.LBB2_1:
0x19: {  	s3 =	simm.s32 $0x40;
	s6 =	simm.s32 $0x0  }
.LBB2_2:
0x1a: {  	p1 =	sne.s32 s3, $0x9FC0;
	[tilespmem:s6+$0xD800] =	vst v0;
	s6 =	smov.u32 s3;
	s3 =	sadd.s32 $0x40, s3  }
.Ltmp0:
0x1b: {  	(pc) =	sbr.rel @p1 .LBB2_2-.Ltmp0, $2  }
0x1c: {  	_ =	sdelay $0x2  }
0x1d: {  	s6 =	sshra.s32 s6, $0x2  }
0x1e: {  	[tilespmem:s6+$0xD800] =	vst v0  }
0x1f: {  	[spmem:s5] =	stream.linear.scatter [tilespmem:s12], [sflag:$0x11], $0x2800, $0x38;
	[tilespmem:$0x12800] =	vst v63  }
0x20: {  	_ =	swait.ge [sflag:s13], $0x2800  }
0x21: {  	[sflag:s13] =	ssyncset.done $0x0  }
0x22: {  	s3 =	simm.s32 @p0 $0x0;
	s6 =	rddreg [dreg:$0xc];
	[sflag:s13] =	ssyncadd.s32 $0xFFFFD800  }
0x23: {  	[tilespmem:s3], [sflag:$0x11] =	stream.linear.gather @p0 [hbm4b:s6+s3], $0x400, $0x38;
	[tilespmem:$0x12800] =	vst v63  }
0x24: {  	s6 =	simm.s32 @p0 $0x11  }
0x25: {  	_ =	swait.ge @p0 [sflag:s6], $0x400  }
0x26: {  	[sflag:s6] =	ssyncset.done @p0 $0x0  }
0x27: {  	s7 =	simm.s32 @p0 $0x4C00;
	s8 =	rddreg [dreg:$0xd];
	[sflag:s6] =	ssyncadd.s32 @p0 $0xFFFFFC00  }
0x28: {  	[tilespmem:s7], [sflag:$0x11] =	stream.linear.gather @p0 [hbm4b:s8+s3], $0x400, $0x38;
	[tilespmem:$0x12800] =	vst v63  }
0x29: {  	_ =	swait.ge @p0 [sflag:s6], $0x400  }
0x2a: {  	[sflag:s6] =	ssyncset.done @p0 $0x0  }
0x2b: {  	s3 =	simm.s32 @!p0 $0x0;
	[sflag:s6] =	ssyncadd.s32 @p0 $0xFFFFFC00;
	s6 =	rddreg [dreg:$0xe]  }
0x2c: {  	[tilespmem:s3], [sflag:$0x11] =	stream.linear.gather @!p0 [hbm4b:s6+s3], $0x4C00, $0x38;
	[tilespmem:$0x12800] =	vst v63  }
0x2d: {  	s6 =	simm.s32 @!p0 $0x11  }
0x2e: {  	_ =	swait.ge @!p0 [sflag:s6], $0x4C00  }
0x2f: {  	[sflag:s6] =	ssyncset.done @!p0 $0x0  }
0x30: {  	s7 =	simm.s32 @!p0 $0x4C00;
	s8 =	rddreg [dreg:$0xf];
	[sflag:s6] =	ssyncadd.s32 @!p0 $0xFFFFB400  }
0x31: {  	[tilespmem:s7], [sflag:$0x11] =	stream.linear.gather @!p0 [hbm4b:s8+s3], $0x4C00, $0x38;
	[tilespmem:$0x12800] =	vst v63  }
0x32: {  	_ =	swait.ge @!p0 [sflag:s6], $0x4C00  }
0x33: {  	s3 =	simm.s32 @!p0 $0x13;
	[sflag:s6] =	ssyncset.done @!p0 $0x0  }
0x34: {  	s3 =	simm.s32 @p0 $0x1;
	[sflag:s6] =	ssyncadd.s32 @!p0 $0xFFFFB400  }
0x35: {  	s3 =	sshll.u32 s3, $0xC;
	[bflag:$0x0] =	sbarrier.arrive $0xFFFF  }
0x36: {  	s6 =	simm.s32 $0x380;
	[dreg:$0x4] =	wrdreg s3;
	s3 =	simm.s32 $0x0  }
.LBB2_4:
0x37: {  	p1 =	sne.s32 s3, $0x0  }
0x38: {  	s7 =	simm.s32 @p1 $0x9  }
0x39: {  	_ =	swait.ge @p1 [sflag:s7], $0x800  }
0x3a: {  	s8 =	simm.s32 @p1 $0x80;
	[sflag:s7] =	ssyncset.done @p1 $0x0  }
0x3b: {  	s9 =	simm.s32 @p1 $0x9800;
	[sflag:s7] =	ssyncadd.s32 @p1 $0xFFFFF800;
	s7 =	sshra.s32 @p1 s3, $0x2  }
0x3c: {  	[tilespmem:s9], [sflag:$0x1] =	stream.indirect.gather @p1 [hbm4b:s4+s8], $0x10, s7, s8, $0xb8;
	[tilespmem:$0x12800] =	vst v63  }
0x3d: {  	s9 =	simm.s32 @p1 $0xA  }
0x3e: {  	_ =	swait.ge @p1 [sflag:s9], $0x800  }
0x3f: {  	[sflag:s9] =	ssyncset.done @p1 $0x0  }
0x40: {  	s10 =	simm.s32 @p1 $0xA000;
	[sflag:s9] =	ssyncadd.s32 @p1 $0xFFFFF800;
	s9 =	sadd.s32 @p1 $0x80, s7  }
0x41: {  	[tilespmem:s10], [sflag:$0x2] =	stream.indirect.gather @p1 [hbm4b:s4+s8], $0x10, s9, s8, $0xb8;
	[tilespmem:$0x12800] =	vst v63  }
0x42: {  	s9 =	simm.s32 @p1 $0xB  }
0x43: {  	_ =	swait.ge @p1 [sflag:s9], $0x800  }
0x44: {  	[sflag:s9] =	ssyncset.done @p1 $0x0  }
0x45: {  	s10 =	simm.s32 @p1 $0xA800;
	[sflag:s9] =	ssyncadd.s32 @p1 $0xFFFFF800;
	s9 =	sadd.s32 @p1 $0x100, s7  }
0x46: {  	[tilespmem:s10], [sflag:$0x3] =	stream.indirect.gather @p1 [hbm4b:s4+s8], $0x10, s9, s8, $0xb8;
	[tilespmem:$0x12800] =	vst v63  }
0x47: {  	s9 =	simm.s32 @p1 $0xC  }
0x48: {  	_ =	swait.ge @p1 [sflag:s9], $0x800  }
0x49: {  	[sflag:s9] =	ssyncset.done @p1 $0x0  }
0x4a: {  	s10 =	simm.s32 @p1 $0xB000;
	[sflag:s9] =	ssyncadd.s32 @p1 $0xFFFFF800;
	s9 =	sadd.s32 @p1 $0x180, s7  }
0x4b: {  	[tilespmem:s10], [sflag:$0x4] =	stream.indirect.gather @p1 [hbm4b:s4+s8], $0x10, s9, s8, $0xb8;
	[tilespmem:$0x12800] =	vst v63  }
0x4c: {  	s9 =	simm.s32 @p1 $0xD  }
0x4d: {  	_ =	swait.ge @p1 [sflag:s9], $0x800  }
0x4e: {  	[sflag:s9] =	ssyncset.done @p1 $0x0  }
0x4f: {  	s10 =	simm.s32 @p1 $0xB800;
	[sflag:s9] =	ssyncadd.s32 @p1 $0xFFFFF800;
	s9 =	sadd.s32 @p1 $0x200, s7  }
0x50: {  	[tilespmem:s10], [sflag:$0x5] =	stream.indirect.gather @p1 [hbm4b:s4+s8], $0x10, s9, s8, $0xb8;
	[tilespmem:$0x12800] =	vst v63  }
0x51: {  	s9 =	simm.s32 @p1 $0xE  }
0x52: {  	_ =	swait.ge @p1 [sflag:s9], $0x800  }
0x53: {  	[sflag:s9] =	ssyncset.done @p1 $0x0  }
0x54: {  	s10 =	simm.s32 @p1 $0xC000;
	[sflag:s9] =	ssyncadd.s32 @p1 $0xFFFFF800;
	s9 =	sadd.s32 @p1 $0x280, s7  }
0x55: {  	[tilespmem:s10], [sflag:$0x6] =	stream.indirect.gather @p1 [hbm4b:s4+s8], $0x10, s9, s8, $0xb8;
	[tilespmem:$0x12800] =	vst v63  }
0x56: {  	s9 =	simm.s32 @p1 $0xF  }
0x57: {  	_ =	swait.ge @p1 [sflag:s9], $0x800  }
0x58: {  	[sflag:s9] =	ssyncset.done @p1 $0x0  }
0x59: {  	s7 =	sadd.s32 @p1 $0x300, s7;
	[sflag:s9] =	ssyncadd.s32 @p1 $0xFFFFF800;
	s9 =	simm.s32 @p1 $0xC800  }
0x5a: {  	[tilespmem:s9], [sflag:$0x7] =	stream.indirect.gather @p1 [hbm4b:s4+s8], $0x10, s7, s8, $0xb8;
	[tilespmem:$0x12800] =	vst v63  }
0x5b: {  	s7 =	simm.s32 @p1 $0x10  }
0x5c: {  	_ =	swait.ge @p1 [sflag:s7], $0x800  }
0x5d: {  	s8 =	simm.s32 @!p1 $0x80;
	[sflag:s7] =	ssyncset.done @p1 $0x0  }
0x5e: {  	s9 =	simm.s32 @!p1 $0x9800;
	[sflag:s7] =	ssyncadd.s32 @p1 $0xFFFFF800;
	s7 =	sshra.s32 @!p1 s3, $0x2  }
0x5f: {  	[tilespmem:s9], [sflag:$0x1] =	stream.indirect.gather @!p1 [hbm4b:s4+s8], $0x10, s7, s8, $0xb8;
	[tilespmem:$0x12800] =	vst v63  }
0x60: {  	s7 =	simm.s32 @!p1 $0xA000  }
0x61: {  	[tilespmem:s7], [sflag:$0x2] =	stream.indirect.gather @!p1 [hbm4b:s4+s8], $0x10, s8, s8, $0xb8;
	[tilespmem:$0x12800] =	vst v63  }
0x62: {  	s9 =	simm.s32 @!p1 $0xA800;
	s7 =	simm.s32 @!p1 $0x100  }
0x63: {  	[tilespmem:s9], [sflag:$0x3] =	stream.indirect.gather @!p1 [hbm4b:s4+s8], $0x10, s7, s8, $0xb8;
	[tilespmem:$0x12800] =	vst v63  }
0x64: {  	s7 =	simm.s32 @!p1 $0x180;
	s9 =	simm.s32 @!p1 $0xB000  }
0x65: {  	[tilespmem:s9], [sflag:$0x4] =	stream.indirect.gather @!p1 [hbm4b:s4+s8], $0x10, s7, s8, $0xb8;
	[tilespmem:$0x12800] =	vst v63  }
0x66: {  	s7 =	simm.s32 @!p1 $0x200;
	s9 =	simm.s32 @!p1 $0xB800  }
0x67: {  	[tilespmem:s9], [sflag:$0x5] =	stream.indirect.gather @!p1 [hbm4b:s4+s8], $0x10, s7, s8, $0xb8;
	[tilespmem:$0x12800] =	vst v63  }
0x68: {  	s7 =	simm.s32 @!p1 $0x280;
	s9 =	simm.s32 @!p1 $0xC000  }
0x69: {  	[tilespmem:s9], [sflag:$0x6] =	stream.indirect.gather @!p1 [hbm4b:s4+s8], $0x10, s7, s8, $0xb8;
	[tilespmem:$0x12800] =	vst v63  }
0x6a: {  	s7 =	simm.s32 @!p1 $0x300;
	s9 =	simm.s32 @!p1 $0xC800  }
0x6b: {  	[tilespmem:s9], [sflag:$0x7] =	stream.indirect.gather @!p1 [hbm4b:s4+s8], $0x10, s7, s8, $0xb8;
	[tilespmem:$0x12800] =	vst v63  }
0x6c: {  	s7 =	smov.u32 s6  }
0x6d: {  	s7 =	simm.s32 @!p1 $0x380  }
0x6e: {  	[tilespmem:s15], [sflag:$0x8] =	stream.indirect.gather [hbm4b:s4+s14], $0x10, s7, s14, $0xb8;
	[tilespmem:$0x12800] =	vst v63  }
0x6f: {  	_ =	swait.ge [sflag:s16], $0x800  }
0x70: {  	s10 =	sshra.s32 s3, $0x2;
	[sflag:s16] =	ssyncset.done $0x0  }
0x71: {  	s9 =	sadd.s32 $0x4C00, s10;
	s8 =	rddreg [dreg:$0x5];
	[sflag:s16] =	ssyncadd.s32 $0xFFFFF800  }
0x72: {  	[spmem:s2] =	stream.indirect.scatter.add.f32 [tilespmem:s8], [sflag:$0x9], $0x10, s9, s14, $0xb8;
	[tilespmem:$0x12800] =	vst v63  }
0x73: {  	s8 =	sadd.s32 @p1 $0xFFFFFD00, s6;
	_ =	swait.ge [sflag:s17], $0x800  }
0x74: {  	s8 =	simm.s32 @!p1 $0x80;
	[sflag:s17] =	ssyncset.done $0x0  }
0x75: {  	s10 =	rddreg [dreg:$0x6];
	s8 =	sadd.s32 $0x4C00, s8;
	[sflag:s17] =	ssyncadd.s32 $0xFFFFF800  }
0x76: {  	[spmem:s2] =	stream.indirect.scatter.add.f32 [tilespmem:s10], [sflag:$0xA], $0x10, s8, s14, $0xb8;
	[tilespmem:$0x12800] =	vst v63  }
0x77: {  	s8 =	sadd.s32 @p1 $0xFFFFFD80, s6;
	_ =	swait.ge [sflag:s18], $0x800  }
0x78: {  	s8 =	simm.s32 @!p1 $0x100;
	[sflag:s18] =	ssyncset.done $0x0  }
0x79: {  	s10 =	rddreg [dreg:$0x7];
	s8 =	sadd.s32 $0x4C00, s8;
	[sflag:s18] =	ssyncadd.s32 $0xFFFFF800  }
0x7a: {  	[spmem:s2] =	stream.indirect.scatter.add.f32 [tilespmem:s10], [sflag:$0xB], $0x10, s8, s14, $0xb8;
	[tilespmem:$0x12800] =	vst v63  }
0x7b: {  	s8 =	sadd.s32 @p1 $0xFFFFFE00, s6;
	_ =	swait.ge [sflag:s19], $0x800  }
0x7c: {  	s8 =	simm.s32 @!p1 $0x180;
	[sflag:s19] =	ssyncset.done $0x0  }
0x7d: {  	s10 =	rddreg [dreg:$0x8];
	s8 =	sadd.s32 $0x4C00, s8;
	[sflag:s19] =	ssyncadd.s32 $0xFFFFF800  }
0x7e: {  	[spmem:s2] =	stream.indirect.scatter.add.f32 [tilespmem:s10], [sflag:$0xC], $0x10, s8, s14, $0xb8;
	[tilespmem:$0x12800] =	vst v63  }
0x7f: {  	s8 =	sadd.s32 @p1 $0xFFFFFE80, s6;
	_ =	swait.ge [sflag:s20], $0x800  }
0x80: {  	s8 =	simm.s32 @!p1 $0x200;
	[sflag:s20] =	ssyncset.done $0x0  }
0x81: {  	s10 =	rddreg [dreg:$0x9];
	s8 =	sadd.s32 $0x4C00, s8;
	[sflag:s20] =	ssyncadd.s32 $0xFFFFF800  }
0x82: {  	[spmem:s2] =	stream.indirect.scatter.add.f32 [tilespmem:s10], [sflag:$0xD], $0x10, s8, s14, $0xb8;
	[tilespmem:$0x12800] =	vst v63  }
0x83: {  	s8 =	sadd.s32 @p1 $0xFFFFFF00, s6;
	_ =	swait.ge [sflag:s21], $0x800  }
0x84: {  	s8 =	simm.s32 @!p1 $0x280;
	[sflag:s21] =	ssyncset.done $0x0  }
0x85: {  	s10 =	rddreg [dreg:$0xa];
	s8 =	sadd.s32 $0x4C00, s8;
	[sflag:s21] =	ssyncadd.s32 $0xFFFFF800  }
0x86: {  	[spmem:s2] =	stream.indirect.scatter.add.f32 [tilespmem:s10], [sflag:$0xE], $0x10, s8, s14, $0xb8;
	[tilespmem:$0x12800] =	vst v63  }
0x87: {  	s8 =	sadd.s32 @p1 $0xFFFFFF80, s6;
	_ =	swait.ge [sflag:s22], $0x800  }
0x88: {  	s8 =	simm.s32 @!p1 $0x300;
	[sflag:s22] =	ssyncset.done $0x0  }
0x89: {  	s10 =	rddreg [dreg:$0xb];
	s8 =	sadd.s32 $0x4C00, s8;
	[sflag:s22] =	ssyncadd.s32 $0xFFFFF800  }
0x8a: {  	[spmem:s2] =	stream.indirect.scatter.add.f32 [tilespmem:s10], [sflag:$0xF], $0x10, s8, s14, $0xb8;
	[tilespmem:$0x12800] =	vst v63  }
0x8b: {  	_ =	swait.ge [sflag:s23], $0x800  }
0x8c: {  	s3 =	sadd.s32 $0x1000, s3;
	s10 =	rddreg [dreg:$0x4]  }
0x8d: {  	p1 =	sne.s32 s10, s3  }
.Ltmp1:
0x8e: {  	_ = 	snop;
	(pc) =	sbr.rel @p1 .LBB2_4-.Ltmp1, $4  }
0x8f: {  	_ = 	snop  }
0x90: {  	[sflag:s23] =	ssyncset.done $0x0  }
0x91: {  	s7 =	sadd.s32 $0x4C00, s7;
	s6 =	sadd.s32 $0x400, s6;
	[sflag:s23] =	ssyncadd.s32 $0xFFFFF800  }
0x92: {  	[spmem:s2] =	stream.indirect.scatter.add.f32 [tilespmem:s15], [sflag:$0x10], $0x10, s7, s14, $0xb8;
	[tilespmem:$0x12800] =	vst v63  }
0x93: {  	_ =	swait.ge [sflag:s24], $0x800  }
0x94: {  	[sflag:s24] =	ssyncset.done $0x0  }
0x95: {  	[sflag:s24] =	ssyncadd.s32 $0xFFFFF800  }
0x96: {  	_ =	swait.ge [sflag:s25], $0x800  }
0x97: {  	[sflag:s25] =	ssyncset.done $0x0  }
0x98: {  	[sflag:s25] =	ssyncadd.s32 $0xFFFFF800  }
0x99: {  	_ =	swait.ge [sflag:s26], $0x800  }
0x9a: {  	[sflag:s26] =	ssyncset.done $0x0  }
0x9b: {  	[sflag:s26] =	ssyncadd.s32 $0xFFFFF800  }
0x9c: {  	_ =	swait.ge [sflag:s28], $0x800  }
0x9d: {  	[sflag:s28] =	ssyncset.done $0x0  }
0x9e: {  	[sflag:s28] =	ssyncadd.s32 $0xFFFFF800  }
0x9f: {  	_ =	swait.ge [sflag:s29], $0x800  }
0xa0: {  	[sflag:s29] =	ssyncset.done $0x0  }
0xa1: {  	[sflag:s29] =	ssyncadd.s32 $0xFFFFF800  }
0xa2: {  	_ =	swait.ge [sflag:s30], $0x800  }
0xa3: {  	[sflag:s30] =	ssyncset.done $0x0  }
0xa4: {  	[sflag:s30] =	ssyncadd.s32 $0xFFFFF800  }
0xa5: {  	_ =	swait.ge [sflag:s31], $0x800  }
0xa6: {  	[sflag:s31] =	ssyncset.done $0x0  }
0xa7: {  	[sflag:s31] =	ssyncadd.s32 $0xFFFFF800  }
0xa8: {  	_ =	swait.ge [sflag:s1], $0x800  }
0xa9: {  	[sflag:s1] =	ssyncset.done $0x0  }
0xaa: {  	[sflag:s1] =	ssyncadd.s32 $0xFFFFF800  }
0xab: {  	[bflag:$0x0] =	sbarrier.arrive $0xFFFF  }
0xac: {  	[tilespmem:s12], [sflag:$0x11] =	stream.linear.gather [spmem:s5], $0x2800, $0x38;
	[tilespmem:$0x12800] =	vst v63  }
0xad: {  	s0 =	sadd.s32 $0x1, s0;
	_ =	swait.ge [sflag:s13], $0x2800  }
0xae: {  	s3 =	simm.s32 $0x0;
	p1 =	sne.s32 s0, s11;
	[sflag:s13] =	ssyncset.done $0x0  }
.Ltmp2:
0xaf: {  	s6 =	rddreg [dreg:$0x10];
	[sflag:s13] =	ssyncadd.s32 $0xFFFFD800;
	(pc) =	sbr.rel @p1 .LBB2_1-.Ltmp2, $4  }
0xb0: {  	[hbm4b:s6+s3] =	stream.linear.scatter [tilespmem:s12], [sflag:$0x11], $0x2800, $0x38;
	[tilespmem:$0x12800] =	vst v63  }
0xb1: {  	_ =	swait.ge [sflag:s13], $0x2800  }
0xb2: {  	[sflag:s13] =	ssyncset.done $0x0  }
0xb3: {  	[sflag:s13] =	ssyncadd.s32 $0xFFFFD800  }
0xb4: {  	_ =	sfence.sel $0x180000  }
0xb5: {  	[bflag:$0x0] =	sbarrier.arrive $0xFFFF  }
0xb6: {  	_ =	strace $0x9000004D  }
0xb7: {  	s0 =	stileid.u32;
	[bflag:$0x2] =	sbarrier.arrive $0xFFFF  }
0xb8: {  	p0 =	sne.s32 s0, $0x0;
	s0 =	rddreg [dreg:$0x3]  }
0xb9: {  	s0 =	sadd.s32 @!p0 $0x100000, s0  }
0xba: {  	[sflag:s0] =	ssyncadd.tile.s32 @!p0 $0x1;
	_ =	shalt  }
.Lfunc_end2:
_tile_overlayer_lowered:
.L_overlay_start_2:
0xbb: {  	(tag) =	ssettag $0x2  }
0xbc: {  	s0 =	rddreg [dreg:$0x0];
	s2 =	stileid.u32  }
0xbd: {  	s1 =	rddreg [dreg:$0x1];
	p0 =	sne.s32 s2, $0x0  }
0xbe: {  	s3 =	rddreg [dreg:$0x2];
	[bflag:$0x3] =	sbarrier.arrive $0xFFFF;
	s2 =	simm.s32 @!p0 $0x1C11  }
0xbf: {  	[timem:s3], [sflag:s2] =	dma.local @!p0 [hbm:s0], s1  }
0xc0: {  	s0 =	simm.s32 @!p0 $0x11  }
0xc1: {  	_ =	swait.ge @!p0 [sflag:s0], s1  }
0xc2: {  	s1 =	ssub.s32 @!p0 $0x0, s1;
	[sflag:s0] =	ssyncset.done @!p0 $0x0  }
0xc3: {  	[sflag:s0] =	ssyncadd.s32 @!p0 s1  }
0xc4: {  	[bflag:$0x3] =	sbarrier.arrive $0xFFFF  }
0xc5: {  	_ =	shalt  }

// kernel: kernel.8.cloned.1.call-start
scs
__scs_entry_jumppad:
0x0: {  	(pc) =	sbr.rel $0x88, $3  }
0x1: {  	(tag) =	ssettag $0x0;
	lr =	simm.s32 $0x1  }
0x2: {  	[smem:$0x3F9B] =	sst lr;
	_ =	strace $0xD0000000  }
0x3: {  	_ = 	snop  }
0x4: {  	_ = 	snop  }
0x5: {  	_ = 	snop  }
0x6: {  	_ = 	snop  }
0x7: {  	_ = 	snop  }
__scs_overlays_trampoline_lowered:
0x8: {  	[smem:$0x3FAA] =	sst s0  }
0x9: {  	[smem:$0x3FAB] =	sst s1  }
0xa: {  	[smem:$0x3FAC] =	sst s2  }
0xb: {  	[smem:$0x3FAD] =	sst s3  }
0xc: {  	[smem:$0x3FAE] =	sst s4  }
0xd: {  	[smem:$0x3FAF] =	sst s5  }
0xe: {  	[smem:$0x3FB0] =	sst s6  }
0xf: {  	[smem:$0x3FB1] =	sst s7  }
0x10: {  	[smem:$0x3FB2] =	sst s8  }
0x11: {  	[smem:$0x3FB3] =	sst s9;
	s0 =	simm.s32 @!p0 $0x0  }
0x12: {  	s1 =	sld [smem:$0x3F99];
	s0 =	simm.s32 @p0 $0x1  }
0x13: {  	[smem:$0x3FB4] =	sst s0;
	s0 =	simm.s32 @!p1 $0x0  }
0x14: {  	s2 =	sld [smem:$0x3F98];
	s0 =	simm.s32 @p1 $0x1  }
0x15: {  	[smem:$0x3FB5] =	sst s0;
	s0 =	simm.s32 @!p2 $0x0  }
0x16: {  	s3 =	sld [smem:$0x3FDB];
	s0 =	simm.s32 @p2 $0x1  }
0x17: {  	s4 =	simm.s32 $0x1BF5;
	[smem:$0x3FB7] =	sst s0  }
0x18: {  	s0 =	sld [smem:$0x3F9A];
	_ =	swait.ge [sflag:s4], $0x0  }
0x19: {  	s7 =	sld [smem:$0x3F9B]  }
0x1a: {  	s8 =	sadd.s32 $0xFFFFE003, lr  }
0x1b: {  	s9 =	sadd.s32 $0xFFFFFEF7, lr;
	s5 =	simm.s32 $0xFFFFFFFF;
	p2 =	slt.u32 s8, $0xFFFFF086  }
0x1c: {  	p1 =	slt.u32 s9, $0xF7A;
	s5 =	simm.s32 @!p2 $0x0  }
0x1d: {  	s5 =	simm.s32 @p1 $0x1;
	p0 =	seq.s32 s7, s2  }
0x1e: {  	s7 =	smul.u32 @!p0 $0xF7A, s2;
	p2 =	seq.s32 @!p0 s5, $0x0  }
0x1f: {  	s9 =	smul.u32 $0xF7A, s1;
	s8 =	simm.s32 @!p0 $0x1BF5;
	p2 =	por !p2, p0  }
0x20: {  	[sflag:s8] =	ssyncset.s32 @!p0 $0xFFFFF086;
	s6 =	sadd.s32 @!p0 s3, s7;
	s7 =	simm.s32 @!p0 $0x108  }
0x21: {  	s3 =	sadd.s32 s3, s9;
	s6 =	sadd.s32 @!p0 $0x88, s6;
	s7 =	simm.s32 @p2 $0x1082  }
0x22: {  	[simem:s7], [sflag:s8] =	dma.local @!p0 [hbm:s6], $0xF7A  }
0x23: {  	s9 =	sor.u32 $0xD0000000, s2;
	s6 =	simm.s32 $0x108;
	_ =	swait.ge @!p0 [sflag:s8], $0x0  }
0x24: {  	s3 =	sadd.s32 $0x88, s3;
	s6 =	simm.s32 @!p1 $0x1082;
	[sflag:s4] =	ssyncset.s32 $0xFFFFF086  }
0x25: {  	[simem:s6], [sflag:s4] =	dma.local [hbm:s3], $0xF7A  }
0x26: {  	[smem:$0x3F9B] =	sst s1;
	(tag) =	ssettag s2;
	_ =	strace s9  }
0x27: {  	s1 =	sld [smem:$0x3FAB]  }
0x28: {  	s2 =	sld [smem:$0x3FAC]  }
0x29: {  	s4 =	sld [smem:$0x3FAE]  }
0x2a: {  	p0 =	seq.s32 s5, $0x0;
	s5 =	sld [smem:$0x3FAF]  }
0x2b: {  	s6 =	sld [smem:$0x3FB0]  }
0x2c: {  	s7 =	sld [smem:$0x3FB1]  }
0x2d: {  	s3 =	simm.s32 $0x108;
	s8 =	sld [smem:$0x3FB2]  }
0x2e: {  	s3 =	simm.s32 @!p0 $0x1082;
	s9 =	sld [smem:$0x3FB3]  }
0x2f: {  	lr =	sadd.s32 s0, s3;
	s0 =	sld [smem:$0x3FAA]  }
0x30: {  	s3 =	sld [smem:$0x3FAD]  }
0x31: {  	[smem:$0x3FB6] =	sst s10  }
0x32: {  	s10 =	sld [smem:$0x3FB4];
	_ =	sdelay $0x3  }
0x33: {  	p0 =	seq.s32 s10, $0x1;
	s10 =	sld [smem:$0x3FB6];
	_ =	sdelay $0x3  }
0x34: {  	[smem:$0x3FB6] =	sst s10  }
0x35: {  	s10 =	sld [smem:$0x3FB5];
	_ =	sdelay $0x3  }
0x36: {  	p1 =	seq.s32 s10, $0x1;
	s10 =	sld [smem:$0x3FB6];
	_ =	sdelay $0x3  }
0x37: {  	[smem:$0x3FB6] =	sst s10  }
0x38: {  	s10 =	sld [smem:$0x3FB7]  }
0x39: {  	_ = 	snop;
	(pc) =	sbr.ind lr, $3  }
0x3a: {  	_ = 	snop  }
0x3b: {  	_ = 	snop  }
0x3c: {  	p2 =	seq.s32 s10, $0x1;
	s10 =	sld [smem:$0x3FB6]  }
0x3d: {  	_ =	shalt  }
0x3e: {  	_ =	shalt  }
0x3f: {  	_ =	shalt  }
0x40: {  	_ =	shalt  }
0x41: {  	_ =	shalt  }
0x42: {  	_ =	shalt  }
0x43: {  	_ =	shalt  }
0x44: {  	_ =	shalt  }
0x45: {  	_ =	shalt  }
0x46: {  	_ =	shalt  }
0x47: {  	_ =	shalt  }
0x48: {  	_ =	shalt  }
0x49: {  	_ =	shalt  }
0x4a: {  	_ =	shalt  }
0x4b: {  	_ =	shalt  }
0x4c: {  	_ =	shalt  }
0x4d: {  	_ =	shalt  }
0x4e: {  	_ =	shalt  }
0x4f: {  	_ =	shalt  }
0x50: {  	_ =	shalt  }
0x51: {  	_ =	shalt  }
0x52: {  	_ =	shalt  }
0x53: {  	_ =	shalt  }
0x54: {  	_ =	shalt  }
0x55: {  	_ =	shalt  }
0x56: {  	_ =	shalt  }
0x57: {  	_ =	shalt  }
0x58: {  	_ =	shalt  }
0x59: {  	_ =	shalt  }
0x5a: {  	_ =	shalt  }
0x5b: {  	_ =	shalt  }
0x5c: {  	_ =	shalt  }
0x5d: {  	_ =	shalt  }
0x5e: {  	_ =	shalt  }
0x5f: {  	_ =	shalt  }
0x60: {  	_ =	shalt  }
0x61: {  	_ =	shalt  }
0x62: {  	_ =	shalt  }
0x63: {  	_ =	shalt  }
0x64: {  	_ =	shalt  }
0x65: {  	_ =	shalt  }
0x66: {  	_ =	shalt  }
0x67: {  	_ =	shalt  }
0x68: {  	_ =	shalt  }
0x69: {  	_ =	shalt  }
0x6a: {  	_ =	shalt  }
0x6b: {  	_ =	shalt  }
0x6c: {  	_ =	shalt  }
0x6d: {  	_ =	shalt  }
0x6e: {  	_ =	shalt  }
0x6f: {  	_ =	shalt  }
0x70: {  	_ =	shalt  }
0x71: {  	_ =	shalt  }
0x72: {  	_ =	shalt  }
0x73: {  	_ =	shalt  }
0x74: {  	_ =	shalt  }
0x75: {  	_ =	shalt  }
0x76: {  	_ =	shalt  }
0x77: {  	_ =	shalt  }
0x78: {  	_ =	shalt  }
0x79: {  	_ =	shalt  }
0x7a: {  	_ =	shalt  }
0x7b: {  	_ =	shalt  }
0x7c: {  	_ =	shalt  }
0x7d: {  	_ =	shalt  }
0x7e: {  	_ =	shalt  }
0x7f: {  	_ =	shalt  }
0x80: {  	_ =	shalt  }
0x81: {  	_ =	shalt  }
0x82: {  	_ =	shalt  }
0x83: {  	_ =	shalt  }
0x84: {  	_ =	shalt  }
0x85: {  	_ =	shalt  }
0x86: {  	_ =	shalt  }
0x87: {  	_ =	shalt  }
.Lfunc_end0:
.L_simem_size_0:
called_computation_lowered:
.L_overlay_start_0:
0x88: {  	s2 =	sld [smem:$0x3FD9]  }
0x89: {  	s3 =	sld [smem:$0x3FFE];
	_ =	sdelay $0x1  }
0x8a: {  	s1 =	srdreg.scid  }
0x8b: {  	s0 =	sand.u32 $0x1, s1  }
0x8c: {  	s16 =	sshll.u32 s0, $0xA;
	s2 =	sadd.s32 s3, s2  }
0x8d: {  	s2 =	sadd.s32 s2, s16  }
0x8e: {  	[smem:$0x3FC2] =	sst s2  }
0x8f: {  	_ = 	snop  }
0x90: {  	(tm) =	ssettm $0x1  }
0x91: {  	s17 =	sld [smem:$0x3FFB];
	_ =	sdelay $0x3  }
0x92: {  	_ =	strace s17  }
0x93: {  	s2 =	sld [smem:$0x3FFC];
	_ =	sdelay $0x3  }
0x94: {  	_ =	strace s2  }
0x95: {  	s2 =	sld [smem:$0x3FFD];
	_ =	sdelay $0x3  }
0x96: {  	_ =	strace s2  }
0x97: {  	_ =	strace $0x8FFFFFFF  }
0x98: {  	s18 =	sld [smem:$0x3FDB];
	_ =	sdelay $0x1  }
0x99: {  	s19 =	simm.s32 $_scs_section_size  }
0x9a: {  	s4 =	simm.s32 $_size__tile_overlayer_lowered;
	s5 =	simm.s32 $_tile_overlayer_lowered  }
0x9b: {  	s22 =	simm.s32 $0x1BFF;
	s21 =	sshll.u32 s5, $0x1;
	s2 =	sadd.s32 s19, s18  }
0x9c: {  	s6 =	simm.s32 $0x0;
	s20 =	sshll.u32 s4, $0x1;
	s4 =	sadd.s32 s21, s2  }
0x9d: {  	[timem:s6], [sflag:s22] =	dma.local [hbm:s4], s20  }
0x9e: {  	_ =	swait.ge [sflag:s22], s20  }
0x9f: {  	s3 =	ssub.s32 $0x0, s20;
	[sflag:s22] =	ssyncset.done $0x0  }
0xa0: {  	[sflag:s22] =	ssyncadd.s32 s3;
	_ =	sdelay $0x1  }
0xa1: {  	s23 =	simm.s32 $0x1B8B  }
0xa2: {  	_ =	swait.ge [sflag:s23], $0x1  }
0xa3: {  	[sflag:s23] =	ssyncset.done $0x0  }
0xa4: {  	s25 =	simm.s32 $0x1B8E;
	s24 =	sld [smem:$0x3FFE];
	[sflag:s23] =	ssyncadd.s32 $0xFFFFFFFF  }
0xa5: {  	s26 =	simm.s32 $execute0_lowered;
	[smem:$0x3FD2] =	sst s25  }
0xa6: {  	s4 =	sshll.u32 s26, $0x1;
	_ =	strace $0x80000046;
	[dreg:$0x1] =	wrdreg $0xFFFFFFFF  }
0xa7: {  	s28 =	simm.s32 $_size_execute0_lowered;
	s2 =	sadd.s32 s2, s4;
	[dreg:$0x0] =	wrdreg $0x0  }
0xa8: {  	s4 =	sshll.u32 s28, $0x1;
	[dreg:$0x2] =	wrdreg s2  }
0xa9: {  	[dreg:$0x3] =	wrdreg s4  }
0xaa: {  	[dreg:$0x4] =	wrdreg $0xC0  }
0xab: {  	_ =	task [dreg:s6], $0x5FFFF  }
0xac: {  	[dreg:$0x1] =	wrdreg $0xFFFFFFFF  }
0xad: {  	[dreg:$0x0] =	wrdreg $0x60  }
0xae: {  	[dreg:$0x2] =	wrdreg s24  }
0xaf: {  	[dreg:$0x3] =	wrdreg $0x2B000  }
0xb0: {  	[dreg:$0x4] =	wrdreg $0x9  }
0xb1: {  	_ =	task.clear_ibuf [dreg:s6], $0x5FFFF;
	_ =	strace $0x90000046  }
0xb2: {  	s29 =	simm.s32 $0x9;
	_ =	strace $0x80000048  }
0xb3: {  	_ =	swait.ge [sflag:s29], $0x1  }
0xb4: {  	[sflag:s29] =	ssyncadd.s32 $0xFFFFFFFF  }
0xb5: {  	_ =	strace $0x90000048  }
0xb6: {  	_ =	sfence  }
0xb7: {  	s30 =	sld [smem:$0x0];
	_ =	sdelay $0x2  }
0xb8: {  	s31 =	sshll.u32 s1, $0xD;
	s1 =	sshrl.u32 s1, $0x2  }
0xb9: {  	s3 =	sand.u32 $0x4000, s31;
	s1 =	sadd.s32 s1, s30  }
0xba: {  	s0 =	sor.u32 s3, s0;
	s1 =	sshll.u32 s1, $0x11  }
0xbb: {  	s0 =	sor.u32 s1, s0  }
0xbc: {  	s0 =	sadd.s32 $0x8F2B, s0  }
0xbd: {  	[sflag:s0] =	ssyncadd.remote.s32 $0x1  }
0xbe: {  	_ =	sfence.sel $0xFFFF  }
0xbf: {  	[dreg:$0x0] =	wrdreg $0xFFFFFFFF;
	(pc) =	sbr.abs _section_cstart, $3  }
0xc0: {  	[dreg:$0x1] =	wrdreg $0xFFFFFFFF  }
0xc1: {  	_ =	task.clear_ibuf [dreg:s6], $0x2FFFF;
	_ =	strace $0x9FFFFFFF  }
0xc2: {  	(tm) =	ssettm $0x7FFFFFFF  }
0xc3: {  	_ =	shalt  }
tec
execute0_lowered:
.L_overlay_start_1:
0x0: {  	(tag) =	ssettag $0x1  }
0x1: {  	s5 =	rddreg [dreg:$0x0]  }
0x2: {  	s0 =	srdreg.scid;
	s2 =	rddreg [dreg:$0x1]  }
0x3: {  	s3 =	simm.s32 $0x0;
	s10 =	simm.s32 $0x80;
	s11 =	simm.s32 $0x2800  }
0x4: {  	s12 =	simm.s32 $0x100;
	s4 =	sand.u32 $0x1, s0;
	s0 =	stileid.u32  }
0x5: {  	s13 =	simm.s32 $0x0;
	[smem:$0x7FF] =	sst s3;
	s7 =	smul.u32 $0x500, s0  }
0x6: {  	s1 =	sshll.u32 s4, $0x4;
	s8 =	sshll.u32 s4, $0x7;
	s9 =	smul.u32 $0xA00, s0  }
0x7: {  	s4 =	ssub.s32 $0x2, s4;
	s6 =	sor.u32 s0, s1;
	s1 =	rddreg [dreg:$0x2]  }
0x8: {  	_ =	strace $0x80000047;
	s31 =	sshrl.u32 s4, $0x1;
	s6 =	smul.u32 $0x500, s6  }
0x9: {  	s7 =	sor.u32 s8, s7;
	s9 =	sshrl.u32 s9, $0x2;
	s8 =	ssub.s32 s4, s31  }
0xa: {  	s7 =	sshrl.u32 s7, $0x3;
	s4 =	sadd.s32 s9, s2;
	s6 =	sadd.s32 s6, s5  }
0xb: {  	s9 =	simm.s32 $0x1;
	s7 =	sadd.s32 s7, s5;
	s5 =	sadd.s32 $0x1600, s6  }
0xc: {  	v0 =	vimm.f32 $1.000000000e+00;
	v1 =	vimm.f32 $0.0e+00;
	s6 =	sadd.s32 $0xB600, s7;
	s7 =	smax.u32 s8, $0x1;
	s8 =	simm.s32 $0x2880  }
.LBB2_1:
0xd: {  	[tilespmem:$0x2800] =	vst v0  }
0xe: {  	[tilespmem:$0x2810] =	vst v0  }
0xf: {  	[tilespmem:$0x2820] =	vst v0  }
0x10: {  	[tilespmem:$0x2830] =	vst v0  }
0x11: {  	[tilespmem:$0x2840] =	vst v0  }
0x12: {  	[tilespmem:$0x2850] =	vst v0  }
0x13: {  	[tilespmem:$0x2860] =	vst v0  }
0x14: {  	[tilespmem:$0x2870] =	vst v0  }
0x15: {  	[tilespmem:$0x2880] =	vst v1  }
0x16: {  	[tilespmem:$0x2890] =	vst v1  }
0x17: {  	[tilespmem:$0x28A0] =	vst v1  }
0x18: {  	[tilespmem:$0x28B0] =	vst v1  }
0x19: {  	[tilespmem:$0x28C0] =	vst v1  }
0x1a: {  	[tilespmem:$0x28D0] =	vst v1  }
0x1b: {  	[tilespmem:$0x28E0] =	vst v1  }
0x1c: {  	[tilespmem:$0x28F0] =	vst v1  }
0x1d: {  	[tilespmem:$0x2900] =	vst v1  }
0x1e: {  	[tilespmem:$0x2910] =	vst v1  }
0x1f: {  	[tilespmem:$0x2920] =	vst v1  }
0x20: {  	[tilespmem:$0x2930] =	vst v1  }
0x21: {  	[tilespmem:$0x2940] =	vst v1  }
0x22: {  	[tilespmem:$0x2950] =	vst v1  }
0x23: {  	[tilespmem:$0x2960] =	vst v1  }
0x24: {  	[tilespmem:$0x2970] =	vst v1  }
0x25: {  	[tilespmem:$0x2980] =	vst v1  }
0x26: {  	[tilespmem:$0x2990] =	vst v1  }
0x27: {  	[tilespmem:$0x29A0] =	vst v1  }
0x28: {  	[tilespmem:$0x29B0] =	vst v1  }
0x29: {  	[tilespmem:$0x29C0] =	vst v1  }
0x2a: {  	[tilespmem:$0x29D0] =	vst v1  }
0x2b: {  	[tilespmem:$0x29E0] =	vst v1  }
0x2c: {  	[tilespmem:$0x29F0] =	vst v1  }
0x2d: {  	[tilespmem:$0x2A00] =	vst v1  }
0x2e: {  	[tilespmem:$0x2A10] =	vst v1  }
0x2f: {  	[tilespmem:$0x2A20] =	vst v1  }
0x30: {  	[tilespmem:$0x2A30] =	vst v1  }
0x31: {  	[tilespmem:$0x2A40] =	vst v1  }
0x32: {  	[tilespmem:$0x2A50] =	vst v1  }
0x33: {  	[tilespmem:$0x2A60] =	vst v1  }
0x34: {  	[tilespmem:$0x2A70] =	vst v1  }
0x35: {  	[tilespmem:$0x2A80] =	vst v1  }
0x36: {  	[tilespmem:$0x2A90] =	vst v1  }
0x37: {  	[tilespmem:$0x2AA0] =	vst v1  }
0x38: {  	[tilespmem:$0x2AB0] =	vst v1  }
0x39: {  	[tilespmem:$0x2AC0] =	vst v1  }
0x3a: {  	[tilespmem:$0x2AD0] =	vst v1  }
0x3b: {  	[tilespmem:$0x2AE0] =	vst v1  }
0x3c: {  	[tilespmem:$0x2AF0] =	vst v1  }
0x3d: {  	[spmem:s4] =	stream.linear.scatter [tilespmem:s8], [sflag:$0x1], $0x280, $0x38;
	[tilespmem:$0x2D80] =	vst v63  }
0x3e: {  	_ =	swait.ge [sflag:s9], $0x280  }
0x3f: {  	[sflag:s9] =	ssyncset.done $0x0  }
0x40: {  	[sflag:s9] =	ssyncadd.s32 $0xFFFFFD80  }
0x41: {  	[tilespmem:s3], [sflag:$0x1] =	stream.linear.gather [hbm4b:s5+s3], $0x2800, $0x38;
	[tilespmem:$0x2D80] =	vst v63  }
0x42: {  	_ =	swait.ge [sflag:s9], $0x2800  }
0x43: {  	[sflag:s9] =	ssyncset.done $0x0  }
0x44: {  	[sflag:s9] =	ssyncadd.s32 $0xFFFFD800  }
0x45: {  	s14 =	simm.s32 $0x0;
	[bflag:$0x0] =	sbarrier.arrive $0xFFFF  }
0x46: {  	[spmem:s2] =	stream.indirect.scatter.add.f32 [tilespmem:s11], [sflag:$0x1], $0x1, s14, s10, $0xb8;
	[tilespmem:$0x2D80] =	vst v63  }
0x47: {  	_ =	swait.ge [sflag:s9], $0x80  }
0x48: {  	s14 =	simm.s32 $0x200;
	[sflag:s9] =	ssyncset.done $0x0  }
.LBB2_2:
0x49: {  	s15 =	sshra.s32 s14, $0x2;
	[sflag:s9] =	ssyncadd.s32 $0xFFFFFF80;
	p0 =	sne.s32 s14, $0x9E00  }
0x4a: {  	[spmem:s2] =	stream.indirect.scatter.add.f32 [tilespmem:s11], [sflag:$0x1], $0x1, s15, s10, $0xb8;
	[tilespmem:$0x2D80] =	vst v63  }
.Ltmp0:
0x4b: {  	_ = 	snop;
	(pc) =	sbr.rel @p0 .LBB2_2-.Ltmp0, $4  }
0x4c: {  	_ = 	snop  }
0x4d: {  	s14 =	sadd.s32 $0x200, s14  }
0x4e: {  	_ =	swait.ge [sflag:s9], $0x80  }
0x4f: {  	[sflag:s9] =	ssyncset.done $0x0  }
0x50: {  	[sflag:s9] =	ssyncadd.s32 $0xFFFFFF80  }
0x51: {  	[bflag:$0x0] =	sbarrier.arrive $0xFFFF  }
0x52: {  	[tilespmem:s8], [sflag:$0x1] =	stream.linear.gather [spmem:s4], $0x280, $0x38;
	[tilespmem:$0x2D80] =	vst v63  }
0x53: {  	s13 =	sadd.s32 $0x1, s13;
	_ =	swait.ge [sflag:s9], $0x280  }
0x54: {  	p0 =	sne.s32 s13, s7;
	[sflag:s9] =	ssyncset.done $0x0  }
.Ltmp1:
0x55: {  	[sflag:s9] =	ssyncadd.s32 $0xFFFFFD80;
	(pc) =	sbr.rel @p0 .LBB2_1-.Ltmp1, $4  }
0x56: {  	[hbm4b:s6+s10] =	stream.strided.scatter [tilespmem:s8], [sflag:$0x1], $0x280, s12, s10, $0x38;
	[tilespmem:$0x2D80] =	vst v63  }
0x57: {  	_ =	swait.ge [sflag:s9], $0x280  }
0x58: {  	[sflag:s9] =	ssyncset.done $0x0  }
0x59: {  	[sflag:s9] =	ssyncadd.s32 $0xFFFFFD80  }
0x5a: {  	_ =	sfence.sel $0x180000  }
0x5b: {  	[bflag:$0x0] =	sbarrier.arrive $0xFFFF  }
0x5c: {  	p0 =	sne.s32 s0, $0x0;
	_ =	strace $0x90000047  }
0x5d: {  	s0 =	sadd.s32 @!p0 $0x100000, s1;
	[bflag:$0x2] =	sbarrier.arrive $0xFFFF  }
0x5e: {  	[sflag:s0] =	ssyncadd.tile.s32 @!p0 $0x1;
	_ =	shalt  }
.Lfunc_end2:
_tile_overlayer_lowered:
.L_overlay_start_2:
0x5f: {  	(tag) =	ssettag $0x2  }
0x60: {  	s0 =	rddreg [dreg:$0x0];
	s2 =	stileid.u32  }
0x61: {  	s1 =	rddreg [dreg:$0x1];
	p0 =	sne.s32 s2, $0x0  }
0x62: {  	s3 =	rddreg [dreg:$0x2];
	[bflag:$0x3] =	sbarrier.arrive $0xFFFF;
	s2 =	simm.s32 @!p0 $0x1C01  }
0x63: {  	[timem:s3], [sflag:s2] =	dma.local @!p0 [hbm:s0], s1  }
0x64: {  	s0 =	simm.s32 @!p0 $0x1  }
0x65: {  	_ =	swait.ge @!p0 [sflag:s0], s1  }
0x66: {  	s1 =	ssub.s32 @!p0 $0x0, s1;
	[sflag:s0] =	ssyncset.done @!p0 $0x0  }
0x67: {  	[sflag:s0] =	ssyncadd.s32 @!p0 s1  }
0x68: {  	[bflag:$0x3] =	sbarrier.arrive $0xFFFF  }
0x69: {  	_ =	shalt  }

</sc_bundles>
